<compile_context>
chip_gen: v7x
topology: tpu7x:2x2x1
jax: 0.10.2.dev20260603
libtpu: 0.0.44.dev20260713+nightly
codegen_flags: <defaults>
</compile_context>

<pallas_src>
import jax
import jax.numpy as jnp
from jax import lax
from jax.experimental import pallas as pl
from jax.experimental.pallas import tpu as pltpu
from jax.experimental.pallas import tpu_sc as plsc

N = 10000
D = 128
E = 320000

NC = 2
NS = 16
NW = NC * NS

CH = 50
ROWS_W = E // NW // CH
N_ACC = 10240
ROWS_T = N_ACC // NS
NBUF = 4
DRAIN = 8

_f32 = jnp.float32



def _deg_body(dst2d, ones_hbm, zeros_hbm, dpart, dacc, dbuf, ones, dsem):
    c = lax.axis_index("c")
    s = lax.axis_index("s")
    wid = s * NC + c

    pltpu.sync_copy(ones_hbm, ones)
    pltpu.sync_copy(zeros_hbm.at[pl.ds(s * ROWS_T, ROWS_T)],
                    dacc.at[pl.ds(s * ROWS_T, ROWS_T)])
    plsc.subcore_barrier()

    pltpu.sync_copy(dst2d.at[pl.ds(wid * ROWS_W, ROWS_W)], dbuf)

    def _group(t, _):
        for b in range(DRAIN):
            pltpu.async_copy(ones, dacc.at[dbuf.at[t * DRAIN + b]], dsem,
                             add=True)
        for b in range(DRAIN):
            pltpu.make_async_copy(ones, dacc.at[dbuf.at[t * DRAIN + b]],
                                  dsem).wait()
        return _
    lax.fori_loop(0, ROWS_W // DRAIN, _group, None)
    plsc.subcore_barrier()

    pltpu.sync_copy(dacc.at[pl.ds(s * ROWS_T, ROWS_T)],
                    dpart.at[c, pl.ds(s * ROWS_T, ROWS_T)])


def _deg_call(dst2d, ones_hbm, zeros_hbm):
    return pl.kernel(
        _deg_body,
        out_type=jax.ShapeDtypeStruct((NC, N_ACC, D), _f32),
        mesh=plsc.VectorSubcoreMesh(core_axis_name="c", subcore_axis_name="s",
                                    num_cores=NC, num_subcores=NS),
        scratch_types=[
            pltpu.VMEM_SHARED((N_ACC, D), _f32),
            pltpu.VMEM((ROWS_W, CH), jnp.int32),
            pltpu.VMEM((CH, D), _f32),
            pltpu.SemaphoreType.DMA,
        ],
    )(dst2d, ones_hbm, zeros_hbm)


def _agg_body(g, src2d, dst2d, zeros_hbm, part, acc,
              sbuf, dbuf, rows, gsems, ssems):
    c = lax.axis_index("c")
    s = lax.axis_index("s")
    wid = s * NC + c

    pltpu.sync_copy(zeros_hbm.at[pl.ds(s * ROWS_T, ROWS_T)],
                    acc.at[pl.ds(s * ROWS_T, ROWS_T)])
    plsc.subcore_barrier()

    base = wid * ROWS_W
    for off, HW in ((0, 56), (56, 48), (104, 48), (152, 48)):
        NGRP = HW // NBUF
        pltpu.sync_copy(src2d.at[pl.ds(base + off, HW)], sbuf.at[pl.ds(0, HW)])
        pltpu.sync_copy(dst2d.at[pl.ds(base + off, HW)], dbuf.at[pl.ds(0, HW)])

        for b in range(NBUF):
            pltpu.async_copy(g.at[sbuf.at[b]], rows[b], gsems[b])

        def _grp(t, _):
            j = t * NBUF
            for b in range(NBUF):
                pltpu.make_async_copy(g.at[sbuf.at[j + b]], rows[b],
                                      gsems[b]).wait()
                pltpu.async_copy(rows[b], acc.at[dbuf.at[j + b]], ssems[b],
                                 add=True)
            @pl.when(t + 1 < NGRP)
            def _():
                for b in range(NBUF):
                    pltpu.make_async_copy(rows[b], acc.at[dbuf.at[j + b]],
                                          ssems[b]).wait()
                    pltpu.async_copy(g.at[sbuf.at[j + NBUF + b]], rows[b],
                                     gsems[b])
            return _

        lax.fori_loop(0, NGRP, _grp, None)
        for b in range(NBUF):
            pltpu.make_async_copy(rows[b], acc.at[dbuf.at[HW - NBUF + b]],
                                  ssems[b]).wait()
    plsc.subcore_barrier()

    pltpu.sync_copy(acc.at[pl.ds(s * ROWS_T, ROWS_T)],
                    part.at[c, pl.ds(s * ROWS_T, ROWS_T)])


def _agg_call(g, src2d, dst2d, zeros_hbm):
    return pl.kernel(
        _agg_body,
        out_type=jax.ShapeDtypeStruct((NC, N_ACC, D), _f32),
        mesh=plsc.VectorSubcoreMesh(core_axis_name="c", subcore_axis_name="s",
                                    num_cores=NC, num_subcores=NS),
        scratch_types=[
            pltpu.VMEM_SHARED((N_ACC, D), _f32),
            pltpu.VMEM((56, CH), jnp.int32),
            pltpu.VMEM((56, CH), jnp.int32),
            [pltpu.VMEM((CH, D), _f32)] * NBUF,
            [pltpu.SemaphoreType.DMA] * NBUF,
            [pltpu.SemaphoreType.DMA] * NBUF,
        ],
    )(g, src2d, dst2d, zeros_hbm)



_R = 2000


def _dis(degp):
    return lax.rsqrt(1.0 + degp[0, :, 0] + degp[1, :, 0])[:, None]


def _mm_body(x_ref, w_ref, h_ref):
    h_ref[...] = jnp.dot(x_ref[...], w_ref[...], preferred_element_type=_f32)


def _mm_call(x, w):
    return pl.pallas_call(
        _mm_body,
        grid=(N // _R,),
        in_specs=[
            pl.BlockSpec((_R, D), lambda i: (i, 0)),
            pl.BlockSpec((D, D), lambda i: (0, 0)),
        ],
        out_specs=pl.BlockSpec((_R, D), lambda i: (i, 0)),
        out_shape=jax.ShapeDtypeStruct((N, D), _f32),
    )(x, w)


def _gscale_body(degp_ref, h_ref, g_ref, dis_ref):
    dis = _dis(degp_ref[...])
    g_ref[...] = dis * h_ref[...]
    dis_ref[...] = jnp.broadcast_to(dis, (dis.shape[0], 8))


def _gscale_call(degp, h):
    return pl.pallas_call(
        _gscale_body,
        grid=(N // _R,),
        in_specs=[
            pl.BlockSpec((NC, _R, D), lambda i: (0, i, 0)),
            pl.BlockSpec((_R, D), lambda i: (i, 0)),
        ],
        out_specs=[
            pl.BlockSpec((_R, D), lambda i: (i, 0)),
            pl.BlockSpec((_R, 8), lambda i: (i, 0)),
        ],
        out_shape=[
            jax.ShapeDtypeStruct((N, D), _f32),
            jax.ShapeDtypeStruct((N, 8), _f32),
        ],
    )(degp, h)


def _layer_body(dis_ref, p_ref, g_ref, b_ref, w_ref, g2_ref):
    dis = dis_ref[:, 0:1]
    p = p_ref[...]
    agg = p[0] + p[1] + g_ref[...]
    out1 = jnp.maximum(dis * agg + b_ref[...], 0.0)
    g2_ref[...] = dis * jnp.dot(out1, w_ref[...], preferred_element_type=_f32)


def _layer_call(dis8, part, g, b2d, w):
    return pl.pallas_call(
        _layer_body,
        grid=(N // _R,),
        in_specs=[
            pl.BlockSpec((_R, 8), lambda i: (i, 0)),
            pl.BlockSpec((NC, _R, D), lambda i: (0, i, 0)),
            pl.BlockSpec((_R, D), lambda i: (i, 0)),
            pl.BlockSpec((1, D), lambda i: (0, 0)),
            pl.BlockSpec((D, D), lambda i: (0, 0)),
        ],
        out_specs=pl.BlockSpec((_R, D), lambda i: (i, 0)),
        out_shape=jax.ShapeDtypeStruct((N, D), _f32),
    )(dis8, part, g, b2d, w)


def _final_body(dis_ref, p_ref, g_ref, b_ref, wl_ref, bl_ref, res_ref, acc_ref):
    i = pl.program_id(0)
    dis = dis_ref[:, 0:1]
    p = p_ref[...]
    agg = p[0] + p[1] + g_ref[...]
    out2 = jnp.maximum(dis * agg + b_ref[...], 0.0)
    psum = jnp.sum(out2, axis=0, keepdims=True)

    @pl.when(i == 0)
    def _():
        acc_ref[...] = jnp.zeros_like(acc_ref)

    acc_ref[...] += psum

    @pl.when(i == pl.num_programs(0) - 1)
    def _():
        m = acc_ref[...] * (1.0 / N)
        y = jnp.dot(m, wl_ref[...], preferred_element_type=_f32) + bl_ref[...]
        res_ref[...] = jax.nn.sigmoid(y)


def _final_call(dis8, part, g, b2d, wl, bl2d):
    return pl.pallas_call(
        _final_body,
        grid=(N // _R,),
        in_specs=[
            pl.BlockSpec((_R, 8), lambda i: (i, 0)),
            pl.BlockSpec((NC, _R, D), lambda i: (0, i, 0)),
            pl.BlockSpec((_R, D), lambda i: (i, 0)),
            pl.BlockSpec((1, D), lambda i: (0, 0)),
            pl.BlockSpec((D, 2), lambda i: (0, 0)),
            pl.BlockSpec((1, 2), lambda i: (0, 0)),
        ],
        out_specs=pl.BlockSpec((1, 2), lambda i: (0, 0)),
        out_shape=jax.ShapeDtypeStruct((1, 2), _f32),
        scratch_shapes=[pltpu.VMEM((1, D), _f32)],
    )(dis8, part, g, b2d, wl, bl2d)



def kernel(x, edge_index, W1, b1, W2, b2, Wlin, blin):
    ei = edge_index.astype(jnp.int32)
    src2d = ei[0].reshape(E // CH, CH)
    dst2d = ei[1].reshape(E // CH, CH)
    onesD = jnp.ones((CH, D), _f32)
    zerosD = jnp.zeros((N_ACC, D), _f32)

    degp = _deg_call(dst2d, onesD, zerosD)
    h1 = _mm_call(x, W1)
    g1, dis8 = _gscale_call(degp, h1)
    part1 = _agg_call(g1, src2d, dst2d, zerosD)
    g2 = _layer_call(dis8, part1, g1, b1[None, :], W2)
    part2 = _agg_call(g2, src2d, dst2d, zerosD)
    res = _final_call(dis8, part2, g2, b2[None, :], Wlin, blin[None, :])
    return res[0]

# --- scband reference (transcript-rebuilt; emitter-appended) ---
"""Pipeline reference for scband-gnn-2946347565513 (READ-ONLY COPY).

The authoritative reference and input builder live on the scoring server;
editing this copy changes nothing except your own understanding.
"""

import jax, jax.numpy as jnp
import numpy as np

N_NODES = 10000
N_EDGES = 320000
D_FEAT = 128
HIDDEN = 128
N_OUT = 2


def _gcn_conv(x, edge_index, W, b, num_nodes):
    # PyG GCNConv: add self-loops, symmetric normalization, linear transform,
    # scatter-add aggregation over destination nodes, then bias.
    src = edge_index[0]
    dst = edge_index[1]
    loop = jnp.arange(num_nodes, dtype=edge_index.dtype)
    src = jnp.concatenate([src, loop])
    dst = jnp.concatenate([dst, loop])
    deg = jnp.zeros((num_nodes,), dtype=x.dtype).at[dst].add(1.0)
    deg_inv_sqrt = jnp.where(deg > 0, jax.lax.rsqrt(deg), 0.0)
    norm = deg_inv_sqrt[src] * deg_inv_sqrt[dst]
    h = x @ W  # [N, out]
    msg = h[src] * norm[:, None]  # gather + scale
    out = jax.ops.segment_sum(msg, dst, num_segments=num_nodes)
    return out + b


def setup_inputs(seed: int = 0) -> dict:
    key = jax.random.key(seed)
    k_x, k_e, k_w1, k_b1, k_w2, k_b2, k_wl, k_bl = jax.random.split(key, 8)
    x = jax.random.normal(k_x, (N_NODES, D_FEAT), dtype=jnp.float32)
    edge_index = jax.random.randint(k_e, (2, N_EDGES), 0, N_NODES, dtype=jnp.int64)
    s1 = 1.0 / np.sqrt(D_FEAT)
    s2 = 1.0 / np.sqrt(HIDDEN)
    W1 = jax.random.uniform(k_w1, (D_FEAT, HIDDEN), jnp.float32, -s1, s1)
    b1 = jnp.zeros((HIDDEN,), jnp.float32)
    W2 = jax.random.uniform(k_w2, (HIDDEN, HIDDEN), jnp.float32, -s2, s2)
    b2 = jnp.zeros((HIDDEN,), jnp.float32)
    Wlin = jax.random.uniform(k_wl, (HIDDEN, N_OUT), jnp.float32, -s2, s2)
    blin = jax.random.uniform(k_bl, (N_OUT,), jnp.float32, -s2, s2)
    return {"x": x, "edge_index": edge_index, "W1": W1, "b1": b1, "W2": W2, "b2": b2, "Wlin": Wlin, "blin": blin}


def reference(x, edge_index, W1, b1, W2, b2, Wlin, blin):
    num_nodes = x.shape[0]
    h = _gcn_conv(x, edge_index, W1, b1, num_nodes)
    h = jax.nn.relu(h)
    h = _gcn_conv(h, edge_index, W2, b2, num_nodes)
    h = jax.nn.relu(h)
    h = h @ Wlin + blin
    return jax.nn.sigmoid(h.mean(axis=0))

if __name__ == "__main__":
    import jax
    _d = setup_inputs()
    print(jax.jit(kernel)(*tuple(_d.values())))

</pallas_src>

<mosaic_0001>
#map = affine_map<(d0, d1) -> (0, 0)>
#map1 = affine_map<(d0, d1) -> (0, 0, 0)>
module attributes {stable_mosaic.version = 14 : i64} {
  func.func @_agg_body(%arg0: i32, %arg1: i32, %arg2: memref<10000x128xf32, #tpu.memory_space<hbm>>, %arg3: memref<6400x50xi32, #tpu.memory_space<hbm>>, %arg4: memref<6400x50xi32, #tpu.memory_space<hbm>>, %arg5: memref<10240x128xf32, #tpu.memory_space<hbm>>, %arg6: memref<2x10240x128xf32, #tpu.memory_space<hbm>>, %arg7: memref<10240x128xf32, #tpu.memory_space<vmem_shared>>, %arg8: memref<56x50xi32, #tpu.memory_space<vmem>>, %arg9: memref<56x50xi32, #tpu.memory_space<vmem>>, %arg10: memref<50x128xf32, #tpu.memory_space<vmem>>, %arg11: memref<50x128xf32, #tpu.memory_space<vmem>>, %arg12: memref<50x128xf32, #tpu.memory_space<vmem>>, %arg13: memref<50x128xf32, #tpu.memory_space<vmem>>, %arg14: memref<!tpu.dma_semaphore, #tpu.memory_space<semaphore_mem>>, %arg15: memref<!tpu.dma_semaphore, #tpu.memory_space<semaphore_mem>>, %arg16: memref<!tpu.dma_semaphore, #tpu.memory_space<semaphore_mem>>, %arg17: memref<!tpu.dma_semaphore, #tpu.memory_space<semaphore_mem>>, %arg18: memref<!tpu.dma_semaphore, #tpu.memory_space<semaphore_mem>>, %arg19: memref<!tpu.dma_semaphore, #tpu.memory_space<semaphore_mem>>, %arg20: memref<!tpu.dma_semaphore, #tpu.memory_space<semaphore_mem>>, %arg21: memref<!tpu.dma_semaphore, #tpu.memory_space<semaphore_mem>>) attributes {dimension_semantics = [#tpu.dimension_semantics<core_parallel>, #tpu.dimension_semantics<subcore_parallel>], iteration_bounds = array<i64: 2, 16>, scalar_prefetch = 0 : i64, scratch_operands = 15 : i64, tpu.core_type = #tpu.core_type<sc_vector_subcore>, window_params = [{transform_indices = #map}, {transform_indices = #map}, {transform_indices = #map}, {transform_indices = #map}, {transform_indices = #map1}]} {
    %mul3A = arith.constant 2 : i32
    %mul3A_0 = arith.muli %arg1, %mul3A : i32
    %add3A = arith.addi %mul3A_0, %arg0 : i32
    %mul3A_1 = arith.constant 640 : i32
    %mul3A_2 = arith.muli %arg1, %mul3A_1 : i32
    %mul3A_3 = arith.constant 640 : i32
    %mul3A_4 = arith.muli %arg1, %mul3A_3 : i32
    "tpu.region"() ({
      %run_scoped3A = tpu.sem_alloc : memref<!tpu.dma_semaphore, #tpu.memory_space<semaphore_mem>>
      %dma_start3A_269 = arith.constant 0 : i32
      %dma_start3A_270 = tpu.memref_slice %arg7[%mul3A_4, %dma_start3A_269] : memref<10240x128xf32, #tpu.memory_space<vmem_shared>> -> memref<640x128xf32, #tpu.memory_space<vmem_shared>>
      %dma_start3A_271 = arith.constant 0 : i32
      %dma_start3A_272 = tpu.memref_slice %arg5[%mul3A_2, %dma_start3A_271] : memref<10240x128xf32, #tpu.memory_space<hbm>> -> memref<640x128xf32, #tpu.memory_space<hbm>>
      tpu.enqueue_dma source(%dma_start3A_272 : memref<640x128xf32, #tpu.memory_space<hbm>>) target(%dma_start3A_270 : memref<640x128xf32, #tpu.memory_space<vmem_shared>>) target_semaphore(%run_scoped3A : memref<!tpu.dma_semaphore, #tpu.memory_space<semaphore_mem>>)
      %dma_wait3A_273 = arith.constant 0 : i32
      %dma_wait3A_274 = tpu.memref_slice %arg7[%mul3A_4, %dma_wait3A_273] : memref<10240x128xf32, #tpu.memory_space<vmem_shared>> -> memref<640x128xf32, #tpu.memory_space<vmem_shared>>
      %dma_wait3A_275 = arith.constant 0 : i32
      %dma_wait3A_276 = tpu.memref_slice %arg5[%mul3A_2, %dma_wait3A_275] : memref<10240x128xf32, #tpu.memory_space<hbm>> -> memref<640x128xf32, #tpu.memory_space<hbm>>
      tpu.wait_dma2 semaphore(%run_scoped3A : memref<!tpu.dma_semaphore, #tpu.memory_space<semaphore_mem>>) src(%dma_wait3A_276 : memref<640x128xf32, #tpu.memory_space<hbm>>) dst(%dma_wait3A_274 : memref<640x128xf32, #tpu.memory_space<vmem_shared>>)
      tpu.yield
    }) : () -> ()
    %barrier3A = arith.constant 0 : index
    tpu.barrier barrier_id(%barrier3A)
    %mul3A_5 = arith.constant 200 : i32
    %mul3A_6 = arith.muli %add3A, %mul3A_5 : i32
    %add3A_7 = arith.constant 0 : i32
    %add3A_8 = arith.addi %mul3A_6, %add3A_7 : i32
    "tpu.region"() ({
      %run_scoped3A = tpu.sem_alloc : memref<!tpu.dma_semaphore, #tpu.memory_space<semaphore_mem>>
      %dma_start3A_269 = arith.constant 0 : i32
      %dma_start3A_270 = arith.constant 0 : i32
      %dma_start3A_271 = tpu.memref_slice %arg8[%dma_start3A_269, %dma_start3A_270] : memref<56x50xi32, #tpu.memory_space<vmem>> -> memref<56x50xi32, #tpu.memory_space<vmem>>
      %dma_start3A_272 = arith.constant 0 : i32
      %dma_start3A_273 = tpu.memref_slice %arg3[%add3A_8, %dma_start3A_272] : memref<6400x50xi32, #tpu.memory_space<hbm>> -> memref<56x50xi32, #tpu.memory_space<hbm>>
      %dma_start3A_274 = arith.constant 0 : i32
      %dma_start3A_275 = arith.constant 0 : i32
      %dma_start3A_276 = tpu.memref_slice %arg8[%dma_start3A_274, %dma_start3A_275] : memref<56x50xi32, #tpu.memory_space<vmem>> -> memref<56x50xi32, #tpu.memory_space<vmem>>
      %dma_start3A_277 = arith.constant 0 : i32
      %dma_start3A_278 = tpu.memref_slice %arg3[%add3A_8, %dma_start3A_277] : memref<6400x50xi32, #tpu.memory_space<hbm>> -> memref<56x50xi32, #tpu.memory_space<hbm>>
      tpu.enqueue_dma source(%dma_start3A_278 : memref<56x50xi32, #tpu.memory_space<hbm>>) target(%dma_start3A_276 : memref<56x50xi32, #tpu.memory_space<vmem>>) target_semaphore(%run_scoped3A : memref<!tpu.dma_semaphore, #tpu.memory_space<semaphore_mem>>)
      %dma_wait3A_279 = arith.constant 0 : i32
      %dma_wait3A_280 = arith.constant 0 : i32
      %dma_wait3A_281 = tpu.memref_slice %arg8[%dma_wait3A_279, %dma_wait3A_280] : memref<56x50xi32, #tpu.memory_space<vmem>> -> memref<56x50xi32, #tpu.memory_space<vmem>>
      %dma_wait3A_282 = arith.constant 0 : i32
      %dma_wait3A_283 = tpu.memref_slice %arg3[%add3A_8, %dma_wait3A_282] : memref<6400x50xi32, #tpu.memory_space<hbm>> -> memref<56x50xi32, #tpu.memory_space<hbm>>
      %dma_wait3A_284 = arith.constant 0 : i32
      %dma_wait3A_285 = arith.constant 0 : i32
      %dma_wait3A_286 = tpu.memref_slice %arg8[%dma_wait3A_284, %dma_wait3A_285] : memref<56x50xi32, #tpu.memory_space<vmem>> -> memref<56x50xi32, #tpu.memory_space<vmem>>
      %dma_wait3A_287 = arith.constant 0 : i32
      %dma_wait3A_288 = tpu.memref_slice %arg3[%add3A_8, %dma_wait3A_287] : memref<6400x50xi32, #tpu.memory_space<hbm>> -> memref<56x50xi32, #tpu.memory_space<hbm>>
      tpu.wait_dma2 semaphore(%run_scoped3A : memref<!tpu.dma_semaphore, #tpu.memory_space<semaphore_mem>>) src(%dma_wait3A_288 : memref<56x50xi32, #tpu.memory_space<hbm>>) dst(%dma_wait3A_286 : memref<56x50xi32, #tpu.memory_space<vmem>>)
      tpu.yield
    }) : () -> ()
    %add3A_9 = arith.constant 0 : i32
    %add3A_10 = arith.addi %mul3A_6, %add3A_9 : i32
    "tpu.region"() ({
      %run_scoped3A = tpu.sem_alloc : memref<!tpu.dma_semaphore, #tpu.memory_space<semaphore_mem>>
      %dma_start3A_269 = arith.constant 0 : i32
      %dma_start3A_270 = arith.constant 0 : i32
      %dma_start3A_271 = tpu.memref_slice %arg9[%dma_start3A_269, %dma_start3A_270] : memref<56x50xi32, #tpu.memory_space<vmem>> -> memref<56x50xi32, #tpu.memory_space<vmem>>
      %dma_start3A_272 = arith.constant 0 : i32
      %dma_start3A_273 = tpu.memref_slice %arg4[%add3A_10, %dma_start3A_272] : memref<6400x50xi32, #tpu.memory_space<hbm>> -> memref<56x50xi32, #tpu.memory_space<hbm>>
      %dma_start3A_274 = arith.constant 0 : i32
      %dma_start3A_275 = arith.constant 0 : i32
      %dma_start3A_276 = tpu.memref_slice %arg9[%dma_start3A_274, %dma_start3A_275] : memref<56x50xi32, #tpu.memory_space<vmem>> -> memref<56x50xi32, #tpu.memory_space<vmem>>
      %dma_start3A_277 = arith.constant 0 : i32
      %dma_start3A_278 = tpu.memref_slice %arg4[%add3A_10, %dma_start3A_277] : memref<6400x50xi32, #tpu.memory_space<hbm>> -> memref<56x50xi32, #tpu.memory_space<hbm>>
      tpu.enqueue_dma source(%dma_start3A_278 : memref<56x50xi32, #tpu.memory_space<hbm>>) target(%dma_start3A_276 : memref<56x50xi32, #tpu.memory_space<vmem>>) target_semaphore(%run_scoped3A : memref<!tpu.dma_semaphore, #tpu.memory_space<semaphore_mem>>)
      %dma_wait3A_279 = arith.constant 0 : i32
      %dma_wait3A_280 = arith.constant 0 : i32
      %dma_wait3A_281 = tpu.memref_slice %arg9[%dma_wait3A_279, %dma_wait3A_280] : memref<56x50xi32, #tpu.memory_space<vmem>> -> memref<56x50xi32, #tpu.memory_space<vmem>>
      %dma_wait3A_282 = arith.constant 0 : i32
      %dma_wait3A_283 = tpu.memref_slice %arg4[%add3A_10, %dma_wait3A_282] : memref<6400x50xi32, #tpu.memory_space<hbm>> -> memref<56x50xi32, #tpu.memory_space<hbm>>
      %dma_wait3A_284 = arith.constant 0 : i32
      %dma_wait3A_285 = arith.constant 0 : i32
      %dma_wait3A_286 = tpu.memref_slice %arg9[%dma_wait3A_284, %dma_wait3A_285] : memref<56x50xi32, #tpu.memory_space<vmem>> -> memref<56x50xi32, #tpu.memory_space<vmem>>
      %dma_wait3A_287 = arith.constant 0 : i32
      %dma_wait3A_288 = tpu.memref_slice %arg4[%add3A_10, %dma_wait3A_287] : memref<6400x50xi32, #tpu.memory_space<hbm>> -> memref<56x50xi32, #tpu.memory_space<hbm>>
      tpu.wait_dma2 semaphore(%run_scoped3A : memref<!tpu.dma_semaphore, #tpu.memory_space<semaphore_mem>>) src(%dma_wait3A_288 : memref<56x50xi32, #tpu.memory_space<hbm>>) dst(%dma_wait3A_286 : memref<56x50xi32, #tpu.memory_space<vmem>>)
      tpu.yield
    }) : () -> ()
    %dma_start3A = arith.constant 0 : i32
    %dma_start3A_11 = arith.constant 0 : i32
    %dma_start3A_12 = tpu.memref_slice %arg8[%dma_start3A, %dma_start3A_11] : memref<56x50xi32, #tpu.memory_space<vmem>> -> memref<1x50xi32, #tpu.memory_space<vmem>>
    %dma_start3A_13 = tpu.memref_squeeze %dma_start3A_12 : memref<1x50xi32, #tpu.memory_space<vmem>> -> memref<50xi32, #tpu.memory_space<vmem>>
    %dma_start3A_14 = arith.constant 0 : i32
    %dma_start3A_15 = arith.constant 0 : i32
    %dma_start3A_16 = tpu.memref_slice %arg2[%dma_start3A_14, %dma_start3A_15] : memref<10000x128xf32, #tpu.memory_space<hbm>> -> memref<10000x128xf32, #tpu.memory_space<hbm>>
    tpu.enqueue_indirect_dma source(%dma_start3A_16 : memref<10000x128xf32, #tpu.memory_space<hbm>>) target(%arg10 : memref<50x128xf32, #tpu.memory_space<vmem>>) offsets(%dma_start3A_13 : memref<50xi32, #tpu.memory_space<vmem>>) semaphore(%arg14 : memref<!tpu.dma_semaphore, #tpu.memory_space<semaphore_mem>>)
    %dma_start3A_17 = arith.constant 1 : i32
    %dma_start3A_18 = arith.constant 0 : i32
    %dma_start3A_19 = tpu.memref_slice %arg8[%dma_start3A_17, %dma_start3A_18] : memref<56x50xi32, #tpu.memory_space<vmem>> -> memref<1x50xi32, #tpu.memory_space<vmem>>
    %dma_start3A_20 = tpu.memref_squeeze %dma_start3A_19 : memref<1x50xi32, #tpu.memory_space<vmem>> -> memref<50xi32, #tpu.memory_space<vmem>>
    %dma_start3A_21 = arith.constant 0 : i32
    %dma_start3A_22 = arith.constant 0 : i32
    %dma_start3A_23 = tpu.memref_slice %arg2[%dma_start3A_21, %dma_start3A_22] : memref<10000x128xf32, #tpu.memory_space<hbm>> -> memref<10000x128xf32, #tpu.memory_space<hbm>>
    tpu.enqueue_indirect_dma source(%dma_start3A_23 : memref<10000x128xf32, #tpu.memory_space<hbm>>) target(%arg11 : memref<50x128xf32, #tpu.memory_space<vmem>>) offsets(%dma_start3A_20 : memref<50xi32, #tpu.memory_space<vmem>>) semaphore(%arg15 : memref<!tpu.dma_semaphore, #tpu.memory_space<semaphore_mem>>)
    %dma_start3A_24 = arith.constant 2 : i32
    %dma_start3A_25 = arith.constant 0 : i32
    %dma_start3A_26 = tpu.memref_slice %arg8[%dma_start3A_24, %dma_start3A_25] : memref<56x50xi32, #tpu.memory_space<vmem>> -> memref<1x50xi32, #tpu.memory_space<vmem>>
    %dma_start3A_27 = tpu.memref_squeeze %dma_start3A_26 : memref<1x50xi32, #tpu.memory_space<vmem>> -> memref<50xi32, #tpu.memory_space<vmem>>
    %dma_start3A_28 = arith.constant 0 : i32
    %dma_start3A_29 = arith.constant 0 : i32
    %dma_start3A_30 = tpu.memref_slice %arg2[%dma_start3A_28, %dma_start3A_29] : memref<10000x128xf32, #tpu.memory_space<hbm>> -> memref<10000x128xf32, #tpu.memory_space<hbm>>
    tpu.enqueue_indirect_dma source(%dma_start3A_30 : memref<10000x128xf32, #tpu.memory_space<hbm>>) target(%arg12 : memref<50x128xf32, #tpu.memory_space<vmem>>) offsets(%dma_start3A_27 : memref<50xi32, #tpu.memory_space<vmem>>) semaphore(%arg16 : memref<!tpu.dma_semaphore, #tpu.memory_space<semaphore_mem>>)
    %dma_start3A_31 = arith.constant 3 : i32
    %dma_start3A_32 = arith.constant 0 : i32
    %dma_start3A_33 = tpu.memref_slice %arg8[%dma_start3A_31, %dma_start3A_32] : memref<56x50xi32, #tpu.memory_space<vmem>> -> memref<1x50xi32, #tpu.memory_space<vmem>>
    %dma_start3A_34 = tpu.memref_squeeze %dma_start3A_33 : memref<1x50xi32, #tpu.memory_space<vmem>> -> memref<50xi32, #tpu.memory_space<vmem>>
    %dma_start3A_35 = arith.constant 0 : i32
    %dma_start3A_36 = arith.constant 0 : i32
    %dma_start3A_37 = tpu.memref_slice %arg2[%dma_start3A_35, %dma_start3A_36] : memref<10000x128xf32, #tpu.memory_space<hbm>> -> memref<10000x128xf32, #tpu.memory_space<hbm>>
    tpu.enqueue_indirect_dma source(%dma_start3A_37 : memref<10000x128xf32, #tpu.memory_space<hbm>>) target(%arg13 : memref<50x128xf32, #tpu.memory_space<vmem>>) offsets(%dma_start3A_34 : memref<50xi32, #tpu.memory_space<vmem>>) semaphore(%arg17 : memref<!tpu.dma_semaphore, #tpu.memory_space<semaphore_mem>>)
    %scan3A = arith.constant 0 : i32
    %scan3A_38 = arith.constant 14 : i32
    %scan3A_39 = arith.addi %scan3A, %scan3A_38 : i32
    %scan3A_40 = arith.constant 1 : i32
    scf.for %scan3A_269 = %scan3A to %scan3A_39 step %scan3A_40  : i32 {
      %mul3A_270 = arith.constant 4 : i32
      %mul3A_271 = arith.muli %scan3A_269, %mul3A_270 : i32
      %add3A_272 = arith.constant 0 : i32
      %add3A_273 = arith.addi %mul3A_271, %add3A_272 : i32
      %dma_wait3A_274 = arith.constant 0 : i32
      %dma_wait3A_275 = tpu.memref_slice %arg8[%add3A_273, %dma_wait3A_274] : memref<56x50xi32, #tpu.memory_space<vmem>> -> memref<1x50xi32, #tpu.memory_space<vmem>>
      %dma_wait3A_276 = tpu.memref_squeeze %dma_wait3A_275 : memref<1x50xi32, #tpu.memory_space<vmem>> -> memref<50xi32, #tpu.memory_space<vmem>>
      %dma_wait3A_277 = arith.constant 0 : i32
      %dma_wait3A_278 = arith.constant 0 : i32
      %dma_wait3A_279 = tpu.memref_slice %arg2[%dma_wait3A_277, %dma_wait3A_278] : memref<10000x128xf32, #tpu.memory_space<hbm>> -> memref<10000x128xf32, #tpu.memory_space<hbm>>
      tpu.wait_indirect_dma semaphore(%arg14 : memref<!tpu.dma_semaphore, #tpu.memory_space<semaphore_mem>>) src(%dma_wait3A_279 : memref<10000x128xf32, #tpu.memory_space<hbm>>) dst(%arg10 : memref<50x128xf32, #tpu.memory_space<vmem>>)
      %add3A_280 = arith.constant 0 : i32
      %add3A_281 = arith.addi %mul3A_271, %add3A_280 : i32
      %dma_start3A_282 = arith.constant 0 : i32
      %dma_start3A_283 = tpu.memref_slice %arg9[%add3A_281, %dma_start3A_282] : memref<56x50xi32, #tpu.memory_space<vmem>> -> memref<1x50xi32, #tpu.memory_space<vmem>>
      %dma_start3A_284 = tpu.memref_squeeze %dma_start3A_283 : memref<1x50xi32, #tpu.memory_space<vmem>> -> memref<50xi32, #tpu.memory_space<vmem>>
      %dma_start3A_285 = arith.constant 0 : i32
      %dma_start3A_286 = arith.constant 0 : i32
      %dma_start3A_287 = tpu.memref_slice %arg7[%dma_start3A_285, %dma_start3A_286] : memref<10240x128xf32, #tpu.memory_space<vmem_shared>> -> memref<10240x128xf32, #tpu.memory_space<vmem_shared>>
      tpu.enqueue_indirect_dma source(%arg10 : memref<50x128xf32, #tpu.memory_space<vmem>>) target(%dma_start3A_287 : memref<10240x128xf32, #tpu.memory_space<vmem_shared>>) offsets(%dma_start3A_284 : memref<50xi32, #tpu.memory_space<vmem>>) semaphore(%arg18 : memref<!tpu.dma_semaphore, #tpu.memory_space<semaphore_mem>>) {add = true}
      %add3A_288 = arith.constant 1 : i32
      %add3A_289 = arith.addi %mul3A_271, %add3A_288 : i32
      %dma_wait3A_290 = arith.constant 0 : i32
      %dma_wait3A_291 = tpu.memref_slice %arg8[%add3A_289, %dma_wait3A_290] : memref<56x50xi32, #tpu.memory_space<vmem>> -> memref<1x50xi32, #tpu.memory_space<vmem>>
      %dma_wait3A_292 = tpu.memref_squeeze %dma_wait3A_291 : memref<1x50xi32, #tpu.memory_space<vmem>> -> memref<50xi32, #tpu.memory_space<vmem>>
      %dma_wait3A_293 = arith.constant 0 : i32
      %dma_wait3A_294 = arith.constant 0 : i32
      %dma_wait3A_295 = tpu.memref_slice %arg2[%dma_wait3A_293, %dma_wait3A_294] : memref<10000x128xf32, #tpu.memory_space<hbm>> -> memref<10000x128xf32, #tpu.memory_space<hbm>>
      tpu.wait_indirect_dma semaphore(%arg15 : memref<!tpu.dma_semaphore, #tpu.memory_space<semaphore_mem>>) src(%dma_wait3A_295 : memref<10000x128xf32, #tpu.memory_space<hbm>>) dst(%arg11 : memref<50x128xf32, #tpu.memory_space<vmem>>)
      %add3A_296 = arith.constant 1 : i32
      %add3A_297 = arith.addi %mul3A_271, %add3A_296 : i32
      %dma_start3A_298 = arith.constant 0 : i32
      %dma_start3A_299 = tpu.memref_slice %arg9[%add3A_297, %dma_start3A_298] : memref<56x50xi32, #tpu.memory_space<vmem>> -> memref<1x50xi32, #tpu.memory_space<vmem>>
      %dma_start3A_300 = tpu.memref_squeeze %dma_start3A_299 : memref<1x50xi32, #tpu.memory_space<vmem>> -> memref<50xi32, #tpu.memory_space<vmem>>
      %dma_start3A_301 = arith.constant 0 : i32
      %dma_start3A_302 = arith.constant 0 : i32
      %dma_start3A_303 = tpu.memref_slice %arg7[%dma_start3A_301, %dma_start3A_302] : memref<10240x128xf32, #tpu.memory_space<vmem_shared>> -> memref<10240x128xf32, #tpu.memory_space<vmem_shared>>
      tpu.enqueue_indirect_dma source(%arg11 : memref<50x128xf32, #tpu.memory_space<vmem>>) target(%dma_start3A_303 : memref<10240x128xf32, #tpu.memory_space<vmem_shared>>) offsets(%dma_start3A_300 : memref<50xi32, #tpu.memory_space<vmem>>) semaphore(%arg19 : memref<!tpu.dma_semaphore, #tpu.memory_space<semaphore_mem>>) {add = true}
      %add3A_304 = arith.constant 2 : i32
      %add3A_305 = arith.addi %mul3A_271, %add3A_304 : i32
      %dma_wait3A_306 = arith.constant 0 : i32
      %dma_wait3A_307 = tpu.memref_slice %arg8[%add3A_305, %dma_wait3A_306] : memref<56x50xi32, #tpu.memory_space<vmem>> -> memref<1x50xi32, #tpu.memory_space<vmem>>
      %dma_wait3A_308 = tpu.memref_squeeze %dma_wait3A_307 : memref<1x50xi32, #tpu.memory_space<vmem>> -> memref<50xi32, #tpu.memory_space<vmem>>
      %dma_wait3A_309 = arith.constant 0 : i32
      %dma_wait3A_310 = arith.constant 0 : i32
      %dma_wait3A_311 = tpu.memref_slice %arg2[%dma_wait3A_309, %dma_wait3A_310] : memref<10000x128xf32, #tpu.memory_space<hbm>> -> memref<10000x128xf32, #tpu.memory_space<hbm>>
      tpu.wait_indirect_dma semaphore(%arg16 : memref<!tpu.dma_semaphore, #tpu.memory_space<semaphore_mem>>) src(%dma_wait3A_311 : memref<10000x128xf32, #tpu.memory_space<hbm>>) dst(%arg12 : memref<50x128xf32, #tpu.memory_space<vmem>>)
      %add3A_312 = arith.constant 2 : i32
      %add3A_313 = arith.addi %mul3A_271, %add3A_312 : i32
      %dma_start3A_314 = arith.constant 0 : i32
      %dma_start3A_315 = tpu.memref_slice %arg9[%add3A_313, %dma_start3A_314] : memref<56x50xi32, #tpu.memory_space<vmem>> -> memref<1x50xi32, #tpu.memory_space<vmem>>
      %dma_start3A_316 = tpu.memref_squeeze %dma_start3A_315 : memref<1x50xi32, #tpu.memory_space<vmem>> -> memref<50xi32, #tpu.memory_space<vmem>>
      %dma_start3A_317 = arith.constant 0 : i32
      %dma_start3A_318 = arith.constant 0 : i32
      %dma_start3A_319 = tpu.memref_slice %arg7[%dma_start3A_317, %dma_start3A_318] : memref<10240x128xf32, #tpu.memory_space<vmem_shared>> -> memref<10240x128xf32, #tpu.memory_space<vmem_shared>>
      tpu.enqueue_indirect_dma source(%arg12 : memref<50x128xf32, #tpu.memory_space<vmem>>) target(%dma_start3A_319 : memref<10240x128xf32, #tpu.memory_space<vmem_shared>>) offsets(%dma_start3A_316 : memref<50xi32, #tpu.memory_space<vmem>>) semaphore(%arg20 : memref<!tpu.dma_semaphore, #tpu.memory_space<semaphore_mem>>) {add = true}
      %add3A_320 = arith.constant 3 : i32
      %add3A_321 = arith.addi %mul3A_271, %add3A_320 : i32
      %dma_wait3A_322 = arith.constant 0 : i32
      %dma_wait3A_323 = tpu.memref_slice %arg8[%add3A_321, %dma_wait3A_322] : memref<56x50xi32, #tpu.memory_space<vmem>> -> memref<1x50xi32, #tpu.memory_space<vmem>>
      %dma_wait3A_324 = tpu.memref_squeeze %dma_wait3A_323 : memref<1x50xi32, #tpu.memory_space<vmem>> -> memref<50xi32, #tpu.memory_space<vmem>>
      %dma_wait3A_325 = arith.constant 0 : i32
      %dma_wait3A_326 = arith.constant 0 : i32
      %dma_wait3A_327 = tpu.memref_slice %arg2[%dma_wait3A_325, %dma_wait3A_326] : memref<10000x128xf32, #tpu.memory_space<hbm>> -> memref<10000x128xf32, #tpu.memory_space<hbm>>
      tpu.wait_indirect_dma semaphore(%arg17 : memref<!tpu.dma_semaphore, #tpu.memory_space<semaphore_mem>>) src(%dma_wait3A_327 : memref<10000x128xf32, #tpu.memory_space<hbm>>) dst(%arg13 : memref<50x128xf32, #tpu.memory_space<vmem>>)
      %add3A_328 = arith.constant 3 : i32
      %add3A_329 = arith.addi %mul3A_271, %add3A_328 : i32
      %dma_start3A_330 = arith.constant 0 : i32
      %dma_start3A_331 = tpu.memref_slice %arg9[%add3A_329, %dma_start3A_330] : memref<56x50xi32, #tpu.memory_space<vmem>> -> memref<1x50xi32, #tpu.memory_space<vmem>>
      %dma_start3A_332 = tpu.memref_squeeze %dma_start3A_331 : memref<1x50xi32, #tpu.memory_space<vmem>> -> memref<50xi32, #tpu.memory_space<vmem>>
      %dma_start3A_333 = arith.constant 0 : i32
      %dma_start3A_334 = arith.constant 0 : i32
      %dma_start3A_335 = tpu.memref_slice %arg7[%dma_start3A_333, %dma_start3A_334] : memref<10240x128xf32, #tpu.memory_space<vmem_shared>> -> memref<10240x128xf32, #tpu.memory_space<vmem_shared>>
      tpu.enqueue_indirect_dma source(%arg13 : memref<50x128xf32, #tpu.memory_space<vmem>>) target(%dma_start3A_335 : memref<10240x128xf32, #tpu.memory_space<vmem_shared>>) offsets(%dma_start3A_332 : memref<50xi32, #tpu.memory_space<vmem>>) semaphore(%arg21 : memref<!tpu.dma_semaphore, #tpu.memory_space<semaphore_mem>>) {add = true}
      %add3A_336 = arith.constant 1 : i32
      %add3A_337 = arith.addi %scan3A_269, %add3A_336 : i32
      %lt3A = arith.constant 14 : i32
      %lt3A_338 = arith.cmpi slt, %add3A_337, %lt3A : i32
      %convert_element_type3A = arith.extui %lt3A_338 : i1 to i32
      %cond3A = arith.constant 0 : i32
      %cond3A_339 = arith.cmpi ne, %convert_element_type3A, %cond3A : i32
      scf.if %cond3A_339 {
        %add3A_340 = arith.constant 0 : i32
        %add3A_341 = arith.addi %mul3A_271, %add3A_340 : i32
        %dma_wait3A_342 = arith.constant 0 : i32
        %dma_wait3A_343 = tpu.memref_slice %arg9[%add3A_341, %dma_wait3A_342] : memref<56x50xi32, #tpu.memory_space<vmem>> -> memref<1x50xi32, #tpu.memory_space<vmem>>
        %dma_wait3A_344 = tpu.memref_squeeze %dma_wait3A_343 : memref<1x50xi32, #tpu.memory_space<vmem>> -> memref<50xi32, #tpu.memory_space<vmem>>
        %dma_wait3A_345 = arith.constant 0 : i32
        %dma_wait3A_346 = arith.constant 0 : i32
        %dma_wait3A_347 = tpu.memref_slice %arg7[%dma_wait3A_345, %dma_wait3A_346] : memref<10240x128xf32, #tpu.memory_space<vmem_shared>> -> memref<10240x128xf32, #tpu.memory_space<vmem_shared>>
        tpu.wait_indirect_dma semaphore(%arg18 : memref<!tpu.dma_semaphore, #tpu.memory_space<semaphore_mem>>) src(%arg10 : memref<50x128xf32, #tpu.memory_space<vmem>>) dst(%dma_wait3A_347 : memref<10240x128xf32, #tpu.memory_space<vmem_shared>>)
        %add3A_348 = arith.constant 4 : i32
        %add3A_349 = arith.addi %mul3A_271, %add3A_348 : i32
        %add3A_350 = arith.constant 0 : i32
        %add3A_351 = arith.addi %add3A_349, %add3A_350 : i32
        %dma_start3A_352 = arith.constant 0 : i32
        %dma_start3A_353 = tpu.memref_slice %arg8[%add3A_351, %dma_start3A_352] : memref<56x50xi32, #tpu.memory_space<vmem>> -> memref<1x50xi32, #tpu.memory_space<vmem>>
        %dma_start3A_354 = tpu.memref_squeeze %dma_start3A_353 : memref<1x50xi32, #tpu.memory_space<vmem>> -> memref<50xi32, #tpu.memory_space<vmem>>
        %dma_start3A_355 = arith.constant 0 : i32
        %dma_start3A_356 = arith.constant 0 : i32
        %dma_start3A_357 = tpu.memref_slice %arg2[%dma_start3A_355, %dma_start3A_356] : memref<10000x128xf32, #tpu.memory_space<hbm>> -> memref<10000x128xf32, #tpu.memory_space<hbm>>
        tpu.enqueue_indirect_dma source(%dma_start3A_357 : memref<10000x128xf32, #tpu.memory_space<hbm>>) target(%arg10 : memref<50x128xf32, #tpu.memory_space<vmem>>) offsets(%dma_start3A_354 : memref<50xi32, #tpu.memory_space<vmem>>) semaphore(%arg14 : memref<!tpu.dma_semaphore, #tpu.memory_space<semaphore_mem>>)
        %add3A_358 = arith.constant 1 : i32
        %add3A_359 = arith.addi %mul3A_271, %add3A_358 : i32
        %dma_wait3A_360 = arith.constant 0 : i32
        %dma_wait3A_361 = tpu.memref_slice %arg9[%add3A_359, %dma_wait3A_360] : memref<56x50xi32, #tpu.memory_space<vmem>> -> memref<1x50xi32, #tpu.memory_space<vmem>>
        %dma_wait3A_362 = tpu.memref_squeeze %dma_wait3A_361 : memref<1x50xi32, #tpu.memory_space<vmem>> -> memref<50xi32, #tpu.memory_space<vmem>>
        %dma_wait3A_363 = arith.constant 0 : i32
        %dma_wait3A_364 = arith.constant 0 : i32
        %dma_wait3A_365 = tpu.memref_slice %arg7[%dma_wait3A_363, %dma_wait3A_364] : memref<10240x128xf32, #tpu.memory_space<vmem_shared>> -> memref<10240x128xf32, #tpu.memory_space<vmem_shared>>
        tpu.wait_indirect_dma semaphore(%arg19 : memref<!tpu.dma_semaphore, #tpu.memory_space<semaphore_mem>>) src(%arg11 : memref<50x128xf32, #tpu.memory_space<vmem>>) dst(%dma_wait3A_365 : memref<10240x128xf32, #tpu.memory_space<vmem_shared>>)
        %add3A_366 = arith.constant 4 : i32
        %add3A_367 = arith.addi %mul3A_271, %add3A_366 : i32
        %add3A_368 = arith.constant 1 : i32
        %add3A_369 = arith.addi %add3A_367, %add3A_368 : i32
        %dma_start3A_370 = arith.constant 0 : i32
        %dma_start3A_371 = tpu.memref_slice %arg8[%add3A_369, %dma_start3A_370] : memref<56x50xi32, #tpu.memory_space<vmem>> -> memref<1x50xi32, #tpu.memory_space<vmem>>
        %dma_start3A_372 = tpu.memref_squeeze %dma_start3A_371 : memref<1x50xi32, #tpu.memory_space<vmem>> -> memref<50xi32, #tpu.memory_space<vmem>>
        %dma_start3A_373 = arith.constant 0 : i32
        %dma_start3A_374 = arith.constant 0 : i32
        %dma_start3A_375 = tpu.memref_slice %arg2[%dma_start3A_373, %dma_start3A_374] : memref<10000x128xf32, #tpu.memory_space<hbm>> -> memref<10000x128xf32, #tpu.memory_space<hbm>>
        tpu.enqueue_indirect_dma source(%dma_start3A_375 : memref<10000x128xf32, #tpu.memory_space<hbm>>) target(%arg11 : memref<50x128xf32, #tpu.memory_space<vmem>>) offsets(%dma_start3A_372 : memref<50xi32, #tpu.memory_space<vmem>>) semaphore(%arg15 : memref<!tpu.dma_semaphore, #tpu.memory_space<semaphore_mem>>)
        %add3A_376 = arith.constant 2 : i32
        %add3A_377 = arith.addi %mul3A_271, %add3A_376 : i32
        %dma_wait3A_378 = arith.constant 0 : i32
        %dma_wait3A_379 = tpu.memref_slice %arg9[%add3A_377, %dma_wait3A_378] : memref<56x50xi32, #tpu.memory_space<vmem>> -> memref<1x50xi32, #tpu.memory_space<vmem>>
        %dma_wait3A_380 = tpu.memref_squeeze %dma_wait3A_379 : memref<1x50xi32, #tpu.memory_space<vmem>> -> memref<50xi32, #tpu.memory_space<vmem>>
        %dma_wait3A_381 = arith.constant 0 : i32
        %dma_wait3A_382 = arith.constant 0 : i32
        %dma_wait3A_383 = tpu.memref_slice %arg7[%dma_wait3A_381, %dma_wait3A_382] : memref<10240x128xf32, #tpu.memory_space<vmem_shared>> -> memref<10240x128xf32, #tpu.memory_space<vmem_shared>>
        tpu.wait_indirect_dma semaphore(%arg20 : memref<!tpu.dma_semaphore, #tpu.memory_space<semaphore_mem>>) src(%arg12 : memref<50x128xf32, #tpu.memory_space<vmem>>) dst(%dma_wait3A_383 : memref<10240x128xf32, #tpu.memory_space<vmem_shared>>)
        %add3A_384 = arith.constant 4 : i32
        %add3A_385 = arith.addi %mul3A_271, %add3A_384 : i32
        %add3A_386 = arith.constant 2 : i32
        %add3A_387 = arith.addi %add3A_385, %add3A_386 : i32
        %dma_start3A_388 = arith.constant 0 : i32
        %dma_start3A_389 = tpu.memref_slice %arg8[%add3A_387, %dma_start3A_388] : memref<56x50xi32, #tpu.memory_space<vmem>> -> memref<1x50xi32, #tpu.memory_space<vmem>>
        %dma_start3A_390 = tpu.memref_squeeze %dma_start3A_389 : memref<1x50xi32, #tpu.memory_space<vmem>> -> memref<50xi32, #tpu.memory_space<vmem>>
        %dma_start3A_391 = arith.constant 0 : i32
        %dma_start3A_392 = arith.constant 0 : i32
        %dma_start3A_393 = tpu.memref_slice %arg2[%dma_start3A_391, %dma_start3A_392] : memref<10000x128xf32, #tpu.memory_space<hbm>> -> memref<10000x128xf32, #tpu.memory_space<hbm>>
        tpu.enqueue_indirect_dma source(%dma_start3A_393 : memref<10000x128xf32, #tpu.memory_space<hbm>>) target(%arg12 : memref<50x128xf32, #tpu.memory_space<vmem>>) offsets(%dma_start3A_390 : memref<50xi32, #tpu.memory_space<vmem>>) semaphore(%arg16 : memref<!tpu.dma_semaphore, #tpu.memory_space<semaphore_mem>>)
        %add3A_394 = arith.constant 3 : i32
        %add3A_395 = arith.addi %mul3A_271, %add3A_394 : i32
        %dma_wait3A_396 = arith.constant 0 : i32
        %dma_wait3A_397 = tpu.memref_slice %arg9[%add3A_395, %dma_wait3A_396] : memref<56x50xi32, #tpu.memory_space<vmem>> -> memref<1x50xi32, #tpu.memory_space<vmem>>
        %dma_wait3A_398 = tpu.memref_squeeze %dma_wait3A_397 : memref<1x50xi32, #tpu.memory_space<vmem>> -> memref<50xi32, #tpu.memory_space<vmem>>
        %dma_wait3A_399 = arith.constant 0 : i32
        %dma_wait3A_400 = arith.constant 0 : i32
        %dma_wait3A_401 = tpu.memref_slice %arg7[%dma_wait3A_399, %dma_wait3A_400] : memref<10240x128xf32, #tpu.memory_space<vmem_shared>> -> memref<10240x128xf32, #tpu.memory_space<vmem_shared>>
        tpu.wait_indirect_dma semaphore(%arg21 : memref<!tpu.dma_semaphore, #tpu.memory_space<semaphore_mem>>) src(%arg13 : memref<50x128xf32, #tpu.memory_space<vmem>>) dst(%dma_wait3A_401 : memref<10240x128xf32, #tpu.memory_space<vmem_shared>>)
        %add3A_402 = arith.constant 4 : i32
        %add3A_403 = arith.addi %mul3A_271, %add3A_402 : i32
        %add3A_404 = arith.constant 3 : i32
        %add3A_405 = arith.addi %add3A_403, %add3A_404 : i32
        %dma_start3A_406 = arith.constant 0 : i32
        %dma_start3A_407 = tpu.memref_slice %arg8[%add3A_405, %dma_start3A_406] : memref<56x50xi32, #tpu.memory_space<vmem>> -> memref<1x50xi32, #tpu.memory_space<vmem>>
        %dma_start3A_408 = tpu.memref_squeeze %dma_start3A_407 : memref<1x50xi32, #tpu.memory_space<vmem>> -> memref<50xi32, #tpu.memory_space<vmem>>
        %dma_start3A_409 = arith.constant 0 : i32
        %dma_start3A_410 = arith.constant 0 : i32
        %dma_start3A_411 = tpu.memref_slice %arg2[%dma_start3A_409, %dma_start3A_410] : memref<10000x128xf32, #tpu.memory_space<hbm>> -> memref<10000x128xf32, #tpu.memory_space<hbm>>
        tpu.enqueue_indirect_dma source(%dma_start3A_411 : memref<10000x128xf32, #tpu.memory_space<hbm>>) target(%arg13 : memref<50x128xf32, #tpu.memory_space<vmem>>) offsets(%dma_start3A_408 : memref<50xi32, #tpu.memory_space<vmem>>) semaphore(%arg17 : memref<!tpu.dma_semaphore, #tpu.memory_space<semaphore_mem>>)
      } else {
      }
    }
    %scan3A_41 = arith.constant 14 : i32
    %dma_wait3A = arith.constant 52 : i32
    %dma_wait3A_42 = arith.constant 0 : i32
    %dma_wait3A_43 = tpu.memref_slice %arg9[%dma_wait3A, %dma_wait3A_42] : memref<56x50xi32, #tpu.memory_space<vmem>> -> memref<1x50xi32, #tpu.memory_space<vmem>>
    %dma_wait3A_44 = tpu.memref_squeeze %dma_wait3A_43 : memref<1x50xi32, #tpu.memory_space<vmem>> -> memref<50xi32, #tpu.memory_space<vmem>>
    %dma_wait3A_45 = arith.constant 0 : i32
    %dma_wait3A_46 = arith.constant 0 : i32
    %dma_wait3A_47 = tpu.memref_slice %arg7[%dma_wait3A_45, %dma_wait3A_46] : memref<10240x128xf32, #tpu.memory_space<vmem_shared>> -> memref<10240x128xf32, #tpu.memory_space<vmem_shared>>
    tpu.wait_indirect_dma semaphore(%arg18 : memref<!tpu.dma_semaphore, #tpu.memory_space<semaphore_mem>>) src(%arg10 : memref<50x128xf32, #tpu.memory_space<vmem>>) dst(%dma_wait3A_47 : memref<10240x128xf32, #tpu.memory_space<vmem_shared>>)
    %dma_wait3A_48 = arith.constant 53 : i32
    %dma_wait3A_49 = arith.constant 0 : i32
    %dma_wait3A_50 = tpu.memref_slice %arg9[%dma_wait3A_48, %dma_wait3A_49] : memref<56x50xi32, #tpu.memory_space<vmem>> -> memref<1x50xi32, #tpu.memory_space<vmem>>
    %dma_wait3A_51 = tpu.memref_squeeze %dma_wait3A_50 : memref<1x50xi32, #tpu.memory_space<vmem>> -> memref<50xi32, #tpu.memory_space<vmem>>
    %dma_wait3A_52 = arith.constant 0 : i32
    %dma_wait3A_53 = arith.constant 0 : i32
    %dma_wait3A_54 = tpu.memref_slice %arg7[%dma_wait3A_52, %dma_wait3A_53] : memref<10240x128xf32, #tpu.memory_space<vmem_shared>> -> memref<10240x128xf32, #tpu.memory_space<vmem_shared>>
    tpu.wait_indirect_dma semaphore(%arg19 : memref<!tpu.dma_semaphore, #tpu.memory_space<semaphore_mem>>) src(%arg11 : memref<50x128xf32, #tpu.memory_space<vmem>>) dst(%dma_wait3A_54 : memref<10240x128xf32, #tpu.memory_space<vmem_shared>>)
    %dma_wait3A_55 = arith.constant 54 : i32
    %dma_wait3A_56 = arith.constant 0 : i32
    %dma_wait3A_57 = tpu.memref_slice %arg9[%dma_wait3A_55, %dma_wait3A_56] : memref<56x50xi32, #tpu.memory_space<vmem>> -> memref<1x50xi32, #tpu.memory_space<vmem>>
    %dma_wait3A_58 = tpu.memref_squeeze %dma_wait3A_57 : memref<1x50xi32, #tpu.memory_space<vmem>> -> memref<50xi32, #tpu.memory_space<vmem>>
    %dma_wait3A_59 = arith.constant 0 : i32
    %dma_wait3A_60 = arith.constant 0 : i32
    %dma_wait3A_61 = tpu.memref_slice %arg7[%dma_wait3A_59, %dma_wait3A_60] : memref<10240x128xf32, #tpu.memory_space<vmem_shared>> -> memref<10240x128xf32, #tpu.memory_space<vmem_shared>>
    tpu.wait_indirect_dma semaphore(%arg20 : memref<!tpu.dma_semaphore, #tpu.memory_space<semaphore_mem>>) src(%arg12 : memref<50x128xf32, #tpu.memory_space<vmem>>) dst(%dma_wait3A_61 : memref<10240x128xf32, #tpu.memory_space<vmem_shared>>)
    %dma_wait3A_62 = arith.constant 55 : i32
    %dma_wait3A_63 = arith.constant 0 : i32
    %dma_wait3A_64 = tpu.memref_slice %arg9[%dma_wait3A_62, %dma_wait3A_63] : memref<56x50xi32, #tpu.memory_space<vmem>> -> memref<1x50xi32, #tpu.memory_space<vmem>>
    %dma_wait3A_65 = tpu.memref_squeeze %dma_wait3A_64 : memref<1x50xi32, #tpu.memory_space<vmem>> -> memref<50xi32, #tpu.memory_space<vmem>>
    %dma_wait3A_66 = arith.constant 0 : i32
    %dma_wait3A_67 = arith.constant 0 : i32
    %dma_wait3A_68 = tpu.memref_slice %arg7[%dma_wait3A_66, %dma_wait3A_67] : memref<10240x128xf32, #tpu.memory_space<vmem_shared>> -> memref<10240x128xf32, #tpu.memory_space<vmem_shared>>
    tpu.wait_indirect_dma semaphore(%arg21 : memref<!tpu.dma_semaphore, #tpu.memory_space<semaphore_mem>>) src(%arg13 : memref<50x128xf32, #tpu.memory_space<vmem>>) dst(%dma_wait3A_68 : memref<10240x128xf32, #tpu.memory_space<vmem_shared>>)
    %add3A_69 = arith.constant 56 : i32
    %add3A_70 = arith.addi %mul3A_6, %add3A_69 : i32
    "tpu.region"() ({
      %run_scoped3A = tpu.sem_alloc : memref<!tpu.dma_semaphore, #tpu.memory_space<semaphore_mem>>
      %dma_start3A_269 = arith.constant 0 : i32
      %dma_start3A_270 = arith.constant 0 : i32
      %dma_start3A_271 = tpu.memref_slice %arg8[%dma_start3A_269, %dma_start3A_270] : memref<56x50xi32, #tpu.memory_space<vmem>> -> memref<48x50xi32, #tpu.memory_space<vmem>>
      %dma_start3A_272 = arith.constant 0 : i32
      %dma_start3A_273 = tpu.memref_slice %arg3[%add3A_70, %dma_start3A_272] : memref<6400x50xi32, #tpu.memory_space<hbm>> -> memref<48x50xi32, #tpu.memory_space<hbm>>
      %dma_start3A_274 = arith.constant 0 : i32
      %dma_start3A_275 = arith.constant 0 : i32
      %dma_start3A_276 = tpu.memref_slice %arg8[%dma_start3A_274, %dma_start3A_275] : memref<56x50xi32, #tpu.memory_space<vmem>> -> memref<48x50xi32, #tpu.memory_space<vmem>>
      %dma_start3A_277 = arith.constant 0 : i32
      %dma_start3A_278 = tpu.memref_slice %arg3[%add3A_70, %dma_start3A_277] : memref<6400x50xi32, #tpu.memory_space<hbm>> -> memref<48x50xi32, #tpu.memory_space<hbm>>
      tpu.enqueue_dma source(%dma_start3A_278 : memref<48x50xi32, #tpu.memory_space<hbm>>) target(%dma_start3A_276 : memref<48x50xi32, #tpu.memory_space<vmem>>) target_semaphore(%run_scoped3A : memref<!tpu.dma_semaphore, #tpu.memory_space<semaphore_mem>>)
      %dma_wait3A_279 = arith.constant 0 : i32
      %dma_wait3A_280 = arith.constant 0 : i32
      %dma_wait3A_281 = tpu.memref_slice %arg8[%dma_wait3A_279, %dma_wait3A_280] : memref<56x50xi32, #tpu.memory_space<vmem>> -> memref<48x50xi32, #tpu.memory_space<vmem>>
      %dma_wait3A_282 = arith.constant 0 : i32
      %dma_wait3A_283 = tpu.memref_slice %arg3[%add3A_70, %dma_wait3A_282] : memref<6400x50xi32, #tpu.memory_space<hbm>> -> memref<48x50xi32, #tpu.memory_space<hbm>>
      %dma_wait3A_284 = arith.constant 0 : i32
      %dma_wait3A_285 = arith.constant 0 : i32
      %dma_wait3A_286 = tpu.memref_slice %arg8[%dma_wait3A_284, %dma_wait3A_285] : memref<56x50xi32, #tpu.memory_space<vmem>> -> memref<48x50xi32, #tpu.memory_space<vmem>>
      %dma_wait3A_287 = arith.constant 0 : i32
      %dma_wait3A_288 = tpu.memref_slice %arg3[%add3A_70, %dma_wait3A_287] : memref<6400x50xi32, #tpu.memory_space<hbm>> -> memref<48x50xi32, #tpu.memory_space<hbm>>
      tpu.wait_dma2 semaphore(%run_scoped3A : memref<!tpu.dma_semaphore, #tpu.memory_space<semaphore_mem>>) src(%dma_wait3A_288 : memref<48x50xi32, #tpu.memory_space<hbm>>) dst(%dma_wait3A_286 : memref<48x50xi32, #tpu.memory_space<vmem>>)
      tpu.yield
    }) : () -> ()
    %add3A_71 = arith.constant 56 : i32
    %add3A_72 = arith.addi %mul3A_6, %add3A_71 : i32
    "tpu.region"() ({
      %run_scoped3A = tpu.sem_alloc : memref<!tpu.dma_semaphore, #tpu.memory_space<semaphore_mem>>
      %dma_start3A_269 = arith.constant 0 : i32
      %dma_start3A_270 = arith.constant 0 : i32
      %dma_start3A_271 = tpu.memref_slice %arg9[%dma_start3A_269, %dma_start3A_270] : memref<56x50xi32, #tpu.memory_space<vmem>> -> memref<48x50xi32, #tpu.memory_space<vmem>>
      %dma_start3A_272 = arith.constant 0 : i32
      %dma_start3A_273 = tpu.memref_slice %arg4[%add3A_72, %dma_start3A_272] : memref<6400x50xi32, #tpu.memory_space<hbm>> -> memref<48x50xi32, #tpu.memory_space<hbm>>
      %dma_start3A_274 = arith.constant 0 : i32
      %dma_start3A_275 = arith.constant 0 : i32
      %dma_start3A_276 = tpu.memref_slice %arg9[%dma_start3A_274, %dma_start3A_275] : memref<56x50xi32, #tpu.memory_space<vmem>> -> memref<48x50xi32, #tpu.memory_space<vmem>>
      %dma_start3A_277 = arith.constant 0 : i32
      %dma_start3A_278 = tpu.memref_slice %arg4[%add3A_72, %dma_start3A_277] : memref<6400x50xi32, #tpu.memory_space<hbm>> -> memref<48x50xi32, #tpu.memory_space<hbm>>
      tpu.enqueue_dma source(%dma_start3A_278 : memref<48x50xi32, #tpu.memory_space<hbm>>) target(%dma_start3A_276 : memref<48x50xi32, #tpu.memory_space<vmem>>) target_semaphore(%run_scoped3A : memref<!tpu.dma_semaphore, #tpu.memory_space<semaphore_mem>>)
      %dma_wait3A_279 = arith.constant 0 : i32
      %dma_wait3A_280 = arith.constant 0 : i32
      %dma_wait3A_281 = tpu.memref_slice %arg9[%dma_wait3A_279, %dma_wait3A_280] : memref<56x50xi32, #tpu.memory_space<vmem>> -> memref<48x50xi32, #tpu.memory_space<vmem>>
      %dma_wait3A_282 = arith.constant 0 : i32
      %dma_wait3A_283 = tpu.memref_slice %arg4[%add3A_72, %dma_wait3A_282] : memref<6400x50xi32, #tpu.memory_space<hbm>> -> memref<48x50xi32, #tpu.memory_space<hbm>>
      %dma_wait3A_284 = arith.constant 0 : i32
      %dma_wait3A_285 = arith.constant 0 : i32
      %dma_wait3A_286 = tpu.memref_slice %arg9[%dma_wait3A_284, %dma_wait3A_285] : memref<56x50xi32, #tpu.memory_space<vmem>> -> memref<48x50xi32, #tpu.memory_space<vmem>>
      %dma_wait3A_287 = arith.constant 0 : i32
      %dma_wait3A_288 = tpu.memref_slice %arg4[%add3A_72, %dma_wait3A_287] : memref<6400x50xi32, #tpu.memory_space<hbm>> -> memref<48x50xi32, #tpu.memory_space<hbm>>
      tpu.wait_dma2 semaphore(%run_scoped3A : memref<!tpu.dma_semaphore, #tpu.memory_space<semaphore_mem>>) src(%dma_wait3A_288 : memref<48x50xi32, #tpu.memory_space<hbm>>) dst(%dma_wait3A_286 : memref<48x50xi32, #tpu.memory_space<vmem>>)
      tpu.yield
    }) : () -> ()
    %dma_start3A_73 = arith.constant 0 : i32
    %dma_start3A_74 = arith.constant 0 : i32
    %dma_start3A_75 = tpu.memref_slice %arg8[%dma_start3A_73, %dma_start3A_74] : memref<56x50xi32, #tpu.memory_space<vmem>> -> memref<1x50xi32, #tpu.memory_space<vmem>>
    %dma_start3A_76 = tpu.memref_squeeze %dma_start3A_75 : memref<1x50xi32, #tpu.memory_space<vmem>> -> memref<50xi32, #tpu.memory_space<vmem>>
    %dma_start3A_77 = arith.constant 0 : i32
    %dma_start3A_78 = arith.constant 0 : i32
    %dma_start3A_79 = tpu.memref_slice %arg2[%dma_start3A_77, %dma_start3A_78] : memref<10000x128xf32, #tpu.memory_space<hbm>> -> memref<10000x128xf32, #tpu.memory_space<hbm>>
    tpu.enqueue_indirect_dma source(%dma_start3A_79 : memref<10000x128xf32, #tpu.memory_space<hbm>>) target(%arg10 : memref<50x128xf32, #tpu.memory_space<vmem>>) offsets(%dma_start3A_76 : memref<50xi32, #tpu.memory_space<vmem>>) semaphore(%arg14 : memref<!tpu.dma_semaphore, #tpu.memory_space<semaphore_mem>>)
    %dma_start3A_80 = arith.constant 1 : i32
    %dma_start3A_81 = arith.constant 0 : i32
    %dma_start3A_82 = tpu.memref_slice %arg8[%dma_start3A_80, %dma_start3A_81] : memref<56x50xi32, #tpu.memory_space<vmem>> -> memref<1x50xi32, #tpu.memory_space<vmem>>
    %dma_start3A_83 = tpu.memref_squeeze %dma_start3A_82 : memref<1x50xi32, #tpu.memory_space<vmem>> -> memref<50xi32, #tpu.memory_space<vmem>>
    %dma_start3A_84 = arith.constant 0 : i32
    %dma_start3A_85 = arith.constant 0 : i32
    %dma_start3A_86 = tpu.memref_slice %arg2[%dma_start3A_84, %dma_start3A_85] : memref<10000x128xf32, #tpu.memory_space<hbm>> -> memref<10000x128xf32, #tpu.memory_space<hbm>>
    tpu.enqueue_indirect_dma source(%dma_start3A_86 : memref<10000x128xf32, #tpu.memory_space<hbm>>) target(%arg11 : memref<50x128xf32, #tpu.memory_space<vmem>>) offsets(%dma_start3A_83 : memref<50xi32, #tpu.memory_space<vmem>>) semaphore(%arg15 : memref<!tpu.dma_semaphore, #tpu.memory_space<semaphore_mem>>)
    %dma_start3A_87 = arith.constant 2 : i32
    %dma_start3A_88 = arith.constant 0 : i32
    %dma_start3A_89 = tpu.memref_slice %arg8[%dma_start3A_87, %dma_start3A_88] : memref<56x50xi32, #tpu.memory_space<vmem>> -> memref<1x50xi32, #tpu.memory_space<vmem>>
    %dma_start3A_90 = tpu.memref_squeeze %dma_start3A_89 : memref<1x50xi32, #tpu.memory_space<vmem>> -> memref<50xi32, #tpu.memory_space<vmem>>
    %dma_start3A_91 = arith.constant 0 : i32
    %dma_start3A_92 = arith.constant 0 : i32
    %dma_start3A_93 = tpu.memref_slice %arg2[%dma_start3A_91, %dma_start3A_92] : memref<10000x128xf32, #tpu.memory_space<hbm>> -> memref<10000x128xf32, #tpu.memory_space<hbm>>
    tpu.enqueue_indirect_dma source(%dma_start3A_93 : memref<10000x128xf32, #tpu.memory_space<hbm>>) target(%arg12 : memref<50x128xf32, #tpu.memory_space<vmem>>) offsets(%dma_start3A_90 : memref<50xi32, #tpu.memory_space<vmem>>) semaphore(%arg16 : memref<!tpu.dma_semaphore, #tpu.memory_space<semaphore_mem>>)
    %dma_start3A_94 = arith.constant 3 : i32
    %dma_start3A_95 = arith.constant 0 : i32
    %dma_start3A_96 = tpu.memref_slice %arg8[%dma_start3A_94, %dma_start3A_95] : memref<56x50xi32, #tpu.memory_space<vmem>> -> memref<1x50xi32, #tpu.memory_space<vmem>>
    %dma_start3A_97 = tpu.memref_squeeze %dma_start3A_96 : memref<1x50xi32, #tpu.memory_space<vmem>> -> memref<50xi32, #tpu.memory_space<vmem>>
    %dma_start3A_98 = arith.constant 0 : i32
    %dma_start3A_99 = arith.constant 0 : i32
    %dma_start3A_100 = tpu.memref_slice %arg2[%dma_start3A_98, %dma_start3A_99] : memref<10000x128xf32, #tpu.memory_space<hbm>> -> memref<10000x128xf32, #tpu.memory_space<hbm>>
    tpu.enqueue_indirect_dma source(%dma_start3A_100 : memref<10000x128xf32, #tpu.memory_space<hbm>>) target(%arg13 : memref<50x128xf32, #tpu.memory_space<vmem>>) offsets(%dma_start3A_97 : memref<50xi32, #tpu.memory_space<vmem>>) semaphore(%arg17 : memref<!tpu.dma_semaphore, #tpu.memory_space<semaphore_mem>>)
    %scan3A_101 = arith.constant 0 : i32
    %scan3A_102 = arith.constant 12 : i32
    %scan3A_103 = arith.addi %scan3A_101, %scan3A_102 : i32
    %scan3A_104 = arith.constant 1 : i32
    scf.for %scan3A_269 = %scan3A_101 to %scan3A_103 step %scan3A_104  : i32 {
      %mul3A_270 = arith.constant 4 : i32
      %mul3A_271 = arith.muli %scan3A_269, %mul3A_270 : i32
      %add3A_272 = arith.constant 0 : i32
      %add3A_273 = arith.addi %mul3A_271, %add3A_272 : i32
      %dma_wait3A_274 = arith.constant 0 : i32
      %dma_wait3A_275 = tpu.memref_slice %arg8[%add3A_273, %dma_wait3A_274] : memref<56x50xi32, #tpu.memory_space<vmem>> -> memref<1x50xi32, #tpu.memory_space<vmem>>
      %dma_wait3A_276 = tpu.memref_squeeze %dma_wait3A_275 : memref<1x50xi32, #tpu.memory_space<vmem>> -> memref<50xi32, #tpu.memory_space<vmem>>
      %dma_wait3A_277 = arith.constant 0 : i32
      %dma_wait3A_278 = arith.constant 0 : i32
      %dma_wait3A_279 = tpu.memref_slice %arg2[%dma_wait3A_277, %dma_wait3A_278] : memref<10000x128xf32, #tpu.memory_space<hbm>> -> memref<10000x128xf32, #tpu.memory_space<hbm>>
      tpu.wait_indirect_dma semaphore(%arg14 : memref<!tpu.dma_semaphore, #tpu.memory_space<semaphore_mem>>) src(%dma_wait3A_279 : memref<10000x128xf32, #tpu.memory_space<hbm>>) dst(%arg10 : memref<50x128xf32, #tpu.memory_space<vmem>>)
      %add3A_280 = arith.constant 0 : i32
      %add3A_281 = arith.addi %mul3A_271, %add3A_280 : i32
      %dma_start3A_282 = arith.constant 0 : i32
      %dma_start3A_283 = tpu.memref_slice %arg9[%add3A_281, %dma_start3A_282] : memref<56x50xi32, #tpu.memory_space<vmem>> -> memref<1x50xi32, #tpu.memory_space<vmem>>
      %dma_start3A_284 = tpu.memref_squeeze %dma_start3A_283 : memref<1x50xi32, #tpu.memory_space<vmem>> -> memref<50xi32, #tpu.memory_space<vmem>>
      %dma_start3A_285 = arith.constant 0 : i32
      %dma_start3A_286 = arith.constant 0 : i32
      %dma_start3A_287 = tpu.memref_slice %arg7[%dma_start3A_285, %dma_start3A_286] : memref<10240x128xf32, #tpu.memory_space<vmem_shared>> -> memref<10240x128xf32, #tpu.memory_space<vmem_shared>>
      tpu.enqueue_indirect_dma source(%arg10 : memref<50x128xf32, #tpu.memory_space<vmem>>) target(%dma_start3A_287 : memref<10240x128xf32, #tpu.memory_space<vmem_shared>>) offsets(%dma_start3A_284 : memref<50xi32, #tpu.memory_space<vmem>>) semaphore(%arg18 : memref<!tpu.dma_semaphore, #tpu.memory_space<semaphore_mem>>) {add = true}
      %add3A_288 = arith.constant 1 : i32
      %add3A_289 = arith.addi %mul3A_271, %add3A_288 : i32
      %dma_wait3A_290 = arith.constant 0 : i32
      %dma_wait3A_291 = tpu.memref_slice %arg8[%add3A_289, %dma_wait3A_290] : memref<56x50xi32, #tpu.memory_space<vmem>> -> memref<1x50xi32, #tpu.memory_space<vmem>>
      %dma_wait3A_292 = tpu.memref_squeeze %dma_wait3A_291 : memref<1x50xi32, #tpu.memory_space<vmem>> -> memref<50xi32, #tpu.memory_space<vmem>>
      %dma_wait3A_293 = arith.constant 0 : i32
      %dma_wait3A_294 = arith.constant 0 : i32
      %dma_wait3A_295 = tpu.memref_slice %arg2[%dma_wait3A_293, %dma_wait3A_294] : memref<10000x128xf32, #tpu.memory_space<hbm>> -> memref<10000x128xf32, #tpu.memory_space<hbm>>
      tpu.wait_indirect_dma semaphore(%arg15 : memref<!tpu.dma_semaphore, #tpu.memory_space<semaphore_mem>>) src(%dma_wait3A_295 : memref<10000x128xf32, #tpu.memory_space<hbm>>) dst(%arg11 : memref<50x128xf32, #tpu.memory_space<vmem>>)
      %add3A_296 = arith.constant 1 : i32
      %add3A_297 = arith.addi %mul3A_271, %add3A_296 : i32
      %dma_start3A_298 = arith.constant 0 : i32
      %dma_start3A_299 = tpu.memref_slice %arg9[%add3A_297, %dma_start3A_298] : memref<56x50xi32, #tpu.memory_space<vmem>> -> memref<1x50xi32, #tpu.memory_space<vmem>>
      %dma_start3A_300 = tpu.memref_squeeze %dma_start3A_299 : memref<1x50xi32, #tpu.memory_space<vmem>> -> memref<50xi32, #tpu.memory_space<vmem>>
      %dma_start3A_301 = arith.constant 0 : i32
      %dma_start3A_302 = arith.constant 0 : i32
      %dma_start3A_303 = tpu.memref_slice %arg7[%dma_start3A_301, %dma_start3A_302] : memref<10240x128xf32, #tpu.memory_space<vmem_shared>> -> memref<10240x128xf32, #tpu.memory_space<vmem_shared>>
      tpu.enqueue_indirect_dma source(%arg11 : memref<50x128xf32, #tpu.memory_space<vmem>>) target(%dma_start3A_303 : memref<10240x128xf32, #tpu.memory_space<vmem_shared>>) offsets(%dma_start3A_300 : memref<50xi32, #tpu.memory_space<vmem>>) semaphore(%arg19 : memref<!tpu.dma_semaphore, #tpu.memory_space<semaphore_mem>>) {add = true}
      %add3A_304 = arith.constant 2 : i32
      %add3A_305 = arith.addi %mul3A_271, %add3A_304 : i32
      %dma_wait3A_306 = arith.constant 0 : i32
      %dma_wait3A_307 = tpu.memref_slice %arg8[%add3A_305, %dma_wait3A_306] : memref<56x50xi32, #tpu.memory_space<vmem>> -> memref<1x50xi32, #tpu.memory_space<vmem>>
      %dma_wait3A_308 = tpu.memref_squeeze %dma_wait3A_307 : memref<1x50xi32, #tpu.memory_space<vmem>> -> memref<50xi32, #tpu.memory_space<vmem>>
      %dma_wait3A_309 = arith.constant 0 : i32
      %dma_wait3A_310 = arith.constant 0 : i32
      %dma_wait3A_311 = tpu.memref_slice %arg2[%dma_wait3A_309, %dma_wait3A_310] : memref<10000x128xf32, #tpu.memory_space<hbm>> -> memref<10000x128xf32, #tpu.memory_space<hbm>>
      tpu.wait_indirect_dma semaphore(%arg16 : memref<!tpu.dma_semaphore, #tpu.memory_space<semaphore_mem>>) src(%dma_wait3A_311 : memref<10000x128xf32, #tpu.memory_space<hbm>>) dst(%arg12 : memref<50x128xf32, #tpu.memory_space<vmem>>)
      %add3A_312 = arith.constant 2 : i32
      %add3A_313 = arith.addi %mul3A_271, %add3A_312 : i32
      %dma_start3A_314 = arith.constant 0 : i32
      %dma_start3A_315 = tpu.memref_slice %arg9[%add3A_313, %dma_start3A_314] : memref<56x50xi32, #tpu.memory_space<vmem>> -> memref<1x50xi32, #tpu.memory_space<vmem>>
      %dma_start3A_316 = tpu.memref_squeeze %dma_start3A_315 : memref<1x50xi32, #tpu.memory_space<vmem>> -> memref<50xi32, #tpu.memory_space<vmem>>
      %dma_start3A_317 = arith.constant 0 : i32
      %dma_start3A_318 = arith.constant 0 : i32
      %dma_start3A_319 = tpu.memref_slice %arg7[%dma_start3A_317, %dma_start3A_318] : memref<10240x128xf32, #tpu.memory_space<vmem_shared>> -> memref<10240x128xf32, #tpu.memory_space<vmem_shared>>
      tpu.enqueue_indirect_dma source(%arg12 : memref<50x128xf32, #tpu.memory_space<vmem>>) target(%dma_start3A_319 : memref<10240x128xf32, #tpu.memory_space<vmem_shared>>) offsets(%dma_start3A_316 : memref<50xi32, #tpu.memory_space<vmem>>) semaphore(%arg20 : memref<!tpu.dma_semaphore, #tpu.memory_space<semaphore_mem>>) {add = true}
      %add3A_320 = arith.constant 3 : i32
      %add3A_321 = arith.addi %mul3A_271, %add3A_320 : i32
      %dma_wait3A_322 = arith.constant 0 : i32
      %dma_wait3A_323 = tpu.memref_slice %arg8[%add3A_321, %dma_wait3A_322] : memref<56x50xi32, #tpu.memory_space<vmem>> -> memref<1x50xi32, #tpu.memory_space<vmem>>
      %dma_wait3A_324 = tpu.memref_squeeze %dma_wait3A_323 : memref<1x50xi32, #tpu.memory_space<vmem>> -> memref<50xi32, #tpu.memory_space<vmem>>
      %dma_wait3A_325 = arith.constant 0 : i32
      %dma_wait3A_326 = arith.constant 0 : i32
      %dma_wait3A_327 = tpu.memref_slice %arg2[%dma_wait3A_325, %dma_wait3A_326] : memref<10000x128xf32, #tpu.memory_space<hbm>> -> memref<10000x128xf32, #tpu.memory_space<hbm>>
      tpu.wait_indirect_dma semaphore(%arg17 : memref<!tpu.dma_semaphore, #tpu.memory_space<semaphore_mem>>) src(%dma_wait3A_327 : memref<10000x128xf32, #tpu.memory_space<hbm>>) dst(%arg13 : memref<50x128xf32, #tpu.memory_space<vmem>>)
      %add3A_328 = arith.constant 3 : i32
      %add3A_329 = arith.addi %mul3A_271, %add3A_328 : i32
      %dma_start3A_330 = arith.constant 0 : i32
      %dma_start3A_331 = tpu.memref_slice %arg9[%add3A_329, %dma_start3A_330] : memref<56x50xi32, #tpu.memory_space<vmem>> -> memref<1x50xi32, #tpu.memory_space<vmem>>
      %dma_start3A_332 = tpu.memref_squeeze %dma_start3A_331 : memref<1x50xi32, #tpu.memory_space<vmem>> -> memref<50xi32, #tpu.memory_space<vmem>>
      %dma_start3A_333 = arith.constant 0 : i32
      %dma_start3A_334 = arith.constant 0 : i32
      %dma_start3A_335 = tpu.memref_slice %arg7[%dma_start3A_333, %dma_start3A_334] : memref<10240x128xf32, #tpu.memory_space<vmem_shared>> -> memref<10240x128xf32, #tpu.memory_space<vmem_shared>>
      tpu.enqueue_indirect_dma source(%arg13 : memref<50x128xf32, #tpu.memory_space<vmem>>) target(%dma_start3A_335 : memref<10240x128xf32, #tpu.memory_space<vmem_shared>>) offsets(%dma_start3A_332 : memref<50xi32, #tpu.memory_space<vmem>>) semaphore(%arg21 : memref<!tpu.dma_semaphore, #tpu.memory_space<semaphore_mem>>) {add = true}
      %add3A_336 = arith.constant 1 : i32
      %add3A_337 = arith.addi %scan3A_269, %add3A_336 : i32
      %lt3A = arith.constant 12 : i32
      %lt3A_338 = arith.cmpi slt, %add3A_337, %lt3A : i32
      %convert_element_type3A = arith.extui %lt3A_338 : i1 to i32
      %cond3A = arith.constant 0 : i32
      %cond3A_339 = arith.cmpi ne, %convert_element_type3A, %cond3A : i32
      scf.if %cond3A_339 {
        %add3A_340 = arith.constant 0 : i32
        %add3A_341 = arith.addi %mul3A_271, %add3A_340 : i32
        %dma_wait3A_342 = arith.constant 0 : i32
        %dma_wait3A_343 = tpu.memref_slice %arg9[%add3A_341, %dma_wait3A_342] : memref<56x50xi32, #tpu.memory_space<vmem>> -> memref<1x50xi32, #tpu.memory_space<vmem>>
        %dma_wait3A_344 = tpu.memref_squeeze %dma_wait3A_343 : memref<1x50xi32, #tpu.memory_space<vmem>> -> memref<50xi32, #tpu.memory_space<vmem>>
        %dma_wait3A_345 = arith.constant 0 : i32
        %dma_wait3A_346 = arith.constant 0 : i32
        %dma_wait3A_347 = tpu.memref_slice %arg7[%dma_wait3A_345, %dma_wait3A_346] : memref<10240x128xf32, #tpu.memory_space<vmem_shared>> -> memref<10240x128xf32, #tpu.memory_space<vmem_shared>>
        tpu.wait_indirect_dma semaphore(%arg18 : memref<!tpu.dma_semaphore, #tpu.memory_space<semaphore_mem>>) src(%arg10 : memref<50x128xf32, #tpu.memory_space<vmem>>) dst(%dma_wait3A_347 : memref<10240x128xf32, #tpu.memory_space<vmem_shared>>)
        %add3A_348 = arith.constant 4 : i32
        %add3A_349 = arith.addi %mul3A_271, %add3A_348 : i32
        %add3A_350 = arith.constant 0 : i32
        %add3A_351 = arith.addi %add3A_349, %add3A_350 : i32
        %dma_start3A_352 = arith.constant 0 : i32
        %dma_start3A_353 = tpu.memref_slice %arg8[%add3A_351, %dma_start3A_352] : memref<56x50xi32, #tpu.memory_space<vmem>> -> memref<1x50xi32, #tpu.memory_space<vmem>>
        %dma_start3A_354 = tpu.memref_squeeze %dma_start3A_353 : memref<1x50xi32, #tpu.memory_space<vmem>> -> memref<50xi32, #tpu.memory_space<vmem>>
        %dma_start3A_355 = arith.constant 0 : i32
        %dma_start3A_356 = arith.constant 0 : i32
        %dma_start3A_357 = tpu.memref_slice %arg2[%dma_start3A_355, %dma_start3A_356] : memref<10000x128xf32, #tpu.memory_space<hbm>> -> memref<10000x128xf32, #tpu.memory_space<hbm>>
        tpu.enqueue_indirect_dma source(%dma_start3A_357 : memref<10000x128xf32, #tpu.memory_space<hbm>>) target(%arg10 : memref<50x128xf32, #tpu.memory_space<vmem>>) offsets(%dma_start3A_354 : memref<50xi32, #tpu.memory_space<vmem>>) semaphore(%arg14 : memref<!tpu.dma_semaphore, #tpu.memory_space<semaphore_mem>>)
        %add3A_358 = arith.constant 1 : i32
        %add3A_359 = arith.addi %mul3A_271, %add3A_358 : i32
        %dma_wait3A_360 = arith.constant 0 : i32
        %dma_wait3A_361 = tpu.memref_slice %arg9[%add3A_359, %dma_wait3A_360] : memref<56x50xi32, #tpu.memory_space<vmem>> -> memref<1x50xi32, #tpu.memory_space<vmem>>
        %dma_wait3A_362 = tpu.memref_squeeze %dma_wait3A_361 : memref<1x50xi32, #tpu.memory_space<vmem>> -> memref<50xi32, #tpu.memory_space<vmem>>
        %dma_wait3A_363 = arith.constant 0 : i32
        %dma_wait3A_364 = arith.constant 0 : i32
        %dma_wait3A_365 = tpu.memref_slice %arg7[%dma_wait3A_363, %dma_wait3A_364] : memref<10240x128xf32, #tpu.memory_space<vmem_shared>> -> memref<10240x128xf32, #tpu.memory_space<vmem_shared>>
        tpu.wait_indirect_dma semaphore(%arg19 : memref<!tpu.dma_semaphore, #tpu.memory_space<semaphore_mem>>) src(%arg11 : memref<50x128xf32, #tpu.memory_space<vmem>>) dst(%dma_wait3A_365 : memref<10240x128xf32, #tpu.memory_space<vmem_shared>>)
        %add3A_366 = arith.constant 4 : i32
        %add3A_367 = arith.addi %mul3A_271, %add3A_366 : i32
        %add3A_368 = arith.constant 1 : i32
        %add3A_369 = arith.addi %add3A_367, %add3A_368 : i32
        %dma_start3A_370 = arith.constant 0 : i32
        %dma_start3A_371 = tpu.memref_slice %arg8[%add3A_369, %dma_start3A_370] : memref<56x50xi32, #tpu.memory_space<vmem>> -> memref<1x50xi32, #tpu.memory_space<vmem>>
        %dma_start3A_372 = tpu.memref_squeeze %dma_start3A_371 : memref<1x50xi32, #tpu.memory_space<vmem>> -> memref<50xi32, #tpu.memory_space<vmem>>
        %dma_start3A_373 = arith.constant 0 : i32
        %dma_start3A_374 = arith.constant 0 : i32
        %dma_start3A_375 = tpu.memref_slice %arg2[%dma_start3A_373, %dma_start3A_374] : memref<10000x128xf32, #tpu.memory_space<hbm>> -> memref<10000x128xf32, #tpu.memory_space<hbm>>
        tpu.enqueue_indirect_dma source(%dma_start3A_375 : memref<10000x128xf32, #tpu.memory_space<hbm>>) target(%arg11 : memref<50x128xf32, #tpu.memory_space<vmem>>) offsets(%dma_start3A_372 : memref<50xi32, #tpu.memory_space<vmem>>) semaphore(%arg15 : memref<!tpu.dma_semaphore, #tpu.memory_space<semaphore_mem>>)
        %add3A_376 = arith.constant 2 : i32
        %add3A_377 = arith.addi %mul3A_271, %add3A_376 : i32
        %dma_wait3A_378 = arith.constant 0 : i32
        %dma_wait3A_379 = tpu.memref_slice %arg9[%add3A_377, %dma_wait3A_378] : memref<56x50xi32, #tpu.memory_space<vmem>> -> memref<1x50xi32, #tpu.memory_space<vmem>>
        %dma_wait3A_380 = tpu.memref_squeeze %dma_wait3A_379 : memref<1x50xi32, #tpu.memory_space<vmem>> -> memref<50xi32, #tpu.memory_space<vmem>>
        %dma_wait3A_381 = arith.constant 0 : i32
        %dma_wait3A_382 = arith.constant 0 : i32
        %dma_wait3A_383 = tpu.memref_slice %arg7[%dma_wait3A_381, %dma_wait3A_382] : memref<10240x128xf32, #tpu.memory_space<vmem_shared>> -> memref<10240x128xf32, #tpu.memory_space<vmem_shared>>
        tpu.wait_indirect_dma semaphore(%arg20 : memref<!tpu.dma_semaphore, #tpu.memory_space<semaphore_mem>>) src(%arg12 : memref<50x128xf32, #tpu.memory_space<vmem>>) dst(%dma_wait3A_383 : memref<10240x128xf32, #tpu.memory_space<vmem_shared>>)
        %add3A_384 = arith.constant 4 : i32
        %add3A_385 = arith.addi %mul3A_271, %add3A_384 : i32
        %add3A_386 = arith.constant 2 : i32
        %add3A_387 = arith.addi %add3A_385, %add3A_386 : i32
        %dma_start3A_388 = arith.constant 0 : i32
        %dma_start3A_389 = tpu.memref_slice %arg8[%add3A_387, %dma_start3A_388] : memref<56x50xi32, #tpu.memory_space<vmem>> -> memref<1x50xi32, #tpu.memory_space<vmem>>
        %dma_start3A_390 = tpu.memref_squeeze %dma_start3A_389 : memref<1x50xi32, #tpu.memory_space<vmem>> -> memref<50xi32, #tpu.memory_space<vmem>>
        %dma_start3A_391 = arith.constant 0 : i32
        %dma_start3A_392 = arith.constant 0 : i32
        %dma_start3A_393 = tpu.memref_slice %arg2[%dma_start3A_391, %dma_start3A_392] : memref<10000x128xf32, #tpu.memory_space<hbm>> -> memref<10000x128xf32, #tpu.memory_space<hbm>>
        tpu.enqueue_indirect_dma source(%dma_start3A_393 : memref<10000x128xf32, #tpu.memory_space<hbm>>) target(%arg12 : memref<50x128xf32, #tpu.memory_space<vmem>>) offsets(%dma_start3A_390 : memref<50xi32, #tpu.memory_space<vmem>>) semaphore(%arg16 : memref<!tpu.dma_semaphore, #tpu.memory_space<semaphore_mem>>)
        %add3A_394 = arith.constant 3 : i32
        %add3A_395 = arith.addi %mul3A_271, %add3A_394 : i32
        %dma_wait3A_396 = arith.constant 0 : i32
        %dma_wait3A_397 = tpu.memref_slice %arg9[%add3A_395, %dma_wait3A_396] : memref<56x50xi32, #tpu.memory_space<vmem>> -> memref<1x50xi32, #tpu.memory_space<vmem>>
        %dma_wait3A_398 = tpu.memref_squeeze %dma_wait3A_397 : memref<1x50xi32, #tpu.memory_space<vmem>> -> memref<50xi32, #tpu.memory_space<vmem>>
        %dma_wait3A_399 = arith.constant 0 : i32
        %dma_wait3A_400 = arith.constant 0 : i32
        %dma_wait3A_401 = tpu.memref_slice %arg7[%dma_wait3A_399, %dma_wait3A_400] : memref<10240x128xf32, #tpu.memory_space<vmem_shared>> -> memref<10240x128xf32, #tpu.memory_space<vmem_shared>>
        tpu.wait_indirect_dma semaphore(%arg21 : memref<!tpu.dma_semaphore, #tpu.memory_space<semaphore_mem>>) src(%arg13 : memref<50x128xf32, #tpu.memory_space<vmem>>) dst(%dma_wait3A_401 : memref<10240x128xf32, #tpu.memory_space<vmem_shared>>)
        %add3A_402 = arith.constant 4 : i32
        %add3A_403 = arith.addi %mul3A_271, %add3A_402 : i32
        %add3A_404 = arith.constant 3 : i32
        %add3A_405 = arith.addi %add3A_403, %add3A_404 : i32
        %dma_start3A_406 = arith.constant 0 : i32
        %dma_start3A_407 = tpu.memref_slice %arg8[%add3A_405, %dma_start3A_406] : memref<56x50xi32, #tpu.memory_space<vmem>> -> memref<1x50xi32, #tpu.memory_space<vmem>>
        %dma_start3A_408 = tpu.memref_squeeze %dma_start3A_407 : memref<1x50xi32, #tpu.memory_space<vmem>> -> memref<50xi32, #tpu.memory_space<vmem>>
        %dma_start3A_409 = arith.constant 0 : i32
        %dma_start3A_410 = arith.constant 0 : i32
        %dma_start3A_411 = tpu.memref_slice %arg2[%dma_start3A_409, %dma_start3A_410] : memref<10000x128xf32, #tpu.memory_space<hbm>> -> memref<10000x128xf32, #tpu.memory_space<hbm>>
        tpu.enqueue_indirect_dma source(%dma_start3A_411 : memref<10000x128xf32, #tpu.memory_space<hbm>>) target(%arg13 : memref<50x128xf32, #tpu.memory_space<vmem>>) offsets(%dma_start3A_408 : memref<50xi32, #tpu.memory_space<vmem>>) semaphore(%arg17 : memref<!tpu.dma_semaphore, #tpu.memory_space<semaphore_mem>>)
      } else {
      }
    }
    %scan3A_105 = arith.constant 12 : i32
    %dma_wait3A_106 = arith.constant 44 : i32
    %dma_wait3A_107 = arith.constant 0 : i32
    %dma_wait3A_108 = tpu.memref_slice %arg9[%dma_wait3A_106, %dma_wait3A_107] : memref<56x50xi32, #tpu.memory_space<vmem>> -> memref<1x50xi32, #tpu.memory_space<vmem>>
    %dma_wait3A_109 = tpu.memref_squeeze %dma_wait3A_108 : memref<1x50xi32, #tpu.memory_space<vmem>> -> memref<50xi32, #tpu.memory_space<vmem>>
    %dma_wait3A_110 = arith.constant 0 : i32
    %dma_wait3A_111 = arith.constant 0 : i32
    %dma_wait3A_112 = tpu.memref_slice %arg7[%dma_wait3A_110, %dma_wait3A_111] : memref<10240x128xf32, #tpu.memory_space<vmem_shared>> -> memref<10240x128xf32, #tpu.memory_space<vmem_shared>>
    tpu.wait_indirect_dma semaphore(%arg18 : memref<!tpu.dma_semaphore, #tpu.memory_space<semaphore_mem>>) src(%arg10 : memref<50x128xf32, #tpu.memory_space<vmem>>) dst(%dma_wait3A_112 : memref<10240x128xf32, #tpu.memory_space<vmem_shared>>)
    %dma_wait3A_113 = arith.constant 45 : i32
    %dma_wait3A_114 = arith.constant 0 : i32
    %dma_wait3A_115 = tpu.memref_slice %arg9[%dma_wait3A_113, %dma_wait3A_114] : memref<56x50xi32, #tpu.memory_space<vmem>> -> memref<1x50xi32, #tpu.memory_space<vmem>>
    %dma_wait3A_116 = tpu.memref_squeeze %dma_wait3A_115 : memref<1x50xi32, #tpu.memory_space<vmem>> -> memref<50xi32, #tpu.memory_space<vmem>>
    %dma_wait3A_117 = arith.constant 0 : i32
    %dma_wait3A_118 = arith.constant 0 : i32
    %dma_wait3A_119 = tpu.memref_slice %arg7[%dma_wait3A_117, %dma_wait3A_118] : memref<10240x128xf32, #tpu.memory_space<vmem_shared>> -> memref<10240x128xf32, #tpu.memory_space<vmem_shared>>
    tpu.wait_indirect_dma semaphore(%arg19 : memref<!tpu.dma_semaphore, #tpu.memory_space<semaphore_mem>>) src(%arg11 : memref<50x128xf32, #tpu.memory_space<vmem>>) dst(%dma_wait3A_119 : memref<10240x128xf32, #tpu.memory_space<vmem_shared>>)
    %dma_wait3A_120 = arith.constant 46 : i32
    %dma_wait3A_121 = arith.constant 0 : i32
    %dma_wait3A_122 = tpu.memref_slice %arg9[%dma_wait3A_120, %dma_wait3A_121] : memref<56x50xi32, #tpu.memory_space<vmem>> -> memref<1x50xi32, #tpu.memory_space<vmem>>
    %dma_wait3A_123 = tpu.memref_squeeze %dma_wait3A_122 : memref<1x50xi32, #tpu.memory_space<vmem>> -> memref<50xi32, #tpu.memory_space<vmem>>
    %dma_wait3A_124 = arith.constant 0 : i32
    %dma_wait3A_125 = arith.constant 0 : i32
    %dma_wait3A_126 = tpu.memref_slice %arg7[%dma_wait3A_124, %dma_wait3A_125] : memref<10240x128xf32, #tpu.memory_space<vmem_shared>> -> memref<10240x128xf32, #tpu.memory_space<vmem_shared>>
    tpu.wait_indirect_dma semaphore(%arg20 : memref<!tpu.dma_semaphore, #tpu.memory_space<semaphore_mem>>) src(%arg12 : memref<50x128xf32, #tpu.memory_space<vmem>>) dst(%dma_wait3A_126 : memref<10240x128xf32, #tpu.memory_space<vmem_shared>>)
    %dma_wait3A_127 = arith.constant 47 : i32
    %dma_wait3A_128 = arith.constant 0 : i32
    %dma_wait3A_129 = tpu.memref_slice %arg9[%dma_wait3A_127, %dma_wait3A_128] : memref<56x50xi32, #tpu.memory_space<vmem>> -> memref<1x50xi32, #tpu.memory_space<vmem>>
    %dma_wait3A_130 = tpu.memref_squeeze %dma_wait3A_129 : memref<1x50xi32, #tpu.memory_space<vmem>> -> memref<50xi32, #tpu.memory_space<vmem>>
    %dma_wait3A_131 = arith.constant 0 : i32
    %dma_wait3A_132 = arith.constant 0 : i32
    %dma_wait3A_133 = tpu.memref_slice %arg7[%dma_wait3A_131, %dma_wait3A_132] : memref<10240x128xf32, #tpu.memory_space<vmem_shared>> -> memref<10240x128xf32, #tpu.memory_space<vmem_shared>>
    tpu.wait_indirect_dma semaphore(%arg21 : memref<!tpu.dma_semaphore, #tpu.memory_space<semaphore_mem>>) src(%arg13 : memref<50x128xf32, #tpu.memory_space<vmem>>) dst(%dma_wait3A_133 : memref<10240x128xf32, #tpu.memory_space<vmem_shared>>)
    %add3A_134 = arith.constant 104 : i32
    %add3A_135 = arith.addi %mul3A_6, %add3A_134 : i32
    "tpu.region"() ({
      %run_scoped3A = tpu.sem_alloc : memref<!tpu.dma_semaphore, #tpu.memory_space<semaphore_mem>>
      %dma_start3A_269 = arith.constant 0 : i32
      %dma_start3A_270 = arith.constant 0 : i32
      %dma_start3A_271 = tpu.memref_slice %arg8[%dma_start3A_269, %dma_start3A_270] : memref<56x50xi32, #tpu.memory_space<vmem>> -> memref<48x50xi32, #tpu.memory_space<vmem>>
      %dma_start3A_272 = arith.constant 0 : i32
      %dma_start3A_273 = tpu.memref_slice %arg3[%add3A_135, %dma_start3A_272] : memref<6400x50xi32, #tpu.memory_space<hbm>> -> memref<48x50xi32, #tpu.memory_space<hbm>>
      %dma_start3A_274 = arith.constant 0 : i32
      %dma_start3A_275 = arith.constant 0 : i32
      %dma_start3A_276 = tpu.memref_slice %arg8[%dma_start3A_274, %dma_start3A_275] : memref<56x50xi32, #tpu.memory_space<vmem>> -> memref<48x50xi32, #tpu.memory_space<vmem>>
      %dma_start3A_277 = arith.constant 0 : i32
      %dma_start3A_278 = tpu.memref_slice %arg3[%add3A_135, %dma_start3A_277] : memref<6400x50xi32, #tpu.memory_space<hbm>> -> memref<48x50xi32, #tpu.memory_space<hbm>>
      tpu.enqueue_dma source(%dma_start3A_278 : memref<48x50xi32, #tpu.memory_space<hbm>>) target(%dma_start3A_276 : memref<48x50xi32, #tpu.memory_space<vmem>>) target_semaphore(%run_scoped3A : memref<!tpu.dma_semaphore, #tpu.memory_space<semaphore_mem>>)
      %dma_wait3A_279 = arith.constant 0 : i32
      %dma_wait3A_280 = arith.constant 0 : i32
      %dma_wait3A_281 = tpu.memref_slice %arg8[%dma_wait3A_279, %dma_wait3A_280] : memref<56x50xi32, #tpu.memory_space<vmem>> -> memref<48x50xi32, #tpu.memory_space<vmem>>
      %dma_wait3A_282 = arith.constant 0 : i32
      %dma_wait3A_283 = tpu.memref_slice %arg3[%add3A_135, %dma_wait3A_282] : memref<6400x50xi32, #tpu.memory_space<hbm>> -> memref<48x50xi32, #tpu.memory_space<hbm>>
      %dma_wait3A_284 = arith.constant 0 : i32
      %dma_wait3A_285 = arith.constant 0 : i32
      %dma_wait3A_286 = tpu.memref_slice %arg8[%dma_wait3A_284, %dma_wait3A_285] : memref<56x50xi32, #tpu.memory_space<vmem>> -> memref<48x50xi32, #tpu.memory_space<vmem>>
      %dma_wait3A_287 = arith.constant 0 : i32
      %dma_wait3A_288 = tpu.memref_slice %arg3[%add3A_135, %dma_wait3A_287] : memref<6400x50xi32, #tpu.memory_space<hbm>> -> memref<48x50xi32, #tpu.memory_space<hbm>>
      tpu.wait_dma2 semaphore(%run_scoped3A : memref<!tpu.dma_semaphore, #tpu.memory_space<semaphore_mem>>) src(%dma_wait3A_288 : memref<48x50xi32, #tpu.memory_space<hbm>>) dst(%dma_wait3A_286 : memref<48x50xi32, #tpu.memory_space<vmem>>)
      tpu.yield
    }) : () -> ()
    %add3A_136 = arith.constant 104 : i32
    %add3A_137 = arith.addi %mul3A_6, %add3A_136 : i32
    "tpu.region"() ({
      %run_scoped3A = tpu.sem_alloc : memref<!tpu.dma_semaphore, #tpu.memory_space<semaphore_mem>>
      %dma_start3A_269 = arith.constant 0 : i32
      %dma_start3A_270 = arith.constant 0 : i32
      %dma_start3A_271 = tpu.memref_slice %arg9[%dma_start3A_269, %dma_start3A_270] : memref<56x50xi32, #tpu.memory_space<vmem>> -> memref<48x50xi32, #tpu.memory_space<vmem>>
      %dma_start3A_272 = arith.constant 0 : i32
      %dma_start3A_273 = tpu.memref_slice %arg4[%add3A_137, %dma_start3A_272] : memref<6400x50xi32, #tpu.memory_space<hbm>> -> memref<48x50xi32, #tpu.memory_space<hbm>>
      %dma_start3A_274 = arith.constant 0 : i32
      %dma_start3A_275 = arith.constant 0 : i32
      %dma_start3A_276 = tpu.memref_slice %arg9[%dma_start3A_274, %dma_start3A_275] : memref<56x50xi32, #tpu.memory_space<vmem>> -> memref<48x50xi32, #tpu.memory_space<vmem>>
      %dma_start3A_277 = arith.constant 0 : i32
      %dma_start3A_278 = tpu.memref_slice %arg4[%add3A_137, %dma_start3A_277] : memref<6400x50xi32, #tpu.memory_space<hbm>> -> memref<48x50xi32, #tpu.memory_space<hbm>>
      tpu.enqueue_dma source(%dma_start3A_278 : memref<48x50xi32, #tpu.memory_space<hbm>>) target(%dma_start3A_276 : memref<48x50xi32, #tpu.memory_space<vmem>>) target_semaphore(%run_scoped3A : memref<!tpu.dma_semaphore, #tpu.memory_space<semaphore_mem>>)
      %dma_wait3A_279 = arith.constant 0 : i32
      %dma_wait3A_280 = arith.constant 0 : i32
      %dma_wait3A_281 = tpu.memref_slice %arg9[%dma_wait3A_279, %dma_wait3A_280] : memref<56x50xi32, #tpu.memory_space<vmem>> -> memref<48x50xi32, #tpu.memory_space<vmem>>
      %dma_wait3A_282 = arith.constant 0 : i32
      %dma_wait3A_283 = tpu.memref_slice %arg4[%add3A_137, %dma_wait3A_282] : memref<6400x50xi32, #tpu.memory_space<hbm>> -> memref<48x50xi32, #tpu.memory_space<hbm>>
      %dma_wait3A_284 = arith.constant 0 : i32
      %dma_wait3A_285 = arith.constant 0 : i32
      %dma_wait3A_286 = tpu.memref_slice %arg9[%dma_wait3A_284, %dma_wait3A_285] : memref<56x50xi32, #tpu.memory_space<vmem>> -> memref<48x50xi32, #tpu.memory_space<vmem>>
      %dma_wait3A_287 = arith.constant 0 : i32
      %dma_wait3A_288 = tpu.memref_slice %arg4[%add3A_137, %dma_wait3A_287] : memref<6400x50xi32, #tpu.memory_space<hbm>> -> memref<48x50xi32, #tpu.memory_space<hbm>>
      tpu.wait_dma2 semaphore(%run_scoped3A : memref<!tpu.dma_semaphore, #tpu.memory_space<semaphore_mem>>) src(%dma_wait3A_288 : memref<48x50xi32, #tpu.memory_space<hbm>>) dst(%dma_wait3A_286 : memref<48x50xi32, #tpu.memory_space<vmem>>)
      tpu.yield
    }) : () -> ()
    %dma_start3A_138 = arith.constant 0 : i32
    %dma_start3A_139 = arith.constant 0 : i32
    %dma_start3A_140 = tpu.memref_slice %arg8[%dma_start3A_138, %dma_start3A_139] : memref<56x50xi32, #tpu.memory_space<vmem>> -> memref<1x50xi32, #tpu.memory_space<vmem>>
    %dma_start3A_141 = tpu.memref_squeeze %dma_start3A_140 : memref<1x50xi32, #tpu.memory_space<vmem>> -> memref<50xi32, #tpu.memory_space<vmem>>
    %dma_start3A_142 = arith.constant 0 : i32
    %dma_start3A_143 = arith.constant 0 : i32
    %dma_start3A_144 = tpu.memref_slice %arg2[%dma_start3A_142, %dma_start3A_143] : memref<10000x128xf32, #tpu.memory_space<hbm>> -> memref<10000x128xf32, #tpu.memory_space<hbm>>
    tpu.enqueue_indirect_dma source(%dma_start3A_144 : memref<10000x128xf32, #tpu.memory_space<hbm>>) target(%arg10 : memref<50x128xf32, #tpu.memory_space<vmem>>) offsets(%dma_start3A_141 : memref<50xi32, #tpu.memory_space<vmem>>) semaphore(%arg14 : memref<!tpu.dma_semaphore, #tpu.memory_space<semaphore_mem>>)
    %dma_start3A_145 = arith.constant 1 : i32
    %dma_start3A_146 = arith.constant 0 : i32
    %dma_start3A_147 = tpu.memref_slice %arg8[%dma_start3A_145, %dma_start3A_146] : memref<56x50xi32, #tpu.memory_space<vmem>> -> memref<1x50xi32, #tpu.memory_space<vmem>>
    %dma_start3A_148 = tpu.memref_squeeze %dma_start3A_147 : memref<1x50xi32, #tpu.memory_space<vmem>> -> memref<50xi32, #tpu.memory_space<vmem>>
    %dma_start3A_149 = arith.constant 0 : i32
    %dma_start3A_150 = arith.constant 0 : i32
    %dma_start3A_151 = tpu.memref_slice %arg2[%dma_start3A_149, %dma_start3A_150] : memref<10000x128xf32, #tpu.memory_space<hbm>> -> memref<10000x128xf32, #tpu.memory_space<hbm>>
    tpu.enqueue_indirect_dma source(%dma_start3A_151 : memref<10000x128xf32, #tpu.memory_space<hbm>>) target(%arg11 : memref<50x128xf32, #tpu.memory_space<vmem>>) offsets(%dma_start3A_148 : memref<50xi32, #tpu.memory_space<vmem>>) semaphore(%arg15 : memref<!tpu.dma_semaphore, #tpu.memory_space<semaphore_mem>>)
    %dma_start3A_152 = arith.constant 2 : i32
    %dma_start3A_153 = arith.constant 0 : i32
    %dma_start3A_154 = tpu.memref_slice %arg8[%dma_start3A_152, %dma_start3A_153] : memref<56x50xi32, #tpu.memory_space<vmem>> -> memref<1x50xi32, #tpu.memory_space<vmem>>
    %dma_start3A_155 = tpu.memref_squeeze %dma_start3A_154 : memref<1x50xi32, #tpu.memory_space<vmem>> -> memref<50xi32, #tpu.memory_space<vmem>>
    %dma_start3A_156 = arith.constant 0 : i32
    %dma_start3A_157 = arith.constant 0 : i32
    %dma_start3A_158 = tpu.memref_slice %arg2[%dma_start3A_156, %dma_start3A_157] : memref<10000x128xf32, #tpu.memory_space<hbm>> -> memref<10000x128xf32, #tpu.memory_space<hbm>>
    tpu.enqueue_indirect_dma source(%dma_start3A_158 : memref<10000x128xf32, #tpu.memory_space<hbm>>) target(%arg12 : memref<50x128xf32, #tpu.memory_space<vmem>>) offsets(%dma_start3A_155 : memref<50xi32, #tpu.memory_space<vmem>>) semaphore(%arg16 : memref<!tpu.dma_semaphore, #tpu.memory_space<semaphore_mem>>)
    %dma_start3A_159 = arith.constant 3 : i32
    %dma_start3A_160 = arith.constant 0 : i32
    %dma_start3A_161 = tpu.memref_slice %arg8[%dma_start3A_159, %dma_start3A_160] : memref<56x50xi32, #tpu.memory_space<vmem>> -> memref<1x50xi32, #tpu.memory_space<vmem>>
    %dma_start3A_162 = tpu.memref_squeeze %dma_start3A_161 : memref<1x50xi32, #tpu.memory_space<vmem>> -> memref<50xi32, #tpu.memory_space<vmem>>
    %dma_start3A_163 = arith.constant 0 : i32
    %dma_start3A_164 = arith.constant 0 : i32
    %dma_start3A_165 = tpu.memref_slice %arg2[%dma_start3A_163, %dma_start3A_164] : memref<10000x128xf32, #tpu.memory_space<hbm>> -> memref<10000x128xf32, #tpu.memory_space<hbm>>
    tpu.enqueue_indirect_dma source(%dma_start3A_165 : memref<10000x128xf32, #tpu.memory_space<hbm>>) target(%arg13 : memref<50x128xf32, #tpu.memory_space<vmem>>) offsets(%dma_start3A_162 : memref<50xi32, #tpu.memory_space<vmem>>) semaphore(%arg17 : memref<!tpu.dma_semaphore, #tpu.memory_space<semaphore_mem>>)
    %scan3A_166 = arith.constant 0 : i32
    %scan3A_167 = arith.constant 12 : i32
    %scan3A_168 = arith.addi %scan3A_166, %scan3A_167 : i32
    %scan3A_169 = arith.constant 1 : i32
    scf.for %scan3A_269 = %scan3A_166 to %scan3A_168 step %scan3A_169  : i32 {
      %mul3A_270 = arith.constant 4 : i32
      %mul3A_271 = arith.muli %scan3A_269, %mul3A_270 : i32
      %add3A_272 = arith.constant 0 : i32
      %add3A_273 = arith.addi %mul3A_271, %add3A_272 : i32
      %dma_wait3A_274 = arith.constant 0 : i32
      %dma_wait3A_275 = tpu.memref_slice %arg8[%add3A_273, %dma_wait3A_274] : memref<56x50xi32, #tpu.memory_space<vmem>> -> memref<1x50xi32, #tpu.memory_space<vmem>>
      %dma_wait3A_276 = tpu.memref_squeeze %dma_wait3A_275 : memref<1x50xi32, #tpu.memory_space<vmem>> -> memref<50xi32, #tpu.memory_space<vmem>>
      %dma_wait3A_277 = arith.constant 0 : i32
      %dma_wait3A_278 = arith.constant 0 : i32
      %dma_wait3A_279 = tpu.memref_slice %arg2[%dma_wait3A_277, %dma_wait3A_278] : memref<10000x128xf32, #tpu.memory_space<hbm>> -> memref<10000x128xf32, #tpu.memory_space<hbm>>
      tpu.wait_indirect_dma semaphore(%arg14 : memref<!tpu.dma_semaphore, #tpu.memory_space<semaphore_mem>>) src(%dma_wait3A_279 : memref<10000x128xf32, #tpu.memory_space<hbm>>) dst(%arg10 : memref<50x128xf32, #tpu.memory_space<vmem>>)
      %add3A_280 = arith.constant 0 : i32
      %add3A_281 = arith.addi %mul3A_271, %add3A_280 : i32
      %dma_start3A_282 = arith.constant 0 : i32
      %dma_start3A_283 = tpu.memref_slice %arg9[%add3A_281, %dma_start3A_282] : memref<56x50xi32, #tpu.memory_space<vmem>> -> memref<1x50xi32, #tpu.memory_space<vmem>>
      %dma_start3A_284 = tpu.memref_squeeze %dma_start3A_283 : memref<1x50xi32, #tpu.memory_space<vmem>> -> memref<50xi32, #tpu.memory_space<vmem>>
      %dma_start3A_285 = arith.constant 0 : i32
      %dma_start3A_286 = arith.constant 0 : i32
      %dma_start3A_287 = tpu.memref_slice %arg7[%dma_start3A_285, %dma_start3A_286] : memref<10240x128xf32, #tpu.memory_space<vmem_shared>> -> memref<10240x128xf32, #tpu.memory_space<vmem_shared>>
      tpu.enqueue_indirect_dma source(%arg10 : memref<50x128xf32, #tpu.memory_space<vmem>>) target(%dma_start3A_287 : memref<10240x128xf32, #tpu.memory_space<vmem_shared>>) offsets(%dma_start3A_284 : memref<50xi32, #tpu.memory_space<vmem>>) semaphore(%arg18 : memref<!tpu.dma_semaphore, #tpu.memory_space<semaphore_mem>>) {add = true}
      %add3A_288 = arith.constant 1 : i32
      %add3A_289 = arith.addi %mul3A_271, %add3A_288 : i32
      %dma_wait3A_290 = arith.constant 0 : i32
      %dma_wait3A_291 = tpu.memref_slice %arg8[%add3A_289, %dma_wait3A_290] : memref<56x50xi32, #tpu.memory_space<vmem>> -> memref<1x50xi32, #tpu.memory_space<vmem>>
      %dma_wait3A_292 = tpu.memref_squeeze %dma_wait3A_291 : memref<1x50xi32, #tpu.memory_space<vmem>> -> memref<50xi32, #tpu.memory_space<vmem>>
      %dma_wait3A_293 = arith.constant 0 : i32
      %dma_wait3A_294 = arith.constant 0 : i32
      %dma_wait3A_295 = tpu.memref_slice %arg2[%dma_wait3A_293, %dma_wait3A_294] : memref<10000x128xf32, #tpu.memory_space<hbm>> -> memref<10000x128xf32, #tpu.memory_space<hbm>>
      tpu.wait_indirect_dma semaphore(%arg15 : memref<!tpu.dma_semaphore, #tpu.memory_space<semaphore_mem>>) src(%dma_wait3A_295 : memref<10000x128xf32, #tpu.memory_space<hbm>>) dst(%arg11 : memref<50x128xf32, #tpu.memory_space<vmem>>)
      %add3A_296 = arith.constant 1 : i32
      %add3A_297 = arith.addi %mul3A_271, %add3A_296 : i32
      %dma_start3A_298 = arith.constant 0 : i32
      %dma_start3A_299 = tpu.memref_slice %arg9[%add3A_297, %dma_start3A_298] : memref<56x50xi32, #tpu.memory_space<vmem>> -> memref<1x50xi32, #tpu.memory_space<vmem>>
      %dma_start3A_300 = tpu.memref_squeeze %dma_start3A_299 : memref<1x50xi32, #tpu.memory_space<vmem>> -> memref<50xi32, #tpu.memory_space<vmem>>
      %dma_start3A_301 = arith.constant 0 : i32
      %dma_start3A_302 = arith.constant 0 : i32
      %dma_start3A_303 = tpu.memref_slice %arg7[%dma_start3A_301, %dma_start3A_302] : memref<10240x128xf32, #tpu.memory_space<vmem_shared>> -> memref<10240x128xf32, #tpu.memory_space<vmem_shared>>
      tpu.enqueue_indirect_dma source(%arg11 : memref<50x128xf32, #tpu.memory_space<vmem>>) target(%dma_start3A_303 : memref<10240x128xf32, #tpu.memory_space<vmem_shared>>) offsets(%dma_start3A_300 : memref<50xi32, #tpu.memory_space<vmem>>) semaphore(%arg19 : memref<!tpu.dma_semaphore, #tpu.memory_space<semaphore_mem>>) {add = true}
      %add3A_304 = arith.constant 2 : i32
      %add3A_305 = arith.addi %mul3A_271, %add3A_304 : i32
      %dma_wait3A_306 = arith.constant 0 : i32
      %dma_wait3A_307 = tpu.memref_slice %arg8[%add3A_305, %dma_wait3A_306] : memref<56x50xi32, #tpu.memory_space<vmem>> -> memref<1x50xi32, #tpu.memory_space<vmem>>
      %dma_wait3A_308 = tpu.memref_squeeze %dma_wait3A_307 : memref<1x50xi32, #tpu.memory_space<vmem>> -> memref<50xi32, #tpu.memory_space<vmem>>
      %dma_wait3A_309 = arith.constant 0 : i32
      %dma_wait3A_310 = arith.constant 0 : i32
      %dma_wait3A_311 = tpu.memref_slice %arg2[%dma_wait3A_309, %dma_wait3A_310] : memref<10000x128xf32, #tpu.memory_space<hbm>> -> memref<10000x128xf32, #tpu.memory_space<hbm>>
      tpu.wait_indirect_dma semaphore(%arg16 : memref<!tpu.dma_semaphore, #tpu.memory_space<semaphore_mem>>) src(%dma_wait3A_311 : memref<10000x128xf32, #tpu.memory_space<hbm>>) dst(%arg12 : memref<50x128xf32, #tpu.memory_space<vmem>>)
      %add3A_312 = arith.constant 2 : i32
      %add3A_313 = arith.addi %mul3A_271, %add3A_312 : i32
      %dma_start3A_314 = arith.constant 0 : i32
      %dma_start3A_315 = tpu.memref_slice %arg9[%add3A_313, %dma_start3A_314] : memref<56x50xi32, #tpu.memory_space<vmem>> -> memref<1x50xi32, #tpu.memory_space<vmem>>
      %dma_start3A_316 = tpu.memref_squeeze %dma_start3A_315 : memref<1x50xi32, #tpu.memory_space<vmem>> -> memref<50xi32, #tpu.memory_space<vmem>>
      %dma_start3A_317 = arith.constant 0 : i32
      %dma_start3A_318 = arith.constant 0 : i32
      %dma_start3A_319 = tpu.memref_slice %arg7[%dma_start3A_317, %dma_start3A_318] : memref<10240x128xf32, #tpu.memory_space<vmem_shared>> -> memref<10240x128xf32, #tpu.memory_space<vmem_shared>>
      tpu.enqueue_indirect_dma source(%arg12 : memref<50x128xf32, #tpu.memory_space<vmem>>) target(%dma_start3A_319 : memref<10240x128xf32, #tpu.memory_space<vmem_shared>>) offsets(%dma_start3A_316 : memref<50xi32, #tpu.memory_space<vmem>>) semaphore(%arg20 : memref<!tpu.dma_semaphore, #tpu.memory_space<semaphore_mem>>) {add = true}
      %add3A_320 = arith.constant 3 : i32
      %add3A_321 = arith.addi %mul3A_271, %add3A_320 : i32
      %dma_wait3A_322 = arith.constant 0 : i32
      %dma_wait3A_323 = tpu.memref_slice %arg8[%add3A_321, %dma_wait3A_322] : memref<56x50xi32, #tpu.memory_space<vmem>> -> memref<1x50xi32, #tpu.memory_space<vmem>>
      %dma_wait3A_324 = tpu.memref_squeeze %dma_wait3A_323 : memref<1x50xi32, #tpu.memory_space<vmem>> -> memref<50xi32, #tpu.memory_space<vmem>>
      %dma_wait3A_325 = arith.constant 0 : i32
      %dma_wait3A_326 = arith.constant 0 : i32
      %dma_wait3A_327 = tpu.memref_slice %arg2[%dma_wait3A_325, %dma_wait3A_326] : memref<10000x128xf32, #tpu.memory_space<hbm>> -> memref<10000x128xf32, #tpu.memory_space<hbm>>
      tpu.wait_indirect_dma semaphore(%arg17 : memref<!tpu.dma_semaphore, #tpu.memory_space<semaphore_mem>>) src(%dma_wait3A_327 : memref<10000x128xf32, #tpu.memory_space<hbm>>) dst(%arg13 : memref<50x128xf32, #tpu.memory_space<vmem>>)
      %add3A_328 = arith.constant 3 : i32
      %add3A_329 = arith.addi %mul3A_271, %add3A_328 : i32
      %dma_start3A_330 = arith.constant 0 : i32
      %dma_start3A_331 = tpu.memref_slice %arg9[%add3A_329, %dma_start3A_330] : memref<56x50xi32, #tpu.memory_space<vmem>> -> memref<1x50xi32, #tpu.memory_space<vmem>>
      %dma_start3A_332 = tpu.memref_squeeze %dma_start3A_331 : memref<1x50xi32, #tpu.memory_space<vmem>> -> memref<50xi32, #tpu.memory_space<vmem>>
      %dma_start3A_333 = arith.constant 0 : i32
      %dma_start3A_334 = arith.constant 0 : i32
      %dma_start3A_335 = tpu.memref_slice %arg7[%dma_start3A_333, %dma_start3A_334] : memref<10240x128xf32, #tpu.memory_space<vmem_shared>> -> memref<10240x128xf32, #tpu.memory_space<vmem_shared>>
      tpu.enqueue_indirect_dma source(%arg13 : memref<50x128xf32, #tpu.memory_space<vmem>>) target(%dma_start3A_335 : memref<10240x128xf32, #tpu.memory_space<vmem_shared>>) offsets(%dma_start3A_332 : memref<50xi32, #tpu.memory_space<vmem>>) semaphore(%arg21 : memref<!tpu.dma_semaphore, #tpu.memory_space<semaphore_mem>>) {add = true}
      %add3A_336 = arith.constant 1 : i32
      %add3A_337 = arith.addi %scan3A_269, %add3A_336 : i32
      %lt3A = arith.constant 12 : i32
      %lt3A_338 = arith.cmpi slt, %add3A_337, %lt3A : i32
      %convert_element_type3A = arith.extui %lt3A_338 : i1 to i32
      %cond3A = arith.constant 0 : i32
      %cond3A_339 = arith.cmpi ne, %convert_element_type3A, %cond3A : i32
      scf.if %cond3A_339 {
        %add3A_340 = arith.constant 0 : i32
        %add3A_341 = arith.addi %mul3A_271, %add3A_340 : i32
        %dma_wait3A_342 = arith.constant 0 : i32
        %dma_wait3A_343 = tpu.memref_slice %arg9[%add3A_341, %dma_wait3A_342] : memref<56x50xi32, #tpu.memory_space<vmem>> -> memref<1x50xi32, #tpu.memory_space<vmem>>
        %dma_wait3A_344 = tpu.memref_squeeze %dma_wait3A_343 : memref<1x50xi32, #tpu.memory_space<vmem>> -> memref<50xi32, #tpu.memory_space<vmem>>
        %dma_wait3A_345 = arith.constant 0 : i32
        %dma_wait3A_346 = arith.constant 0 : i32
        %dma_wait3A_347 = tpu.memref_slice %arg7[%dma_wait3A_345, %dma_wait3A_346] : memref<10240x128xf32, #tpu.memory_space<vmem_shared>> -> memref<10240x128xf32, #tpu.memory_space<vmem_shared>>
        tpu.wait_indirect_dma semaphore(%arg18 : memref<!tpu.dma_semaphore, #tpu.memory_space<semaphore_mem>>) src(%arg10 : memref<50x128xf32, #tpu.memory_space<vmem>>) dst(%dma_wait3A_347 : memref<10240x128xf32, #tpu.memory_space<vmem_shared>>)
        %add3A_348 = arith.constant 4 : i32
        %add3A_349 = arith.addi %mul3A_271, %add3A_348 : i32
        %add3A_350 = arith.constant 0 : i32
        %add3A_351 = arith.addi %add3A_349, %add3A_350 : i32
        %dma_start3A_352 = arith.constant 0 : i32
        %dma_start3A_353 = tpu.memref_slice %arg8[%add3A_351, %dma_start3A_352] : memref<56x50xi32, #tpu.memory_space<vmem>> -> memref<1x50xi32, #tpu.memory_space<vmem>>
        %dma_start3A_354 = tpu.memref_squeeze %dma_start3A_353 : memref<1x50xi32, #tpu.memory_space<vmem>> -> memref<50xi32, #tpu.memory_space<vmem>>
        %dma_start3A_355 = arith.constant 0 : i32
        %dma_start3A_356 = arith.constant 0 : i32
        %dma_start3A_357 = tpu.memref_slice %arg2[%dma_start3A_355, %dma_start3A_356] : memref<10000x128xf32, #tpu.memory_space<hbm>> -> memref<10000x128xf32, #tpu.memory_space<hbm>>
        tpu.enqueue_indirect_dma source(%dma_start3A_357 : memref<10000x128xf32, #tpu.memory_space<hbm>>) target(%arg10 : memref<50x128xf32, #tpu.memory_space<vmem>>) offsets(%dma_start3A_354 : memref<50xi32, #tpu.memory_space<vmem>>) semaphore(%arg14 : memref<!tpu.dma_semaphore, #tpu.memory_space<semaphore_mem>>)
        %add3A_358 = arith.constant 1 : i32
        %add3A_359 = arith.addi %mul3A_271, %add3A_358 : i32
        %dma_wait3A_360 = arith.constant 0 : i32
        %dma_wait3A_361 = tpu.memref_slice %arg9[%add3A_359, %dma_wait3A_360] : memref<56x50xi32, #tpu.memory_space<vmem>> -> memref<1x50xi32, #tpu.memory_space<vmem>>
        %dma_wait3A_362 = tpu.memref_squeeze %dma_wait3A_361 : memref<1x50xi32, #tpu.memory_space<vmem>> -> memref<50xi32, #tpu.memory_space<vmem>>
        %dma_wait3A_363 = arith.constant 0 : i32
        %dma_wait3A_364 = arith.constant 0 : i32
        %dma_wait3A_365 = tpu.memref_slice %arg7[%dma_wait3A_363, %dma_wait3A_364] : memref<10240x128xf32, #tpu.memory_space<vmem_shared>> -> memref<10240x128xf32, #tpu.memory_space<vmem_shared>>
        tpu.wait_indirect_dma semaphore(%arg19 : memref<!tpu.dma_semaphore, #tpu.memory_space<semaphore_mem>>) src(%arg11 : memref<50x128xf32, #tpu.memory_space<vmem>>) dst(%dma_wait3A_365 : memref<10240x128xf32, #tpu.memory_space<vmem_shared>>)
        %add3A_366 = arith.constant 4 : i32
        %add3A_367 = arith.addi %mul3A_271, %add3A_366 : i32
        %add3A_368 = arith.constant 1 : i32
        %add3A_369 = arith.addi %add3A_367, %add3A_368 : i32
        %dma_start3A_370 = arith.constant 0 : i32
        %dma_start3A_371 = tpu.memref_slice %arg8[%add3A_369, %dma_start3A_370] : memref<56x50xi32, #tpu.memory_space<vmem>> -> memref<1x50xi32, #tpu.memory_space<vmem>>
        %dma_start3A_372 = tpu.memref_squeeze %dma_start3A_371 : memref<1x50xi32, #tpu.memory_space<vmem>> -> memref<50xi32, #tpu.memory_space<vmem>>
        %dma_start3A_373 = arith.constant 0 : i32
        %dma_start3A_374 = arith.constant 0 : i32
        %dma_start3A_375 = tpu.memref_slice %arg2[%dma_start3A_373, %dma_start3A_374] : memref<10000x128xf32, #tpu.memory_space<hbm>> -> memref<10000x128xf32, #tpu.memory_space<hbm>>
        tpu.enqueue_indirect_dma source(%dma_start3A_375 : memref<10000x128xf32, #tpu.memory_space<hbm>>) target(%arg11 : memref<50x128xf32, #tpu.memory_space<vmem>>) offsets(%dma_start3A_372 : memref<50xi32, #tpu.memory_space<vmem>>) semaphore(%arg15 : memref<!tpu.dma_semaphore, #tpu.memory_space<semaphore_mem>>)
        %add3A_376 = arith.constant 2 : i32
        %add3A_377 = arith.addi %mul3A_271, %add3A_376 : i32
        %dma_wait3A_378 = arith.constant 0 : i32
        %dma_wait3A_379 = tpu.memref_slice %arg9[%add3A_377, %dma_wait3A_378] : memref<56x50xi32, #tpu.memory_space<vmem>> -> memref<1x50xi32, #tpu.memory_space<vmem>>
        %dma_wait3A_380 = tpu.memref_squeeze %dma_wait3A_379 : memref<1x50xi32, #tpu.memory_space<vmem>> -> memref<50xi32, #tpu.memory_space<vmem>>
        %dma_wait3A_381 = arith.constant 0 : i32
        %dma_wait3A_382 = arith.constant 0 : i32
        %dma_wait3A_383 = tpu.memref_slice %arg7[%dma_wait3A_381, %dma_wait3A_382] : memref<10240x128xf32, #tpu.memory_space<vmem_shared>> -> memref<10240x128xf32, #tpu.memory_space<vmem_shared>>
        tpu.wait_indirect_dma semaphore(%arg20 : memref<!tpu.dma_semaphore, #tpu.memory_space<semaphore_mem>>) src(%arg12 : memref<50x128xf32, #tpu.memory_space<vmem>>) dst(%dma_wait3A_383 : memref<10240x128xf32, #tpu.memory_space<vmem_shared>>)
        %add3A_384 = arith.constant 4 : i32
        %add3A_385 = arith.addi %mul3A_271, %add3A_384 : i32
        %add3A_386 = arith.constant 2 : i32
        %add3A_387 = arith.addi %add3A_385, %add3A_386 : i32
        %dma_start3A_388 = arith.constant 0 : i32
        %dma_start3A_389 = tpu.memref_slice %arg8[%add3A_387, %dma_start3A_388] : memref<56x50xi32, #tpu.memory_space<vmem>> -> memref<1x50xi32, #tpu.memory_space<vmem>>
        %dma_start3A_390 = tpu.memref_squeeze %dma_start3A_389 : memref<1x50xi32, #tpu.memory_space<vmem>> -> memref<50xi32, #tpu.memory_space<vmem>>
        %dma_start3A_391 = arith.constant 0 : i32
        %dma_start3A_392 = arith.constant 0 : i32
        %dma_start3A_393 = tpu.memref_slice %arg2[%dma_start3A_391, %dma_start3A_392] : memref<10000x128xf32, #tpu.memory_space<hbm>> -> memref<10000x128xf32, #tpu.memory_space<hbm>>
        tpu.enqueue_indirect_dma source(%dma_start3A_393 : memref<10000x128xf32, #tpu.memory_space<hbm>>) target(%arg12 : memref<50x128xf32, #tpu.memory_space<vmem>>) offsets(%dma_start3A_390 : memref<50xi32, #tpu.memory_space<vmem>>) semaphore(%arg16 : memref<!tpu.dma_semaphore, #tpu.memory_space<semaphore_mem>>)
        %add3A_394 = arith.constant 3 : i32
        %add3A_395 = arith.addi %mul3A_271, %add3A_394 : i32
        %dma_wait3A_396 = arith.constant 0 : i32
        %dma_wait3A_397 = tpu.memref_slice %arg9[%add3A_395, %dma_wait3A_396] : memref<56x50xi32, #tpu.memory_space<vmem>> -> memref<1x50xi32, #tpu.memory_space<vmem>>
        %dma_wait3A_398 = tpu.memref_squeeze %dma_wait3A_397 : memref<1x50xi32, #tpu.memory_space<vmem>> -> memref<50xi32, #tpu.memory_space<vmem>>
        %dma_wait3A_399 = arith.constant 0 : i32
        %dma_wait3A_400 = arith.constant 0 : i32
        %dma_wait3A_401 = tpu.memref_slice %arg7[%dma_wait3A_399, %dma_wait3A_400] : memref<10240x128xf32, #tpu.memory_space<vmem_shared>> -> memref<10240x128xf32, #tpu.memory_space<vmem_shared>>
        tpu.wait_indirect_dma semaphore(%arg21 : memref<!tpu.dma_semaphore, #tpu.memory_space<semaphore_mem>>) src(%arg13 : memref<50x128xf32, #tpu.memory_space<vmem>>) dst(%dma_wait3A_401 : memref<10240x128xf32, #tpu.memory_space<vmem_shared>>)
        %add3A_402 = arith.constant 4 : i32
        %add3A_403 = arith.addi %mul3A_271, %add3A_402 : i32
        %add3A_404 = arith.constant 3 : i32
        %add3A_405 = arith.addi %add3A_403, %add3A_404 : i32
        %dma_start3A_406 = arith.constant 0 : i32
        %dma_start3A_407 = tpu.memref_slice %arg8[%add3A_405, %dma_start3A_406] : memref<56x50xi32, #tpu.memory_space<vmem>> -> memref<1x50xi32, #tpu.memory_space<vmem>>
        %dma_start3A_408 = tpu.memref_squeeze %dma_start3A_407 : memref<1x50xi32, #tpu.memory_space<vmem>> -> memref<50xi32, #tpu.memory_space<vmem>>
        %dma_start3A_409 = arith.constant 0 : i32
        %dma_start3A_410 = arith.constant 0 : i32
        %dma_start3A_411 = tpu.memref_slice %arg2[%dma_start3A_409, %dma_start3A_410] : memref<10000x128xf32, #tpu.memory_space<hbm>> -> memref<10000x128xf32, #tpu.memory_space<hbm>>
        tpu.enqueue_indirect_dma source(%dma_start3A_411 : memref<10000x128xf32, #tpu.memory_space<hbm>>) target(%arg13 : memref<50x128xf32, #tpu.memory_space<vmem>>) offsets(%dma_start3A_408 : memref<50xi32, #tpu.memory_space<vmem>>) semaphore(%arg17 : memref<!tpu.dma_semaphore, #tpu.memory_space<semaphore_mem>>)
      } else {
      }
    }
    %scan3A_170 = arith.constant 12 : i32
    %dma_wait3A_171 = arith.constant 44 : i32
    %dma_wait3A_172 = arith.constant 0 : i32
    %dma_wait3A_173 = tpu.memref_slice %arg9[%dma_wait3A_171, %dma_wait3A_172] : memref<56x50xi32, #tpu.memory_space<vmem>> -> memref<1x50xi32, #tpu.memory_space<vmem>>
    %dma_wait3A_174 = tpu.memref_squeeze %dma_wait3A_173 : memref<1x50xi32, #tpu.memory_space<vmem>> -> memref<50xi32, #tpu.memory_space<vmem>>
    %dma_wait3A_175 = arith.constant 0 : i32
    %dma_wait3A_176 = arith.constant 0 : i32
    %dma_wait3A_177 = tpu.memref_slice %arg7[%dma_wait3A_175, %dma_wait3A_176] : memref<10240x128xf32, #tpu.memory_space<vmem_shared>> -> memref<10240x128xf32, #tpu.memory_space<vmem_shared>>
    tpu.wait_indirect_dma semaphore(%arg18 : memref<!tpu.dma_semaphore, #tpu.memory_space<semaphore_mem>>) src(%arg10 : memref<50x128xf32, #tpu.memory_space<vmem>>) dst(%dma_wait3A_177 : memref<10240x128xf32, #tpu.memory_space<vmem_shared>>)
    %dma_wait3A_178 = arith.constant 45 : i32
    %dma_wait3A_179 = arith.constant 0 : i32
    %dma_wait3A_180 = tpu.memref_slice %arg9[%dma_wait3A_178, %dma_wait3A_179] : memref<56x50xi32, #tpu.memory_space<vmem>> -> memref<1x50xi32, #tpu.memory_space<vmem>>
    %dma_wait3A_181 = tpu.memref_squeeze %dma_wait3A_180 : memref<1x50xi32, #tpu.memory_space<vmem>> -> memref<50xi32, #tpu.memory_space<vmem>>
    %dma_wait3A_182 = arith.constant 0 : i32
    %dma_wait3A_183 = arith.constant 0 : i32
    %dma_wait3A_184 = tpu.memref_slice %arg7[%dma_wait3A_182, %dma_wait3A_183] : memref<10240x128xf32, #tpu.memory_space<vmem_shared>> -> memref<10240x128xf32, #tpu.memory_space<vmem_shared>>
    tpu.wait_indirect_dma semaphore(%arg19 : memref<!tpu.dma_semaphore, #tpu.memory_space<semaphore_mem>>) src(%arg11 : memref<50x128xf32, #tpu.memory_space<vmem>>) dst(%dma_wait3A_184 : memref<10240x128xf32, #tpu.memory_space<vmem_shared>>)
    %dma_wait3A_185 = arith.constant 46 : i32
    %dma_wait3A_186 = arith.constant 0 : i32
    %dma_wait3A_187 = tpu.memref_slice %arg9[%dma_wait3A_185, %dma_wait3A_186] : memref<56x50xi32, #tpu.memory_space<vmem>> -> memref<1x50xi32, #tpu.memory_space<vmem>>
    %dma_wait3A_188 = tpu.memref_squeeze %dma_wait3A_187 : memref<1x50xi32, #tpu.memory_space<vmem>> -> memref<50xi32, #tpu.memory_space<vmem>>
    %dma_wait3A_189 = arith.constant 0 : i32
    %dma_wait3A_190 = arith.constant 0 : i32
    %dma_wait3A_191 = tpu.memref_slice %arg7[%dma_wait3A_189, %dma_wait3A_190] : memref<10240x128xf32, #tpu.memory_space<vmem_shared>> -> memref<10240x128xf32, #tpu.memory_space<vmem_shared>>
    tpu.wait_indirect_dma semaphore(%arg20 : memref<!tpu.dma_semaphore, #tpu.memory_space<semaphore_mem>>) src(%arg12 : memref<50x128xf32, #tpu.memory_space<vmem>>) dst(%dma_wait3A_191 : memref<10240x128xf32, #tpu.memory_space<vmem_shared>>)
    %dma_wait3A_192 = arith.constant 47 : i32
    %dma_wait3A_193 = arith.constant 0 : i32
    %dma_wait3A_194 = tpu.memref_slice %arg9[%dma_wait3A_192, %dma_wait3A_193] : memref<56x50xi32, #tpu.memory_space<vmem>> -> memref<1x50xi32, #tpu.memory_space<vmem>>
    %dma_wait3A_195 = tpu.memref_squeeze %dma_wait3A_194 : memref<1x50xi32, #tpu.memory_space<vmem>> -> memref<50xi32, #tpu.memory_space<vmem>>
    %dma_wait3A_196 = arith.constant 0 : i32
    %dma_wait3A_197 = arith.constant 0 : i32
    %dma_wait3A_198 = tpu.memref_slice %arg7[%dma_wait3A_196, %dma_wait3A_197] : memref<10240x128xf32, #tpu.memory_space<vmem_shared>> -> memref<10240x128xf32, #tpu.memory_space<vmem_shared>>
    tpu.wait_indirect_dma semaphore(%arg21 : memref<!tpu.dma_semaphore, #tpu.memory_space<semaphore_mem>>) src(%arg13 : memref<50x128xf32, #tpu.memory_space<vmem>>) dst(%dma_wait3A_198 : memref<10240x128xf32, #tpu.memory_space<vmem_shared>>)
    %add3A_199 = arith.constant 152 : i32
    %add3A_200 = arith.addi %mul3A_6, %add3A_199 : i32
    "tpu.region"() ({
      %run_scoped3A = tpu.sem_alloc : memref<!tpu.dma_semaphore, #tpu.memory_space<semaphore_mem>>
      %dma_start3A_269 = arith.constant 0 : i32
      %dma_start3A_270 = arith.constant 0 : i32
      %dma_start3A_271 = tpu.memref_slice %arg8[%dma_start3A_269, %dma_start3A_270] : memref<56x50xi32, #tpu.memory_space<vmem>> -> memref<48x50xi32, #tpu.memory_space<vmem>>
      %dma_start3A_272 = arith.constant 0 : i32
      %dma_start3A_273 = tpu.memref_slice %arg3[%add3A_200, %dma_start3A_272] : memref<6400x50xi32, #tpu.memory_space<hbm>> -> memref<48x50xi32, #tpu.memory_space<hbm>>
      %dma_start3A_274 = arith.constant 0 : i32
      %dma_start3A_275 = arith.constant 0 : i32
      %dma_start3A_276 = tpu.memref_slice %arg8[%dma_start3A_274, %dma_start3A_275] : memref<56x50xi32, #tpu.memory_space<vmem>> -> memref<48x50xi32, #tpu.memory_space<vmem>>
      %dma_start3A_277 = arith.constant 0 : i32
      %dma_start3A_278 = tpu.memref_slice %arg3[%add3A_200, %dma_start3A_277] : memref<6400x50xi32, #tpu.memory_space<hbm>> -> memref<48x50xi32, #tpu.memory_space<hbm>>
      tpu.enqueue_dma source(%dma_start3A_278 : memref<48x50xi32, #tpu.memory_space<hbm>>) target(%dma_start3A_276 : memref<48x50xi32, #tpu.memory_space<vmem>>) target_semaphore(%run_scoped3A : memref<!tpu.dma_semaphore, #tpu.memory_space<semaphore_mem>>)
      %dma_wait3A_279 = arith.constant 0 : i32
      %dma_wait3A_280 = arith.constant 0 : i32
      %dma_wait3A_281 = tpu.memref_slice %arg8[%dma_wait3A_279, %dma_wait3A_280] : memref<56x50xi32, #tpu.memory_space<vmem>> -> memref<48x50xi32, #tpu.memory_space<vmem>>
      %dma_wait3A_282 = arith.constant 0 : i32
      %dma_wait3A_283 = tpu.memref_slice %arg3[%add3A_200, %dma_wait3A_282] : memref<6400x50xi32, #tpu.memory_space<hbm>> -> memref<48x50xi32, #tpu.memory_space<hbm>>
      %dma_wait3A_284 = arith.constant 0 : i32
      %dma_wait3A_285 = arith.constant 0 : i32
      %dma_wait3A_286 = tpu.memref_slice %arg8[%dma_wait3A_284, %dma_wait3A_285] : memref<56x50xi32, #tpu.memory_space<vmem>> -> memref<48x50xi32, #tpu.memory_space<vmem>>
      %dma_wait3A_287 = arith.constant 0 : i32
      %dma_wait3A_288 = tpu.memref_slice %arg3[%add3A_200, %dma_wait3A_287] : memref<6400x50xi32, #tpu.memory_space<hbm>> -> memref<48x50xi32, #tpu.memory_space<hbm>>
      tpu.wait_dma2 semaphore(%run_scoped3A : memref<!tpu.dma_semaphore, #tpu.memory_space<semaphore_mem>>) src(%dma_wait3A_288 : memref<48x50xi32, #tpu.memory_space<hbm>>) dst(%dma_wait3A_286 : memref<48x50xi32, #tpu.memory_space<vmem>>)
      tpu.yield
    }) : () -> ()
    %add3A_201 = arith.constant 152 : i32
    %add3A_202 = arith.addi %mul3A_6, %add3A_201 : i32
    "tpu.region"() ({
      %run_scoped3A = tpu.sem_alloc : memref<!tpu.dma_semaphore, #tpu.memory_space<semaphore_mem>>
      %dma_start3A_269 = arith.constant 0 : i32
      %dma_start3A_270 = arith.constant 0 : i32
      %dma_start3A_271 = tpu.memref_slice %arg9[%dma_start3A_269, %dma_start3A_270] : memref<56x50xi32, #tpu.memory_space<vmem>> -> memref<48x50xi32, #tpu.memory_space<vmem>>
      %dma_start3A_272 = arith.constant 0 : i32
      %dma_start3A_273 = tpu.memref_slice %arg4[%add3A_202, %dma_start3A_272] : memref<6400x50xi32, #tpu.memory_space<hbm>> -> memref<48x50xi32, #tpu.memory_space<hbm>>
      %dma_start3A_274 = arith.constant 0 : i32
      %dma_start3A_275 = arith.constant 0 : i32
      %dma_start3A_276 = tpu.memref_slice %arg9[%dma_start3A_274, %dma_start3A_275] : memref<56x50xi32, #tpu.memory_space<vmem>> -> memref<48x50xi32, #tpu.memory_space<vmem>>
      %dma_start3A_277 = arith.constant 0 : i32
      %dma_start3A_278 = tpu.memref_slice %arg4[%add3A_202, %dma_start3A_277] : memref<6400x50xi32, #tpu.memory_space<hbm>> -> memref<48x50xi32, #tpu.memory_space<hbm>>
      tpu.enqueue_dma source(%dma_start3A_278 : memref<48x50xi32, #tpu.memory_space<hbm>>) target(%dma_start3A_276 : memref<48x50xi32, #tpu.memory_space<vmem>>) target_semaphore(%run_scoped3A : memref<!tpu.dma_semaphore, #tpu.memory_space<semaphore_mem>>)
      %dma_wait3A_279 = arith.constant 0 : i32
      %dma_wait3A_280 = arith.constant 0 : i32
      %dma_wait3A_281 = tpu.memref_slice %arg9[%dma_wait3A_279, %dma_wait3A_280] : memref<56x50xi32, #tpu.memory_space<vmem>> -> memref<48x50xi32, #tpu.memory_space<vmem>>
      %dma_wait3A_282 = arith.constant 0 : i32
      %dma_wait3A_283 = tpu.memref_slice %arg4[%add3A_202, %dma_wait3A_282] : memref<6400x50xi32, #tpu.memory_space<hbm>> -> memref<48x50xi32, #tpu.memory_space<hbm>>
      %dma_wait3A_284 = arith.constant 0 : i32
      %dma_wait3A_285 = arith.constant 0 : i32
      %dma_wait3A_286 = tpu.memref_slice %arg9[%dma_wait3A_284, %dma_wait3A_285] : memref<56x50xi32, #tpu.memory_space<vmem>> -> memref<48x50xi32, #tpu.memory_space<vmem>>
      %dma_wait3A_287 = arith.constant 0 : i32
      %dma_wait3A_288 = tpu.memref_slice %arg4[%add3A_202, %dma_wait3A_287] : memref<6400x50xi32, #tpu.memory_space<hbm>> -> memref<48x50xi32, #tpu.memory_space<hbm>>
      tpu.wait_dma2 semaphore(%run_scoped3A : memref<!tpu.dma_semaphore, #tpu.memory_space<semaphore_mem>>) src(%dma_wait3A_288 : memref<48x50xi32, #tpu.memory_space<hbm>>) dst(%dma_wait3A_286 : memref<48x50xi32, #tpu.memory_space<vmem>>)
      tpu.yield
    }) : () -> ()
    %dma_start3A_203 = arith.constant 0 : i32
    %dma_start3A_204 = arith.constant 0 : i32
    %dma_start3A_205 = tpu.memref_slice %arg8[%dma_start3A_203, %dma_start3A_204] : memref<56x50xi32, #tpu.memory_space<vmem>> -> memref<1x50xi32, #tpu.memory_space<vmem>>
    %dma_start3A_206 = tpu.memref_squeeze %dma_start3A_205 : memref<1x50xi32, #tpu.memory_space<vmem>> -> memref<50xi32, #tpu.memory_space<vmem>>
    %dma_start3A_207 = arith.constant 0 : i32
    %dma_start3A_208 = arith.constant 0 : i32
    %dma_start3A_209 = tpu.memref_slice %arg2[%dma_start3A_207, %dma_start3A_208] : memref<10000x128xf32, #tpu.memory_space<hbm>> -> memref<10000x128xf32, #tpu.memory_space<hbm>>
    tpu.enqueue_indirect_dma source(%dma_start3A_209 : memref<10000x128xf32, #tpu.memory_space<hbm>>) target(%arg10 : memref<50x128xf32, #tpu.memory_space<vmem>>) offsets(%dma_start3A_206 : memref<50xi32, #tpu.memory_space<vmem>>) semaphore(%arg14 : memref<!tpu.dma_semaphore, #tpu.memory_space<semaphore_mem>>)
    %dma_start3A_210 = arith.constant 1 : i32
    %dma_start3A_211 = arith.constant 0 : i32
    %dma_start3A_212 = tpu.memref_slice %arg8[%dma_start3A_210, %dma_start3A_211] : memref<56x50xi32, #tpu.memory_space<vmem>> -> memref<1x50xi32, #tpu.memory_space<vmem>>
    %dma_start3A_213 = tpu.memref_squeeze %dma_start3A_212 : memref<1x50xi32, #tpu.memory_space<vmem>> -> memref<50xi32, #tpu.memory_space<vmem>>
    %dma_start3A_214 = arith.constant 0 : i32
    %dma_start3A_215 = arith.constant 0 : i32
    %dma_start3A_216 = tpu.memref_slice %arg2[%dma_start3A_214, %dma_start3A_215] : memref<10000x128xf32, #tpu.memory_space<hbm>> -> memref<10000x128xf32, #tpu.memory_space<hbm>>
    tpu.enqueue_indirect_dma source(%dma_start3A_216 : memref<10000x128xf32, #tpu.memory_space<hbm>>) target(%arg11 : memref<50x128xf32, #tpu.memory_space<vmem>>) offsets(%dma_start3A_213 : memref<50xi32, #tpu.memory_space<vmem>>) semaphore(%arg15 : memref<!tpu.dma_semaphore, #tpu.memory_space<semaphore_mem>>)
    %dma_start3A_217 = arith.constant 2 : i32
    %dma_start3A_218 = arith.constant 0 : i32
    %dma_start3A_219 = tpu.memref_slice %arg8[%dma_start3A_217, %dma_start3A_218] : memref<56x50xi32, #tpu.memory_space<vmem>> -> memref<1x50xi32, #tpu.memory_space<vmem>>
    %dma_start3A_220 = tpu.memref_squeeze %dma_start3A_219 : memref<1x50xi32, #tpu.memory_space<vmem>> -> memref<50xi32, #tpu.memory_space<vmem>>
    %dma_start3A_221 = arith.constant 0 : i32
    %dma_start3A_222 = arith.constant 0 : i32
    %dma_start3A_223 = tpu.memref_slice %arg2[%dma_start3A_221, %dma_start3A_222] : memref<10000x128xf32, #tpu.memory_space<hbm>> -> memref<10000x128xf32, #tpu.memory_space<hbm>>
    tpu.enqueue_indirect_dma source(%dma_start3A_223 : memref<10000x128xf32, #tpu.memory_space<hbm>>) target(%arg12 : memref<50x128xf32, #tpu.memory_space<vmem>>) offsets(%dma_start3A_220 : memref<50xi32, #tpu.memory_space<vmem>>) semaphore(%arg16 : memref<!tpu.dma_semaphore, #tpu.memory_space<semaphore_mem>>)
    %dma_start3A_224 = arith.constant 3 : i32
    %dma_start3A_225 = arith.constant 0 : i32
    %dma_start3A_226 = tpu.memref_slice %arg8[%dma_start3A_224, %dma_start3A_225] : memref<56x50xi32, #tpu.memory_space<vmem>> -> memref<1x50xi32, #tpu.memory_space<vmem>>
    %dma_start3A_227 = tpu.memref_squeeze %dma_start3A_226 : memref<1x50xi32, #tpu.memory_space<vmem>> -> memref<50xi32, #tpu.memory_space<vmem>>
    %dma_start3A_228 = arith.constant 0 : i32
    %dma_start3A_229 = arith.constant 0 : i32
    %dma_start3A_230 = tpu.memref_slice %arg2[%dma_start3A_228, %dma_start3A_229] : memref<10000x128xf32, #tpu.memory_space<hbm>> -> memref<10000x128xf32, #tpu.memory_space<hbm>>
    tpu.enqueue_indirect_dma source(%dma_start3A_230 : memref<10000x128xf32, #tpu.memory_space<hbm>>) target(%arg13 : memref<50x128xf32, #tpu.memory_space<vmem>>) offsets(%dma_start3A_227 : memref<50xi32, #tpu.memory_space<vmem>>) semaphore(%arg17 : memref<!tpu.dma_semaphore, #tpu.memory_space<semaphore_mem>>)
    %scan3A_231 = arith.constant 0 : i32
    %scan3A_232 = arith.constant 12 : i32
    %scan3A_233 = arith.addi %scan3A_231, %scan3A_232 : i32
    %scan3A_234 = arith.constant 1 : i32
    scf.for %scan3A_269 = %scan3A_231 to %scan3A_233 step %scan3A_234  : i32 {
      %mul3A_270 = arith.constant 4 : i32
      %mul3A_271 = arith.muli %scan3A_269, %mul3A_270 : i32
      %add3A_272 = arith.constant 0 : i32
      %add3A_273 = arith.addi %mul3A_271, %add3A_272 : i32
      %dma_wait3A_274 = arith.constant 0 : i32
      %dma_wait3A_275 = tpu.memref_slice %arg8[%add3A_273, %dma_wait3A_274] : memref<56x50xi32, #tpu.memory_space<vmem>> -> memref<1x50xi32, #tpu.memory_space<vmem>>
      %dma_wait3A_276 = tpu.memref_squeeze %dma_wait3A_275 : memref<1x50xi32, #tpu.memory_space<vmem>> -> memref<50xi32, #tpu.memory_space<vmem>>
      %dma_wait3A_277 = arith.constant 0 : i32
      %dma_wait3A_278 = arith.constant 0 : i32
      %dma_wait3A_279 = tpu.memref_slice %arg2[%dma_wait3A_277, %dma_wait3A_278] : memref<10000x128xf32, #tpu.memory_space<hbm>> -> memref<10000x128xf32, #tpu.memory_space<hbm>>
      tpu.wait_indirect_dma semaphore(%arg14 : memref<!tpu.dma_semaphore, #tpu.memory_space<semaphore_mem>>) src(%dma_wait3A_279 : memref<10000x128xf32, #tpu.memory_space<hbm>>) dst(%arg10 : memref<50x128xf32, #tpu.memory_space<vmem>>)
      %add3A_280 = arith.constant 0 : i32
      %add3A_281 = arith.addi %mul3A_271, %add3A_280 : i32
      %dma_start3A_282 = arith.constant 0 : i32
      %dma_start3A_283 = tpu.memref_slice %arg9[%add3A_281, %dma_start3A_282] : memref<56x50xi32, #tpu.memory_space<vmem>> -> memref<1x50xi32, #tpu.memory_space<vmem>>
      %dma_start3A_284 = tpu.memref_squeeze %dma_start3A_283 : memref<1x50xi32, #tpu.memory_space<vmem>> -> memref<50xi32, #tpu.memory_space<vmem>>
      %dma_start3A_285 = arith.constant 0 : i32
      %dma_start3A_286 = arith.constant 0 : i32
      %dma_start3A_287 = tpu.memref_slice %arg7[%dma_start3A_285, %dma_start3A_286] : memref<10240x128xf32, #tpu.memory_space<vmem_shared>> -> memref<10240x128xf32, #tpu.memory_space<vmem_shared>>
      tpu.enqueue_indirect_dma source(%arg10 : memref<50x128xf32, #tpu.memory_space<vmem>>) target(%dma_start3A_287 : memref<10240x128xf32, #tpu.memory_space<vmem_shared>>) offsets(%dma_start3A_284 : memref<50xi32, #tpu.memory_space<vmem>>) semaphore(%arg18 : memref<!tpu.dma_semaphore, #tpu.memory_space<semaphore_mem>>) {add = true}
      %add3A_288 = arith.constant 1 : i32
      %add3A_289 = arith.addi %mul3A_271, %add3A_288 : i32
      %dma_wait3A_290 = arith.constant 0 : i32
      %dma_wait3A_291 = tpu.memref_slice %arg8[%add3A_289, %dma_wait3A_290] : memref<56x50xi32, #tpu.memory_space<vmem>> -> memref<1x50xi32, #tpu.memory_space<vmem>>
      %dma_wait3A_292 = tpu.memref_squeeze %dma_wait3A_291 : memref<1x50xi32, #tpu.memory_space<vmem>> -> memref<50xi32, #tpu.memory_space<vmem>>
      %dma_wait3A_293 = arith.constant 0 : i32
      %dma_wait3A_294 = arith.constant 0 : i32
      %dma_wait3A_295 = tpu.memref_slice %arg2[%dma_wait3A_293, %dma_wait3A_294] : memref<10000x128xf32, #tpu.memory_space<hbm>> -> memref<10000x128xf32, #tpu.memory_space<hbm>>
      tpu.wait_indirect_dma semaphore(%arg15 : memref<!tpu.dma_semaphore, #tpu.memory_space<semaphore_mem>>) src(%dma_wait3A_295 : memref<10000x128xf32, #tpu.memory_space<hbm>>) dst(%arg11 : memref<50x128xf32, #tpu.memory_space<vmem>>)
      %add3A_296 = arith.constant 1 : i32
      %add3A_297 = arith.addi %mul3A_271, %add3A_296 : i32
      %dma_start3A_298 = arith.constant 0 : i32
      %dma_start3A_299 = tpu.memref_slice %arg9[%add3A_297, %dma_start3A_298] : memref<56x50xi32, #tpu.memory_space<vmem>> -> memref<1x50xi32, #tpu.memory_space<vmem>>
      %dma_start3A_300 = tpu.memref_squeeze %dma_start3A_299 : memref<1x50xi32, #tpu.memory_space<vmem>> -> memref<50xi32, #tpu.memory_space<vmem>>
      %dma_start3A_301 = arith.constant 0 : i32
      %dma_start3A_302 = arith.constant 0 : i32
      %dma_start3A_303 = tpu.memref_slice %arg7[%dma_start3A_301, %dma_start3A_302] : memref<10240x128xf32, #tpu.memory_space<vmem_shared>> -> memref<10240x128xf32, #tpu.memory_space<vmem_shared>>
      tpu.enqueue_indirect_dma source(%arg11 : memref<50x128xf32, #tpu.memory_space<vmem>>) target(%dma_start3A_303 : memref<10240x128xf32, #tpu.memory_space<vmem_shared>>) offsets(%dma_start3A_300 : memref<50xi32, #tpu.memory_space<vmem>>) semaphore(%arg19 : memref<!tpu.dma_semaphore, #tpu.memory_space<semaphore_mem>>) {add = true}
      %add3A_304 = arith.constant 2 : i32
      %add3A_305 = arith.addi %mul3A_271, %add3A_304 : i32
      %dma_wait3A_306 = arith.constant 0 : i32
      %dma_wait3A_307 = tpu.memref_slice %arg8[%add3A_305, %dma_wait3A_306] : memref<56x50xi32, #tpu.memory_space<vmem>> -> memref<1x50xi32, #tpu.memory_space<vmem>>
      %dma_wait3A_308 = tpu.memref_squeeze %dma_wait3A_307 : memref<1x50xi32, #tpu.memory_space<vmem>> -> memref<50xi32, #tpu.memory_space<vmem>>
      %dma_wait3A_309 = arith.constant 0 : i32
      %dma_wait3A_310 = arith.constant 0 : i32
      %dma_wait3A_311 = tpu.memref_slice %arg2[%dma_wait3A_309, %dma_wait3A_310] : memref<10000x128xf32, #tpu.memory_space<hbm>> -> memref<10000x128xf32, #tpu.memory_space<hbm>>
      tpu.wait_indirect_dma semaphore(%arg16 : memref<!tpu.dma_semaphore, #tpu.memory_space<semaphore_mem>>) src(%dma_wait3A_311 : memref<10000x128xf32, #tpu.memory_space<hbm>>) dst(%arg12 : memref<50x128xf32, #tpu.memory_space<vmem>>)
      %add3A_312 = arith.constant 2 : i32
      %add3A_313 = arith.addi %mul3A_271, %add3A_312 : i32
      %dma_start3A_314 = arith.constant 0 : i32
      %dma_start3A_315 = tpu.memref_slice %arg9[%add3A_313, %dma_start3A_314] : memref<56x50xi32, #tpu.memory_space<vmem>> -> memref<1x50xi32, #tpu.memory_space<vmem>>
      %dma_start3A_316 = tpu.memref_squeeze %dma_start3A_315 : memref<1x50xi32, #tpu.memory_space<vmem>> -> memref<50xi32, #tpu.memory_space<vmem>>
      %dma_start3A_317 = arith.constant 0 : i32
      %dma_start3A_318 = arith.constant 0 : i32
      %dma_start3A_319 = tpu.memref_slice %arg7[%dma_start3A_317, %dma_start3A_318] : memref<10240x128xf32, #tpu.memory_space<vmem_shared>> -> memref<10240x128xf32, #tpu.memory_space<vmem_shared>>
      tpu.enqueue_indirect_dma source(%arg12 : memref<50x128xf32, #tpu.memory_space<vmem>>) target(%dma_start3A_319 : memref<10240x128xf32, #tpu.memory_space<vmem_shared>>) offsets(%dma_start3A_316 : memref<50xi32, #tpu.memory_space<vmem>>) semaphore(%arg20 : memref<!tpu.dma_semaphore, #tpu.memory_space<semaphore_mem>>) {add = true}
      %add3A_320 = arith.constant 3 : i32
      %add3A_321 = arith.addi %mul3A_271, %add3A_320 : i32
      %dma_wait3A_322 = arith.constant 0 : i32
      %dma_wait3A_323 = tpu.memref_slice %arg8[%add3A_321, %dma_wait3A_322] : memref<56x50xi32, #tpu.memory_space<vmem>> -> memref<1x50xi32, #tpu.memory_space<vmem>>
      %dma_wait3A_324 = tpu.memref_squeeze %dma_wait3A_323 : memref<1x50xi32, #tpu.memory_space<vmem>> -> memref<50xi32, #tpu.memory_space<vmem>>
      %dma_wait3A_325 = arith.constant 0 : i32
      %dma_wait3A_326 = arith.constant 0 : i32
      %dma_wait3A_327 = tpu.memref_slice %arg2[%dma_wait3A_325, %dma_wait3A_326] : memref<10000x128xf32, #tpu.memory_space<hbm>> -> memref<10000x128xf32, #tpu.memory_space<hbm>>
      tpu.wait_indirect_dma semaphore(%arg17 : memref<!tpu.dma_semaphore, #tpu.memory_space<semaphore_mem>>) src(%dma_wait3A_327 : memref<10000x128xf32, #tpu.memory_space<hbm>>) dst(%arg13 : memref<50x128xf32, #tpu.memory_space<vmem>>)
      %add3A_328 = arith.constant 3 : i32
      %add3A_329 = arith.addi %mul3A_271, %add3A_328 : i32
      %dma_start3A_330 = arith.constant 0 : i32
      %dma_start3A_331 = tpu.memref_slice %arg9[%add3A_329, %dma_start3A_330] : memref<56x50xi32, #tpu.memory_space<vmem>> -> memref<1x50xi32, #tpu.memory_space<vmem>>
      %dma_start3A_332 = tpu.memref_squeeze %dma_start3A_331 : memref<1x50xi32, #tpu.memory_space<vmem>> -> memref<50xi32, #tpu.memory_space<vmem>>
      %dma_start3A_333 = arith.constant 0 : i32
      %dma_start3A_334 = arith.constant 0 : i32
      %dma_start3A_335 = tpu.memref_slice %arg7[%dma_start3A_333, %dma_start3A_334] : memref<10240x128xf32, #tpu.memory_space<vmem_shared>> -> memref<10240x128xf32, #tpu.memory_space<vmem_shared>>
      tpu.enqueue_indirect_dma source(%arg13 : memref<50x128xf32, #tpu.memory_space<vmem>>) target(%dma_start3A_335 : memref<10240x128xf32, #tpu.memory_space<vmem_shared>>) offsets(%dma_start3A_332 : memref<50xi32, #tpu.memory_space<vmem>>) semaphore(%arg21 : memref<!tpu.dma_semaphore, #tpu.memory_space<semaphore_mem>>) {add = true}
      %add3A_336 = arith.constant 1 : i32
      %add3A_337 = arith.addi %scan3A_269, %add3A_336 : i32
      %lt3A = arith.constant 12 : i32
      %lt3A_338 = arith.cmpi slt, %add3A_337, %lt3A : i32
      %convert_element_type3A = arith.extui %lt3A_338 : i1 to i32
      %cond3A = arith.constant 0 : i32
      %cond3A_339 = arith.cmpi ne, %convert_element_type3A, %cond3A : i32
      scf.if %cond3A_339 {
        %add3A_340 = arith.constant 0 : i32
        %add3A_341 = arith.addi %mul3A_271, %add3A_340 : i32
        %dma_wait3A_342 = arith.constant 0 : i32
        %dma_wait3A_343 = tpu.memref_slice %arg9[%add3A_341, %dma_wait3A_342] : memref<56x50xi32, #tpu.memory_space<vmem>> -> memref<1x50xi32, #tpu.memory_space<vmem>>
        %dma_wait3A_344 = tpu.memref_squeeze %dma_wait3A_343 : memref<1x50xi32, #tpu.memory_space<vmem>> -> memref<50xi32, #tpu.memory_space<vmem>>
        %dma_wait3A_345 = arith.constant 0 : i32
        %dma_wait3A_346 = arith.constant 0 : i32
        %dma_wait3A_347 = tpu.memref_slice %arg7[%dma_wait3A_345, %dma_wait3A_346] : memref<10240x128xf32, #tpu.memory_space<vmem_shared>> -> memref<10240x128xf32, #tpu.memory_space<vmem_shared>>
        tpu.wait_indirect_dma semaphore(%arg18 : memref<!tpu.dma_semaphore, #tpu.memory_space<semaphore_mem>>) src(%arg10 : memref<50x128xf32, #tpu.memory_space<vmem>>) dst(%dma_wait3A_347 : memref<10240x128xf32, #tpu.memory_space<vmem_shared>>)
        %add3A_348 = arith.constant 4 : i32
        %add3A_349 = arith.addi %mul3A_271, %add3A_348 : i32
        %add3A_350 = arith.constant 0 : i32
        %add3A_351 = arith.addi %add3A_349, %add3A_350 : i32
        %dma_start3A_352 = arith.constant 0 : i32
        %dma_start3A_353 = tpu.memref_slice %arg8[%add3A_351, %dma_start3A_352] : memref<56x50xi32, #tpu.memory_space<vmem>> -> memref<1x50xi32, #tpu.memory_space<vmem>>
        %dma_start3A_354 = tpu.memref_squeeze %dma_start3A_353 : memref<1x50xi32, #tpu.memory_space<vmem>> -> memref<50xi32, #tpu.memory_space<vmem>>
        %dma_start3A_355 = arith.constant 0 : i32
        %dma_start3A_356 = arith.constant 0 : i32
        %dma_start3A_357 = tpu.memref_slice %arg2[%dma_start3A_355, %dma_start3A_356] : memref<10000x128xf32, #tpu.memory_space<hbm>> -> memref<10000x128xf32, #tpu.memory_space<hbm>>
        tpu.enqueue_indirect_dma source(%dma_start3A_357 : memref<10000x128xf32, #tpu.memory_space<hbm>>) target(%arg10 : memref<50x128xf32, #tpu.memory_space<vmem>>) offsets(%dma_start3A_354 : memref<50xi32, #tpu.memory_space<vmem>>) semaphore(%arg14 : memref<!tpu.dma_semaphore, #tpu.memory_space<semaphore_mem>>)
        %add3A_358 = arith.constant 1 : i32
        %add3A_359 = arith.addi %mul3A_271, %add3A_358 : i32
        %dma_wait3A_360 = arith.constant 0 : i32
        %dma_wait3A_361 = tpu.memref_slice %arg9[%add3A_359, %dma_wait3A_360] : memref<56x50xi32, #tpu.memory_space<vmem>> -> memref<1x50xi32, #tpu.memory_space<vmem>>
        %dma_wait3A_362 = tpu.memref_squeeze %dma_wait3A_361 : memref<1x50xi32, #tpu.memory_space<vmem>> -> memref<50xi32, #tpu.memory_space<vmem>>
        %dma_wait3A_363 = arith.constant 0 : i32
        %dma_wait3A_364 = arith.constant 0 : i32
        %dma_wait3A_365 = tpu.memref_slice %arg7[%dma_wait3A_363, %dma_wait3A_364] : memref<10240x128xf32, #tpu.memory_space<vmem_shared>> -> memref<10240x128xf32, #tpu.memory_space<vmem_shared>>
        tpu.wait_indirect_dma semaphore(%arg19 : memref<!tpu.dma_semaphore, #tpu.memory_space<semaphore_mem>>) src(%arg11 : memref<50x128xf32, #tpu.memory_space<vmem>>) dst(%dma_wait3A_365 : memref<10240x128xf32, #tpu.memory_space<vmem_shared>>)
        %add3A_366 = arith.constant 4 : i32
        %add3A_367 = arith.addi %mul3A_271, %add3A_366 : i32
        %add3A_368 = arith.constant 1 : i32
        %add3A_369 = arith.addi %add3A_367, %add3A_368 : i32
        %dma_start3A_370 = arith.constant 0 : i32
        %dma_start3A_371 = tpu.memref_slice %arg8[%add3A_369, %dma_start3A_370] : memref<56x50xi32, #tpu.memory_space<vmem>> -> memref<1x50xi32, #tpu.memory_space<vmem>>
        %dma_start3A_372 = tpu.memref_squeeze %dma_start3A_371 : memref<1x50xi32, #tpu.memory_space<vmem>> -> memref<50xi32, #tpu.memory_space<vmem>>
        %dma_start3A_373 = arith.constant 0 : i32
        %dma_start3A_374 = arith.constant 0 : i32
        %dma_start3A_375 = tpu.memref_slice %arg2[%dma_start3A_373, %dma_start3A_374] : memref<10000x128xf32, #tpu.memory_space<hbm>> -> memref<10000x128xf32, #tpu.memory_space<hbm>>
        tpu.enqueue_indirect_dma source(%dma_start3A_375 : memref<10000x128xf32, #tpu.memory_space<hbm>>) target(%arg11 : memref<50x128xf32, #tpu.memory_space<vmem>>) offsets(%dma_start3A_372 : memref<50xi32, #tpu.memory_space<vmem>>) semaphore(%arg15 : memref<!tpu.dma_semaphore, #tpu.memory_space<semaphore_mem>>)
        %add3A_376 = arith.constant 2 : i32
        %add3A_377 = arith.addi %mul3A_271, %add3A_376 : i32
        %dma_wait3A_378 = arith.constant 0 : i32
        %dma_wait3A_379 = tpu.memref_slice %arg9[%add3A_377, %dma_wait3A_378] : memref<56x50xi32, #tpu.memory_space<vmem>> -> memref<1x50xi32, #tpu.memory_space<vmem>>
        %dma_wait3A_380 = tpu.memref_squeeze %dma_wait3A_379 : memref<1x50xi32, #tpu.memory_space<vmem>> -> memref<50xi32, #tpu.memory_space<vmem>>
        %dma_wait3A_381 = arith.constant 0 : i32
        %dma_wait3A_382 = arith.constant 0 : i32
        %dma_wait3A_383 = tpu.memref_slice %arg7[%dma_wait3A_381, %dma_wait3A_382] : memref<10240x128xf32, #tpu.memory_space<vmem_shared>> -> memref<10240x128xf32, #tpu.memory_space<vmem_shared>>
        tpu.wait_indirect_dma semaphore(%arg20 : memref<!tpu.dma_semaphore, #tpu.memory_space<semaphore_mem>>) src(%arg12 : memref<50x128xf32, #tpu.memory_space<vmem>>) dst(%dma_wait3A_383 : memref<10240x128xf32, #tpu.memory_space<vmem_shared>>)
        %add3A_384 = arith.constant 4 : i32
        %add3A_385 = arith.addi %mul3A_271, %add3A_384 : i32
        %add3A_386 = arith.constant 2 : i32
        %add3A_387 = arith.addi %add3A_385, %add3A_386 : i32
        %dma_start3A_388 = arith.constant 0 : i32
        %dma_start3A_389 = tpu.memref_slice %arg8[%add3A_387, %dma_start3A_388] : memref<56x50xi32, #tpu.memory_space<vmem>> -> memref<1x50xi32, #tpu.memory_space<vmem>>
        %dma_start3A_390 = tpu.memref_squeeze %dma_start3A_389 : memref<1x50xi32, #tpu.memory_space<vmem>> -> memref<50xi32, #tpu.memory_space<vmem>>
        %dma_start3A_391 = arith.constant 0 : i32
        %dma_start3A_392 = arith.constant 0 : i32
        %dma_start3A_393 = tpu.memref_slice %arg2[%dma_start3A_391, %dma_start3A_392] : memref<10000x128xf32, #tpu.memory_space<hbm>> -> memref<10000x128xf32, #tpu.memory_space<hbm>>
        tpu.enqueue_indirect_dma source(%dma_start3A_393 : memref<10000x128xf32, #tpu.memory_space<hbm>>) target(%arg12 : memref<50x128xf32, #tpu.memory_space<vmem>>) offsets(%dma_start3A_390 : memref<50xi32, #tpu.memory_space<vmem>>) semaphore(%arg16 : memref<!tpu.dma_semaphore, #tpu.memory_space<semaphore_mem>>)
        %add3A_394 = arith.constant 3 : i32
        %add3A_395 = arith.addi %mul3A_271, %add3A_394 : i32
        %dma_wait3A_396 = arith.constant 0 : i32
        %dma_wait3A_397 = tpu.memref_slice %arg9[%add3A_395, %dma_wait3A_396] : memref<56x50xi32, #tpu.memory_space<vmem>> -> memref<1x50xi32, #tpu.memory_space<vmem>>
        %dma_wait3A_398 = tpu.memref_squeeze %dma_wait3A_397 : memref<1x50xi32, #tpu.memory_space<vmem>> -> memref<50xi32, #tpu.memory_space<vmem>>
        %dma_wait3A_399 = arith.constant 0 : i32
        %dma_wait3A_400 = arith.constant 0 : i32
        %dma_wait3A_401 = tpu.memref_slice %arg7[%dma_wait3A_399, %dma_wait3A_400] : memref<10240x128xf32, #tpu.memory_space<vmem_shared>> -> memref<10240x128xf32, #tpu.memory_space<vmem_shared>>
        tpu.wait_indirect_dma semaphore(%arg21 : memref<!tpu.dma_semaphore, #tpu.memory_space<semaphore_mem>>) src(%arg13 : memref<50x128xf32, #tpu.memory_space<vmem>>) dst(%dma_wait3A_401 : memref<10240x128xf32, #tpu.memory_space<vmem_shared>>)
        %add3A_402 = arith.constant 4 : i32
        %add3A_403 = arith.addi %mul3A_271, %add3A_402 : i32
        %add3A_404 = arith.constant 3 : i32
        %add3A_405 = arith.addi %add3A_403, %add3A_404 : i32
        %dma_start3A_406 = arith.constant 0 : i32
        %dma_start3A_407 = tpu.memref_slice %arg8[%add3A_405, %dma_start3A_406] : memref<56x50xi32, #tpu.memory_space<vmem>> -> memref<1x50xi32, #tpu.memory_space<vmem>>
        %dma_start3A_408 = tpu.memref_squeeze %dma_start3A_407 : memref<1x50xi32, #tpu.memory_space<vmem>> -> memref<50xi32, #tpu.memory_space<vmem>>
        %dma_start3A_409 = arith.constant 0 : i32
        %dma_start3A_410 = arith.constant 0 : i32
        %dma_start3A_411 = tpu.memref_slice %arg2[%dma_start3A_409, %dma_start3A_410] : memref<10000x128xf32, #tpu.memory_space<hbm>> -> memref<10000x128xf32, #tpu.memory_space<hbm>>
        tpu.enqueue_indirect_dma source(%dma_start3A_411 : memref<10000x128xf32, #tpu.memory_space<hbm>>) target(%arg13 : memref<50x128xf32, #tpu.memory_space<vmem>>) offsets(%dma_start3A_408 : memref<50xi32, #tpu.memory_space<vmem>>) semaphore(%arg17 : memref<!tpu.dma_semaphore, #tpu.memory_space<semaphore_mem>>)
      } else {
      }
    }
    %scan3A_235 = arith.constant 12 : i32
    %dma_wait3A_236 = arith.constant 44 : i32
    %dma_wait3A_237 = arith.constant 0 : i32
    %dma_wait3A_238 = tpu.memref_slice %arg9[%dma_wait3A_236, %dma_wait3A_237] : memref<56x50xi32, #tpu.memory_space<vmem>> -> memref<1x50xi32, #tpu.memory_space<vmem>>
    %dma_wait3A_239 = tpu.memref_squeeze %dma_wait3A_238 : memref<1x50xi32, #tpu.memory_space<vmem>> -> memref<50xi32, #tpu.memory_space<vmem>>
    %dma_wait3A_240 = arith.constant 0 : i32
    %dma_wait3A_241 = arith.constant 0 : i32
    %dma_wait3A_242 = tpu.memref_slice %arg7[%dma_wait3A_240, %dma_wait3A_241] : memref<10240x128xf32, #tpu.memory_space<vmem_shared>> -> memref<10240x128xf32, #tpu.memory_space<vmem_shared>>
    tpu.wait_indirect_dma semaphore(%arg18 : memref<!tpu.dma_semaphore, #tpu.memory_space<semaphore_mem>>) src(%arg10 : memref<50x128xf32, #tpu.memory_space<vmem>>) dst(%dma_wait3A_242 : memref<10240x128xf32, #tpu.memory_space<vmem_shared>>)
    %dma_wait3A_243 = arith.constant 45 : i32
    %dma_wait3A_244 = arith.constant 0 : i32
    %dma_wait3A_245 = tpu.memref_slice %arg9[%dma_wait3A_243, %dma_wait3A_244] : memref<56x50xi32, #tpu.memory_space<vmem>> -> memref<1x50xi32, #tpu.memory_space<vmem>>
    %dma_wait3A_246 = tpu.memref_squeeze %dma_wait3A_245 : memref<1x50xi32, #tpu.memory_space<vmem>> -> memref<50xi32, #tpu.memory_space<vmem>>
    %dma_wait3A_247 = arith.constant 0 : i32
    %dma_wait3A_248 = arith.constant 0 : i32
    %dma_wait3A_249 = tpu.memref_slice %arg7[%dma_wait3A_247, %dma_wait3A_248] : memref<10240x128xf32, #tpu.memory_space<vmem_shared>> -> memref<10240x128xf32, #tpu.memory_space<vmem_shared>>
    tpu.wait_indirect_dma semaphore(%arg19 : memref<!tpu.dma_semaphore, #tpu.memory_space<semaphore_mem>>) src(%arg11 : memref<50x128xf32, #tpu.memory_space<vmem>>) dst(%dma_wait3A_249 : memref<10240x128xf32, #tpu.memory_space<vmem_shared>>)
    %dma_wait3A_250 = arith.constant 46 : i32
    %dma_wait3A_251 = arith.constant 0 : i32
    %dma_wait3A_252 = tpu.memref_slice %arg9[%dma_wait3A_250, %dma_wait3A_251] : memref<56x50xi32, #tpu.memory_space<vmem>> -> memref<1x50xi32, #tpu.memory_space<vmem>>
    %dma_wait3A_253 = tpu.memref_squeeze %dma_wait3A_252 : memref<1x50xi32, #tpu.memory_space<vmem>> -> memref<50xi32, #tpu.memory_space<vmem>>
    %dma_wait3A_254 = arith.constant 0 : i32
    %dma_wait3A_255 = arith.constant 0 : i32
    %dma_wait3A_256 = tpu.memref_slice %arg7[%dma_wait3A_254, %dma_wait3A_255] : memref<10240x128xf32, #tpu.memory_space<vmem_shared>> -> memref<10240x128xf32, #tpu.memory_space<vmem_shared>>
    tpu.wait_indirect_dma semaphore(%arg20 : memref<!tpu.dma_semaphore, #tpu.memory_space<semaphore_mem>>) src(%arg12 : memref<50x128xf32, #tpu.memory_space<vmem>>) dst(%dma_wait3A_256 : memref<10240x128xf32, #tpu.memory_space<vmem_shared>>)
    %dma_wait3A_257 = arith.constant 47 : i32
    %dma_wait3A_258 = arith.constant 0 : i32
    %dma_wait3A_259 = tpu.memref_slice %arg9[%dma_wait3A_257, %dma_wait3A_258] : memref<56x50xi32, #tpu.memory_space<vmem>> -> memref<1x50xi32, #tpu.memory_space<vmem>>
    %dma_wait3A_260 = tpu.memref_squeeze %dma_wait3A_259 : memref<1x50xi32, #tpu.memory_space<vmem>> -> memref<50xi32, #tpu.memory_space<vmem>>
    %dma_wait3A_261 = arith.constant 0 : i32
    %dma_wait3A_262 = arith.constant 0 : i32
    %dma_wait3A_263 = tpu.memref_slice %arg7[%dma_wait3A_261, %dma_wait3A_262] : memref<10240x128xf32, #tpu.memory_space<vmem_shared>> -> memref<10240x128xf32, #tpu.memory_space<vmem_shared>>
    tpu.wait_indirect_dma semaphore(%arg21 : memref<!tpu.dma_semaphore, #tpu.memory_space<semaphore_mem>>) src(%arg13 : memref<50x128xf32, #tpu.memory_space<vmem>>) dst(%dma_wait3A_263 : memref<10240x128xf32, #tpu.memory_space<vmem_shared>>)
    %barrier3A_264 = arith.constant 0 : index
    tpu.barrier barrier_id(%barrier3A_264)
    %mul3A_265 = arith.constant 640 : i32
    %mul3A_266 = arith.muli %arg1, %mul3A_265 : i32
    %mul3A_267 = arith.constant 640 : i32
    %mul3A_268 = arith.muli %arg1, %mul3A_267 : i32
    "tpu.region"() ({
      %run_scoped3A = tpu.sem_alloc : memref<!tpu.dma_semaphore, #tpu.memory_space<semaphore_mem>>
      %dma_start3A_269 = arith.constant 0 : i32
      %dma_start3A_270 = tpu.memref_slice %arg6[%arg0, %mul3A_268, %dma_start3A_269] : memref<2x10240x128xf32, #tpu.memory_space<hbm>> -> memref<1x640x128xf32, #tpu.memory_space<hbm>>
      %dma_start3A_271 = tpu.memref_squeeze %dma_start3A_270 : memref<1x640x128xf32, #tpu.memory_space<hbm>> -> memref<640x128xf32, #tpu.memory_space<hbm>>
      %dma_start3A_272 = arith.constant 0 : i32
      %dma_start3A_273 = tpu.memref_slice %arg7[%mul3A_266, %dma_start3A_272] : memref<10240x128xf32, #tpu.memory_space<vmem_shared>> -> memref<640x128xf32, #tpu.memory_space<vmem_shared>>
      tpu.enqueue_dma source(%dma_start3A_273 : memref<640x128xf32, #tpu.memory_space<vmem_shared>>) target(%dma_start3A_271 : memref<640x128xf32, #tpu.memory_space<hbm>>) target_semaphore(%run_scoped3A : memref<!tpu.dma_semaphore, #tpu.memory_space<semaphore_mem>>)
      %dma_wait3A_274 = arith.constant 0 : i32
      %dma_wait3A_275 = tpu.memref_slice %arg6[%arg0, %mul3A_268, %dma_wait3A_274] : memref<2x10240x128xf32, #tpu.memory_space<hbm>> -> memref<1x640x128xf32, #tpu.memory_space<hbm>>
      %dma_wait3A_276 = tpu.memref_squeeze %dma_wait3A_275 : memref<1x640x128xf32, #tpu.memory_space<hbm>> -> memref<640x128xf32, #tpu.memory_space<hbm>>
      %dma_wait3A_277 = arith.constant 0 : i32
      %dma_wait3A_278 = tpu.memref_slice %arg7[%mul3A_266, %dma_wait3A_277] : memref<10240x128xf32, #tpu.memory_space<vmem_shared>> -> memref<640x128xf32, #tpu.memory_space<vmem_shared>>
      tpu.wait_dma2 semaphore(%run_scoped3A : memref<!tpu.dma_semaphore, #tpu.memory_space<semaphore_mem>>) src(%dma_wait3A_278 : memref<640x128xf32, #tpu.memory_space<vmem_shared>>) dst(%dma_wait3A_276 : memref<640x128xf32, #tpu.memory_space<hbm>>)
      tpu.yield
    }) : () -> ()
    return
  }
}

#map = affine_map<(d0, d1) -> (0, 0)>
#map1 = affine_map<(d0, d1) -> (0, 0, 0)>
module attributes {stable_mosaic.version = 14 : i64} {
  func.func @_deg_body(%arg0: i32, %arg1: i32, %arg2: memref<6400x50xi32, #tpu.memory_space<hbm>>, %arg3: memref<50x128xf32, #tpu.memory_space<hbm>>, %arg4: memref<10240x128xf32, #tpu.memory_space<hbm>>, %arg5: memref<2x10240x128xf32, #tpu.memory_space<hbm>>, %arg6: memref<10240x128xf32, #tpu.memory_space<vmem_shared>>, %arg7: memref<200x50xi32, #tpu.memory_space<vmem>>, %arg8: memref<50x128xf32, #tpu.memory_space<vmem>>, %arg9: memref<!tpu.dma_semaphore, #tpu.memory_space<semaphore_mem>>) attributes {dimension_semantics = [#tpu.dimension_semantics<core_parallel>, #tpu.dimension_semantics<subcore_parallel>], iteration_bounds = array<i64: 2, 16>, scalar_prefetch = 0 : i64, scratch_operands = 4 : i64, tpu.core_type = #tpu.core_type<sc_vector_subcore>, window_params = [{transform_indices = #map}, {transform_indices = #map}, {transform_indices = #map}, {transform_indices = #map1}]} {
    %mul3A = arith.constant 2 : i32
    %mul3A_0 = arith.muli %arg1, %mul3A : i32
    %add3A = arith.addi %mul3A_0, %arg0 : i32
    "tpu.region"() ({
      %run_scoped3A = tpu.sem_alloc : memref<!tpu.dma_semaphore, #tpu.memory_space<semaphore_mem>>
      tpu.enqueue_dma source(%arg3 : memref<50x128xf32, #tpu.memory_space<hbm>>) target(%arg8 : memref<50x128xf32, #tpu.memory_space<vmem>>) target_semaphore(%run_scoped3A : memref<!tpu.dma_semaphore, #tpu.memory_space<semaphore_mem>>)
      tpu.wait_dma2 semaphore(%run_scoped3A : memref<!tpu.dma_semaphore, #tpu.memory_space<semaphore_mem>>) src(%arg3 : memref<50x128xf32, #tpu.memory_space<hbm>>) dst(%arg8 : memref<50x128xf32, #tpu.memory_space<vmem>>)
      tpu.yield
    }) : () -> ()
    %mul3A_1 = arith.constant 640 : i32
    %mul3A_2 = arith.muli %arg1, %mul3A_1 : i32
    %mul3A_3 = arith.constant 640 : i32
    %mul3A_4 = arith.muli %arg1, %mul3A_3 : i32
    "tpu.region"() ({
      %run_scoped3A = tpu.sem_alloc : memref<!tpu.dma_semaphore, #tpu.memory_space<semaphore_mem>>
      %dma_start3A = arith.constant 0 : i32
      %dma_start3A_16 = tpu.memref_slice %arg6[%mul3A_4, %dma_start3A] : memref<10240x128xf32, #tpu.memory_space<vmem_shared>> -> memref<640x128xf32, #tpu.memory_space<vmem_shared>>
      %dma_start3A_17 = arith.constant 0 : i32
      %dma_start3A_18 = tpu.memref_slice %arg4[%mul3A_2, %dma_start3A_17] : memref<10240x128xf32, #tpu.memory_space<hbm>> -> memref<640x128xf32, #tpu.memory_space<hbm>>
      tpu.enqueue_dma source(%dma_start3A_18 : memref<640x128xf32, #tpu.memory_space<hbm>>) target(%dma_start3A_16 : memref<640x128xf32, #tpu.memory_space<vmem_shared>>) target_semaphore(%run_scoped3A : memref<!tpu.dma_semaphore, #tpu.memory_space<semaphore_mem>>)
      %dma_wait3A = arith.constant 0 : i32
      %dma_wait3A_19 = tpu.memref_slice %arg6[%mul3A_4, %dma_wait3A] : memref<10240x128xf32, #tpu.memory_space<vmem_shared>> -> memref<640x128xf32, #tpu.memory_space<vmem_shared>>
      %dma_wait3A_20 = arith.constant 0 : i32
      %dma_wait3A_21 = tpu.memref_slice %arg4[%mul3A_2, %dma_wait3A_20] : memref<10240x128xf32, #tpu.memory_space<hbm>> -> memref<640x128xf32, #tpu.memory_space<hbm>>
      tpu.wait_dma2 semaphore(%run_scoped3A : memref<!tpu.dma_semaphore, #tpu.memory_space<semaphore_mem>>) src(%dma_wait3A_21 : memref<640x128xf32, #tpu.memory_space<hbm>>) dst(%dma_wait3A_19 : memref<640x128xf32, #tpu.memory_space<vmem_shared>>)
      tpu.yield
    }) : () -> ()
    %barrier3A = arith.constant 0 : index
    tpu.barrier barrier_id(%barrier3A)
    %mul3A_5 = arith.constant 200 : i32
    %mul3A_6 = arith.muli %add3A, %mul3A_5 : i32
    "tpu.region"() ({
      %run_scoped3A = tpu.sem_alloc : memref<!tpu.dma_semaphore, #tpu.memory_space<semaphore_mem>>
      %dma_start3A = arith.constant 0 : i32
      %dma_start3A_16 = tpu.memref_slice %arg2[%mul3A_6, %dma_start3A] : memref<6400x50xi32, #tpu.memory_space<hbm>> -> memref<200x50xi32, #tpu.memory_space<hbm>>
      %dma_start3A_17 = arith.constant 0 : i32
      %dma_start3A_18 = tpu.memref_slice %arg2[%mul3A_6, %dma_start3A_17] : memref<6400x50xi32, #tpu.memory_space<hbm>> -> memref<200x50xi32, #tpu.memory_space<hbm>>
      tpu.enqueue_dma source(%dma_start3A_18 : memref<200x50xi32, #tpu.memory_space<hbm>>) target(%arg7 : memref<200x50xi32, #tpu.memory_space<vmem>>) target_semaphore(%run_scoped3A : memref<!tpu.dma_semaphore, #tpu.memory_space<semaphore_mem>>)
      %dma_wait3A = arith.constant 0 : i32
      %dma_wait3A_19 = tpu.memref_slice %arg2[%mul3A_6, %dma_wait3A] : memref<6400x50xi32, #tpu.memory_space<hbm>> -> memref<200x50xi32, #tpu.memory_space<hbm>>
      %dma_wait3A_20 = arith.constant 0 : i32
      %dma_wait3A_21 = tpu.memref_slice %arg2[%mul3A_6, %dma_wait3A_20] : memref<6400x50xi32, #tpu.memory_space<hbm>> -> memref<200x50xi32, #tpu.memory_space<hbm>>
      tpu.wait_dma2 semaphore(%run_scoped3A : memref<!tpu.dma_semaphore, #tpu.memory_space<semaphore_mem>>) src(%dma_wait3A_21 : memref<200x50xi32, #tpu.memory_space<hbm>>) dst(%arg7 : memref<200x50xi32, #tpu.memory_space<vmem>>)
      tpu.yield
    }) : () -> ()
    %scan3A = arith.constant 0 : i32
    %scan3A_7 = arith.constant 25 : i32
    %scan3A_8 = arith.addi %scan3A, %scan3A_7 : i32
    %scan3A_9 = arith.constant 1 : i32
    scf.for %scan3A_16 = %scan3A to %scan3A_8 step %scan3A_9  : i32 {
      %mul3A_17 = arith.constant 8 : i32
      %mul3A_18 = arith.muli %scan3A_16, %mul3A_17 : i32
      %add3A_19 = arith.constant 0 : i32
      %add3A_20 = arith.addi %mul3A_18, %add3A_19 : i32
      %dma_start3A = arith.constant 0 : i32
      %dma_start3A_21 = tpu.memref_slice %arg7[%add3A_20, %dma_start3A] : memref<200x50xi32, #tpu.memory_space<vmem>> -> memref<1x50xi32, #tpu.memory_space<vmem>>
      %dma_start3A_22 = tpu.memref_squeeze %dma_start3A_21 : memref<1x50xi32, #tpu.memory_space<vmem>> -> memref<50xi32, #tpu.memory_space<vmem>>
      %dma_start3A_23 = arith.constant 0 : i32
      %dma_start3A_24 = arith.constant 0 : i32
      %dma_start3A_25 = tpu.memref_slice %arg6[%dma_start3A_23, %dma_start3A_24] : memref<10240x128xf32, #tpu.memory_space<vmem_shared>> -> memref<10240x128xf32, #tpu.memory_space<vmem_shared>>
      tpu.enqueue_indirect_dma source(%arg8 : memref<50x128xf32, #tpu.memory_space<vmem>>) target(%dma_start3A_25 : memref<10240x128xf32, #tpu.memory_space<vmem_shared>>) offsets(%dma_start3A_22 : memref<50xi32, #tpu.memory_space<vmem>>) semaphore(%arg9 : memref<!tpu.dma_semaphore, #tpu.memory_space<semaphore_mem>>) {add = true}
      %mul3A_26 = arith.constant 8 : i32
      %mul3A_27 = arith.muli %scan3A_16, %mul3A_26 : i32
      %add3A_28 = arith.constant 1 : i32
      %add3A_29 = arith.addi %mul3A_27, %add3A_28 : i32
      %dma_start3A_30 = arith.constant 0 : i32
      %dma_start3A_31 = tpu.memref_slice %arg7[%add3A_29, %dma_start3A_30] : memref<200x50xi32, #tpu.memory_space<vmem>> -> memref<1x50xi32, #tpu.memory_space<vmem>>
      %dma_start3A_32 = tpu.memref_squeeze %dma_start3A_31 : memref<1x50xi32, #tpu.memory_space<vmem>> -> memref<50xi32, #tpu.memory_space<vmem>>
      %dma_start3A_33 = arith.constant 0 : i32
      %dma_start3A_34 = arith.constant 0 : i32
      %dma_start3A_35 = tpu.memref_slice %arg6[%dma_start3A_33, %dma_start3A_34] : memref<10240x128xf32, #tpu.memory_space<vmem_shared>> -> memref<10240x128xf32, #tpu.memory_space<vmem_shared>>
      tpu.enqueue_indirect_dma source(%arg8 : memref<50x128xf32, #tpu.memory_space<vmem>>) target(%dma_start3A_35 : memref<10240x128xf32, #tpu.memory_space<vmem_shared>>) offsets(%dma_start3A_32 : memref<50xi32, #tpu.memory_space<vmem>>) semaphore(%arg9 : memref<!tpu.dma_semaphore, #tpu.memory_space<semaphore_mem>>) {add = true}
      %mul3A_36 = arith.constant 8 : i32
      %mul3A_37 = arith.muli %scan3A_16, %mul3A_36 : i32
      %add3A_38 = arith.constant 2 : i32
      %add3A_39 = arith.addi %mul3A_37, %add3A_38 : i32
      %dma_start3A_40 = arith.constant 0 : i32
      %dma_start3A_41 = tpu.memref_slice %arg7[%add3A_39, %dma_start3A_40] : memref<200x50xi32, #tpu.memory_space<vmem>> -> memref<1x50xi32, #tpu.memory_space<vmem>>
      %dma_start3A_42 = tpu.memref_squeeze %dma_start3A_41 : memref<1x50xi32, #tpu.memory_space<vmem>> -> memref<50xi32, #tpu.memory_space<vmem>>
      %dma_start3A_43 = arith.constant 0 : i32
      %dma_start3A_44 = arith.constant 0 : i32
      %dma_start3A_45 = tpu.memref_slice %arg6[%dma_start3A_43, %dma_start3A_44] : memref<10240x128xf32, #tpu.memory_space<vmem_shared>> -> memref<10240x128xf32, #tpu.memory_space<vmem_shared>>
      tpu.enqueue_indirect_dma source(%arg8 : memref<50x128xf32, #tpu.memory_space<vmem>>) target(%dma_start3A_45 : memref<10240x128xf32, #tpu.memory_space<vmem_shared>>) offsets(%dma_start3A_42 : memref<50xi32, #tpu.memory_space<vmem>>) semaphore(%arg9 : memref<!tpu.dma_semaphore, #tpu.memory_space<semaphore_mem>>) {add = true}
      %mul3A_46 = arith.constant 8 : i32
      %mul3A_47 = arith.muli %scan3A_16, %mul3A_46 : i32
      %add3A_48 = arith.constant 3 : i32
      %add3A_49 = arith.addi %mul3A_47, %add3A_48 : i32
      %dma_start3A_50 = arith.constant 0 : i32
      %dma_start3A_51 = tpu.memref_slice %arg7[%add3A_49, %dma_start3A_50] : memref<200x50xi32, #tpu.memory_space<vmem>> -> memref<1x50xi32, #tpu.memory_space<vmem>>
      %dma_start3A_52 = tpu.memref_squeeze %dma_start3A_51 : memref<1x50xi32, #tpu.memory_space<vmem>> -> memref<50xi32, #tpu.memory_space<vmem>>
      %dma_start3A_53 = arith.constant 0 : i32
      %dma_start3A_54 = arith.constant 0 : i32
      %dma_start3A_55 = tpu.memref_slice %arg6[%dma_start3A_53, %dma_start3A_54] : memref<10240x128xf32, #tpu.memory_space<vmem_shared>> -> memref<10240x128xf32, #tpu.memory_space<vmem_shared>>
      tpu.enqueue_indirect_dma source(%arg8 : memref<50x128xf32, #tpu.memory_space<vmem>>) target(%dma_start3A_55 : memref<10240x128xf32, #tpu.memory_space<vmem_shared>>) offsets(%dma_start3A_52 : memref<50xi32, #tpu.memory_space<vmem>>) semaphore(%arg9 : memref<!tpu.dma_semaphore, #tpu.memory_space<semaphore_mem>>) {add = true}
      %mul3A_56 = arith.constant 8 : i32
      %mul3A_57 = arith.muli %scan3A_16, %mul3A_56 : i32
      %add3A_58 = arith.constant 4 : i32
      %add3A_59 = arith.addi %mul3A_57, %add3A_58 : i32
      %dma_start3A_60 = arith.constant 0 : i32
      %dma_start3A_61 = tpu.memref_slice %arg7[%add3A_59, %dma_start3A_60] : memref<200x50xi32, #tpu.memory_space<vmem>> -> memref<1x50xi32, #tpu.memory_space<vmem>>
      %dma_start3A_62 = tpu.memref_squeeze %dma_start3A_61 : memref<1x50xi32, #tpu.memory_space<vmem>> -> memref<50xi32, #tpu.memory_space<vmem>>
      %dma_start3A_63 = arith.constant 0 : i32
      %dma_start3A_64 = arith.constant 0 : i32
      %dma_start3A_65 = tpu.memref_slice %arg6[%dma_start3A_63, %dma_start3A_64] : memref<10240x128xf32, #tpu.memory_space<vmem_shared>> -> memref<10240x128xf32, #tpu.memory_space<vmem_shared>>
      tpu.enqueue_indirect_dma source(%arg8 : memref<50x128xf32, #tpu.memory_space<vmem>>) target(%dma_start3A_65 : memref<10240x128xf32, #tpu.memory_space<vmem_shared>>) offsets(%dma_start3A_62 : memref<50xi32, #tpu.memory_space<vmem>>) semaphore(%arg9 : memref<!tpu.dma_semaphore, #tpu.memory_space<semaphore_mem>>) {add = true}
      %mul3A_66 = arith.constant 8 : i32
      %mul3A_67 = arith.muli %scan3A_16, %mul3A_66 : i32
      %add3A_68 = arith.constant 5 : i32
      %add3A_69 = arith.addi %mul3A_67, %add3A_68 : i32
      %dma_start3A_70 = arith.constant 0 : i32
      %dma_start3A_71 = tpu.memref_slice %arg7[%add3A_69, %dma_start3A_70] : memref<200x50xi32, #tpu.memory_space<vmem>> -> memref<1x50xi32, #tpu.memory_space<vmem>>
      %dma_start3A_72 = tpu.memref_squeeze %dma_start3A_71 : memref<1x50xi32, #tpu.memory_space<vmem>> -> memref<50xi32, #tpu.memory_space<vmem>>
      %dma_start3A_73 = arith.constant 0 : i32
      %dma_start3A_74 = arith.constant 0 : i32
      %dma_start3A_75 = tpu.memref_slice %arg6[%dma_start3A_73, %dma_start3A_74] : memref<10240x128xf32, #tpu.memory_space<vmem_shared>> -> memref<10240x128xf32, #tpu.memory_space<vmem_shared>>
      tpu.enqueue_indirect_dma source(%arg8 : memref<50x128xf32, #tpu.memory_space<vmem>>) target(%dma_start3A_75 : memref<10240x128xf32, #tpu.memory_space<vmem_shared>>) offsets(%dma_start3A_72 : memref<50xi32, #tpu.memory_space<vmem>>) semaphore(%arg9 : memref<!tpu.dma_semaphore, #tpu.memory_space<semaphore_mem>>) {add = true}
      %mul3A_76 = arith.constant 8 : i32
      %mul3A_77 = arith.muli %scan3A_16, %mul3A_76 : i32
      %add3A_78 = arith.constant 6 : i32
      %add3A_79 = arith.addi %mul3A_77, %add3A_78 : i32
      %dma_start3A_80 = arith.constant 0 : i32
      %dma_start3A_81 = tpu.memref_slice %arg7[%add3A_79, %dma_start3A_80] : memref<200x50xi32, #tpu.memory_space<vmem>> -> memref<1x50xi32, #tpu.memory_space<vmem>>
      %dma_start3A_82 = tpu.memref_squeeze %dma_start3A_81 : memref<1x50xi32, #tpu.memory_space<vmem>> -> memref<50xi32, #tpu.memory_space<vmem>>
      %dma_start3A_83 = arith.constant 0 : i32
      %dma_start3A_84 = arith.constant 0 : i32
      %dma_start3A_85 = tpu.memref_slice %arg6[%dma_start3A_83, %dma_start3A_84] : memref<10240x128xf32, #tpu.memory_space<vmem_shared>> -> memref<10240x128xf32, #tpu.memory_space<vmem_shared>>
      tpu.enqueue_indirect_dma source(%arg8 : memref<50x128xf32, #tpu.memory_space<vmem>>) target(%dma_start3A_85 : memref<10240x128xf32, #tpu.memory_space<vmem_shared>>) offsets(%dma_start3A_82 : memref<50xi32, #tpu.memory_space<vmem>>) semaphore(%arg9 : memref<!tpu.dma_semaphore, #tpu.memory_space<semaphore_mem>>) {add = true}
      %mul3A_86 = arith.constant 8 : i32
      %mul3A_87 = arith.muli %scan3A_16, %mul3A_86 : i32
      %add3A_88 = arith.constant 7 : i32
      %add3A_89 = arith.addi %mul3A_87, %add3A_88 : i32
      %dma_start3A_90 = arith.constant 0 : i32
      %dma_start3A_91 = tpu.memref_slice %arg7[%add3A_89, %dma_start3A_90] : memref<200x50xi32, #tpu.memory_space<vmem>> -> memref<1x50xi32, #tpu.memory_space<vmem>>
      %dma_start3A_92 = tpu.memref_squeeze %dma_start3A_91 : memref<1x50xi32, #tpu.memory_space<vmem>> -> memref<50xi32, #tpu.memory_space<vmem>>
      %dma_start3A_93 = arith.constant 0 : i32
      %dma_start3A_94 = arith.constant 0 : i32
      %dma_start3A_95 = tpu.memref_slice %arg6[%dma_start3A_93, %dma_start3A_94] : memref<10240x128xf32, #tpu.memory_space<vmem_shared>> -> memref<10240x128xf32, #tpu.memory_space<vmem_shared>>
      tpu.enqueue_indirect_dma source(%arg8 : memref<50x128xf32, #tpu.memory_space<vmem>>) target(%dma_start3A_95 : memref<10240x128xf32, #tpu.memory_space<vmem_shared>>) offsets(%dma_start3A_92 : memref<50xi32, #tpu.memory_space<vmem>>) semaphore(%arg9 : memref<!tpu.dma_semaphore, #tpu.memory_space<semaphore_mem>>) {add = true}
      %mul3A_96 = arith.constant 8 : i32
      %mul3A_97 = arith.muli %scan3A_16, %mul3A_96 : i32
      %add3A_98 = arith.constant 0 : i32
      %add3A_99 = arith.addi %mul3A_97, %add3A_98 : i32
      %dma_wait3A = arith.constant 0 : i32
      %dma_wait3A_100 = tpu.memref_slice %arg7[%add3A_99, %dma_wait3A] : memref<200x50xi32, #tpu.memory_space<vmem>> -> memref<1x50xi32, #tpu.memory_space<vmem>>
      %dma_wait3A_101 = tpu.memref_squeeze %dma_wait3A_100 : memref<1x50xi32, #tpu.memory_space<vmem>> -> memref<50xi32, #tpu.memory_space<vmem>>
      %dma_wait3A_102 = arith.constant 0 : i32
      %dma_wait3A_103 = arith.constant 0 : i32
      %dma_wait3A_104 = tpu.memref_slice %arg6[%dma_wait3A_102, %dma_wait3A_103] : memref<10240x128xf32, #tpu.memory_space<vmem_shared>> -> memref<10240x128xf32, #tpu.memory_space<vmem_shared>>
      tpu.wait_indirect_dma semaphore(%arg9 : memref<!tpu.dma_semaphore, #tpu.memory_space<semaphore_mem>>) src(%arg8 : memref<50x128xf32, #tpu.memory_space<vmem>>) dst(%dma_wait3A_104 : memref<10240x128xf32, #tpu.memory_space<vmem_shared>>)
      %mul3A_105 = arith.constant 8 : i32
      %mul3A_106 = arith.muli %scan3A_16, %mul3A_105 : i32
      %add3A_107 = arith.constant 1 : i32
      %add3A_108 = arith.addi %mul3A_106, %add3A_107 : i32
      %dma_wait3A_109 = arith.constant 0 : i32
      %dma_wait3A_110 = tpu.memref_slice %arg7[%add3A_108, %dma_wait3A_109] : memref<200x50xi32, #tpu.memory_space<vmem>> -> memref<1x50xi32, #tpu.memory_space<vmem>>
      %dma_wait3A_111 = tpu.memref_squeeze %dma_wait3A_110 : memref<1x50xi32, #tpu.memory_space<vmem>> -> memref<50xi32, #tpu.memory_space<vmem>>
      %dma_wait3A_112 = arith.constant 0 : i32
      %dma_wait3A_113 = arith.constant 0 : i32
      %dma_wait3A_114 = tpu.memref_slice %arg6[%dma_wait3A_112, %dma_wait3A_113] : memref<10240x128xf32, #tpu.memory_space<vmem_shared>> -> memref<10240x128xf32, #tpu.memory_space<vmem_shared>>
      tpu.wait_indirect_dma semaphore(%arg9 : memref<!tpu.dma_semaphore, #tpu.memory_space<semaphore_mem>>) src(%arg8 : memref<50x128xf32, #tpu.memory_space<vmem>>) dst(%dma_wait3A_114 : memref<10240x128xf32, #tpu.memory_space<vmem_shared>>)
      %mul3A_115 = arith.constant 8 : i32
      %mul3A_116 = arith.muli %scan3A_16, %mul3A_115 : i32
      %add3A_117 = arith.constant 2 : i32
      %add3A_118 = arith.addi %mul3A_116, %add3A_117 : i32
      %dma_wait3A_119 = arith.constant 0 : i32
      %dma_wait3A_120 = tpu.memref_slice %arg7[%add3A_118, %dma_wait3A_119] : memref<200x50xi32, #tpu.memory_space<vmem>> -> memref<1x50xi32, #tpu.memory_space<vmem>>
      %dma_wait3A_121 = tpu.memref_squeeze %dma_wait3A_120 : memref<1x50xi32, #tpu.memory_space<vmem>> -> memref<50xi32, #tpu.memory_space<vmem>>
      %dma_wait3A_122 = arith.constant 0 : i32
      %dma_wait3A_123 = arith.constant 0 : i32
      %dma_wait3A_124 = tpu.memref_slice %arg6[%dma_wait3A_122, %dma_wait3A_123] : memref<10240x128xf32, #tpu.memory_space<vmem_shared>> -> memref<10240x128xf32, #tpu.memory_space<vmem_shared>>
      tpu.wait_indirect_dma semaphore(%arg9 : memref<!tpu.dma_semaphore, #tpu.memory_space<semaphore_mem>>) src(%arg8 : memref<50x128xf32, #tpu.memory_space<vmem>>) dst(%dma_wait3A_124 : memref<10240x128xf32, #tpu.memory_space<vmem_shared>>)
      %mul3A_125 = arith.constant 8 : i32
      %mul3A_126 = arith.muli %scan3A_16, %mul3A_125 : i32
      %add3A_127 = arith.constant 3 : i32
      %add3A_128 = arith.addi %mul3A_126, %add3A_127 : i32
      %dma_wait3A_129 = arith.constant 0 : i32
      %dma_wait3A_130 = tpu.memref_slice %arg7[%add3A_128, %dma_wait3A_129] : memref<200x50xi32, #tpu.memory_space<vmem>> -> memref<1x50xi32, #tpu.memory_space<vmem>>
      %dma_wait3A_131 = tpu.memref_squeeze %dma_wait3A_130 : memref<1x50xi32, #tpu.memory_space<vmem>> -> memref<50xi32, #tpu.memory_space<vmem>>
      %dma_wait3A_132 = arith.constant 0 : i32
      %dma_wait3A_133 = arith.constant 0 : i32
      %dma_wait3A_134 = tpu.memref_slice %arg6[%dma_wait3A_132, %dma_wait3A_133] : memref<10240x128xf32, #tpu.memory_space<vmem_shared>> -> memref<10240x128xf32, #tpu.memory_space<vmem_shared>>
      tpu.wait_indirect_dma semaphore(%arg9 : memref<!tpu.dma_semaphore, #tpu.memory_space<semaphore_mem>>) src(%arg8 : memref<50x128xf32, #tpu.memory_space<vmem>>) dst(%dma_wait3A_134 : memref<10240x128xf32, #tpu.memory_space<vmem_shared>>)
      %mul3A_135 = arith.constant 8 : i32
      %mul3A_136 = arith.muli %scan3A_16, %mul3A_135 : i32
      %add3A_137 = arith.constant 4 : i32
      %add3A_138 = arith.addi %mul3A_136, %add3A_137 : i32
      %dma_wait3A_139 = arith.constant 0 : i32
      %dma_wait3A_140 = tpu.memref_slice %arg7[%add3A_138, %dma_wait3A_139] : memref<200x50xi32, #tpu.memory_space<vmem>> -> memref<1x50xi32, #tpu.memory_space<vmem>>
      %dma_wait3A_141 = tpu.memref_squeeze %dma_wait3A_140 : memref<1x50xi32, #tpu.memory_space<vmem>> -> memref<50xi32, #tpu.memory_space<vmem>>
      %dma_wait3A_142 = arith.constant 0 : i32
      %dma_wait3A_143 = arith.constant 0 : i32
      %dma_wait3A_144 = tpu.memref_slice %arg6[%dma_wait3A_142, %dma_wait3A_143] : memref<10240x128xf32, #tpu.memory_space<vmem_shared>> -> memref<10240x128xf32, #tpu.memory_space<vmem_shared>>
      tpu.wait_indirect_dma semaphore(%arg9 : memref<!tpu.dma_semaphore, #tpu.memory_space<semaphore_mem>>) src(%arg8 : memref<50x128xf32, #tpu.memory_space<vmem>>) dst(%dma_wait3A_144 : memref<10240x128xf32, #tpu.memory_space<vmem_shared>>)
      %mul3A_145 = arith.constant 8 : i32
      %mul3A_146 = arith.muli %scan3A_16, %mul3A_145 : i32
      %add3A_147 = arith.constant 5 : i32
      %add3A_148 = arith.addi %mul3A_146, %add3A_147 : i32
      %dma_wait3A_149 = arith.constant 0 : i32
      %dma_wait3A_150 = tpu.memref_slice %arg7[%add3A_148, %dma_wait3A_149] : memref<200x50xi32, #tpu.memory_space<vmem>> -> memref<1x50xi32, #tpu.memory_space<vmem>>
      %dma_wait3A_151 = tpu.memref_squeeze %dma_wait3A_150 : memref<1x50xi32, #tpu.memory_space<vmem>> -> memref<50xi32, #tpu.memory_space<vmem>>
      %dma_wait3A_152 = arith.constant 0 : i32
      %dma_wait3A_153 = arith.constant 0 : i32
      %dma_wait3A_154 = tpu.memref_slice %arg6[%dma_wait3A_152, %dma_wait3A_153] : memref<10240x128xf32, #tpu.memory_space<vmem_shared>> -> memref<10240x128xf32, #tpu.memory_space<vmem_shared>>
      tpu.wait_indirect_dma semaphore(%arg9 : memref<!tpu.dma_semaphore, #tpu.memory_space<semaphore_mem>>) src(%arg8 : memref<50x128xf32, #tpu.memory_space<vmem>>) dst(%dma_wait3A_154 : memref<10240x128xf32, #tpu.memory_space<vmem_shared>>)
      %mul3A_155 = arith.constant 8 : i32
      %mul3A_156 = arith.muli %scan3A_16, %mul3A_155 : i32
      %add3A_157 = arith.constant 6 : i32
      %add3A_158 = arith.addi %mul3A_156, %add3A_157 : i32
      %dma_wait3A_159 = arith.constant 0 : i32
      %dma_wait3A_160 = tpu.memref_slice %arg7[%add3A_158, %dma_wait3A_159] : memref<200x50xi32, #tpu.memory_space<vmem>> -> memref<1x50xi32, #tpu.memory_space<vmem>>
      %dma_wait3A_161 = tpu.memref_squeeze %dma_wait3A_160 : memref<1x50xi32, #tpu.memory_space<vmem>> -> memref<50xi32, #tpu.memory_space<vmem>>
      %dma_wait3A_162 = arith.constant 0 : i32
      %dma_wait3A_163 = arith.constant 0 : i32
      %dma_wait3A_164 = tpu.memref_slice %arg6[%dma_wait3A_162, %dma_wait3A_163] : memref<10240x128xf32, #tpu.memory_space<vmem_shared>> -> memref<10240x128xf32, #tpu.memory_space<vmem_shared>>
      tpu.wait_indirect_dma semaphore(%arg9 : memref<!tpu.dma_semaphore, #tpu.memory_space<semaphore_mem>>) src(%arg8 : memref<50x128xf32, #tpu.memory_space<vmem>>) dst(%dma_wait3A_164 : memref<10240x128xf32, #tpu.memory_space<vmem_shared>>)
      %mul3A_165 = arith.constant 8 : i32
      %mul3A_166 = arith.muli %scan3A_16, %mul3A_165 : i32
      %add3A_167 = arith.constant 7 : i32
      %add3A_168 = arith.addi %mul3A_166, %add3A_167 : i32
      %dma_wait3A_169 = arith.constant 0 : i32
      %dma_wait3A_170 = tpu.memref_slice %arg7[%add3A_168, %dma_wait3A_169] : memref<200x50xi32, #tpu.memory_space<vmem>> -> memref<1x50xi32, #tpu.memory_space<vmem>>
      %dma_wait3A_171 = tpu.memref_squeeze %dma_wait3A_170 : memref<1x50xi32, #tpu.memory_space<vmem>> -> memref<50xi32, #tpu.memory_space<vmem>>
      %dma_wait3A_172 = arith.constant 0 : i32
      %dma_wait3A_173 = arith.constant 0 : i32
      %dma_wait3A_174 = tpu.memref_slice %arg6[%dma_wait3A_172, %dma_wait3A_173] : memref<10240x128xf32, #tpu.memory_space<vmem_shared>> -> memref<10240x128xf32, #tpu.memory_space<vmem_shared>>
      tpu.wait_indirect_dma semaphore(%arg9 : memref<!tpu.dma_semaphore, #tpu.memory_space<semaphore_mem>>) src(%arg8 : memref<50x128xf32, #tpu.memory_space<vmem>>) dst(%dma_wait3A_174 : memref<10240x128xf32, #tpu.memory_space<vmem_shared>>)
    }
    %scan3A_10 = arith.constant 25 : i32
    %barrier3A_11 = arith.constant 0 : index
    tpu.barrier barrier_id(%barrier3A_11)
    %mul3A_12 = arith.constant 640 : i32
    %mul3A_13 = arith.muli %arg1, %mul3A_12 : i32
    %mul3A_14 = arith.constant 640 : i32
    %mul3A_15 = arith.muli %arg1, %mul3A_14 : i32
    "tpu.region"() ({
      %run_scoped3A = tpu.sem_alloc : memref<!tpu.dma_semaphore, #tpu.memory_space<semaphore_mem>>
      %dma_start3A = arith.constant 0 : i32
      %dma_start3A_16 = tpu.memref_slice %arg5[%arg0, %mul3A_15, %dma_start3A] : memref<2x10240x128xf32, #tpu.memory_space<hbm>> -> memref<1x640x128xf32, #tpu.memory_space<hbm>>
      %dma_start3A_17 = tpu.memref_squeeze %dma_start3A_16 : memref<1x640x128xf32, #tpu.memory_space<hbm>> -> memref<640x128xf32, #tpu.memory_space<hbm>>
      %dma_start3A_18 = arith.constant 0 : i32
      %dma_start3A_19 = tpu.memref_slice %arg6[%mul3A_13, %dma_start3A_18] : memref<10240x128xf32, #tpu.memory_space<vmem_shared>> -> memref<640x128xf32, #tpu.memory_space<vmem_shared>>
      tpu.enqueue_dma source(%dma_start3A_19 : memref<640x128xf32, #tpu.memory_space<vmem_shared>>) target(%dma_start3A_17 : memref<640x128xf32, #tpu.memory_space<hbm>>) target_semaphore(%run_scoped3A : memref<!tpu.dma_semaphore, #tpu.memory_space<semaphore_mem>>)
      %dma_wait3A = arith.constant 0 : i32
      %dma_wait3A_20 = tpu.memref_slice %arg5[%arg0, %mul3A_15, %dma_wait3A] : memref<2x10240x128xf32, #tpu.memory_space<hbm>> -> memref<1x640x128xf32, #tpu.memory_space<hbm>>
      %dma_wait3A_21 = tpu.memref_squeeze %dma_wait3A_20 : memref<1x640x128xf32, #tpu.memory_space<hbm>> -> memref<640x128xf32, #tpu.memory_space<hbm>>
      %dma_wait3A_22 = arith.constant 0 : i32
      %dma_wait3A_23 = tpu.memref_slice %arg6[%mul3A_13, %dma_wait3A_22] : memref<10240x128xf32, #tpu.memory_space<vmem_shared>> -> memref<640x128xf32, #tpu.memory_space<vmem_shared>>
      tpu.wait_dma2 semaphore(%run_scoped3A : memref<!tpu.dma_semaphore, #tpu.memory_space<semaphore_mem>>) src(%dma_wait3A_23 : memref<640x128xf32, #tpu.memory_space<vmem_shared>>) dst(%dma_wait3A_21 : memref<640x128xf32, #tpu.memory_space<hbm>>)
      tpu.yield
    }) : () -> ()
    return
  }
}

#map = affine_map<(d0, d1) -> (0, 0)>
#map1 = affine_map<(d0, d1) -> (0, 0, 0)>
module attributes {stable_mosaic.version = 14 : i64} {
  func.func @_agg_body(%arg0: i32, %arg1: i32, %arg2: memref<10000x128xf32, #tpu.memory_space<hbm>>, %arg3: memref<6400x50xi32, #tpu.memory_space<hbm>>, %arg4: memref<6400x50xi32, #tpu.memory_space<hbm>>, %arg5: memref<10240x128xf32, #tpu.memory_space<hbm>>, %arg6: memref<2x10240x128xf32, #tpu.memory_space<hbm>>, %arg7: memref<10240x128xf32, #tpu.memory_space<vmem_shared>>, %arg8: memref<56x50xi32, #tpu.memory_space<vmem>>, %arg9: memref<56x50xi32, #tpu.memory_space<vmem>>, %arg10: memref<50x128xf32, #tpu.memory_space<vmem>>, %arg11: memref<50x128xf32, #tpu.memory_space<vmem>>, %arg12: memref<50x128xf32, #tpu.memory_space<vmem>>, %arg13: memref<50x128xf32, #tpu.memory_space<vmem>>, %arg14: memref<!tpu.dma_semaphore, #tpu.memory_space<semaphore_mem>>, %arg15: memref<!tpu.dma_semaphore, #tpu.memory_space<semaphore_mem>>, %arg16: memref<!tpu.dma_semaphore, #tpu.memory_space<semaphore_mem>>, %arg17: memref<!tpu.dma_semaphore, #tpu.memory_space<semaphore_mem>>, %arg18: memref<!tpu.dma_semaphore, #tpu.memory_space<semaphore_mem>>, %arg19: memref<!tpu.dma_semaphore, #tpu.memory_space<semaphore_mem>>, %arg20: memref<!tpu.dma_semaphore, #tpu.memory_space<semaphore_mem>>, %arg21: memref<!tpu.dma_semaphore, #tpu.memory_space<semaphore_mem>>) attributes {dimension_semantics = [#tpu.dimension_semantics<core_parallel>, #tpu.dimension_semantics<subcore_parallel>], iteration_bounds = array<i64: 2, 16>, scalar_prefetch = 0 : i64, scratch_operands = 15 : i64, tpu.core_type = #tpu.core_type<sc_vector_subcore>, window_params = [{transform_indices = #map}, {transform_indices = #map}, {transform_indices = #map}, {transform_indices = #map}, {transform_indices = #map1}]} {
    %mul3A = arith.constant 2 : i32
    %mul3A_0 = arith.muli %arg1, %mul3A : i32
    %add3A = arith.addi %mul3A_0, %arg0 : i32
    %mul3A_1 = arith.constant 640 : i32
    %mul3A_2 = arith.muli %arg1, %mul3A_1 : i32
    %mul3A_3 = arith.constant 640 : i32
    %mul3A_4 = arith.muli %arg1, %mul3A_3 : i32
    "tpu.region"() ({
      %run_scoped3A = tpu.sem_alloc : memref<!tpu.dma_semaphore, #tpu.memory_space<semaphore_mem>>
      %dma_start3A_269 = arith.constant 0 : i32
      %dma_start3A_270 = tpu.memref_slice %arg7[%mul3A_4, %dma_start3A_269] : memref<10240x128xf32, #tpu.memory_space<vmem_shared>> -> memref<640x128xf32, #tpu.memory_space<vmem_shared>>
      %dma_start3A_271 = arith.constant 0 : i32
      %dma_start3A_272 = tpu.memref_slice %arg5[%mul3A_2, %dma_start3A_271] : memref<10240x128xf32, #tpu.memory_space<hbm>> -> memref<640x128xf32, #tpu.memory_space<hbm>>
      tpu.enqueue_dma source(%dma_start3A_272 : memref<640x128xf32, #tpu.memory_space<hbm>>) target(%dma_start3A_270 : memref<640x128xf32, #tpu.memory_space<vmem_shared>>) target_semaphore(%run_scoped3A : memref<!tpu.dma_semaphore, #tpu.memory_space<semaphore_mem>>)
      %dma_wait3A_273 = arith.constant 0 : i32
      %dma_wait3A_274 = tpu.memref_slice %arg7[%mul3A_4, %dma_wait3A_273] : memref<10240x128xf32, #tpu.memory_space<vmem_shared>> -> memref<640x128xf32, #tpu.memory_space<vmem_shared>>
      %dma_wait3A_275 = arith.constant 0 : i32
      %dma_wait3A_276 = tpu.memref_slice %arg5[%mul3A_2, %dma_wait3A_275] : memref<10240x128xf32, #tpu.memory_space<hbm>> -> memref<640x128xf32, #tpu.memory_space<hbm>>
      tpu.wait_dma2 semaphore(%run_scoped3A : memref<!tpu.dma_semaphore, #tpu.memory_space<semaphore_mem>>) src(%dma_wait3A_276 : memref<640x128xf32, #tpu.memory_space<hbm>>) dst(%dma_wait3A_274 : memref<640x128xf32, #tpu.memory_space<vmem_shared>>)
      tpu.yield
    }) : () -> ()
    %barrier3A = arith.constant 0 : index
    tpu.barrier barrier_id(%barrier3A)
    %mul3A_5 = arith.constant 200 : i32
    %mul3A_6 = arith.muli %add3A, %mul3A_5 : i32
    %add3A_7 = arith.constant 0 : i32
    %add3A_8 = arith.addi %mul3A_6, %add3A_7 : i32
    "tpu.region"() ({
      %run_scoped3A = tpu.sem_alloc : memref<!tpu.dma_semaphore, #tpu.memory_space<semaphore_mem>>
      %dma_start3A_269 = arith.constant 0 : i32
      %dma_start3A_270 = arith.constant 0 : i32
      %dma_start3A_271 = tpu.memref_slice %arg8[%dma_start3A_269, %dma_start3A_270] : memref<56x50xi32, #tpu.memory_space<vmem>> -> memref<56x50xi32, #tpu.memory_space<vmem>>
      %dma_start3A_272 = arith.constant 0 : i32
      %dma_start3A_273 = tpu.memref_slice %arg3[%add3A_8, %dma_start3A_272] : memref<6400x50xi32, #tpu.memory_space<hbm>> -> memref<56x50xi32, #tpu.memory_space<hbm>>
      %dma_start3A_274 = arith.constant 0 : i32
      %dma_start3A_275 = arith.constant 0 : i32
      %dma_start3A_276 = tpu.memref_slice %arg8[%dma_start3A_274, %dma_start3A_275] : memref<56x50xi32, #tpu.memory_space<vmem>> -> memref<56x50xi32, #tpu.memory_space<vmem>>
      %dma_start3A_277 = arith.constant 0 : i32
      %dma_start3A_278 = tpu.memref_slice %arg3[%add3A_8, %dma_start3A_277] : memref<6400x50xi32, #tpu.memory_space<hbm>> -> memref<56x50xi32, #tpu.memory_space<hbm>>
      tpu.enqueue_dma source(%dma_start3A_278 : memref<56x50xi32, #tpu.memory_space<hbm>>) target(%dma_start3A_276 : memref<56x50xi32, #tpu.memory_space<vmem>>) target_semaphore(%run_scoped3A : memref<!tpu.dma_semaphore, #tpu.memory_space<semaphore_mem>>)
      %dma_wait3A_279 = arith.constant 0 : i32
      %dma_wait3A_280 = arith.constant 0 : i32
      %dma_wait3A_281 = tpu.memref_slice %arg8[%dma_wait3A_279, %dma_wait3A_280] : memref<56x50xi32, #tpu.memory_space<vmem>> -> memref<56x50xi32, #tpu.memory_space<vmem>>
      %dma_wait3A_282 = arith.constant 0 : i32
      %dma_wait3A_283 = tpu.memref_slice %arg3[%add3A_8, %dma_wait3A_282] : memref<6400x50xi32, #tpu.memory_space<hbm>> -> memref<56x50xi32, #tpu.memory_space<hbm>>
      %dma_wait3A_284 = arith.constant 0 : i32
      %dma_wait3A_285 = arith.constant 0 : i32
      %dma_wait3A_286 = tpu.memref_slice %arg8[%dma_wait3A_284, %dma_wait3A_285] : memref<56x50xi32, #tpu.memory_space<vmem>> -> memref<56x50xi32, #tpu.memory_space<vmem>>
      %dma_wait3A_287 = arith.constant 0 : i32
      %dma_wait3A_288 = tpu.memref_slice %arg3[%add3A_8, %dma_wait3A_287] : memref<6400x50xi32, #tpu.memory_space<hbm>> -> memref<56x50xi32, #tpu.memory_space<hbm>>
      tpu.wait_dma2 semaphore(%run_scoped3A : memref<!tpu.dma_semaphore, #tpu.memory_space<semaphore_mem>>) src(%dma_wait3A_288 : memref<56x50xi32, #tpu.memory_space<hbm>>) dst(%dma_wait3A_286 : memref<56x50xi32, #tpu.memory_space<vmem>>)
      tpu.yield
    }) : () -> ()
    %add3A_9 = arith.constant 0 : i32
    %add3A_10 = arith.addi %mul3A_6, %add3A_9 : i32
    "tpu.region"() ({
      %run_scoped3A = tpu.sem_alloc : memref<!tpu.dma_semaphore, #tpu.memory_space<semaphore_mem>>
      %dma_start3A_269 = arith.constant 0 : i32
      %dma_start3A_270 = arith.constant 0 : i32
      %dma_start3A_271 = tpu.memref_slice %arg9[%dma_start3A_269, %dma_start3A_270] : memref<56x50xi32, #tpu.memory_space<vmem>> -> memref<56x50xi32, #tpu.memory_space<vmem>>
      %dma_start3A_272 = arith.constant 0 : i32
      %dma_start3A_273 = tpu.memref_slice %arg4[%add3A_10, %dma_start3A_272] : memref<6400x50xi32, #tpu.memory_space<hbm>> -> memref<56x50xi32, #tpu.memory_space<hbm>>
      %dma_start3A_274 = arith.constant 0 : i32
      %dma_start3A_275 = arith.constant 0 : i32
      %dma_start3A_276 = tpu.memref_slice %arg9[%dma_start3A_274, %dma_start3A_275] : memref<56x50xi32, #tpu.memory_space<vmem>> -> memref<56x50xi32, #tpu.memory_space<vmem>>
      %dma_start3A_277 = arith.constant 0 : i32
      %dma_start3A_278 = tpu.memref_slice %arg4[%add3A_10, %dma_start3A_277] : memref<6400x50xi32, #tpu.memory_space<hbm>> -> memref<56x50xi32, #tpu.memory_space<hbm>>
      tpu.enqueue_dma source(%dma_start3A_278 : memref<56x50xi32, #tpu.memory_space<hbm>>) target(%dma_start3A_276 : memref<56x50xi32, #tpu.memory_space<vmem>>) target_semaphore(%run_scoped3A : memref<!tpu.dma_semaphore, #tpu.memory_space<semaphore_mem>>)
      %dma_wait3A_279 = arith.constant 0 : i32
      %dma_wait3A_280 = arith.constant 0 : i32
      %dma_wait3A_281 = tpu.memref_slice %arg9[%dma_wait3A_279, %dma_wait3A_280] : memref<56x50xi32, #tpu.memory_space<vmem>> -> memref<56x50xi32, #tpu.memory_space<vmem>>
      %dma_wait3A_282 = arith.constant 0 : i32
      %dma_wait3A_283 = tpu.memref_slice %arg4[%add3A_10, %dma_wait3A_282] : memref<6400x50xi32, #tpu.memory_space<hbm>> -> memref<56x50xi32, #tpu.memory_space<hbm>>
      %dma_wait3A_284 = arith.constant 0 : i32
      %dma_wait3A_285 = arith.constant 0 : i32
      %dma_wait3A_286 = tpu.memref_slice %arg9[%dma_wait3A_284, %dma_wait3A_285] : memref<56x50xi32, #tpu.memory_space<vmem>> -> memref<56x50xi32, #tpu.memory_space<vmem>>
      %dma_wait3A_287 = arith.constant 0 : i32
      %dma_wait3A_288 = tpu.memref_slice %arg4[%add3A_10, %dma_wait3A_287] : memref<6400x50xi32, #tpu.memory_space<hbm>> -> memref<56x50xi32, #tpu.memory_space<hbm>>
      tpu.wait_dma2 semaphore(%run_scoped3A : memref<!tpu.dma_semaphore, #tpu.memory_space<semaphore_mem>>) src(%dma_wait3A_288 : memref<56x50xi32, #tpu.memory_space<hbm>>) dst(%dma_wait3A_286 : memref<56x50xi32, #tpu.memory_space<vmem>>)
      tpu.yield
    }) : () -> ()
    %dma_start3A = arith.constant 0 : i32
    %dma_start3A_11 = arith.constant 0 : i32
    %dma_start3A_12 = tpu.memref_slice %arg8[%dma_start3A, %dma_start3A_11] : memref<56x50xi32, #tpu.memory_space<vmem>> -> memref<1x50xi32, #tpu.memory_space<vmem>>
    %dma_start3A_13 = tpu.memref_squeeze %dma_start3A_12 : memref<1x50xi32, #tpu.memory_space<vmem>> -> memref<50xi32, #tpu.memory_space<vmem>>
    %dma_start3A_14 = arith.constant 0 : i32
    %dma_start3A_15 = arith.constant 0 : i32
    %dma_start3A_16 = tpu.memref_slice %arg2[%dma_start3A_14, %dma_start3A_15] : memref<10000x128xf32, #tpu.memory_space<hbm>> -> memref<10000x128xf32, #tpu.memory_space<hbm>>
    tpu.enqueue_indirect_dma source(%dma_start3A_16 : memref<10000x128xf32, #tpu.memory_space<hbm>>) target(%arg10 : memref<50x128xf32, #tpu.memory_space<vmem>>) offsets(%dma_start3A_13 : memref<50xi32, #tpu.memory_space<vmem>>) semaphore(%arg14 : memref<!tpu.dma_semaphore, #tpu.memory_space<semaphore_mem>>)
    %dma_start3A_17 = arith.constant 1 : i32
    %dma_start3A_18 = arith.constant 0 : i32
    %dma_start3A_19 = tpu.memref_slice %arg8[%dma_start3A_17, %dma_start3A_18] : memref<56x50xi32, #tpu.memory_space<vmem>> -> memref<1x50xi32, #tpu.memory_space<vmem>>
    %dma_start3A_20 = tpu.memref_squeeze %dma_start3A_19 : memref<1x50xi32, #tpu.memory_space<vmem>> -> memref<50xi32, #tpu.memory_space<vmem>>
    %dma_start3A_21 = arith.constant 0 : i32
    %dma_start3A_22 = arith.constant 0 : i32
    %dma_start3A_23 = tpu.memref_slice %arg2[%dma_start3A_21, %dma_start3A_22] : memref<10000x128xf32, #tpu.memory_space<hbm>> -> memref<10000x128xf32, #tpu.memory_space<hbm>>
    tpu.enqueue_indirect_dma source(%dma_start3A_23 : memref<10000x128xf32, #tpu.memory_space<hbm>>) target(%arg11 : memref<50x128xf32, #tpu.memory_space<vmem>>) offsets(%dma_start3A_20 : memref<50xi32, #tpu.memory_space<vmem>>) semaphore(%arg15 : memref<!tpu.dma_semaphore, #tpu.memory_space<semaphore_mem>>)
    %dma_start3A_24 = arith.constant 2 : i32
    %dma_start3A_25 = arith.constant 0 : i32
    %dma_start3A_26 = tpu.memref_slice %arg8[%dma_start3A_24, %dma_start3A_25] : memref<56x50xi32, #tpu.memory_space<vmem>> -> memref<1x50xi32, #tpu.memory_space<vmem>>
    %dma_start3A_27 = tpu.memref_squeeze %dma_start3A_26 : memref<1x50xi32, #tpu.memory_space<vmem>> -> memref<50xi32, #tpu.memory_space<vmem>>
    %dma_start3A_28 = arith.constant 0 : i32
    %dma_start3A_29 = arith.constant 0 : i32
    %dma_start3A_30 = tpu.memref_slice %arg2[%dma_start3A_28, %dma_start3A_29] : memref<10000x128xf32, #tpu.memory_space<hbm>> -> memref<10000x128xf32, #tpu.memory_space<hbm>>
    tpu.enqueue_indirect_dma source(%dma_start3A_30 : memref<10000x128xf32, #tpu.memory_space<hbm>>) target(%arg12 : memref<50x128xf32, #tpu.memory_space<vmem>>) offsets(%dma_start3A_27 : memref<50xi32, #tpu.memory_space<vmem>>) semaphore(%arg16 : memref<!tpu.dma_semaphore, #tpu.memory_space<semaphore_mem>>)
    %dma_start3A_31 = arith.constant 3 : i32
    %dma_start3A_32 = arith.constant 0 : i32
    %dma_start3A_33 = tpu.memref_slice %arg8[%dma_start3A_31, %dma_start3A_32] : memref<56x50xi32, #tpu.memory_space<vmem>> -> memref<1x50xi32, #tpu.memory_space<vmem>>
    %dma_start3A_34 = tpu.memref_squeeze %dma_start3A_33 : memref<1x50xi32, #tpu.memory_space<vmem>> -> memref<50xi32, #tpu.memory_space<vmem>>
    %dma_start3A_35 = arith.constant 0 : i32
    %dma_start3A_36 = arith.constant 0 : i32
    %dma_start3A_37 = tpu.memref_slice %arg2[%dma_start3A_35, %dma_start3A_36] : memref<10000x128xf32, #tpu.memory_space<hbm>> -> memref<10000x128xf32, #tpu.memory_space<hbm>>
    tpu.enqueue_indirect_dma source(%dma_start3A_37 : memref<10000x128xf32, #tpu.memory_space<hbm>>) target(%arg13 : memref<50x128xf32, #tpu.memory_space<vmem>>) offsets(%dma_start3A_34 : memref<50xi32, #tpu.memory_space<vmem>>) semaphore(%arg17 : memref<!tpu.dma_semaphore, #tpu.memory_space<semaphore_mem>>)
    %scan3A = arith.constant 0 : i32
    %scan3A_38 = arith.constant 14 : i32
    %scan3A_39 = arith.addi %scan3A, %scan3A_38 : i32
    %scan3A_40 = arith.constant 1 : i32
    scf.for %scan3A_269 = %scan3A to %scan3A_39 step %scan3A_40  : i32 {
      %mul3A_270 = arith.constant 4 : i32
      %mul3A_271 = arith.muli %scan3A_269, %mul3A_270 : i32
      %add3A_272 = arith.constant 0 : i32
      %add3A_273 = arith.addi %mul3A_271, %add3A_272 : i32
      %dma_wait3A_274 = arith.constant 0 : i32
      %dma_wait3A_275 = tpu.memref_slice %arg8[%add3A_273, %dma_wait3A_274] : memref<56x50xi32, #tpu.memory_space<vmem>> -> memref<1x50xi32, #tpu.memory_space<vmem>>
      %dma_wait3A_276 = tpu.memref_squeeze %dma_wait3A_275 : memref<1x50xi32, #tpu.memory_space<vmem>> -> memref<50xi32, #tpu.memory_space<vmem>>
      %dma_wait3A_277 = arith.constant 0 : i32
      %dma_wait3A_278 = arith.constant 0 : i32
      %dma_wait3A_279 = tpu.memref_slice %arg2[%dma_wait3A_277, %dma_wait3A_278] : memref<10000x128xf32, #tpu.memory_space<hbm>> -> memref<10000x128xf32, #tpu.memory_space<hbm>>
      tpu.wait_indirect_dma semaphore(%arg14 : memref<!tpu.dma_semaphore, #tpu.memory_space<semaphore_mem>>) src(%dma_wait3A_279 : memref<10000x128xf32, #tpu.memory_space<hbm>>) dst(%arg10 : memref<50x128xf32, #tpu.memory_space<vmem>>)
      %add3A_280 = arith.constant 0 : i32
      %add3A_281 = arith.addi %mul3A_271, %add3A_280 : i32
      %dma_start3A_282 = arith.constant 0 : i32
      %dma_start3A_283 = tpu.memref_slice %arg9[%add3A_281, %dma_start3A_282] : memref<56x50xi32, #tpu.memory_space<vmem>> -> memref<1x50xi32, #tpu.memory_space<vmem>>
      %dma_start3A_284 = tpu.memref_squeeze %dma_start3A_283 : memref<1x50xi32, #tpu.memory_space<vmem>> -> memref<50xi32, #tpu.memory_space<vmem>>
      %dma_start3A_285 = arith.constant 0 : i32
      %dma_start3A_286 = arith.constant 0 : i32
      %dma_start3A_287 = tpu.memref_slice %arg7[%dma_start3A_285, %dma_start3A_286] : memref<10240x128xf32, #tpu.memory_space<vmem_shared>> -> memref<10240x128xf32, #tpu.memory_space<vmem_shared>>
      tpu.enqueue_indirect_dma source(%arg10 : memref<50x128xf32, #tpu.memory_space<vmem>>) target(%dma_start3A_287 : memref<10240x128xf32, #tpu.memory_space<vmem_shared>>) offsets(%dma_start3A_284 : memref<50xi32, #tpu.memory_space<vmem>>) semaphore(%arg18 : memref<!tpu.dma_semaphore, #tpu.memory_space<semaphore_mem>>) {add = true}
      %add3A_288 = arith.constant 1 : i32
      %add3A_289 = arith.addi %mul3A_271, %add3A_288 : i32
      %dma_wait3A_290 = arith.constant 0 : i32
      %dma_wait3A_291 = tpu.memref_slice %arg8[%add3A_289, %dma_wait3A_290] : memref<56x50xi32, #tpu.memory_space<vmem>> -> memref<1x50xi32, #tpu.memory_space<vmem>>
      %dma_wait3A_292 = tpu.memref_squeeze %dma_wait3A_291 : memref<1x50xi32, #tpu.memory_space<vmem>> -> memref<50xi32, #tpu.memory_space<vmem>>
      %dma_wait3A_293 = arith.constant 0 : i32
      %dma_wait3A_294 = arith.constant 0 : i32
      %dma_wait3A_295 = tpu.memref_slice %arg2[%dma_wait3A_293, %dma_wait3A_294] : memref<10000x128xf32, #tpu.memory_space<hbm>> -> memref<10000x128xf32, #tpu.memory_space<hbm>>
      tpu.wait_indirect_dma semaphore(%arg15 : memref<!tpu.dma_semaphore, #tpu.memory_space<semaphore_mem>>) src(%dma_wait3A_295 : memref<10000x128xf32, #tpu.memory_space<hbm>>) dst(%arg11 : memref<50x128xf32, #tpu.memory_space<vmem>>)
      %add3A_296 = arith.constant 1 : i32
      %add3A_297 = arith.addi %mul3A_271, %add3A_296 : i32
      %dma_start3A_298 = arith.constant 0 : i32
      %dma_start3A_299 = tpu.memref_slice %arg9[%add3A_297, %dma_start3A_298] : memref<56x50xi32, #tpu.memory_space<vmem>> -> memref<1x50xi32, #tpu.memory_space<vmem>>
      %dma_start3A_300 = tpu.memref_squeeze %dma_start3A_299 : memref<1x50xi32, #tpu.memory_space<vmem>> -> memref<50xi32, #tpu.memory_space<vmem>>
      %dma_start3A_301 = arith.constant 0 : i32
      %dma_start3A_302 = arith.constant 0 : i32
      %dma_start3A_303 = tpu.memref_slice %arg7[%dma_start3A_301, %dma_start3A_302] : memref<10240x128xf32, #tpu.memory_space<vmem_shared>> -> memref<10240x128xf32, #tpu.memory_space<vmem_shared>>
      tpu.enqueue_indirect_dma source(%arg11 : memref<50x128xf32, #tpu.memory_space<vmem>>) target(%dma_start3A_303 : memref<10240x128xf32, #tpu.memory_space<vmem_shared>>) offsets(%dma_start3A_300 : memref<50xi32, #tpu.memory_space<vmem>>) semaphore(%arg19 : memref<!tpu.dma_semaphore, #tpu.memory_space<semaphore_mem>>) {add = true}
      %add3A_304 = arith.constant 2 : i32
      %add3A_305 = arith.addi %mul3A_271, %add3A_304 : i32
      %dma_wait3A_306 = arith.constant 0 : i32
      %dma_wait3A_307 = tpu.memref_slice %arg8[%add3A_305, %dma_wait3A_306] : memref<56x50xi32, #tpu.memory_space<vmem>> -> memref<1x50xi32, #tpu.memory_space<vmem>>
      %dma_wait3A_308 = tpu.memref_squeeze %dma_wait3A_307 : memref<1x50xi32, #tpu.memory_space<vmem>> -> memref<50xi32, #tpu.memory_space<vmem>>
      %dma_wait3A_309 = arith.constant 0 : i32
      %dma_wait3A_310 = arith.constant 0 : i32
      %dma_wait3A_311 = tpu.memref_slice %arg2[%dma_wait3A_309, %dma_wait3A_310] : memref<10000x128xf32, #tpu.memory_space<hbm>> -> memref<10000x128xf32, #tpu.memory_space<hbm>>
      tpu.wait_indirect_dma semaphore(%arg16 : memref<!tpu.dma_semaphore, #tpu.memory_space<semaphore_mem>>) src(%dma_wait3A_311 : memref<10000x128xf32, #tpu.memory_space<hbm>>) dst(%arg12 : memref<50x128xf32, #tpu.memory_space<vmem>>)
      %add3A_312 = arith.constant 2 : i32
      %add3A_313 = arith.addi %mul3A_271, %add3A_312 : i32
      %dma_start3A_314 = arith.constant 0 : i32
      %dma_start3A_315 = tpu.memref_slice %arg9[%add3A_313, %dma_start3A_314] : memref<56x50xi32, #tpu.memory_space<vmem>> -> memref<1x50xi32, #tpu.memory_space<vmem>>
      %dma_start3A_316 = tpu.memref_squeeze %dma_start3A_315 : memref<1x50xi32, #tpu.memory_space<vmem>> -> memref<50xi32, #tpu.memory_space<vmem>>
      %dma_start3A_317 = arith.constant 0 : i32
      %dma_start3A_318 = arith.constant 0 : i32
      %dma_start3A_319 = tpu.memref_slice %arg7[%dma_start3A_317, %dma_start3A_318] : memref<10240x128xf32, #tpu.memory_space<vmem_shared>> -> memref<10240x128xf32, #tpu.memory_space<vmem_shared>>
      tpu.enqueue_indirect_dma source(%arg12 : memref<50x128xf32, #tpu.memory_space<vmem>>) target(%dma_start3A_319 : memref<10240x128xf32, #tpu.memory_space<vmem_shared>>) offsets(%dma_start3A_316 : memref<50xi32, #tpu.memory_space<vmem>>) semaphore(%arg20 : memref<!tpu.dma_semaphore, #tpu.memory_space<semaphore_mem>>) {add = true}
      %add3A_320 = arith.constant 3 : i32
      %add3A_321 = arith.addi %mul3A_271, %add3A_320 : i32
      %dma_wait3A_322 = arith.constant 0 : i32
      %dma_wait3A_323 = tpu.memref_slice %arg8[%add3A_321, %dma_wait3A_322] : memref<56x50xi32, #tpu.memory_space<vmem>> -> memref<1x50xi32, #tpu.memory_space<vmem>>
      %dma_wait3A_324 = tpu.memref_squeeze %dma_wait3A_323 : memref<1x50xi32, #tpu.memory_space<vmem>> -> memref<50xi32, #tpu.memory_space<vmem>>
      %dma_wait3A_325 = arith.constant 0 : i32
      %dma_wait3A_326 = arith.constant 0 : i32
      %dma_wait3A_327 = tpu.memref_slice %arg2[%dma_wait3A_325, %dma_wait3A_326] : memref<10000x128xf32, #tpu.memory_space<hbm>> -> memref<10000x128xf32, #tpu.memory_space<hbm>>
      tpu.wait_indirect_dma semaphore(%arg17 : memref<!tpu.dma_semaphore, #tpu.memory_space<semaphore_mem>>) src(%dma_wait3A_327 : memref<10000x128xf32, #tpu.memory_space<hbm>>) dst(%arg13 : memref<50x128xf32, #tpu.memory_space<vmem>>)
      %add3A_328 = arith.constant 3 : i32
      %add3A_329 = arith.addi %mul3A_271, %add3A_328 : i32
      %dma_start3A_330 = arith.constant 0 : i32
      %dma_start3A_331 = tpu.memref_slice %arg9[%add3A_329, %dma_start3A_330] : memref<56x50xi32, #tpu.memory_space<vmem>> -> memref<1x50xi32, #tpu.memory_space<vmem>>
      %dma_start3A_332 = tpu.memref_squeeze %dma_start3A_331 : memref<1x50xi32, #tpu.memory_space<vmem>> -> memref<50xi32, #tpu.memory_space<vmem>>
      %dma_start3A_333 = arith.constant 0 : i32
      %dma_start3A_334 = arith.constant 0 : i32
      %dma_start3A_335 = tpu.memref_slice %arg7[%dma_start3A_333, %dma_start3A_334] : memref<10240x128xf32, #tpu.memory_space<vmem_shared>> -> memref<10240x128xf32, #tpu.memory_space<vmem_shared>>
      tpu.enqueue_indirect_dma source(%arg13 : memref<50x128xf32, #tpu.memory_space<vmem>>) target(%dma_start3A_335 : memref<10240x128xf32, #tpu.memory_space<vmem_shared>>) offsets(%dma_start3A_332 : memref<50xi32, #tpu.memory_space<vmem>>) semaphore(%arg21 : memref<!tpu.dma_semaphore, #tpu.memory_space<semaphore_mem>>) {add = true}
      %add3A_336 = arith.constant 1 : i32
      %add3A_337 = arith.addi %scan3A_269, %add3A_336 : i32
      %lt3A = arith.constant 14 : i32
      %lt3A_338 = arith.cmpi slt, %add3A_337, %lt3A : i32
      %convert_element_type3A = arith.extui %lt3A_338 : i1 to i32
      %cond3A = arith.constant 0 : i32
      %cond3A_339 = arith.cmpi ne, %convert_element_type3A, %cond3A : i32
      scf.if %cond3A_339 {
        %add3A_340 = arith.constant 0 : i32
        %add3A_341 = arith.addi %mul3A_271, %add3A_340 : i32
        %dma_wait3A_342 = arith.constant 0 : i32
        %dma_wait3A_343 = tpu.memref_slice %arg9[%add3A_341, %dma_wait3A_342] : memref<56x50xi32, #tpu.memory_space<vmem>> -> memref<1x50xi32, #tpu.memory_space<vmem>>
        %dma_wait3A_344 = tpu.memref_squeeze %dma_wait3A_343 : memref<1x50xi32, #tpu.memory_space<vmem>> -> memref<50xi32, #tpu.memory_space<vmem>>
        %dma_wait3A_345 = arith.constant 0 : i32
        %dma_wait3A_346 = arith.constant 0 : i32
        %dma_wait3A_347 = tpu.memref_slice %arg7[%dma_wait3A_345, %dma_wait3A_346] : memref<10240x128xf32, #tpu.memory_space<vmem_shared>> -> memref<10240x128xf32, #tpu.memory_space<vmem_shared>>
        tpu.wait_indirect_dma semaphore(%arg18 : memref<!tpu.dma_semaphore, #tpu.memory_space<semaphore_mem>>) src(%arg10 : memref<50x128xf32, #tpu.memory_space<vmem>>) dst(%dma_wait3A_347 : memref<10240x128xf32, #tpu.memory_space<vmem_shared>>)
        %add3A_348 = arith.constant 4 : i32
        %add3A_349 = arith.addi %mul3A_271, %add3A_348 : i32
        %add3A_350 = arith.constant 0 : i32
        %add3A_351 = arith.addi %add3A_349, %add3A_350 : i32
        %dma_start3A_352 = arith.constant 0 : i32
        %dma_start3A_353 = tpu.memref_slice %arg8[%add3A_351, %dma_start3A_352] : memref<56x50xi32, #tpu.memory_space<vmem>> -> memref<1x50xi32, #tpu.memory_space<vmem>>
        %dma_start3A_354 = tpu.memref_squeeze %dma_start3A_353 : memref<1x50xi32, #tpu.memory_space<vmem>> -> memref<50xi32, #tpu.memory_space<vmem>>
        %dma_start3A_355 = arith.constant 0 : i32
        %dma_start3A_356 = arith.constant 0 : i32
        %dma_start3A_357 = tpu.memref_slice %arg2[%dma_start3A_355, %dma_start3A_356] : memref<10000x128xf32, #tpu.memory_space<hbm>> -> memref<10000x128xf32, #tpu.memory_space<hbm>>
        tpu.enqueue_indirect_dma source(%dma_start3A_357 : memref<10000x128xf32, #tpu.memory_space<hbm>>) target(%arg10 : memref<50x128xf32, #tpu.memory_space<vmem>>) offsets(%dma_start3A_354 : memref<50xi32, #tpu.memory_space<vmem>>) semaphore(%arg14 : memref<!tpu.dma_semaphore, #tpu.memory_space<semaphore_mem>>)
        %add3A_358 = arith.constant 1 : i32
        %add3A_359 = arith.addi %mul3A_271, %add3A_358 : i32
        %dma_wait3A_360 = arith.constant 0 : i32
        %dma_wait3A_361 = tpu.memref_slice %arg9[%add3A_359, %dma_wait3A_360] : memref<56x50xi32, #tpu.memory_space<vmem>> -> memref<1x50xi32, #tpu.memory_space<vmem>>
        %dma_wait3A_362 = tpu.memref_squeeze %dma_wait3A_361 : memref<1x50xi32, #tpu.memory_space<vmem>> -> memref<50xi32, #tpu.memory_space<vmem>>
        %dma_wait3A_363 = arith.constant 0 : i32
        %dma_wait3A_364 = arith.constant 0 : i32
        %dma_wait3A_365 = tpu.memref_slice %arg7[%dma_wait3A_363, %dma_wait3A_364] : memref<10240x128xf32, #tpu.memory_space<vmem_shared>> -> memref<10240x128xf32, #tpu.memory_space<vmem_shared>>
        tpu.wait_indirect_dma semaphore(%arg19 : memref<!tpu.dma_semaphore, #tpu.memory_space<semaphore_mem>>) src(%arg11 : memref<50x128xf32, #tpu.memory_space<vmem>>) dst(%dma_wait3A_365 : memref<10240x128xf32, #tpu.memory_space<vmem_shared>>)
        %add3A_366 = arith.constant 4 : i32
        %add3A_367 = arith.addi %mul3A_271, %add3A_366 : i32
        %add3A_368 = arith.constant 1 : i32
        %add3A_369 = arith.addi %add3A_367, %add3A_368 : i32
        %dma_start3A_370 = arith.constant 0 : i32
        %dma_start3A_371 = tpu.memref_slice %arg8[%add3A_369, %dma_start3A_370] : memref<56x50xi32, #tpu.memory_space<vmem>> -> memref<1x50xi32, #tpu.memory_space<vmem>>
        %dma_start3A_372 = tpu.memref_squeeze %dma_start3A_371 : memref<1x50xi32, #tpu.memory_space<vmem>> -> memref<50xi32, #tpu.memory_space<vmem>>
        %dma_start3A_373 = arith.constant 0 : i32
        %dma_start3A_374 = arith.constant 0 : i32
        %dma_start3A_375 = tpu.memref_slice %arg2[%dma_start3A_373, %dma_start3A_374] : memref<10000x128xf32, #tpu.memory_space<hbm>> -> memref<10000x128xf32, #tpu.memory_space<hbm>>
        tpu.enqueue_indirect_dma source(%dma_start3A_375 : memref<10000x128xf32, #tpu.memory_space<hbm>>) target(%arg11 : memref<50x128xf32, #tpu.memory_space<vmem>>) offsets(%dma_start3A_372 : memref<50xi32, #tpu.memory_space<vmem>>) semaphore(%arg15 : memref<!tpu.dma_semaphore, #tpu.memory_space<semaphore_mem>>)
        %add3A_376 = arith.constant 2 : i32
        %add3A_377 = arith.addi %mul3A_271, %add3A_376 : i32
        %dma_wait3A_378 = arith.constant 0 : i32
        %dma_wait3A_379 = tpu.memref_slice %arg9[%add3A_377, %dma_wait3A_378] : memref<56x50xi32, #tpu.memory_space<vmem>> -> memref<1x50xi32, #tpu.memory_space<vmem>>
        %dma_wait3A_380 = tpu.memref_squeeze %dma_wait3A_379 : memref<1x50xi32, #tpu.memory_space<vmem>> -> memref<50xi32, #tpu.memory_space<vmem>>
        %dma_wait3A_381 = arith.constant 0 : i32
        %dma_wait3A_382 = arith.constant 0 : i32
        %dma_wait3A_383 = tpu.memref_slice %arg7[%dma_wait3A_381, %dma_wait3A_382] : memref<10240x128xf32, #tpu.memory_space<vmem_shared>> -> memref<10240x128xf32, #tpu.memory_space<vmem_shared>>
        tpu.wait_indirect_dma semaphore(%arg20 : memref<!tpu.dma_semaphore, #tpu.memory_space<semaphore_mem>>) src(%arg12 : memref<50x128xf32, #tpu.memory_space<vmem>>) dst(%dma_wait3A_383 : memref<10240x128xf32, #tpu.memory_space<vmem_shared>>)
        %add3A_384 = arith.constant 4 : i32
        %add3A_385 = arith.addi %mul3A_271, %add3A_384 : i32
        %add3A_386 = arith.constant 2 : i32
        %add3A_387 = arith.addi %add3A_385, %add3A_386 : i32
        %dma_start3A_388 = arith.constant 0 : i32
        %dma_start3A_389 = tpu.memref_slice %arg8[%add3A_387, %dma_start3A_388] : memref<56x50xi32, #tpu.memory_space<vmem>> -> memref<1x50xi32, #tpu.memory_space<vmem>>
        %dma_start3A_390 = tpu.memref_squeeze %dma_start3A_389 : memref<1x50xi32, #tpu.memory_space<vmem>> -> memref<50xi32, #tpu.memory_space<vmem>>
        %dma_start3A_391 = arith.constant 0 : i32
        %dma_start3A_392 = arith.constant 0 : i32
        %dma_start3A_393 = tpu.memref_slice %arg2[%dma_start3A_391, %dma_start3A_392] : memref<10000x128xf32, #tpu.memory_space<hbm>> -> memref<10000x128xf32, #tpu.memory_space<hbm>>
        tpu.enqueue_indirect_dma source(%dma_start3A_393 : memref<10000x128xf32, #tpu.memory_space<hbm>>) target(%arg12 : memref<50x128xf32, #tpu.memory_space<vmem>>) offsets(%dma_start3A_390 : memref<50xi32, #tpu.memory_space<vmem>>) semaphore(%arg16 : memref<!tpu.dma_semaphore, #tpu.memory_space<semaphore_mem>>)
        %add3A_394 = arith.constant 3 : i32
        %add3A_395 = arith.addi %mul3A_271, %add3A_394 : i32
        %dma_wait3A_396 = arith.constant 0 : i32
        %dma_wait3A_397 = tpu.memref_slice %arg9[%add3A_395, %dma_wait3A_396] : memref<56x50xi32, #tpu.memory_space<vmem>> -> memref<1x50xi32, #tpu.memory_space<vmem>>
        %dma_wait3A_398 = tpu.memref_squeeze %dma_wait3A_397 : memref<1x50xi32, #tpu.memory_space<vmem>> -> memref<50xi32, #tpu.memory_space<vmem>>
        %dma_wait3A_399 = arith.constant 0 : i32
        %dma_wait3A_400 = arith.constant 0 : i32
        %dma_wait3A_401 = tpu.memref_slice %arg7[%dma_wait3A_399, %dma_wait3A_400] : memref<10240x128xf32, #tpu.memory_space<vmem_shared>> -> memref<10240x128xf32, #tpu.memory_space<vmem_shared>>
        tpu.wait_indirect_dma semaphore(%arg21 : memref<!tpu.dma_semaphore, #tpu.memory_space<semaphore_mem>>) src(%arg13 : memref<50x128xf32, #tpu.memory_space<vmem>>) dst(%dma_wait3A_401 : memref<10240x128xf32, #tpu.memory_space<vmem_shared>>)
        %add3A_402 = arith.constant 4 : i32
        %add3A_403 = arith.addi %mul3A_271, %add3A_402 : i32
        %add3A_404 = arith.constant 3 : i32
        %add3A_405 = arith.addi %add3A_403, %add3A_404 : i32
        %dma_start3A_406 = arith.constant 0 : i32
        %dma_start3A_407 = tpu.memref_slice %arg8[%add3A_405, %dma_start3A_406] : memref<56x50xi32, #tpu.memory_space<vmem>> -> memref<1x50xi32, #tpu.memory_space<vmem>>
        %dma_start3A_408 = tpu.memref_squeeze %dma_start3A_407 : memref<1x50xi32, #tpu.memory_space<vmem>> -> memref<50xi32, #tpu.memory_space<vmem>>
        %dma_start3A_409 = arith.constant 0 : i32
        %dma_start3A_410 = arith.constant 0 : i32
        %dma_start3A_411 = tpu.memref_slice %arg2[%dma_start3A_409, %dma_start3A_410] : memref<10000x128xf32, #tpu.memory_space<hbm>> -> memref<10000x128xf32, #tpu.memory_space<hbm>>
        tpu.enqueue_indirect_dma source(%dma_start3A_411 : memref<10000x128xf32, #tpu.memory_space<hbm>>) target(%arg13 : memref<50x128xf32, #tpu.memory_space<vmem>>) offsets(%dma_start3A_408 : memref<50xi32, #tpu.memory_space<vmem>>) semaphore(%arg17 : memref<!tpu.dma_semaphore, #tpu.memory_space<semaphore_mem>>)
      } else {
      }
    }
    %scan3A_41 = arith.constant 14 : i32
    %dma_wait3A = arith.constant 52 : i32
    %dma_wait3A_42 = arith.constant 0 : i32
    %dma_wait3A_43 = tpu.memref_slice %arg9[%dma_wait3A, %dma_wait3A_42] : memref<56x50xi32, #tpu.memory_space<vmem>> -> memref<1x50xi32, #tpu.memory_space<vmem>>
    %dma_wait3A_44 = tpu.memref_squeeze %dma_wait3A_43 : memref<1x50xi32, #tpu.memory_space<vmem>> -> memref<50xi32, #tpu.memory_space<vmem>>
    %dma_wait3A_45 = arith.constant 0 : i32
    %dma_wait3A_46 = arith.constant 0 : i32
    %dma_wait3A_47 = tpu.memref_slice %arg7[%dma_wait3A_45, %dma_wait3A_46] : memref<10240x128xf32, #tpu.memory_space<vmem_shared>> -> memref<10240x128xf32, #tpu.memory_space<vmem_shared>>
    tpu.wait_indirect_dma semaphore(%arg18 : memref<!tpu.dma_semaphore, #tpu.memory_space<semaphore_mem>>) src(%arg10 : memref<50x128xf32, #tpu.memory_space<vmem>>) dst(%dma_wait3A_47 : memref<10240x128xf32, #tpu.memory_space<vmem_shared>>)
    %dma_wait3A_48 = arith.constant 53 : i32
    %dma_wait3A_49 = arith.constant 0 : i32
    %dma_wait3A_50 = tpu.memref_slice %arg9[%dma_wait3A_48, %dma_wait3A_49] : memref<56x50xi32, #tpu.memory_space<vmem>> -> memref<1x50xi32, #tpu.memory_space<vmem>>
    %dma_wait3A_51 = tpu.memref_squeeze %dma_wait3A_50 : memref<1x50xi32, #tpu.memory_space<vmem>> -> memref<50xi32, #tpu.memory_space<vmem>>
    %dma_wait3A_52 = arith.constant 0 : i32
    %dma_wait3A_53 = arith.constant 0 : i32
    %dma_wait3A_54 = tpu.memref_slice %arg7[%dma_wait3A_52, %dma_wait3A_53] : memref<10240x128xf32, #tpu.memory_space<vmem_shared>> -> memref<10240x128xf32, #tpu.memory_space<vmem_shared>>
    tpu.wait_indirect_dma semaphore(%arg19 : memref<!tpu.dma_semaphore, #tpu.memory_space<semaphore_mem>>) src(%arg11 : memref<50x128xf32, #tpu.memory_space<vmem>>) dst(%dma_wait3A_54 : memref<10240x128xf32, #tpu.memory_space<vmem_shared>>)
    %dma_wait3A_55 = arith.constant 54 : i32
    %dma_wait3A_56 = arith.constant 0 : i32
    %dma_wait3A_57 = tpu.memref_slice %arg9[%dma_wait3A_55, %dma_wait3A_56] : memref<56x50xi32, #tpu.memory_space<vmem>> -> memref<1x50xi32, #tpu.memory_space<vmem>>
    %dma_wait3A_58 = tpu.memref_squeeze %dma_wait3A_57 : memref<1x50xi32, #tpu.memory_space<vmem>> -> memref<50xi32, #tpu.memory_space<vmem>>
    %dma_wait3A_59 = arith.constant 0 : i32
    %dma_wait3A_60 = arith.constant 0 : i32
    %dma_wait3A_61 = tpu.memref_slice %arg7[%dma_wait3A_59, %dma_wait3A_60] : memref<10240x128xf32, #tpu.memory_space<vmem_shared>> -> memref<10240x128xf32, #tpu.memory_space<vmem_shared>>
    tpu.wait_indirect_dma semaphore(%arg20 : memref<!tpu.dma_semaphore, #tpu.memory_space<semaphore_mem>>) src(%arg12 : memref<50x128xf32, #tpu.memory_space<vmem>>) dst(%dma_wait3A_61 : memref<10240x128xf32, #tpu.memory_space<vmem_shared>>)
    %dma_wait3A_62 = arith.constant 55 : i32
    %dma_wait3A_63 = arith.constant 0 : i32
    %dma_wait3A_64 = tpu.memref_slice %arg9[%dma_wait3A_62, %dma_wait3A_63] : memref<56x50xi32, #tpu.memory_space<vmem>> -> memref<1x50xi32, #tpu.memory_space<vmem>>
    %dma_wait3A_65 = tpu.memref_squeeze %dma_wait3A_64 : memref<1x50xi32, #tpu.memory_space<vmem>> -> memref<50xi32, #tpu.memory_space<vmem>>
    %dma_wait3A_66 = arith.constant 0 : i32
    %dma_wait3A_67 = arith.constant 0 : i32
    %dma_wait3A_68 = tpu.memref_slice %arg7[%dma_wait3A_66, %dma_wait3A_67] : memref<10240x128xf32, #tpu.memory_space<vmem_shared>> -> memref<10240x128xf32, #tpu.memory_space<vmem_shared>>
    tpu.wait_indirect_dma semaphore(%arg21 : memref<!tpu.dma_semaphore, #tpu.memory_space<semaphore_mem>>) src(%arg13 : memref<50x128xf32, #tpu.memory_space<vmem>>) dst(%dma_wait3A_68 : memref<10240x128xf32, #tpu.memory_space<vmem_shared>>)
    %add3A_69 = arith.constant 56 : i32
    %add3A_70 = arith.addi %mul3A_6, %add3A_69 : i32
    "tpu.region"() ({
      %run_scoped3A = tpu.sem_alloc : memref<!tpu.dma_semaphore, #tpu.memory_space<semaphore_mem>>
      %dma_start3A_269 = arith.constant 0 : i32
      %dma_start3A_270 = arith.constant 0 : i32
      %dma_start3A_271 = tpu.memref_slice %arg8[%dma_start3A_269, %dma_start3A_270] : memref<56x50xi32, #tpu.memory_space<vmem>> -> memref<48x50xi32, #tpu.memory_space<vmem>>
      %dma_start3A_272 = arith.constant 0 : i32
      %dma_start3A_273 = tpu.memref_slice %arg3[%add3A_70, %dma_start3A_272] : memref<6400x50xi32, #tpu.memory_space<hbm>> -> memref<48x50xi32, #tpu.memory_space<hbm>>
      %dma_start3A_274 = arith.constant 0 : i32
      %dma_start3A_275 = arith.constant 0 : i32
      %dma_start3A_276 = tpu.memref_slice %arg8[%dma_start3A_274, %dma_start3A_275] : memref<56x50xi32, #tpu.memory_space<vmem>> -> memref<48x50xi32, #tpu.memory_space<vmem>>
      %dma_start3A_277 = arith.constant 0 : i32
      %dma_start3A_278 = tpu.memref_slice %arg3[%add3A_70, %dma_start3A_277] : memref<6400x50xi32, #tpu.memory_space<hbm>> -> memref<48x50xi32, #tpu.memory_space<hbm>>
      tpu.enqueue_dma source(%dma_start3A_278 : memref<48x50xi32, #tpu.memory_space<hbm>>) target(%dma_start3A_276 : memref<48x50xi32, #tpu.memory_space<vmem>>) target_semaphore(%run_scoped3A : memref<!tpu.dma_semaphore, #tpu.memory_space<semaphore_mem>>)
      %dma_wait3A_279 = arith.constant 0 : i32
      %dma_wait3A_280 = arith.constant 0 : i32
      %dma_wait3A_281 = tpu.memref_slice %arg8[%dma_wait3A_279, %dma_wait3A_280] : memref<56x50xi32, #tpu.memory_space<vmem>> -> memref<48x50xi32, #tpu.memory_space<vmem>>
      %dma_wait3A_282 = arith.constant 0 : i32
      %dma_wait3A_283 = tpu.memref_slice %arg3[%add3A_70, %dma_wait3A_282] : memref<6400x50xi32, #tpu.memory_space<hbm>> -> memref<48x50xi32, #tpu.memory_space<hbm>>
      %dma_wait3A_284 = arith.constant 0 : i32
      %dma_wait3A_285 = arith.constant 0 : i32
      %dma_wait3A_286 = tpu.memref_slice %arg8[%dma_wait3A_284, %dma_wait3A_285] : memref<56x50xi32, #tpu.memory_space<vmem>> -> memref<48x50xi32, #tpu.memory_space<vmem>>
      %dma_wait3A_287 = arith.constant 0 : i32
      %dma_wait3A_288 = tpu.memref_slice %arg3[%add3A_70, %dma_wait3A_287] : memref<6400x50xi32, #tpu.memory_space<hbm>> -> memref<48x50xi32, #tpu.memory_space<hbm>>
      tpu.wait_dma2 semaphore(%run_scoped3A : memref<!tpu.dma_semaphore, #tpu.memory_space<semaphore_mem>>) src(%dma_wait3A_288 : memref<48x50xi32, #tpu.memory_space<hbm>>) dst(%dma_wait3A_286 : memref<48x50xi32, #tpu.memory_space<vmem>>)
      tpu.yield
    }) : () -> ()
    %add3A_71 = arith.constant 56 : i32
    %add3A_72 = arith.addi %mul3A_6, %add3A_71 : i32
    "tpu.region"() ({
      %run_scoped3A = tpu.sem_alloc : memref<!tpu.dma_semaphore, #tpu.memory_space<semaphore_mem>>
      %dma_start3A_269 = arith.constant 0 : i32
      %dma_start3A_270 = arith.constant 0 : i32
      %dma_start3A_271 = tpu.memref_slice %arg9[%dma_start3A_269, %dma_start3A_270] : memref<56x50xi32, #tpu.memory_space<vmem>> -> memref<48x50xi32, #tpu.memory_space<vmem>>
      %dma_start3A_272 = arith.constant 0 : i32
      %dma_start3A_273 = tpu.memref_slice %arg4[%add3A_72, %dma_start3A_272] : memref<6400x50xi32, #tpu.memory_space<hbm>> -> memref<48x50xi32, #tpu.memory_space<hbm>>
      %dma_start3A_274 = arith.constant 0 : i32
      %dma_start3A_275 = arith.constant 0 : i32
      %dma_start3A_276 = tpu.memref_slice %arg9[%dma_start3A_274, %dma_start3A_275] : memref<56x50xi32, #tpu.memory_space<vmem>> -> memref<48x50xi32, #tpu.memory_space<vmem>>
      %dma_start3A_277 = arith.constant 0 : i32
      %dma_start3A_278 = tpu.memref_slice %arg4[%add3A_72, %dma_start3A_277] : memref<6400x50xi32, #tpu.memory_space<hbm>> -> memref<48x50xi32, #tpu.memory_space<hbm>>
      tpu.enqueue_dma source(%dma_start3A_278 : memref<48x50xi32, #tpu.memory_space<hbm>>) target(%dma_start3A_276 : memref<48x50xi32, #tpu.memory_space<vmem>>) target_semaphore(%run_scoped3A : memref<!tpu.dma_semaphore, #tpu.memory_space<semaphore_mem>>)
      %dma_wait3A_279 = arith.constant 0 : i32
      %dma_wait3A_280 = arith.constant 0 : i32
      %dma_wait3A_281 = tpu.memref_slice %arg9[%dma_wait3A_279, %dma_wait3A_280] : memref<56x50xi32, #tpu.memory_space<vmem>> -> memref<48x50xi32, #tpu.memory_space<vmem>>
      %dma_wait3A_282 = arith.constant 0 : i32
      %dma_wait3A_283 = tpu.memref_slice %arg4[%add3A_72, %dma_wait3A_282] : memref<6400x50xi32, #tpu.memory_space<hbm>> -> memref<48x50xi32, #tpu.memory_space<hbm>>
      %dma_wait3A_284 = arith.constant 0 : i32
      %dma_wait3A_285 = arith.constant 0 : i32
      %dma_wait3A_286 = tpu.memref_slice %arg9[%dma_wait3A_284, %dma_wait3A_285] : memref<56x50xi32, #tpu.memory_space<vmem>> -> memref<48x50xi32, #tpu.memory_space<vmem>>
      %dma_wait3A_287 = arith.constant 0 : i32
      %dma_wait3A_288 = tpu.memref_slice %arg4[%add3A_72, %dma_wait3A_287] : memref<6400x50xi32, #tpu.memory_space<hbm>> -> memref<48x50xi32, #tpu.memory_space<hbm>>
      tpu.wait_dma2 semaphore(%run_scoped3A : memref<!tpu.dma_semaphore, #tpu.memory_space<semaphore_mem>>) src(%dma_wait3A_288 : memref<48x50xi32, #tpu.memory_space<hbm>>) dst(%dma_wait3A_286 : memref<48x50xi32, #tpu.memory_space<vmem>>)
      tpu.yield
    }) : () -> ()
    %dma_start3A_73 = arith.constant 0 : i32
    %dma_start3A_74 = arith.constant 0 : i32
    %dma_start3A_75 = tpu.memref_slice %arg8[%dma_start3A_73, %dma_start3A_74] : memref<56x50xi32, #tpu.memory_space<vmem>> -> memref<1x50xi32, #tpu.memory_space<vmem>>
    %dma_start3A_76 = tpu.memref_squeeze %dma_start3A_75 : memref<1x50xi32, #tpu.memory_space<vmem>> -> memref<50xi32, #tpu.memory_space<vmem>>
    %dma_start3A_77 = arith.constant 0 : i32
    %dma_start3A_78 = arith.constant 0 : i32
    %dma_start3A_79 = tpu.memref_slice %arg2[%dma_start3A_77, %dma_start3A_78] : memref<10000x128xf32, #tpu.memory_space<hbm>> -> memref<10000x128xf32, #tpu.memory_space<hbm>>
    tpu.enqueue_indirect_dma source(%dma_start3A_79 : memref<10000x128xf32, #tpu.memory_space<hbm>>) target(%arg10 : memref<50x128xf32, #tpu.memory_space<vmem>>) offsets(%dma_start3A_76 : memref<50xi32, #tpu.memory_space<vmem>>) semaphore(%arg14 : memref<!tpu.dma_semaphore, #tpu.memory_space<semaphore_mem>>)
    %dma_start3A_80 = arith.constant 1 : i32
    %dma_start3A_81 = arith.constant 0 : i32
    %dma_start3A_82 = tpu.memref_slice %arg8[%dma_start3A_80, %dma_start3A_81] : memref<56x50xi32, #tpu.memory_space<vmem>> -> memref<1x50xi32, #tpu.memory_space<vmem>>
    %dma_start3A_83 = tpu.memref_squeeze %dma_start3A_82 : memref<1x50xi32, #tpu.memory_space<vmem>> -> memref<50xi32, #tpu.memory_space<vmem>>
    %dma_start3A_84 = arith.constant 0 : i32
    %dma_start3A_85 = arith.constant 0 : i32
    %dma_start3A_86 = tpu.memref_slice %arg2[%dma_start3A_84, %dma_start3A_85] : memref<10000x128xf32, #tpu.memory_space<hbm>> -> memref<10000x128xf32, #tpu.memory_space<hbm>>
    tpu.enqueue_indirect_dma source(%dma_start3A_86 : memref<10000x128xf32, #tpu.memory_space<hbm>>) target(%arg11 : memref<50x128xf32, #tpu.memory_space<vmem>>) offsets(%dma_start3A_83 : memref<50xi32, #tpu.memory_space<vmem>>) semaphore(%arg15 : memref<!tpu.dma_semaphore, #tpu.memory_space<semaphore_mem>>)
    %dma_start3A_87 = arith.constant 2 : i32
    %dma_start3A_88 = arith.constant 0 : i32
    %dma_start3A_89 = tpu.memref_slice %arg8[%dma_start3A_87, %dma_start3A_88] : memref<56x50xi32, #tpu.memory_space<vmem>> -> memref<1x50xi32, #tpu.memory_space<vmem>>
    %dma_start3A_90 = tpu.memref_squeeze %dma_start3A_89 : memref<1x50xi32, #tpu.memory_space<vmem>> -> memref<50xi32, #tpu.memory_space<vmem>>
    %dma_start3A_91 = arith.constant 0 : i32
    %dma_start3A_92 = arith.constant 0 : i32
    %dma_start3A_93 = tpu.memref_slice %arg2[%dma_start3A_91, %dma_start3A_92] : memref<10000x128xf32, #tpu.memory_space<hbm>> -> memref<10000x128xf32, #tpu.memory_space<hbm>>
    tpu.enqueue_indirect_dma source(%dma_start3A_93 : memref<10000x128xf32, #tpu.memory_space<hbm>>) target(%arg12 : memref<50x128xf32, #tpu.memory_space<vmem>>) offsets(%dma_start3A_90 : memref<50xi32, #tpu.memory_space<vmem>>) semaphore(%arg16 : memref<!tpu.dma_semaphore, #tpu.memory_space<semaphore_mem>>)
    %dma_start3A_94 = arith.constant 3 : i32
    %dma_start3A_95 = arith.constant 0 : i32
    %dma_start3A_96 = tpu.memref_slice %arg8[%dma_start3A_94, %dma_start3A_95] : memref<56x50xi32, #tpu.memory_space<vmem>> -> memref<1x50xi32, #tpu.memory_space<vmem>>
    %dma_start3A_97 = tpu.memref_squeeze %dma_start3A_96 : memref<1x50xi32, #tpu.memory_space<vmem>> -> memref<50xi32, #tpu.memory_space<vmem>>
    %dma_start3A_98 = arith.constant 0 : i32
    %dma_start3A_99 = arith.constant 0 : i32
    %dma_start3A_100 = tpu.memref_slice %arg2[%dma_start3A_98, %dma_start3A_99] : memref<10000x128xf32, #tpu.memory_space<hbm>> -> memref<10000x128xf32, #tpu.memory_space<hbm>>
    tpu.enqueue_indirect_dma source(%dma_start3A_100 : memref<10000x128xf32, #tpu.memory_space<hbm>>) target(%arg13 : memref<50x128xf32, #tpu.memory_space<vmem>>) offsets(%dma_start3A_97 : memref<50xi32, #tpu.memory_space<vmem>>) semaphore(%arg17 : memref<!tpu.dma_semaphore, #tpu.memory_space<semaphore_mem>>)
    %scan3A_101 = arith.constant 0 : i32
    %scan3A_102 = arith.constant 12 : i32
    %scan3A_103 = arith.addi %scan3A_101, %scan3A_102 : i32
    %scan3A_104 = arith.constant 1 : i32
    scf.for %scan3A_269 = %scan3A_101 to %scan3A_103 step %scan3A_104  : i32 {
      %mul3A_270 = arith.constant 4 : i32
      %mul3A_271 = arith.muli %scan3A_269, %mul3A_270 : i32
      %add3A_272 = arith.constant 0 : i32
      %add3A_273 = arith.addi %mul3A_271, %add3A_272 : i32
      %dma_wait3A_274 = arith.constant 0 : i32
      %dma_wait3A_275 = tpu.memref_slice %arg8[%add3A_273, %dma_wait3A_274] : memref<56x50xi32, #tpu.memory_space<vmem>> -> memref<1x50xi32, #tpu.memory_space<vmem>>
      %dma_wait3A_276 = tpu.memref_squeeze %dma_wait3A_275 : memref<1x50xi32, #tpu.memory_space<vmem>> -> memref<50xi32, #tpu.memory_space<vmem>>
      %dma_wait3A_277 = arith.constant 0 : i32
      %dma_wait3A_278 = arith.constant 0 : i32
      %dma_wait3A_279 = tpu.memref_slice %arg2[%dma_wait3A_277, %dma_wait3A_278] : memref<10000x128xf32, #tpu.memory_space<hbm>> -> memref<10000x128xf32, #tpu.memory_space<hbm>>
      tpu.wait_indirect_dma semaphore(%arg14 : memref<!tpu.dma_semaphore, #tpu.memory_space<semaphore_mem>>) src(%dma_wait3A_279 : memref<10000x128xf32, #tpu.memory_space<hbm>>) dst(%arg10 : memref<50x128xf32, #tpu.memory_space<vmem>>)
      %add3A_280 = arith.constant 0 : i32
      %add3A_281 = arith.addi %mul3A_271, %add3A_280 : i32
      %dma_start3A_282 = arith.constant 0 : i32
      %dma_start3A_283 = tpu.memref_slice %arg9[%add3A_281, %dma_start3A_282] : memref<56x50xi32, #tpu.memory_space<vmem>> -> memref<1x50xi32, #tpu.memory_space<vmem>>
      %dma_start3A_284 = tpu.memref_squeeze %dma_start3A_283 : memref<1x50xi32, #tpu.memory_space<vmem>> -> memref<50xi32, #tpu.memory_space<vmem>>
      %dma_start3A_285 = arith.constant 0 : i32
      %dma_start3A_286 = arith.constant 0 : i32
      %dma_start3A_287 = tpu.memref_slice %arg7[%dma_start3A_285, %dma_start3A_286] : memref<10240x128xf32, #tpu.memory_space<vmem_shared>> -> memref<10240x128xf32, #tpu.memory_space<vmem_shared>>
      tpu.enqueue_indirect_dma source(%arg10 : memref<50x128xf32, #tpu.memory_space<vmem>>) target(%dma_start3A_287 : memref<10240x128xf32, #tpu.memory_space<vmem_shared>>) offsets(%dma_start3A_284 : memref<50xi32, #tpu.memory_space<vmem>>) semaphore(%arg18 : memref<!tpu.dma_semaphore, #tpu.memory_space<semaphore_mem>>) {add = true}
      %add3A_288 = arith.constant 1 : i32
      %add3A_289 = arith.addi %mul3A_271, %add3A_288 : i32
      %dma_wait3A_290 = arith.constant 0 : i32
      %dma_wait3A_291 = tpu.memref_slice %arg8[%add3A_289, %dma_wait3A_290] : memref<56x50xi32, #tpu.memory_space<vmem>> -> memref<1x50xi32, #tpu.memory_space<vmem>>
      %dma_wait3A_292 = tpu.memref_squeeze %dma_wait3A_291 : memref<1x50xi32, #tpu.memory_space<vmem>> -> memref<50xi32, #tpu.memory_space<vmem>>
      %dma_wait3A_293 = arith.constant 0 : i32
      %dma_wait3A_294 = arith.constant 0 : i32
      %dma_wait3A_295 = tpu.memref_slice %arg2[%dma_wait3A_293, %dma_wait3A_294] : memref<10000x128xf32, #tpu.memory_space<hbm>> -> memref<10000x128xf32, #tpu.memory_space<hbm>>
      tpu.wait_indirect_dma semaphore(%arg15 : memref<!tpu.dma_semaphore, #tpu.memory_space<semaphore_mem>>) src(%dma_wait3A_295 : memref<10000x128xf32, #tpu.memory_space<hbm>>) dst(%arg11 : memref<50x128xf32, #tpu.memory_space<vmem>>)
      %add3A_296 = arith.constant 1 : i32
      %add3A_297 = arith.addi %mul3A_271, %add3A_296 : i32
      %dma_start3A_298 = arith.constant 0 : i32
      %dma_start3A_299 = tpu.memref_slice %arg9[%add3A_297, %dma_start3A_298] : memref<56x50xi32, #tpu.memory_space<vmem>> -> memref<1x50xi32, #tpu.memory_space<vmem>>
      %dma_start3A_300 = tpu.memref_squeeze %dma_start3A_299 : memref<1x50xi32, #tpu.memory_space<vmem>> -> memref<50xi32, #tpu.memory_space<vmem>>
      %dma_start3A_301 = arith.constant 0 : i32
      %dma_start3A_302 = arith.constant 0 : i32
      %dma_start3A_303 = tpu.memref_slice %arg7[%dma_start3A_301, %dma_start3A_302] : memref<10240x128xf32, #tpu.memory_space<vmem_shared>> -> memref<10240x128xf32, #tpu.memory_space<vmem_shared>>
      tpu.enqueue_indirect_dma source(%arg11 : memref<50x128xf32, #tpu.memory_space<vmem>>) target(%dma_start3A_303 : memref<10240x128xf32, #tpu.memory_space<vmem_shared>>) offsets(%dma_start3A_300 : memref<50xi32, #tpu.memory_space<vmem>>) semaphore(%arg19 : memref<!tpu.dma_semaphore, #tpu.memory_space<semaphore_mem>>) {add = true}
      %add3A_304 = arith.constant 2 : i32
      %add3A_305 = arith.addi %mul3A_271, %add3A_304 : i32
      %dma_wait3A_306 = arith.constant 0 : i32
      %dma_wait3A_307 = tpu.memref_slice %arg8[%add3A_305, %dma_wait3A_306] : memref<56x50xi32, #tpu.memory_space<vmem>> -> memref<1x50xi32, #tpu.memory_space<vmem>>
      %dma_wait3A_308 = tpu.memref_squeeze %dma_wait3A_307 : memref<1x50xi32, #tpu.memory_space<vmem>> -> memref<50xi32, #tpu.memory_space<vmem>>
      %dma_wait3A_309 = arith.constant 0 : i32
      %dma_wait3A_310 = arith.constant 0 : i32
      %dma_wait3A_311 = tpu.memref_slice %arg2[%dma_wait3A_309, %dma_wait3A_310] : memref<10000x128xf32, #tpu.memory_space<hbm>> -> memref<10000x128xf32, #tpu.memory_space<hbm>>
      tpu.wait_indirect_dma semaphore(%arg16 : memref<!tpu.dma_semaphore, #tpu.memory_space<semaphore_mem>>) src(%dma_wait3A_311 : memref<10000x128xf32, #tpu.memory_space<hbm>>) dst(%arg12 : memref<50x128xf32, #tpu.memory_space<vmem>>)
      %add3A_312 = arith.constant 2 : i32
      %add3A_313 = arith.addi %mul3A_271, %add3A_312 : i32
      %dma_start3A_314 = arith.constant 0 : i32
      %dma_start3A_315 = tpu.memref_slice %arg9[%add3A_313, %dma_start3A_314] : memref<56x50xi32, #tpu.memory_space<vmem>> -> memref<1x50xi32, #tpu.memory_space<vmem>>
      %dma_start3A_316 = tpu.memref_squeeze %dma_start3A_315 : memref<1x50xi32, #tpu.memory_space<vmem>> -> memref<50xi32, #tpu.memory_space<vmem>>
      %dma_start3A_317 = arith.constant 0 : i32
      %dma_start3A_318 = arith.constant 0 : i32
      %dma_start3A_319 = tpu.memref_slice %arg7[%dma_start3A_317, %dma_start3A_318] : memref<10240x128xf32, #tpu.memory_space<vmem_shared>> -> memref<10240x128xf32, #tpu.memory_space<vmem_shared>>
      tpu.enqueue_indirect_dma source(%arg12 : memref<50x128xf32, #tpu.memory_space<vmem>>) target(%dma_start3A_319 : memref<10240x128xf32, #tpu.memory_space<vmem_shared>>) offsets(%dma_start3A_316 : memref<50xi32, #tpu.memory_space<vmem>>) semaphore(%arg20 : memref<!tpu.dma_semaphore, #tpu.memory_space<semaphore_mem>>) {add = true}
      %add3A_320 = arith.constant 3 : i32
      %add3A_321 = arith.addi %mul3A_271, %add3A_320 : i32
      %dma_wait3A_322 = arith.constant 0 : i32
      %dma_wait3A_323 = tpu.memref_slice %arg8[%add3A_321, %dma_wait3A_322] : memref<56x50xi32, #tpu.memory_space<vmem>> -> memref<1x50xi32, #tpu.memory_space<vmem>>
      %dma_wait3A_324 = tpu.memref_squeeze %dma_wait3A_323 : memref<1x50xi32, #tpu.memory_space<vmem>> -> memref<50xi32, #tpu.memory_space<vmem>>
      %dma_wait3A_325 = arith.constant 0 : i32
      %dma_wait3A_326 = arith.constant 0 : i32
      %dma_wait3A_327 = tpu.memref_slice %arg2[%dma_wait3A_325, %dma_wait3A_326] : memref<10000x128xf32, #tpu.memory_space<hbm>> -> memref<10000x128xf32, #tpu.memory_space<hbm>>
      tpu.wait_indirect_dma semaphore(%arg17 : memref<!tpu.dma_semaphore, #tpu.memory_space<semaphore_mem>>) src(%dma_wait3A_327 : memref<10000x128xf32, #tpu.memory_space<hbm>>) dst(%arg13 : memref<50x128xf32, #tpu.memory_space<vmem>>)
      %add3A_328 = arith.constant 3 : i32
      %add3A_329 = arith.addi %mul3A_271, %add3A_328 : i32
      %dma_start3A_330 = arith.constant 0 : i32
      %dma_start3A_331 = tpu.memref_slice %arg9[%add3A_329, %dma_start3A_330] : memref<56x50xi32, #tpu.memory_space<vmem>> -> memref<1x50xi32, #tpu.memory_space<vmem>>
      %dma_start3A_332 = tpu.memref_squeeze %dma_start3A_331 : memref<1x50xi32, #tpu.memory_space<vmem>> -> memref<50xi32, #tpu.memory_space<vmem>>
      %dma_start3A_333 = arith.constant 0 : i32
      %dma_start3A_334 = arith.constant 0 : i32
      %dma_start3A_335 = tpu.memref_slice %arg7[%dma_start3A_333, %dma_start3A_334] : memref<10240x128xf32, #tpu.memory_space<vmem_shared>> -> memref<10240x128xf32, #tpu.memory_space<vmem_shared>>
      tpu.enqueue_indirect_dma source(%arg13 : memref<50x128xf32, #tpu.memory_space<vmem>>) target(%dma_start3A_335 : memref<10240x128xf32, #tpu.memory_space<vmem_shared>>) offsets(%dma_start3A_332 : memref<50xi32, #tpu.memory_space<vmem>>) semaphore(%arg21 : memref<!tpu.dma_semaphore, #tpu.memory_space<semaphore_mem>>) {add = true}
      %add3A_336 = arith.constant 1 : i32
      %add3A_337 = arith.addi %scan3A_269, %add3A_336 : i32
      %lt3A = arith.constant 12 : i32
      %lt3A_338 = arith.cmpi slt, %add3A_337, %lt3A : i32
      %convert_element_type3A = arith.extui %lt3A_338 : i1 to i32
      %cond3A = arith.constant 0 : i32
      %cond3A_339 = arith.cmpi ne, %convert_element_type3A, %cond3A : i32
      scf.if %cond3A_339 {
        %add3A_340 = arith.constant 0 : i32
        %add3A_341 = arith.addi %mul3A_271, %add3A_340 : i32
        %dma_wait3A_342 = arith.constant 0 : i32
        %dma_wait3A_343 = tpu.memref_slice %arg9[%add3A_341, %dma_wait3A_342] : memref<56x50xi32, #tpu.memory_space<vmem>> -> memref<1x50xi32, #tpu.memory_space<vmem>>
        %dma_wait3A_344 = tpu.memref_squeeze %dma_wait3A_343 : memref<1x50xi32, #tpu.memory_space<vmem>> -> memref<50xi32, #tpu.memory_space<vmem>>
        %dma_wait3A_345 = arith.constant 0 : i32
        %dma_wait3A_346 = arith.constant 0 : i32
        %dma_wait3A_347 = tpu.memref_slice %arg7[%dma_wait3A_345, %dma_wait3A_346] : memref<10240x128xf32, #tpu.memory_space<vmem_shared>> -> memref<10240x128xf32, #tpu.memory_space<vmem_shared>>
        tpu.wait_indirect_dma semaphore(%arg18 : memref<!tpu.dma_semaphore, #tpu.memory_space<semaphore_mem>>) src(%arg10 : memref<50x128xf32, #tpu.memory_space<vmem>>) dst(%dma_wait3A_347 : memref<10240x128xf32, #tpu.memory_space<vmem_shared>>)
        %add3A_348 = arith.constant 4 : i32
        %add3A_349 = arith.addi %mul3A_271, %add3A_348 : i32
        %add3A_350 = arith.constant 0 : i32
        %add3A_351 = arith.addi %add3A_349, %add3A_350 : i32
        %dma_start3A_352 = arith.constant 0 : i32
        %dma_start3A_353 = tpu.memref_slice %arg8[%add3A_351, %dma_start3A_352] : memref<56x50xi32, #tpu.memory_space<vmem>> -> memref<1x50xi32, #tpu.memory_space<vmem>>
        %dma_start3A_354 = tpu.memref_squeeze %dma_start3A_353 : memref<1x50xi32, #tpu.memory_space<vmem>> -> memref<50xi32, #tpu.memory_space<vmem>>
        %dma_start3A_355 = arith.constant 0 : i32
        %dma_start3A_356 = arith.constant 0 : i32
        %dma_start3A_357 = tpu.memref_slice %arg2[%dma_start3A_355, %dma_start3A_356] : memref<10000x128xf32, #tpu.memory_space<hbm>> -> memref<10000x128xf32, #tpu.memory_space<hbm>>
        tpu.enqueue_indirect_dma source(%dma_start3A_357 : memref<10000x128xf32, #tpu.memory_space<hbm>>) target(%arg10 : memref<50x128xf32, #tpu.memory_space<vmem>>) offsets(%dma_start3A_354 : memref<50xi32, #tpu.memory_space<vmem>>) semaphore(%arg14 : memref<!tpu.dma_semaphore, #tpu.memory_space<semaphore_mem>>)
        %add3A_358 = arith.constant 1 : i32
        %add3A_359 = arith.addi %mul3A_271, %add3A_358 : i32
        %dma_wait3A_360 = arith.constant 0 : i32
        %dma_wait3A_361 = tpu.memref_slice %arg9[%add3A_359, %dma_wait3A_360] : memref<56x50xi32, #tpu.memory_space<vmem>> -> memref<1x50xi32, #tpu.memory_space<vmem>>
        %dma_wait3A_362 = tpu.memref_squeeze %dma_wait3A_361 : memref<1x50xi32, #tpu.memory_space<vmem>> -> memref<50xi32, #tpu.memory_space<vmem>>
        %dma_wait3A_363 = arith.constant 0 : i32
        %dma_wait3A_364 = arith.constant 0 : i32
        %dma_wait3A_365 = tpu.memref_slice %arg7[%dma_wait3A_363, %dma_wait3A_364] : memref<10240x128xf32, #tpu.memory_space<vmem_shared>> -> memref<10240x128xf32, #tpu.memory_space<vmem_shared>>
        tpu.wait_indirect_dma semaphore(%arg19 : memref<!tpu.dma_semaphore, #tpu.memory_space<semaphore_mem>>) src(%arg11 : memref<50x128xf32, #tpu.memory_space<vmem>>) dst(%dma_wait3A_365 : memref<10240x128xf32, #tpu.memory_space<vmem_shared>>)
        %add3A_366 = arith.constant 4 : i32
        %add3A_367 = arith.addi %mul3A_271, %add3A_366 : i32
        %add3A_368 = arith.constant 1 : i32
        %add3A_369 = arith.addi %add3A_367, %add3A_368 : i32
        %dma_start3A_370 = arith.constant 0 : i32
        %dma_start3A_371 = tpu.memref_slice %arg8[%add3A_369, %dma_start3A_370] : memref<56x50xi32, #tpu.memory_space<vmem>> -> memref<1x50xi32, #tpu.memory_space<vmem>>
        %dma_start3A_372 = tpu.memref_squeeze %dma_start3A_371 : memref<1x50xi32, #tpu.memory_space<vmem>> -> memref<50xi32, #tpu.memory_space<vmem>>
        %dma_start3A_373 = arith.constant 0 : i32
        %dma_start3A_374 = arith.constant 0 : i32
        %dma_start3A_375 = tpu.memref_slice %arg2[%dma_start3A_373, %dma_start3A_374] : memref<10000x128xf32, #tpu.memory_space<hbm>> -> memref<10000x128xf32, #tpu.memory_space<hbm>>
        tpu.enqueue_indirect_dma source(%dma_start3A_375 : memref<10000x128xf32, #tpu.memory_space<hbm>>) target(%arg11 : memref<50x128xf32, #tpu.memory_space<vmem>>) offsets(%dma_start3A_372 : memref<50xi32, #tpu.memory_space<vmem>>) semaphore(%arg15 : memref<!tpu.dma_semaphore, #tpu.memory_space<semaphore_mem>>)
        %add3A_376 = arith.constant 2 : i32
        %add3A_377 = arith.addi %mul3A_271, %add3A_376 : i32
        %dma_wait3A_378 = arith.constant 0 : i32
        %dma_wait3A_379 = tpu.memref_slice %arg9[%add3A_377, %dma_wait3A_378] : memref<56x50xi32, #tpu.memory_space<vmem>> -> memref<1x50xi32, #tpu.memory_space<vmem>>
        %dma_wait3A_380 = tpu.memref_squeeze %dma_wait3A_379 : memref<1x50xi32, #tpu.memory_space<vmem>> -> memref<50xi32, #tpu.memory_space<vmem>>
        %dma_wait3A_381 = arith.constant 0 : i32
        %dma_wait3A_382 = arith.constant 0 : i32
        %dma_wait3A_383 = tpu.memref_slice %arg7[%dma_wait3A_381, %dma_wait3A_382] : memref<10240x128xf32, #tpu.memory_space<vmem_shared>> -> memref<10240x128xf32, #tpu.memory_space<vmem_shared>>
        tpu.wait_indirect_dma semaphore(%arg20 : memref<!tpu.dma_semaphore, #tpu.memory_space<semaphore_mem>>) src(%arg12 : memref<50x128xf32, #tpu.memory_space<vmem>>) dst(%dma_wait3A_383 : memref<10240x128xf32, #tpu.memory_space<vmem_shared>>)
        %add3A_384 = arith.constant 4 : i32
        %add3A_385 = arith.addi %mul3A_271, %add3A_384 : i32
        %add3A_386 = arith.constant 2 : i32
        %add3A_387 = arith.addi %add3A_385, %add3A_386 : i32
        %dma_start3A_388 = arith.constant 0 : i32
        %dma_start3A_389 = tpu.memref_slice %arg8[%add3A_387, %dma_start3A_388] : memref<56x50xi32, #tpu.memory_space<vmem>> -> memref<1x50xi32, #tpu.memory_space<vmem>>
        %dma_start3A_390 = tpu.memref_squeeze %dma_start3A_389 : memref<1x50xi32, #tpu.memory_space<vmem>> -> memref<50xi32, #tpu.memory_space<vmem>>
        %dma_start3A_391 = arith.constant 0 : i32
        %dma_start3A_392 = arith.constant 0 : i32
        %dma_start3A_393 = tpu.memref_slice %arg2[%dma_start3A_391, %dma_start3A_392] : memref<10000x128xf32, #tpu.memory_space<hbm>> -> memref<10000x128xf32, #tpu.memory_space<hbm>>
        tpu.enqueue_indirect_dma source(%dma_start3A_393 : memref<10000x128xf32, #tpu.memory_space<hbm>>) target(%arg12 : memref<50x128xf32, #tpu.memory_space<vmem>>) offsets(%dma_start3A_390 : memref<50xi32, #tpu.memory_space<vmem>>) semaphore(%arg16 : memref<!tpu.dma_semaphore, #tpu.memory_space<semaphore_mem>>)
        %add3A_394 = arith.constant 3 : i32
        %add3A_395 = arith.addi %mul3A_271, %add3A_394 : i32
        %dma_wait3A_396 = arith.constant 0 : i32
        %dma_wait3A_397 = tpu.memref_slice %arg9[%add3A_395, %dma_wait3A_396] : memref<56x50xi32, #tpu.memory_space<vmem>> -> memref<1x50xi32, #tpu.memory_space<vmem>>
        %dma_wait3A_398 = tpu.memref_squeeze %dma_wait3A_397 : memref<1x50xi32, #tpu.memory_space<vmem>> -> memref<50xi32, #tpu.memory_space<vmem>>
        %dma_wait3A_399 = arith.constant 0 : i32
        %dma_wait3A_400 = arith.constant 0 : i32
        %dma_wait3A_401 = tpu.memref_slice %arg7[%dma_wait3A_399, %dma_wait3A_400] : memref<10240x128xf32, #tpu.memory_space<vmem_shared>> -> memref<10240x128xf32, #tpu.memory_space<vmem_shared>>
        tpu.wait_indirect_dma semaphore(%arg21 : memref<!tpu.dma_semaphore, #tpu.memory_space<semaphore_mem>>) src(%arg13 : memref<50x128xf32, #tpu.memory_space<vmem>>) dst(%dma_wait3A_401 : memref<10240x128xf32, #tpu.memory_space<vmem_shared>>)
        %add3A_402 = arith.constant 4 : i32
        %add3A_403 = arith.addi %mul3A_271, %add3A_402 : i32
        %add3A_404 = arith.constant 3 : i32
        %add3A_405 = arith.addi %add3A_403, %add3A_404 : i32
        %dma_start3A_406 = arith.constant 0 : i32
        %dma_start3A_407 = tpu.memref_slice %arg8[%add3A_405, %dma_start3A_406] : memref<56x50xi32, #tpu.memory_space<vmem>> -> memref<1x50xi32, #tpu.memory_space<vmem>>
        %dma_start3A_408 = tpu.memref_squeeze %dma_start3A_407 : memref<1x50xi32, #tpu.memory_space<vmem>> -> memref<50xi32, #tpu.memory_space<vmem>>
        %dma_start3A_409 = arith.constant 0 : i32
        %dma_start3A_410 = arith.constant 0 : i32
        %dma_start3A_411 = tpu.memref_slice %arg2[%dma_start3A_409, %dma_start3A_410] : memref<10000x128xf32, #tpu.memory_space<hbm>> -> memref<10000x128xf32, #tpu.memory_space<hbm>>
        tpu.enqueue_indirect_dma source(%dma_start3A_411 : memref<10000x128xf32, #tpu.memory_space<hbm>>) target(%arg13 : memref<50x128xf32, #tpu.memory_space<vmem>>) offsets(%dma_start3A_408 : memref<50xi32, #tpu.memory_space<vmem>>) semaphore(%arg17 : memref<!tpu.dma_semaphore, #tpu.memory_space<semaphore_mem>>)
      } else {
      }
    }
    %scan3A_105 = arith.constant 12 : i32
    %dma_wait3A_106 = arith.constant 44 : i32
    %dma_wait3A_107 = arith.constant 0 : i32
    %dma_wait3A_108 = tpu.memref_slice %arg9[%dma_wait3A_106, %dma_wait3A_107] : memref<56x50xi32, #tpu.memory_space<vmem>> -> memref<1x50xi32, #tpu.memory_space<vmem>>
    %dma_wait3A_109 = tpu.memref_squeeze %dma_wait3A_108 : memref<1x50xi32, #tpu.memory_space<vmem>> -> memref<50xi32, #tpu.memory_space<vmem>>
    %dma_wait3A_110 = arith.constant 0 : i32
    %dma_wait3A_111 = arith.constant 0 : i32
    %dma_wait3A_112 = tpu.memref_slice %arg7[%dma_wait3A_110, %dma_wait3A_111] : memref<10240x128xf32, #tpu.memory_space<vmem_shared>> -> memref<10240x128xf32, #tpu.memory_space<vmem_shared>>
    tpu.wait_indirect_dma semaphore(%arg18 : memref<!tpu.dma_semaphore, #tpu.memory_space<semaphore_mem>>) src(%arg10 : memref<50x128xf32, #tpu.memory_space<vmem>>) dst(%dma_wait3A_112 : memref<10240x128xf32, #tpu.memory_space<vmem_shared>>)
    %dma_wait3A_113 = arith.constant 45 : i32
    %dma_wait3A_114 = arith.constant 0 : i32
    %dma_wait3A_115 = tpu.memref_slice %arg9[%dma_wait3A_113, %dma_wait3A_114] : memref<56x50xi32, #tpu.memory_space<vmem>> -> memref<1x50xi32, #tpu.memory_space<vmem>>
    %dma_wait3A_116 = tpu.memref_squeeze %dma_wait3A_115 : memref<1x50xi32, #tpu.memory_space<vmem>> -> memref<50xi32, #tpu.memory_space<vmem>>
    %dma_wait3A_117 = arith.constant 0 : i32
    %dma_wait3A_118 = arith.constant 0 : i32
    %dma_wait3A_119 = tpu.memref_slice %arg7[%dma_wait3A_117, %dma_wait3A_118] : memref<10240x128xf32, #tpu.memory_space<vmem_shared>> -> memref<10240x128xf32, #tpu.memory_space<vmem_shared>>
    tpu.wait_indirect_dma semaphore(%arg19 : memref<!tpu.dma_semaphore, #tpu.memory_space<semaphore_mem>>) src(%arg11 : memref<50x128xf32, #tpu.memory_space<vmem>>) dst(%dma_wait3A_119 : memref<10240x128xf32, #tpu.memory_space<vmem_shared>>)
    %dma_wait3A_120 = arith.constant 46 : i32
    %dma_wait3A_121 = arith.constant 0 : i32
    %dma_wait3A_122 = tpu.memref_slice %arg9[%dma_wait3A_120, %dma_wait3A_121] : memref<56x50xi32, #tpu.memory_space<vmem>> -> memref<1x50xi32, #tpu.memory_space<vmem>>
    %dma_wait3A_123 = tpu.memref_squeeze %dma_wait3A_122 : memref<1x50xi32, #tpu.memory_space<vmem>> -> memref<50xi32, #tpu.memory_space<vmem>>
    %dma_wait3A_124 = arith.constant 0 : i32
    %dma_wait3A_125 = arith.constant 0 : i32
    %dma_wait3A_126 = tpu.memref_slice %arg7[%dma_wait3A_124, %dma_wait3A_125] : memref<10240x128xf32, #tpu.memory_space<vmem_shared>> -> memref<10240x128xf32, #tpu.memory_space<vmem_shared>>
    tpu.wait_indirect_dma semaphore(%arg20 : memref<!tpu.dma_semaphore, #tpu.memory_space<semaphore_mem>>) src(%arg12 : memref<50x128xf32, #tpu.memory_space<vmem>>) dst(%dma_wait3A_126 : memref<10240x128xf32, #tpu.memory_space<vmem_shared>>)
    %dma_wait3A_127 = arith.constant 47 : i32
    %dma_wait3A_128 = arith.constant 0 : i32
    %dma_wait3A_129 = tpu.memref_slice %arg9[%dma_wait3A_127, %dma_wait3A_128] : memref<56x50xi32, #tpu.memory_space<vmem>> -> memref<1x50xi32, #tpu.memory_space<vmem>>
    %dma_wait3A_130 = tpu.memref_squeeze %dma_wait3A_129 : memref<1x50xi32, #tpu.memory_space<vmem>> -> memref<50xi32, #tpu.memory_space<vmem>>
    %dma_wait3A_131 = arith.constant 0 : i32
    %dma_wait3A_132 = arith.constant 0 : i32
    %dma_wait3A_133 = tpu.memref_slice %arg7[%dma_wait3A_131, %dma_wait3A_132] : memref<10240x128xf32, #tpu.memory_space<vmem_shared>> -> memref<10240x128xf32, #tpu.memory_space<vmem_shared>>
    tpu.wait_indirect_dma semaphore(%arg21 : memref<!tpu.dma_semaphore, #tpu.memory_space<semaphore_mem>>) src(%arg13 : memref<50x128xf32, #tpu.memory_space<vmem>>) dst(%dma_wait3A_133 : memref<10240x128xf32, #tpu.memory_space<vmem_shared>>)
    %add3A_134 = arith.constant 104 : i32
    %add3A_135 = arith.addi %mul3A_6, %add3A_134 : i32
    "tpu.region"() ({
      %run_scoped3A = tpu.sem_alloc : memref<!tpu.dma_semaphore, #tpu.memory_space<semaphore_mem>>
      %dma_start3A_269 = arith.constant 0 : i32
      %dma_start3A_270 = arith.constant 0 : i32
      %dma_start3A_271 = tpu.memref_slice %arg8[%dma_start3A_269, %dma_start3A_270] : memref<56x50xi32, #tpu.memory_space<vmem>> -> memref<48x50xi32, #tpu.memory_space<vmem>>
      %dma_start3A_272 = arith.constant 0 : i32
      %dma_start3A_273 = tpu.memref_slice %arg3[%add3A_135, %dma_start3A_272] : memref<6400x50xi32, #tpu.memory_space<hbm>> -> memref<48x50xi32, #tpu.memory_space<hbm>>
      %dma_start3A_274 = arith.constant 0 : i32
      %dma_start3A_275 = arith.constant 0 : i32
      %dma_start3A_276 = tpu.memref_slice %arg8[%dma_start3A_274, %dma_start3A_275] : memref<56x50xi32, #tpu.memory_space<vmem>> -> memref<48x50xi32, #tpu.memory_space<vmem>>
      %dma_start3A_277 = arith.constant 0 : i32
      %dma_start3A_278 = tpu.memref_slice %arg3[%add3A_135, %dma_start3A_277] : memref<6400x50xi32, #tpu.memory_space<hbm>> -> memref<48x50xi32, #tpu.memory_space<hbm>>
      tpu.enqueue_dma source(%dma_start3A_278 : memref<48x50xi32, #tpu.memory_space<hbm>>) target(%dma_start3A_276 : memref<48x50xi32, #tpu.memory_space<vmem>>) target_semaphore(%run_scoped3A : memref<!tpu.dma_semaphore, #tpu.memory_space<semaphore_mem>>)
      %dma_wait3A_279 = arith.constant 0 : i32
      %dma_wait3A_280 = arith.constant 0 : i32
      %dma_wait3A_281 = tpu.memref_slice %arg8[%dma_wait3A_279, %dma_wait3A_280] : memref<56x50xi32, #tpu.memory_space<vmem>> -> memref<48x50xi32, #tpu.memory_space<vmem>>
      %dma_wait3A_282 = arith.constant 0 : i32
      %dma_wait3A_283 = tpu.memref_slice %arg3[%add3A_135, %dma_wait3A_282] : memref<6400x50xi32, #tpu.memory_space<hbm>> -> memref<48x50xi32, #tpu.memory_space<hbm>>
      %dma_wait3A_284 = arith.constant 0 : i32
      %dma_wait3A_285 = arith.constant 0 : i32
      %dma_wait3A_286 = tpu.memref_slice %arg8[%dma_wait3A_284, %dma_wait3A_285] : memref<56x50xi32, #tpu.memory_space<vmem>> -> memref<48x50xi32, #tpu.memory_space<vmem>>
      %dma_wait3A_287 = arith.constant 0 : i32
      %dma_wait3A_288 = tpu.memref_slice %arg3[%add3A_135, %dma_wait3A_287] : memref<6400x50xi32, #tpu.memory_space<hbm>> -> memref<48x50xi32, #tpu.memory_space<hbm>>
      tpu.wait_dma2 semaphore(%run_scoped3A : memref<!tpu.dma_semaphore, #tpu.memory_space<semaphore_mem>>) src(%dma_wait3A_288 : memref<48x50xi32, #tpu.memory_space<hbm>>) dst(%dma_wait3A_286 : memref<48x50xi32, #tpu.memory_space<vmem>>)
      tpu.yield
    }) : () -> ()
    %add3A_136 = arith.constant 104 : i32
    %add3A_137 = arith.addi %mul3A_6, %add3A_136 : i32
    "tpu.region"() ({
      %run_scoped3A = tpu.sem_alloc : memref<!tpu.dma_semaphore, #tpu.memory_space<semaphore_mem>>
      %dma_start3A_269 = arith.constant 0 : i32
      %dma_start3A_270 = arith.constant 0 : i32
      %dma_start3A_271 = tpu.memref_slice %arg9[%dma_start3A_269, %dma_start3A_270] : memref<56x50xi32, #tpu.memory_space<vmem>> -> memref<48x50xi32, #tpu.memory_space<vmem>>
      %dma_start3A_272 = arith.constant 0 : i32
      %dma_start3A_273 = tpu.memref_slice %arg4[%add3A_137, %dma_start3A_272] : memref<6400x50xi32, #tpu.memory_space<hbm>> -> memref<48x50xi32, #tpu.memory_space<hbm>>
      %dma_start3A_274 = arith.constant 0 : i32
      %dma_start3A_275 = arith.constant 0 : i32
      %dma_start3A_276 = tpu.memref_slice %arg9[%dma_start3A_274, %dma_start3A_275] : memref<56x50xi32, #tpu.memory_space<vmem>> -> memref<48x50xi32, #tpu.memory_space<vmem>>
      %dma_start3A_277 = arith.constant 0 : i32
      %dma_start3A_278 = tpu.memref_slice %arg4[%add3A_137, %dma_start3A_277] : memref<6400x50xi32, #tpu.memory_space<hbm>> -> memref<48x50xi32, #tpu.memory_space<hbm>>
      tpu.enqueue_dma source(%dma_start3A_278 : memref<48x50xi32, #tpu.memory_space<hbm>>) target(%dma_start3A_276 : memref<48x50xi32, #tpu.memory_space<vmem>>) target_semaphore(%run_scoped3A : memref<!tpu.dma_semaphore, #tpu.memory_space<semaphore_mem>>)
      %dma_wait3A_279 = arith.constant 0 : i32
      %dma_wait3A_280 = arith.constant 0 : i32
      %dma_wait3A_281 = tpu.memref_slice %arg9[%dma_wait3A_279, %dma_wait3A_280] : memref<56x50xi32, #tpu.memory_space<vmem>> -> memref<48x50xi32, #tpu.memory_space<vmem>>
      %dma_wait3A_282 = arith.constant 0 : i32
      %dma_wait3A_283 = tpu.memref_slice %arg4[%add3A_137, %dma_wait3A_282] : memref<6400x50xi32, #tpu.memory_space<hbm>> -> memref<48x50xi32, #tpu.memory_space<hbm>>
      %dma_wait3A_284 = arith.constant 0 : i32
      %dma_wait3A_285 = arith.constant 0 : i32
      %dma_wait3A_286 = tpu.memref_slice %arg9[%dma_wait3A_284, %dma_wait3A_285] : memref<56x50xi32, #tpu.memory_space<vmem>> -> memref<48x50xi32, #tpu.memory_space<vmem>>
      %dma_wait3A_287 = arith.constant 0 : i32
      %dma_wait3A_288 = tpu.memref_slice %arg4[%add3A_137, %dma_wait3A_287] : memref<6400x50xi32, #tpu.memory_space<hbm>> -> memref<48x50xi32, #tpu.memory_space<hbm>>
      tpu.wait_dma2 semaphore(%run_scoped3A : memref<!tpu.dma_semaphore, #tpu.memory_space<semaphore_mem>>) src(%dma_wait3A_288 : memref<48x50xi32, #tpu.memory_space<hbm>>) dst(%dma_wait3A_286 : memref<48x50xi32, #tpu.memory_space<vmem>>)
      tpu.yield
    }) : () -> ()
    %dma_start3A_138 = arith.constant 0 : i32
    %dma_start3A_139 = arith.constant 0 : i32
    %dma_start3A_140 = tpu.memref_slice %arg8[%dma_start3A_138, %dma_start3A_139] : memref<56x50xi32, #tpu.memory_space<vmem>> -> memref<1x50xi32, #tpu.memory_space<vmem>>
    %dma_start3A_141 = tpu.memref_squeeze %dma_start3A_140 : memref<1x50xi32, #tpu.memory_space<vmem>> -> memref<50xi32, #tpu.memory_space<vmem>>
    %dma_start3A_142 = arith.constant 0 : i32
    %dma_start3A_143 = arith.constant 0 : i32
    %dma_start3A_144 = tpu.memref_slice %arg2[%dma_start3A_142, %dma_start3A_143] : memref<10000x128xf32, #tpu.memory_space<hbm>> -> memref<10000x128xf32, #tpu.memory_space<hbm>>
    tpu.enqueue_indirect_dma source(%dma_start3A_144 : memref<10000x128xf32, #tpu.memory_space<hbm>>) target(%arg10 : memref<50x128xf32, #tpu.memory_space<vmem>>) offsets(%dma_start3A_141 : memref<50xi32, #tpu.memory_space<vmem>>) semaphore(%arg14 : memref<!tpu.dma_semaphore, #tpu.memory_space<semaphore_mem>>)
    %dma_start3A_145 = arith.constant 1 : i32
    %dma_start3A_146 = arith.constant 0 : i32
    %dma_start3A_147 = tpu.memref_slice %arg8[%dma_start3A_145, %dma_start3A_146] : memref<56x50xi32, #tpu.memory_space<vmem>> -> memref<1x50xi32, #tpu.memory_space<vmem>>
    %dma_start3A_148 = tpu.memref_squeeze %dma_start3A_147 : memref<1x50xi32, #tpu.memory_space<vmem>> -> memref<50xi32, #tpu.memory_space<vmem>>
    %dma_start3A_149 = arith.constant 0 : i32
    %dma_start3A_150 = arith.constant 0 : i32
    %dma_start3A_151 = tpu.memref_slice %arg2[%dma_start3A_149, %dma_start3A_150] : memref<10000x128xf32, #tpu.memory_space<hbm>> -> memref<10000x128xf32, #tpu.memory_space<hbm>>
    tpu.enqueue_indirect_dma source(%dma_start3A_151 : memref<10000x128xf32, #tpu.memory_space<hbm>>) target(%arg11 : memref<50x128xf32, #tpu.memory_space<vmem>>) offsets(%dma_start3A_148 : memref<50xi32, #tpu.memory_space<vmem>>) semaphore(%arg15 : memref<!tpu.dma_semaphore, #tpu.memory_space<semaphore_mem>>)
    %dma_start3A_152 = arith.constant 2 : i32
    %dma_start3A_153 = arith.constant 0 : i32
    %dma_start3A_154 = tpu.memref_slice %arg8[%dma_start3A_152, %dma_start3A_153] : memref<56x50xi32, #tpu.memory_space<vmem>> -> memref<1x50xi32, #tpu.memory_space<vmem>>
    %dma_start3A_155 = tpu.memref_squeeze %dma_start3A_154 : memref<1x50xi32, #tpu.memory_space<vmem>> -> memref<50xi32, #tpu.memory_space<vmem>>
    %dma_start3A_156 = arith.constant 0 : i32
    %dma_start3A_157 = arith.constant 0 : i32
    %dma_start3A_158 = tpu.memref_slice %arg2[%dma_start3A_156, %dma_start3A_157] : memref<10000x128xf32, #tpu.memory_space<hbm>> -> memref<10000x128xf32, #tpu.memory_space<hbm>>
    tpu.enqueue_indirect_dma source(%dma_start3A_158 : memref<10000x128xf32, #tpu.memory_space<hbm>>) target(%arg12 : memref<50x128xf32, #tpu.memory_space<vmem>>) offsets(%dma_start3A_155 : memref<50xi32, #tpu.memory_space<vmem>>) semaphore(%arg16 : memref<!tpu.dma_semaphore, #tpu.memory_space<semaphore_mem>>)
    %dma_start3A_159 = arith.constant 3 : i32
    %dma_start3A_160 = arith.constant 0 : i32
    %dma_start3A_161 = tpu.memref_slice %arg8[%dma_start3A_159, %dma_start3A_160] : memref<56x50xi32, #tpu.memory_space<vmem>> -> memref<1x50xi32, #tpu.memory_space<vmem>>
    %dma_start3A_162 = tpu.memref_squeeze %dma_start3A_161 : memref<1x50xi32, #tpu.memory_space<vmem>> -> memref<50xi32, #tpu.memory_space<vmem>>
    %dma_start3A_163 = arith.constant 0 : i32
    %dma_start3A_164 = arith.constant 0 : i32
    %dma_start3A_165 = tpu.memref_slice %arg2[%dma_start3A_163, %dma_start3A_164] : memref<10000x128xf32, #tpu.memory_space<hbm>> -> memref<10000x128xf32, #tpu.memory_space<hbm>>
    tpu.enqueue_indirect_dma source(%dma_start3A_165 : memref<10000x128xf32, #tpu.memory_space<hbm>>) target(%arg13 : memref<50x128xf32, #tpu.memory_space<vmem>>) offsets(%dma_start3A_162 : memref<50xi32, #tpu.memory_space<vmem>>) semaphore(%arg17 : memref<!tpu.dma_semaphore, #tpu.memory_space<semaphore_mem>>)
    %scan3A_166 = arith.constant 0 : i32
    %scan3A_167 = arith.constant 12 : i32
    %scan3A_168 = arith.addi %scan3A_166, %scan3A_167 : i32
    %scan3A_169 = arith.constant 1 : i32
    scf.for %scan3A_269 = %scan3A_166 to %scan3A_168 step %scan3A_169  : i32 {
      %mul3A_270 = arith.constant 4 : i32
      %mul3A_271 = arith.muli %scan3A_269, %mul3A_270 : i32
      %add3A_272 = arith.constant 0 : i32
      %add3A_273 = arith.addi %mul3A_271, %add3A_272 : i32
      %dma_wait3A_274 = arith.constant 0 : i32
      %dma_wait3A_275 = tpu.memref_slice %arg8[%add3A_273, %dma_wait3A_274] : memref<56x50xi32, #tpu.memory_space<vmem>> -> memref<1x50xi32, #tpu.memory_space<vmem>>
      %dma_wait3A_276 = tpu.memref_squeeze %dma_wait3A_275 : memref<1x50xi32, #tpu.memory_space<vmem>> -> memref<50xi32, #tpu.memory_space<vmem>>
      %dma_wait3A_277 = arith.constant 0 : i32
      %dma_wait3A_278 = arith.constant 0 : i32
      %dma_wait3A_279 = tpu.memref_slice %arg2[%dma_wait3A_277, %dma_wait3A_278] : memref<10000x128xf32, #tpu.memory_space<hbm>> -> memref<10000x128xf32, #tpu.memory_space<hbm>>
      tpu.wait_indirect_dma semaphore(%arg14 : memref<!tpu.dma_semaphore, #tpu.memory_space<semaphore_mem>>) src(%dma_wait3A_279 : memref<10000x128xf32, #tpu.memory_space<hbm>>) dst(%arg10 : memref<50x128xf32, #tpu.memory_space<vmem>>)
      %add3A_280 = arith.constant 0 : i32
      %add3A_281 = arith.addi %mul3A_271, %add3A_280 : i32
      %dma_start3A_282 = arith.constant 0 : i32
      %dma_start3A_283 = tpu.memref_slice %arg9[%add3A_281, %dma_start3A_282] : memref<56x50xi32, #tpu.memory_space<vmem>> -> memref<1x50xi32, #tpu.memory_space<vmem>>
      %dma_start3A_284 = tpu.memref_squeeze %dma_start3A_283 : memref<1x50xi32, #tpu.memory_space<vmem>> -> memref<50xi32, #tpu.memory_space<vmem>>
      %dma_start3A_285 = arith.constant 0 : i32
      %dma_start3A_286 = arith.constant 0 : i32
      %dma_start3A_287 = tpu.memref_slice %arg7[%dma_start3A_285, %dma_start3A_286] : memref<10240x128xf32, #tpu.memory_space<vmem_shared>> -> memref<10240x128xf32, #tpu.memory_space<vmem_shared>>
      tpu.enqueue_indirect_dma source(%arg10 : memref<50x128xf32, #tpu.memory_space<vmem>>) target(%dma_start3A_287 : memref<10240x128xf32, #tpu.memory_space<vmem_shared>>) offsets(%dma_start3A_284 : memref<50xi32, #tpu.memory_space<vmem>>) semaphore(%arg18 : memref<!tpu.dma_semaphore, #tpu.memory_space<semaphore_mem>>) {add = true}
      %add3A_288 = arith.constant 1 : i32
      %add3A_289 = arith.addi %mul3A_271, %add3A_288 : i32
      %dma_wait3A_290 = arith.constant 0 : i32
      %dma_wait3A_291 = tpu.memref_slice %arg8[%add3A_289, %dma_wait3A_290] : memref<56x50xi32, #tpu.memory_space<vmem>> -> memref<1x50xi32, #tpu.memory_space<vmem>>
      %dma_wait3A_292 = tpu.memref_squeeze %dma_wait3A_291 : memref<1x50xi32, #tpu.memory_space<vmem>> -> memref<50xi32, #tpu.memory_space<vmem>>
      %dma_wait3A_293 = arith.constant 0 : i32
      %dma_wait3A_294 = arith.constant 0 : i32
      %dma_wait3A_295 = tpu.memref_slice %arg2[%dma_wait3A_293, %dma_wait3A_294] : memref<10000x128xf32, #tpu.memory_space<hbm>> -> memref<10000x128xf32, #tpu.memory_space<hbm>>
      tpu.wait_indirect_dma semaphore(%arg15 : memref<!tpu.dma_semaphore, #tpu.memory_space<semaphore_mem>>) src(%dma_wait3A_295 : memref<10000x128xf32, #tpu.memory_space<hbm>>) dst(%arg11 : memref<50x128xf32, #tpu.memory_space<vmem>>)
      %add3A_296 = arith.constant 1 : i32
      %add3A_297 = arith.addi %mul3A_271, %add3A_296 : i32
      %dma_start3A_298 = arith.constant 0 : i32
      %dma_start3A_299 = tpu.memref_slice %arg9[%add3A_297, %dma_start3A_298] : memref<56x50xi32, #tpu.memory_space<vmem>> -> memref<1x50xi32, #tpu.memory_space<vmem>>
      %dma_start3A_300 = tpu.memref_squeeze %dma_start3A_299 : memref<1x50xi32, #tpu.memory_space<vmem>> -> memref<50xi32, #tpu.memory_space<vmem>>
      %dma_start3A_301 = arith.constant 0 : i32
      %dma_start3A_302 = arith.constant 0 : i32
      %dma_start3A_303 = tpu.memref_slice %arg7[%dma_start3A_301, %dma_start3A_302] : memref<10240x128xf32, #tpu.memory_space<vmem_shared>> -> memref<10240x128xf32, #tpu.memory_space<vmem_shared>>
      tpu.enqueue_indirect_dma source(%arg11 : memref<50x128xf32, #tpu.memory_space<vmem>>) target(%dma_start3A_303 : memref<10240x128xf32, #tpu.memory_space<vmem_shared>>) offsets(%dma_start3A_300 : memref<50xi32, #tpu.memory_space<vmem>>) semaphore(%arg19 : memref<!tpu.dma_semaphore, #tpu.memory_space<semaphore_mem>>) {add = true}
      %add3A_304 = arith.constant 2 : i32
      %add3A_305 = arith.addi %mul3A_271, %add3A_304 : i32
      %dma_wait3A_306 = arith.constant 0 : i32
      %dma_wait3A_307 = tpu.memref_slice %arg8[%add3A_305, %dma_wait3A_306] : memref<56x50xi32, #tpu.memory_space<vmem>> -> memref<1x50xi32, #tpu.memory_space<vmem>>
      %dma_wait3A_308 = tpu.memref_squeeze %dma_wait3A_307 : memref<1x50xi32, #tpu.memory_space<vmem>> -> memref<50xi32, #tpu.memory_space<vmem>>
      %dma_wait3A_309 = arith.constant 0 : i32
      %dma_wait3A_310 = arith.constant 0 : i32
      %dma_wait3A_311 = tpu.memref_slice %arg2[%dma_wait3A_309, %dma_wait3A_310] : memref<10000x128xf32, #tpu.memory_space<hbm>> -> memref<10000x128xf32, #tpu.memory_space<hbm>>
      tpu.wait_indirect_dma semaphore(%arg16 : memref<!tpu.dma_semaphore, #tpu.memory_space<semaphore_mem>>) src(%dma_wait3A_311 : memref<10000x128xf32, #tpu.memory_space<hbm>>) dst(%arg12 : memref<50x128xf32, #tpu.memory_space<vmem>>)
      %add3A_312 = arith.constant 2 : i32
      %add3A_313 = arith.addi %mul3A_271, %add3A_312 : i32
      %dma_start3A_314 = arith.constant 0 : i32
      %dma_start3A_315 = tpu.memref_slice %arg9[%add3A_313, %dma_start3A_314] : memref<56x50xi32, #tpu.memory_space<vmem>> -> memref<1x50xi32, #tpu.memory_space<vmem>>
      %dma_start3A_316 = tpu.memref_squeeze %dma_start3A_315 : memref<1x50xi32, #tpu.memory_space<vmem>> -> memref<50xi32, #tpu.memory_space<vmem>>
      %dma_start3A_317 = arith.constant 0 : i32
      %dma_start3A_318 = arith.constant 0 : i32
      %dma_start3A_319 = tpu.memref_slice %arg7[%dma_start3A_317, %dma_start3A_318] : memref<10240x128xf32, #tpu.memory_space<vmem_shared>> -> memref<10240x128xf32, #tpu.memory_space<vmem_shared>>
      tpu.enqueue_indirect_dma source(%arg12 : memref<50x128xf32, #tpu.memory_space<vmem>>) target(%dma_start3A_319 : memref<10240x128xf32, #tpu.memory_space<vmem_shared>>) offsets(%dma_start3A_316 : memref<50xi32, #tpu.memory_space<vmem>>) semaphore(%arg20 : memref<!tpu.dma_semaphore, #tpu.memory_space<semaphore_mem>>) {add = true}
      %add3A_320 = arith.constant 3 : i32
      %add3A_321 = arith.addi %mul3A_271, %add3A_320 : i32
      %dma_wait3A_322 = arith.constant 0 : i32
      %dma_wait3A_323 = tpu.memref_slice %arg8[%add3A_321, %dma_wait3A_322] : memref<56x50xi32, #tpu.memory_space<vmem>> -> memref<1x50xi32, #tpu.memory_space<vmem>>
      %dma_wait3A_324 = tpu.memref_squeeze %dma_wait3A_323 : memref<1x50xi32, #tpu.memory_space<vmem>> -> memref<50xi32, #tpu.memory_space<vmem>>
      %dma_wait3A_325 = arith.constant 0 : i32
      %dma_wait3A_326 = arith.constant 0 : i32
      %dma_wait3A_327 = tpu.memref_slice %arg2[%dma_wait3A_325, %dma_wait3A_326] : memref<10000x128xf32, #tpu.memory_space<hbm>> -> memref<10000x128xf32, #tpu.memory_space<hbm>>
      tpu.wait_indirect_dma semaphore(%arg17 : memref<!tpu.dma_semaphore, #tpu.memory_space<semaphore_mem>>) src(%dma_wait3A_327 : memref<10000x128xf32, #tpu.memory_space<hbm>>) dst(%arg13 : memref<50x128xf32, #tpu.memory_space<vmem>>)
      %add3A_328 = arith.constant 3 : i32
      %add3A_329 = arith.addi %mul3A_271, %add3A_328 : i32
      %dma_start3A_330 = arith.constant 0 : i32
      %dma_start3A_331 = tpu.memref_slice %arg9[%add3A_329, %dma_start3A_330] : memref<56x50xi32, #tpu.memory_space<vmem>> -> memref<1x50xi32, #tpu.memory_space<vmem>>
      %dma_start3A_332 = tpu.memref_squeeze %dma_start3A_331 : memref<1x50xi32, #tpu.memory_space<vmem>> -> memref<50xi32, #tpu.memory_space<vmem>>
      %dma_start3A_333 = arith.constant 0 : i32
      %dma_start3A_334 = arith.constant 0 : i32
      %dma_start3A_335 = tpu.memref_slice %arg7[%dma_start3A_333, %dma_start3A_334] : memref<10240x128xf32, #tpu.memory_space<vmem_shared>> -> memref<10240x128xf32, #tpu.memory_space<vmem_shared>>
      tpu.enqueue_indirect_dma source(%arg13 : memref<50x128xf32, #tpu.memory_space<vmem>>) target(%dma_start3A_335 : memref<10240x128xf32, #tpu.memory_space<vmem_shared>>) offsets(%dma_start3A_332 : memref<50xi32, #tpu.memory_space<vmem>>) semaphore(%arg21 : memref<!tpu.dma_semaphore, #tpu.memory_space<semaphore_mem>>) {add = true}
      %add3A_336 = arith.constant 1 : i32
      %add3A_337 = arith.addi %scan3A_269, %add3A_336 : i32
      %lt3A = arith.constant 12 : i32
      %lt3A_338 = arith.cmpi slt, %add3A_337, %lt3A : i32
      %convert_element_type3A = arith.extui %lt3A_338 : i1 to i32
      %cond3A = arith.constant 0 : i32
      %cond3A_339 = arith.cmpi ne, %convert_element_type3A, %cond3A : i32
      scf.if %cond3A_339 {
        %add3A_340 = arith.constant 0 : i32
        %add3A_341 = arith.addi %mul3A_271, %add3A_340 : i32
        %dma_wait3A_342 = arith.constant 0 : i32
        %dma_wait3A_343 = tpu.memref_slice %arg9[%add3A_341, %dma_wait3A_342] : memref<56x50xi32, #tpu.memory_space<vmem>> -> memref<1x50xi32, #tpu.memory_space<vmem>>
        %dma_wait3A_344 = tpu.memref_squeeze %dma_wait3A_343 : memref<1x50xi32, #tpu.memory_space<vmem>> -> memref<50xi32, #tpu.memory_space<vmem>>
        %dma_wait3A_345 = arith.constant 0 : i32
        %dma_wait3A_346 = arith.constant 0 : i32
        %dma_wait3A_347 = tpu.memref_slice %arg7[%dma_wait3A_345, %dma_wait3A_346] : memref<10240x128xf32, #tpu.memory_space<vmem_shared>> -> memref<10240x128xf32, #tpu.memory_space<vmem_shared>>
        tpu.wait_indirect_dma semaphore(%arg18 : memref<!tpu.dma_semaphore, #tpu.memory_space<semaphore_mem>>) src(%arg10 : memref<50x128xf32, #tpu.memory_space<vmem>>) dst(%dma_wait3A_347 : memref<10240x128xf32, #tpu.memory_space<vmem_shared>>)
        %add3A_348 = arith.constant 4 : i32
        %add3A_349 = arith.addi %mul3A_271, %add3A_348 : i32
        %add3A_350 = arith.constant 0 : i32
        %add3A_351 = arith.addi %add3A_349, %add3A_350 : i32
        %dma_start3A_352 = arith.constant 0 : i32
        %dma_start3A_353 = tpu.memref_slice %arg8[%add3A_351, %dma_start3A_352] : memref<56x50xi32, #tpu.memory_space<vmem>> -> memref<1x50xi32, #tpu.memory_space<vmem>>
        %dma_start3A_354 = tpu.memref_squeeze %dma_start3A_353 : memref<1x50xi32, #tpu.memory_space<vmem>> -> memref<50xi32, #tpu.memory_space<vmem>>
        %dma_start3A_355 = arith.constant 0 : i32
        %dma_start3A_356 = arith.constant 0 : i32
        %dma_start3A_357 = tpu.memref_slice %arg2[%dma_start3A_355, %dma_start3A_356] : memref<10000x128xf32, #tpu.memory_space<hbm>> -> memref<10000x128xf32, #tpu.memory_space<hbm>>
        tpu.enqueue_indirect_dma source(%dma_start3A_357 : memref<10000x128xf32, #tpu.memory_space<hbm>>) target(%arg10 : memref<50x128xf32, #tpu.memory_space<vmem>>) offsets(%dma_start3A_354 : memref<50xi32, #tpu.memory_space<vmem>>) semaphore(%arg14 : memref<!tpu.dma_semaphore, #tpu.memory_space<semaphore_mem>>)
        %add3A_358 = arith.constant 1 : i32
        %add3A_359 = arith.addi %mul3A_271, %add3A_358 : i32
        %dma_wait3A_360 = arith.constant 0 : i32
        %dma_wait3A_361 = tpu.memref_slice %arg9[%add3A_359, %dma_wait3A_360] : memref<56x50xi32, #tpu.memory_space<vmem>> -> memref<1x50xi32, #tpu.memory_space<vmem>>
        %dma_wait3A_362 = tpu.memref_squeeze %dma_wait3A_361 : memref<1x50xi32, #tpu.memory_space<vmem>> -> memref<50xi32, #tpu.memory_space<vmem>>
        %dma_wait3A_363 = arith.constant 0 : i32
        %dma_wait3A_364 = arith.constant 0 : i32
        %dma_wait3A_365 = tpu.memref_slice %arg7[%dma_wait3A_363, %dma_wait3A_364] : memref<10240x128xf32, #tpu.memory_space<vmem_shared>> -> memref<10240x128xf32, #tpu.memory_space<vmem_shared>>
        tpu.wait_indirect_dma semaphore(%arg19 : memref<!tpu.dma_semaphore, #tpu.memory_space<semaphore_mem>>) src(%arg11 : memref<50x128xf32, #tpu.memory_space<vmem>>) dst(%dma_wait3A_365 : memref<10240x128xf32, #tpu.memory_space<vmem_shared>>)
        %add3A_366 = arith.constant 4 : i32
        %add3A_367 = arith.addi %mul3A_271, %add3A_366 : i32
        %add3A_368 = arith.constant 1 : i32
        %add3A_369 = arith.addi %add3A_367, %add3A_368 : i32
        %dma_start3A_370 = arith.constant 0 : i32
        %dma_start3A_371 = tpu.memref_slice %arg8[%add3A_369, %dma_start3A_370] : memref<56x50xi32, #tpu.memory_space<vmem>> -> memref<1x50xi32, #tpu.memory_space<vmem>>
        %dma_start3A_372 = tpu.memref_squeeze %dma_start3A_371 : memref<1x50xi32, #tpu.memory_space<vmem>> -> memref<50xi32, #tpu.memory_space<vmem>>
        %dma_start3A_373 = arith.constant 0 : i32
        %dma_start3A_374 = arith.constant 0 : i32
        %dma_start3A_375 = tpu.memref_slice %arg2[%dma_start3A_373, %dma_start3A_374] : memref<10000x128xf32, #tpu.memory_space<hbm>> -> memref<10000x128xf32, #tpu.memory_space<hbm>>
        tpu.enqueue_indirect_dma source(%dma_start3A_375 : memref<10000x128xf32, #tpu.memory_space<hbm>>) target(%arg11 : memref<50x128xf32, #tpu.memory_space<vmem>>) offsets(%dma_start3A_372 : memref<50xi32, #tpu.memory_space<vmem>>) semaphore(%arg15 : memref<!tpu.dma_semaphore, #tpu.memory_space<semaphore_mem>>)
        %add3A_376 = arith.constant 2 : i32
        %add3A_377 = arith.addi %mul3A_271, %add3A_376 : i32
        %dma_wait3A_378 = arith.constant 0 : i32
        %dma_wait3A_379 = tpu.memref_slice %arg9[%add3A_377, %dma_wait3A_378] : memref<56x50xi32, #tpu.memory_space<vmem>> -> memref<1x50xi32, #tpu.memory_space<vmem>>
        %dma_wait3A_380 = tpu.memref_squeeze %dma_wait3A_379 : memref<1x50xi32, #tpu.memory_space<vmem>> -> memref<50xi32, #tpu.memory_space<vmem>>
        %dma_wait3A_381 = arith.constant 0 : i32
        %dma_wait3A_382 = arith.constant 0 : i32
        %dma_wait3A_383 = tpu.memref_slice %arg7[%dma_wait3A_381, %dma_wait3A_382] : memref<10240x128xf32, #tpu.memory_space<vmem_shared>> -> memref<10240x128xf32, #tpu.memory_space<vmem_shared>>
        tpu.wait_indirect_dma semaphore(%arg20 : memref<!tpu.dma_semaphore, #tpu.memory_space<semaphore_mem>>) src(%arg12 : memref<50x128xf32, #tpu.memory_space<vmem>>) dst(%dma_wait3A_383 : memref<10240x128xf32, #tpu.memory_space<vmem_shared>>)
        %add3A_384 = arith.constant 4 : i32
        %add3A_385 = arith.addi %mul3A_271, %add3A_384 : i32
        %add3A_386 = arith.constant 2 : i32
        %add3A_387 = arith.addi %add3A_385, %add3A_386 : i32
        %dma_start3A_388 = arith.constant 0 : i32
        %dma_start3A_389 = tpu.memref_slice %arg8[%add3A_387, %dma_start3A_388] : memref<56x50xi32, #tpu.memory_space<vmem>> -> memref<1x50xi32, #tpu.memory_space<vmem>>
        %dma_start3A_390 = tpu.memref_squeeze %dma_start3A_389 : memref<1x50xi32, #tpu.memory_space<vmem>> -> memref<50xi32, #tpu.memory_space<vmem>>
        %dma_start3A_391 = arith.constant 0 : i32
        %dma_start3A_392 = arith.constant 0 : i32
        %dma_start3A_393 = tpu.memref_slice %arg2[%dma_start3A_391, %dma_start3A_392] : memref<10000x128xf32, #tpu.memory_space<hbm>> -> memref<10000x128xf32, #tpu.memory_space<hbm>>
        tpu.enqueue_indirect_dma source(%dma_start3A_393 : memref<10000x128xf32, #tpu.memory_space<hbm>>) target(%arg12 : memref<50x128xf32, #tpu.memory_space<vmem>>) offsets(%dma_start3A_390 : memref<50xi32, #tpu.memory_space<vmem>>) semaphore(%arg16 : memref<!tpu.dma_semaphore, #tpu.memory_space<semaphore_mem>>)
        %add3A_394 = arith.constant 3 : i32
        %add3A_395 = arith.addi %mul3A_271, %add3A_394 : i32
        %dma_wait3A_396 = arith.constant 0 : i32
        %dma_wait3A_397 = tpu.memref_slice %arg9[%add3A_395, %dma_wait3A_396] : memref<56x50xi32, #tpu.memory_space<vmem>> -> memref<1x50xi32, #tpu.memory_space<vmem>>
        %dma_wait3A_398 = tpu.memref_squeeze %dma_wait3A_397 : memref<1x50xi32, #tpu.memory_space<vmem>> -> memref<50xi32, #tpu.memory_space<vmem>>
        %dma_wait3A_399 = arith.constant 0 : i32
        %dma_wait3A_400 = arith.constant 0 : i32
        %dma_wait3A_401 = tpu.memref_slice %arg7[%dma_wait3A_399, %dma_wait3A_400] : memref<10240x128xf32, #tpu.memory_space<vmem_shared>> -> memref<10240x128xf32, #tpu.memory_space<vmem_shared>>
        tpu.wait_indirect_dma semaphore(%arg21 : memref<!tpu.dma_semaphore, #tpu.memory_space<semaphore_mem>>) src(%arg13 : memref<50x128xf32, #tpu.memory_space<vmem>>) dst(%dma_wait3A_401 : memref<10240x128xf32, #tpu.memory_space<vmem_shared>>)
        %add3A_402 = arith.constant 4 : i32
        %add3A_403 = arith.addi %mul3A_271, %add3A_402 : i32
        %add3A_404 = arith.constant 3 : i32
        %add3A_405 = arith.addi %add3A_403, %add3A_404 : i32
        %dma_start3A_406 = arith.constant 0 : i32
        %dma_start3A_407 = tpu.memref_slice %arg8[%add3A_405, %dma_start3A_406] : memref<56x50xi32, #tpu.memory_space<vmem>> -> memref<1x50xi32, #tpu.memory_space<vmem>>
        %dma_start3A_408 = tpu.memref_squeeze %dma_start3A_407 : memref<1x50xi32, #tpu.memory_space<vmem>> -> memref<50xi32, #tpu.memory_space<vmem>>
        %dma_start3A_409 = arith.constant 0 : i32
        %dma_start3A_410 = arith.constant 0 : i32
        %dma_start3A_411 = tpu.memref_slice %arg2[%dma_start3A_409, %dma_start3A_410] : memref<10000x128xf32, #tpu.memory_space<hbm>> -> memref<10000x128xf32, #tpu.memory_space<hbm>>
        tpu.enqueue_indirect_dma source(%dma_start3A_411 : memref<10000x128xf32, #tpu.memory_space<hbm>>) target(%arg13 : memref<50x128xf32, #tpu.memory_space<vmem>>) offsets(%dma_start3A_408 : memref<50xi32, #tpu.memory_space<vmem>>) semaphore(%arg17 : memref<!tpu.dma_semaphore, #tpu.memory_space<semaphore_mem>>)
      } else {
      }
    }
    %scan3A_170 = arith.constant 12 : i32
    %dma_wait3A_171 = arith.constant 44 : i32
    %dma_wait3A_172 = arith.constant 0 : i32
    %dma_wait3A_173 = tpu.memref_slice %arg9[%dma_wait3A_171, %dma_wait3A_172] : memref<56x50xi32, #tpu.memory_space<vmem>> -> memref<1x50xi32, #tpu.memory_space<vmem>>
    %dma_wait3A_174 = tpu.memref_squeeze %dma_wait3A_173 : memref<1x50xi32, #tpu.memory_space<vmem>> -> memref<50xi32, #tpu.memory_space<vmem>>
    %dma_wait3A_175 = arith.constant 0 : i32
    %dma_wait3A_176 = arith.constant 0 : i32
    %dma_wait3A_177 = tpu.memref_slice %arg7[%dma_wait3A_175, %dma_wait3A_176] : memref<10240x128xf32, #tpu.memory_space<vmem_shared>> -> memref<10240x128xf32, #tpu.memory_space<vmem_shared>>
    tpu.wait_indirect_dma semaphore(%arg18 : memref<!tpu.dma_semaphore, #tpu.memory_space<semaphore_mem>>) src(%arg10 : memref<50x128xf32, #tpu.memory_space<vmem>>) dst(%dma_wait3A_177 : memref<10240x128xf32, #tpu.memory_space<vmem_shared>>)
    %dma_wait3A_178 = arith.constant 45 : i32
    %dma_wait3A_179 = arith.constant 0 : i32
    %dma_wait3A_180 = tpu.memref_slice %arg9[%dma_wait3A_178, %dma_wait3A_179] : memref<56x50xi32, #tpu.memory_space<vmem>> -> memref<1x50xi32, #tpu.memory_space<vmem>>
    %dma_wait3A_181 = tpu.memref_squeeze %dma_wait3A_180 : memref<1x50xi32, #tpu.memory_space<vmem>> -> memref<50xi32, #tpu.memory_space<vmem>>
    %dma_wait3A_182 = arith.constant 0 : i32
    %dma_wait3A_183 = arith.constant 0 : i32
    %dma_wait3A_184 = tpu.memref_slice %arg7[%dma_wait3A_182, %dma_wait3A_183] : memref<10240x128xf32, #tpu.memory_space<vmem_shared>> -> memref<10240x128xf32, #tpu.memory_space<vmem_shared>>
    tpu.wait_indirect_dma semaphore(%arg19 : memref<!tpu.dma_semaphore, #tpu.memory_space<semaphore_mem>>) src(%arg11 : memref<50x128xf32, #tpu.memory_space<vmem>>) dst(%dma_wait3A_184 : memref<10240x128xf32, #tpu.memory_space<vmem_shared>>)
    %dma_wait3A_185 = arith.constant 46 : i32
    %dma_wait3A_186 = arith.constant 0 : i32
    %dma_wait3A_187 = tpu.memref_slice %arg9[%dma_wait3A_185, %dma_wait3A_186] : memref<56x50xi32, #tpu.memory_space<vmem>> -> memref<1x50xi32, #tpu.memory_space<vmem>>
    %dma_wait3A_188 = tpu.memref_squeeze %dma_wait3A_187 : memref<1x50xi32, #tpu.memory_space<vmem>> -> memref<50xi32, #tpu.memory_space<vmem>>
    %dma_wait3A_189 = arith.constant 0 : i32
    %dma_wait3A_190 = arith.constant 0 : i32
    %dma_wait3A_191 = tpu.memref_slice %arg7[%dma_wait3A_189, %dma_wait3A_190] : memref<10240x128xf32, #tpu.memory_space<vmem_shared>> -> memref<10240x128xf32, #tpu.memory_space<vmem_shared>>
    tpu.wait_indirect_dma semaphore(%arg20 : memref<!tpu.dma_semaphore, #tpu.memory_space<semaphore_mem>>) src(%arg12 : memref<50x128xf32, #tpu.memory_space<vmem>>) dst(%dma_wait3A_191 : memref<10240x128xf32, #tpu.memory_space<vmem_shared>>)
    %dma_wait3A_192 = arith.constant 47 : i32
    %dma_wait3A_193 = arith.constant 0 : i32
    %dma_wait3A_194 = tpu.memref_slice %arg9[%dma_wait3A_192, %dma_wait3A_193] : memref<56x50xi32, #tpu.memory_space<vmem>> -> memref<1x50xi32, #tpu.memory_space<vmem>>
    %dma_wait3A_195 = tpu.memref_squeeze %dma_wait3A_194 : memref<1x50xi32, #tpu.memory_space<vmem>> -> memref<50xi32, #tpu.memory_space<vmem>>
    %dma_wait3A_196 = arith.constant 0 : i32
    %dma_wait3A_197 = arith.constant 0 : i32
    %dma_wait3A_198 = tpu.memref_slice %arg7[%dma_wait3A_196, %dma_wait3A_197] : memref<10240x128xf32, #tpu.memory_space<vmem_shared>> -> memref<10240x128xf32, #tpu.memory_space<vmem_shared>>
    tpu.wait_indirect_dma semaphore(%arg21 : memref<!tpu.dma_semaphore, #tpu.memory_space<semaphore_mem>>) src(%arg13 : memref<50x128xf32, #tpu.memory_space<vmem>>) dst(%dma_wait3A_198 : memref<10240x128xf32, #tpu.memory_space<vmem_shared>>)
    %add3A_199 = arith.constant 152 : i32
    %add3A_200 = arith.addi %mul3A_6, %add3A_199 : i32
    "tpu.region"() ({
      %run_scoped3A = tpu.sem_alloc : memref<!tpu.dma_semaphore, #tpu.memory_space<semaphore_mem>>
      %dma_start3A_269 = arith.constant 0 : i32
      %dma_start3A_270 = arith.constant 0 : i32
      %dma_start3A_271 = tpu.memref_slice %arg8[%dma_start3A_269, %dma_start3A_270] : memref<56x50xi32, #tpu.memory_space<vmem>> -> memref<48x50xi32, #tpu.memory_space<vmem>>
      %dma_start3A_272 = arith.constant 0 : i32
      %dma_start3A_273 = tpu.memref_slice %arg3[%add3A_200, %dma_start3A_272] : memref<6400x50xi32, #tpu.memory_space<hbm>> -> memref<48x50xi32, #tpu.memory_space<hbm>>
      %dma_start3A_274 = arith.constant 0 : i32
      %dma_start3A_275 = arith.constant 0 : i32
      %dma_start3A_276 = tpu.memref_slice %arg8[%dma_start3A_274, %dma_start3A_275] : memref<56x50xi32, #tpu.memory_space<vmem>> -> memref<48x50xi32, #tpu.memory_space<vmem>>
      %dma_start3A_277 = arith.constant 0 : i32
      %dma_start3A_278 = tpu.memref_slice %arg3[%add3A_200, %dma_start3A_277] : memref<6400x50xi32, #tpu.memory_space<hbm>> -> memref<48x50xi32, #tpu.memory_space<hbm>>
      tpu.enqueue_dma source(%dma_start3A_278 : memref<48x50xi32, #tpu.memory_space<hbm>>) target(%dma_start3A_276 : memref<48x50xi32, #tpu.memory_space<vmem>>) target_semaphore(%run_scoped3A : memref<!tpu.dma_semaphore, #tpu.memory_space<semaphore_mem>>)
      %dma_wait3A_279 = arith.constant 0 : i32
      %dma_wait3A_280 = arith.constant 0 : i32
      %dma_wait3A_281 = tpu.memref_slice %arg8[%dma_wait3A_279, %dma_wait3A_280] : memref<56x50xi32, #tpu.memory_space<vmem>> -> memref<48x50xi32, #tpu.memory_space<vmem>>
      %dma_wait3A_282 = arith.constant 0 : i32
      %dma_wait3A_283 = tpu.memref_slice %arg3[%add3A_200, %dma_wait3A_282] : memref<6400x50xi32, #tpu.memory_space<hbm>> -> memref<48x50xi32, #tpu.memory_space<hbm>>
      %dma_wait3A_284 = arith.constant 0 : i32
      %dma_wait3A_285 = arith.constant 0 : i32
      %dma_wait3A_286 = tpu.memref_slice %arg8[%dma_wait3A_284, %dma_wait3A_285] : memref<56x50xi32, #tpu.memory_space<vmem>> -> memref<48x50xi32, #tpu.memory_space<vmem>>
      %dma_wait3A_287 = arith.constant 0 : i32
      %dma_wait3A_288 = tpu.memref_slice %arg3[%add3A_200, %dma_wait3A_287] : memref<6400x50xi32, #tpu.memory_space<hbm>> -> memref<48x50xi32, #tpu.memory_space<hbm>>
      tpu.wait_dma2 semaphore(%run_scoped3A : memref<!tpu.dma_semaphore, #tpu.memory_space<semaphore_mem>>) src(%dma_wait3A_288 : memref<48x50xi32, #tpu.memory_space<hbm>>) dst(%dma_wait3A_286 : memref<48x50xi32, #tpu.memory_space<vmem>>)
      tpu.yield
    }) : () -> ()
    %add3A_201 = arith.constant 152 : i32
    %add3A_202 = arith.addi %mul3A_6, %add3A_201 : i32
    "tpu.region"() ({
      %run_scoped3A = tpu.sem_alloc : memref<!tpu.dma_semaphore, #tpu.memory_space<semaphore_mem>>
      %dma_start3A_269 = arith.constant 0 : i32
      %dma_start3A_270 = arith.constant 0 : i32
      %dma_start3A_271 = tpu.memref_slice %arg9[%dma_start3A_269, %dma_start3A_270] : memref<56x50xi32, #tpu.memory_space<vmem>> -> memref<48x50xi32, #tpu.memory_space<vmem>>
      %dma_start3A_272 = arith.constant 0 : i32
      %dma_start3A_273 = tpu.memref_slice %arg4[%add3A_202, %dma_start3A_272] : memref<6400x50xi32, #tpu.memory_space<hbm>> -> memref<48x50xi32, #tpu.memory_space<hbm>>
      %dma_start3A_274 = arith.constant 0 : i32
      %dma_start3A_275 = arith.constant 0 : i32
      %dma_start3A_276 = tpu.memref_slice %arg9[%dma_start3A_274, %dma_start3A_275] : memref<56x50xi32, #tpu.memory_space<vmem>> -> memref<48x50xi32, #tpu.memory_space<vmem>>
      %dma_start3A_277 = arith.constant 0 : i32
      %dma_start3A_278 = tpu.memref_slice %arg4[%add3A_202, %dma_start3A_277] : memref<6400x50xi32, #tpu.memory_space<hbm>> -> memref<48x50xi32, #tpu.memory_space<hbm>>
      tpu.enqueue_dma source(%dma_start3A_278 : memref<48x50xi32, #tpu.memory_space<hbm>>) target(%dma_start3A_276 : memref<48x50xi32, #tpu.memory_space<vmem>>) target_semaphore(%run_scoped3A : memref<!tpu.dma_semaphore, #tpu.memory_space<semaphore_mem>>)
      %dma_wait3A_279 = arith.constant 0 : i32
      %dma_wait3A_280 = arith.constant 0 : i32
      %dma_wait3A_281 = tpu.memref_slice %arg9[%dma_wait3A_279, %dma_wait3A_280] : memref<56x50xi32, #tpu.memory_space<vmem>> -> memref<48x50xi32, #tpu.memory_space<vmem>>
      %dma_wait3A_282 = arith.constant 0 : i32
      %dma_wait3A_283 = tpu.memref_slice %arg4[%add3A_202, %dma_wait3A_282] : memref<6400x50xi32, #tpu.memory_space<hbm>> -> memref<48x50xi32, #tpu.memory_space<hbm>>
      %dma_wait3A_284 = arith.constant 0 : i32
      %dma_wait3A_285 = arith.constant 0 : i32
      %dma_wait3A_286 = tpu.memref_slice %arg9[%dma_wait3A_284, %dma_wait3A_285] : memref<56x50xi32, #tpu.memory_space<vmem>> -> memref<48x50xi32, #tpu.memory_space<vmem>>
      %dma_wait3A_287 = arith.constant 0 : i32
      %dma_wait3A_288 = tpu.memref_slice %arg4[%add3A_202, %dma_wait3A_287] : memref<6400x50xi32, #tpu.memory_space<hbm>> -> memref<48x50xi32, #tpu.memory_space<hbm>>
      tpu.wait_dma2 semaphore(%run_scoped3A : memref<!tpu.dma_semaphore, #tpu.memory_space<semaphore_mem>>) src(%dma_wait3A_288 : memref<48x50xi32, #tpu.memory_space<hbm>>) dst(%dma_wait3A_286 : memref<48x50xi32, #tpu.memory_space<vmem>>)
      tpu.yield
    }) : () -> ()
    %dma_start3A_203 = arith.constant 0 : i32
    %dma_start3A_204 = arith.constant 0 : i32
    %dma_start3A_205 = tpu.memref_slice %arg8[%dma_start3A_203, %dma_start3A_204] : memref<56x50xi32, #tpu.memory_space<vmem>> -> memref<1x50xi32, #tpu.memory_space<vmem>>
    %dma_start3A_206 = tpu.memref_squeeze %dma_start3A_205 : memref<1x50xi32, #tpu.memory_space<vmem>> -> memref<50xi32, #tpu.memory_space<vmem>>
    %dma_start3A_207 = arith.constant 0 : i32
    %dma_start3A_208 = arith.constant 0 : i32
    %dma_start3A_209 = tpu.memref_slice %arg2[%dma_start3A_207, %dma_start3A_208] : memref<10000x128xf32, #tpu.memory_space<hbm>> -> memref<10000x128xf32, #tpu.memory_space<hbm>>
    tpu.enqueue_indirect_dma source(%dma_start3A_209 : memref<10000x128xf32, #tpu.memory_space<hbm>>) target(%arg10 : memref<50x128xf32, #tpu.memory_space<vmem>>) offsets(%dma_start3A_206 : memref<50xi32, #tpu.memory_space<vmem>>) semaphore(%arg14 : memref<!tpu.dma_semaphore, #tpu.memory_space<semaphore_mem>>)
    %dma_start3A_210 = arith.constant 1 : i32
    %dma_start3A_211 = arith.constant 0 : i32
    %dma_start3A_212 = tpu.memref_slice %arg8[%dma_start3A_210, %dma_start3A_211] : memref<56x50xi32, #tpu.memory_space<vmem>> -> memref<1x50xi32, #tpu.memory_space<vmem>>
    %dma_start3A_213 = tpu.memref_squeeze %dma_start3A_212 : memref<1x50xi32, #tpu.memory_space<vmem>> -> memref<50xi32, #tpu.memory_space<vmem>>
    %dma_start3A_214 = arith.constant 0 : i32
    %dma_start3A_215 = arith.constant 0 : i32
    %dma_start3A_216 = tpu.memref_slice %arg2[%dma_start3A_214, %dma_start3A_215] : memref<10000x128xf32, #tpu.memory_space<hbm>> -> memref<10000x128xf32, #tpu.memory_space<hbm>>
    tpu.enqueue_indirect_dma source(%dma_start3A_216 : memref<10000x128xf32, #tpu.memory_space<hbm>>) target(%arg11 : memref<50x128xf32, #tpu.memory_space<vmem>>) offsets(%dma_start3A_213 : memref<50xi32, #tpu.memory_space<vmem>>) semaphore(%arg15 : memref<!tpu.dma_semaphore, #tpu.memory_space<semaphore_mem>>)
    %dma_start3A_217 = arith.constant 2 : i32
    %dma_start3A_218 = arith.constant 0 : i32
    %dma_start3A_219 = tpu.memref_slice %arg8[%dma_start3A_217, %dma_start3A_218] : memref<56x50xi32, #tpu.memory_space<vmem>> -> memref<1x50xi32, #tpu.memory_space<vmem>>
    %dma_start3A_220 = tpu.memref_squeeze %dma_start3A_219 : memref<1x50xi32, #tpu.memory_space<vmem>> -> memref<50xi32, #tpu.memory_space<vmem>>
    %dma_start3A_221 = arith.constant 0 : i32
    %dma_start3A_222 = arith.constant 0 : i32
    %dma_start3A_223 = tpu.memref_slice %arg2[%dma_start3A_221, %dma_start3A_222] : memref<10000x128xf32, #tpu.memory_space<hbm>> -> memref<10000x128xf32, #tpu.memory_space<hbm>>
    tpu.enqueue_indirect_dma source(%dma_start3A_223 : memref<10000x128xf32, #tpu.memory_space<hbm>>) target(%arg12 : memref<50x128xf32, #tpu.memory_space<vmem>>) offsets(%dma_start3A_220 : memref<50xi32, #tpu.memory_space<vmem>>) semaphore(%arg16 : memref<!tpu.dma_semaphore, #tpu.memory_space<semaphore_mem>>)
    %dma_start3A_224 = arith.constant 3 : i32
    %dma_start3A_225 = arith.constant 0 : i32
    %dma_start3A_226 = tpu.memref_slice %arg8[%dma_start3A_224, %dma_start3A_225] : memref<56x50xi32, #tpu.memory_space<vmem>> -> memref<1x50xi32, #tpu.memory_space<vmem>>
    %dma_start3A_227 = tpu.memref_squeeze %dma_start3A_226 : memref<1x50xi32, #tpu.memory_space<vmem>> -> memref<50xi32, #tpu.memory_space<vmem>>
    %dma_start3A_228 = arith.constant 0 : i32
    %dma_start3A_229 = arith.constant 0 : i32
    %dma_start3A_230 = tpu.memref_slice %arg2[%dma_start3A_228, %dma_start3A_229] : memref<10000x128xf32, #tpu.memory_space<hbm>> -> memref<10000x128xf32, #tpu.memory_space<hbm>>
    tpu.enqueue_indirect_dma source(%dma_start3A_230 : memref<10000x128xf32, #tpu.memory_space<hbm>>) target(%arg13 : memref<50x128xf32, #tpu.memory_space<vmem>>) offsets(%dma_start3A_227 : memref<50xi32, #tpu.memory_space<vmem>>) semaphore(%arg17 : memref<!tpu.dma_semaphore, #tpu.memory_space<semaphore_mem>>)
    %scan3A_231 = arith.constant 0 : i32
    %scan3A_232 = arith.constant 12 : i32
    %scan3A_233 = arith.addi %scan3A_231, %scan3A_232 : i32
    %scan3A_234 = arith.constant 1 : i32
    scf.for %scan3A_269 = %scan3A_231 to %scan3A_233 step %scan3A_234  : i32 {
      %mul3A_270 = arith.constant 4 : i32
      %mul3A_271 = arith.muli %scan3A_269, %mul3A_270 : i32
      %add3A_272 = arith.constant 0 : i32
      %add3A_273 = arith.addi %mul3A_271, %add3A_272 : i32
      %dma_wait3A_274 = arith.constant 0 : i32
      %dma_wait3A_275 = tpu.memref_slice %arg8[%add3A_273, %dma_wait3A_274] : memref<56x50xi32, #tpu.memory_space<vmem>> -> memref<1x50xi32, #tpu.memory_space<vmem>>
      %dma_wait3A_276 = tpu.memref_squeeze %dma_wait3A_275 : memref<1x50xi32, #tpu.memory_space<vmem>> -> memref<50xi32, #tpu.memory_space<vmem>>
      %dma_wait3A_277 = arith.constant 0 : i32
      %dma_wait3A_278 = arith.constant 0 : i32
      %dma_wait3A_279 = tpu.memref_slice %arg2[%dma_wait3A_277, %dma_wait3A_278] : memref<10000x128xf32, #tpu.memory_space<hbm>> -> memref<10000x128xf32, #tpu.memory_space<hbm>>
      tpu.wait_indirect_dma semaphore(%arg14 : memref<!tpu.dma_semaphore, #tpu.memory_space<semaphore_mem>>) src(%dma_wait3A_279 : memref<10000x128xf32, #tpu.memory_space<hbm>>) dst(%arg10 : memref<50x128xf32, #tpu.memory_space<vmem>>)
      %add3A_280 = arith.constant 0 : i32
      %add3A_281 = arith.addi %mul3A_271, %add3A_280 : i32
      %dma_start3A_282 = arith.constant 0 : i32
      %dma_start3A_283 = tpu.memref_slice %arg9[%add3A_281, %dma_start3A_282] : memref<56x50xi32, #tpu.memory_space<vmem>> -> memref<1x50xi32, #tpu.memory_space<vmem>>
      %dma_start3A_284 = tpu.memref_squeeze %dma_start3A_283 : memref<1x50xi32, #tpu.memory_space<vmem>> -> memref<50xi32, #tpu.memory_space<vmem>>
      %dma_start3A_285 = arith.constant 0 : i32
      %dma_start3A_286 = arith.constant 0 : i32
      %dma_start3A_287 = tpu.memref_slice %arg7[%dma_start3A_285, %dma_start3A_286] : memref<10240x128xf32, #tpu.memory_space<vmem_shared>> -> memref<10240x128xf32, #tpu.memory_space<vmem_shared>>
      tpu.enqueue_indirect_dma source(%arg10 : memref<50x128xf32, #tpu.memory_space<vmem>>) target(%dma_start3A_287 : memref<10240x128xf32, #tpu.memory_space<vmem_shared>>) offsets(%dma_start3A_284 : memref<50xi32, #tpu.memory_space<vmem>>) semaphore(%arg18 : memref<!tpu.dma_semaphore, #tpu.memory_space<semaphore_mem>>) {add = true}
      %add3A_288 = arith.constant 1 : i32
      %add3A_289 = arith.addi %mul3A_271, %add3A_288 : i32
      %dma_wait3A_290 = arith.constant 0 : i32
      %dma_wait3A_291 = tpu.memref_slice %arg8[%add3A_289, %dma_wait3A_290] : memref<56x50xi32, #tpu.memory_space<vmem>> -> memref<1x50xi32, #tpu.memory_space<vmem>>
      %dma_wait3A_292 = tpu.memref_squeeze %dma_wait3A_291 : memref<1x50xi32, #tpu.memory_space<vmem>> -> memref<50xi32, #tpu.memory_space<vmem>>
      %dma_wait3A_293 = arith.constant 0 : i32
      %dma_wait3A_294 = arith.constant 0 : i32
      %dma_wait3A_295 = tpu.memref_slice %arg2[%dma_wait3A_293, %dma_wait3A_294] : memref<10000x128xf32, #tpu.memory_space<hbm>> -> memref<10000x128xf32, #tpu.memory_space<hbm>>
      tpu.wait_indirect_dma semaphore(%arg15 : memref<!tpu.dma_semaphore, #tpu.memory_space<semaphore_mem>>) src(%dma_wait3A_295 : memref<10000x128xf32, #tpu.memory_space<hbm>>) dst(%arg11 : memref<50x128xf32, #tpu.memory_space<vmem>>)
      %add3A_296 = arith.constant 1 : i32
      %add3A_297 = arith.addi %mul3A_271, %add3A_296 : i32
      %dma_start3A_298 = arith.constant 0 : i32
      %dma_start3A_299 = tpu.memref_slice %arg9[%add3A_297, %dma_start3A_298] : memref<56x50xi32, #tpu.memory_space<vmem>> -> memref<1x50xi32, #tpu.memory_space<vmem>>
      %dma_start3A_300 = tpu.memref_squeeze %dma_start3A_299 : memref<1x50xi32, #tpu.memory_space<vmem>> -> memref<50xi32, #tpu.memory_space<vmem>>
      %dma_start3A_301 = arith.constant 0 : i32
      %dma_start3A_302 = arith.constant 0 : i32
      %dma_start3A_303 = tpu.memref_slice %arg7[%dma_start3A_301, %dma_start3A_302] : memref<10240x128xf32, #tpu.memory_space<vmem_shared>> -> memref<10240x128xf32, #tpu.memory_space<vmem_shared>>
      tpu.enqueue_indirect_dma source(%arg11 : memref<50x128xf32, #tpu.memory_space<vmem>>) target(%dma_start3A_303 : memref<10240x128xf32, #tpu.memory_space<vmem_shared>>) offsets(%dma_start3A_300 : memref<50xi32, #tpu.memory_space<vmem>>) semaphore(%arg19 : memref<!tpu.dma_semaphore, #tpu.memory_space<semaphore_mem>>) {add = true}
      %add3A_304 = arith.constant 2 : i32
      %add3A_305 = arith.addi %mul3A_271, %add3A_304 : i32
      %dma_wait3A_306 = arith.constant 0 : i32
      %dma_wait3A_307 = tpu.memref_slice %arg8[%add3A_305, %dma_wait3A_306] : memref<56x50xi32, #tpu.memory_space<vmem>> -> memref<1x50xi32, #tpu.memory_space<vmem>>
      %dma_wait3A_308 = tpu.memref_squeeze %dma_wait3A_307 : memref<1x50xi32, #tpu.memory_space<vmem>> -> memref<50xi32, #tpu.memory_space<vmem>>
      %dma_wait3A_309 = arith.constant 0 : i32
      %dma_wait3A_310 = arith.constant 0 : i32
      %dma_wait3A_311 = tpu.memref_slice %arg2[%dma_wait3A_309, %dma_wait3A_310] : memref<10000x128xf32, #tpu.memory_space<hbm>> -> memref<10000x128xf32, #tpu.memory_space<hbm>>
      tpu.wait_indirect_dma semaphore(%arg16 : memref<!tpu.dma_semaphore, #tpu.memory_space<semaphore_mem>>) src(%dma_wait3A_311 : memref<10000x128xf32, #tpu.memory_space<hbm>>) dst(%arg12 : memref<50x128xf32, #tpu.memory_space<vmem>>)
      %add3A_312 = arith.constant 2 : i32
      %add3A_313 = arith.addi %mul3A_271, %add3A_312 : i32
      %dma_start3A_314 = arith.constant 0 : i32
      %dma_start3A_315 = tpu.memref_slice %arg9[%add3A_313, %dma_start3A_314] : memref<56x50xi32, #tpu.memory_space<vmem>> -> memref<1x50xi32, #tpu.memory_space<vmem>>
      %dma_start3A_316 = tpu.memref_squeeze %dma_start3A_315 : memref<1x50xi32, #tpu.memory_space<vmem>> -> memref<50xi32, #tpu.memory_space<vmem>>
      %dma_start3A_317 = arith.constant 0 : i32
      %dma_start3A_318 = arith.constant 0 : i32
      %dma_start3A_319 = tpu.memref_slice %arg7[%dma_start3A_317, %dma_start3A_318] : memref<10240x128xf32, #tpu.memory_space<vmem_shared>> -> memref<10240x128xf32, #tpu.memory_space<vmem_shared>>
      tpu.enqueue_indirect_dma source(%arg12 : memref<50x128xf32, #tpu.memory_space<vmem>>) target(%dma_start3A_319 : memref<10240x128xf32, #tpu.memory_space<vmem_shared>>) offsets(%dma_start3A_316 : memref<50xi32, #tpu.memory_space<vmem>>) semaphore(%arg20 : memref<!tpu.dma_semaphore, #tpu.memory_space<semaphore_mem>>) {add = true}
      %add3A_320 = arith.constant 3 : i32
      %add3A_321 = arith.addi %mul3A_271, %add3A_320 : i32
      %dma_wait3A_322 = arith.constant 0 : i32
      %dma_wait3A_323 = tpu.memref_slice %arg8[%add3A_321, %dma_wait3A_322] : memref<56x50xi32, #tpu.memory_space<vmem>> -> memref<1x50xi32, #tpu.memory_space<vmem>>
      %dma_wait3A_324 = tpu.memref_squeeze %dma_wait3A_323 : memref<1x50xi32, #tpu.memory_space<vmem>> -> memref<50xi32, #tpu.memory_space<vmem>>
      %dma_wait3A_325 = arith.constant 0 : i32
      %dma_wait3A_326 = arith.constant 0 : i32
      %dma_wait3A_327 = tpu.memref_slice %arg2[%dma_wait3A_325, %dma_wait3A_326] : memref<10000x128xf32, #tpu.memory_space<hbm>> -> memref<10000x128xf32, #tpu.memory_space<hbm>>
      tpu.wait_indirect_dma semaphore(%arg17 : memref<!tpu.dma_semaphore, #tpu.memory_space<semaphore_mem>>) src(%dma_wait3A_327 : memref<10000x128xf32, #tpu.memory_space<hbm>>) dst(%arg13 : memref<50x128xf32, #tpu.memory_space<vmem>>)
      %add3A_328 = arith.constant 3 : i32
      %add3A_329 = arith.addi %mul3A_271, %add3A_328 : i32
      %dma_start3A_330 = arith.constant 0 : i32
      %dma_start3A_331 = tpu.memref_slice %arg9[%add3A_329, %dma_start3A_330] : memref<56x50xi32, #tpu.memory_space<vmem>> -> memref<1x50xi32, #tpu.memory_space<vmem>>
      %dma_start3A_332 = tpu.memref_squeeze %dma_start3A_331 : memref<1x50xi32, #tpu.memory_space<vmem>> -> memref<50xi32, #tpu.memory_space<vmem>>
      %dma_start3A_333 = arith.constant 0 : i32
      %dma_start3A_334 = arith.constant 0 : i32
      %dma_start3A_335 = tpu.memref_slice %arg7[%dma_start3A_333, %dma_start3A_334] : memref<10240x128xf32, #tpu.memory_space<vmem_shared>> -> memref<10240x128xf32, #tpu.memory_space<vmem_shared>>
      tpu.enqueue_indirect_dma source(%arg13 : memref<50x128xf32, #tpu.memory_space<vmem>>) target(%dma_start3A_335 : memref<10240x128xf32, #tpu.memory_space<vmem_shared>>) offsets(%dma_start3A_332 : memref<50xi32, #tpu.memory_space<vmem>>) semaphore(%arg21 : memref<!tpu.dma_semaphore, #tpu.memory_space<semaphore_mem>>) {add = true}
      %add3A_336 = arith.constant 1 : i32
      %add3A_337 = arith.addi %scan3A_269, %add3A_336 : i32
      %lt3A = arith.constant 12 : i32
      %lt3A_338 = arith.cmpi slt, %add3A_337, %lt3A : i32
      %convert_element_type3A = arith.extui %lt3A_338 : i1 to i32
      %cond3A = arith.constant 0 : i32
      %cond3A_339 = arith.cmpi ne, %convert_element_type3A, %cond3A : i32
      scf.if %cond3A_339 {
        %add3A_340 = arith.constant 0 : i32
        %add3A_341 = arith.addi %mul3A_271, %add3A_340 : i32
        %dma_wait3A_342 = arith.constant 0 : i32
        %dma_wait3A_343 = tpu.memref_slice %arg9[%add3A_341, %dma_wait3A_342] : memref<56x50xi32, #tpu.memory_space<vmem>> -> memref<1x50xi32, #tpu.memory_space<vmem>>
        %dma_wait3A_344 = tpu.memref_squeeze %dma_wait3A_343 : memref<1x50xi32, #tpu.memory_space<vmem>> -> memref<50xi32, #tpu.memory_space<vmem>>
        %dma_wait3A_345 = arith.constant 0 : i32
        %dma_wait3A_346 = arith.constant 0 : i32
        %dma_wait3A_347 = tpu.memref_slice %arg7[%dma_wait3A_345, %dma_wait3A_346] : memref<10240x128xf32, #tpu.memory_space<vmem_shared>> -> memref<10240x128xf32, #tpu.memory_space<vmem_shared>>
        tpu.wait_indirect_dma semaphore(%arg18 : memref<!tpu.dma_semaphore, #tpu.memory_space<semaphore_mem>>) src(%arg10 : memref<50x128xf32, #tpu.memory_space<vmem>>) dst(%dma_wait3A_347 : memref<10240x128xf32, #tpu.memory_space<vmem_shared>>)
        %add3A_348 = arith.constant 4 : i32
        %add3A_349 = arith.addi %mul3A_271, %add3A_348 : i32
        %add3A_350 = arith.constant 0 : i32
        %add3A_351 = arith.addi %add3A_349, %add3A_350 : i32
        %dma_start3A_352 = arith.constant 0 : i32
        %dma_start3A_353 = tpu.memref_slice %arg8[%add3A_351, %dma_start3A_352] : memref<56x50xi32, #tpu.memory_space<vmem>> -> memref<1x50xi32, #tpu.memory_space<vmem>>
        %dma_start3A_354 = tpu.memref_squeeze %dma_start3A_353 : memref<1x50xi32, #tpu.memory_space<vmem>> -> memref<50xi32, #tpu.memory_space<vmem>>
        %dma_start3A_355 = arith.constant 0 : i32
        %dma_start3A_356 = arith.constant 0 : i32
        %dma_start3A_357 = tpu.memref_slice %arg2[%dma_start3A_355, %dma_start3A_356] : memref<10000x128xf32, #tpu.memory_space<hbm>> -> memref<10000x128xf32, #tpu.memory_space<hbm>>
        tpu.enqueue_indirect_dma source(%dma_start3A_357 : memref<10000x128xf32, #tpu.memory_space<hbm>>) target(%arg10 : memref<50x128xf32, #tpu.memory_space<vmem>>) offsets(%dma_start3A_354 : memref<50xi32, #tpu.memory_space<vmem>>) semaphore(%arg14 : memref<!tpu.dma_semaphore, #tpu.memory_space<semaphore_mem>>)
        %add3A_358 = arith.constant 1 : i32
        %add3A_359 = arith.addi %mul3A_271, %add3A_358 : i32
        %dma_wait3A_360 = arith.constant 0 : i32
        %dma_wait3A_361 = tpu.memref_slice %arg9[%add3A_359, %dma_wait3A_360] : memref<56x50xi32, #tpu.memory_space<vmem>> -> memref<1x50xi32, #tpu.memory_space<vmem>>
        %dma_wait3A_362 = tpu.memref_squeeze %dma_wait3A_361 : memref<1x50xi32, #tpu.memory_space<vmem>> -> memref<50xi32, #tpu.memory_space<vmem>>
        %dma_wait3A_363 = arith.constant 0 : i32
        %dma_wait3A_364 = arith.constant 0 : i32
        %dma_wait3A_365 = tpu.memref_slice %arg7[%dma_wait3A_363, %dma_wait3A_364] : memref<10240x128xf32, #tpu.memory_space<vmem_shared>> -> memref<10240x128xf32, #tpu.memory_space<vmem_shared>>
        tpu.wait_indirect_dma semaphore(%arg19 : memref<!tpu.dma_semaphore, #tpu.memory_space<semaphore_mem>>) src(%arg11 : memref<50x128xf32, #tpu.memory_space<vmem>>) dst(%dma_wait3A_365 : memref<10240x128xf32, #tpu.memory_space<vmem_shared>>)
        %add3A_366 = arith.constant 4 : i32
        %add3A_367 = arith.addi %mul3A_271, %add3A_366 : i32
        %add3A_368 = arith.constant 1 : i32
        %add3A_369 = arith.addi %add3A_367, %add3A_368 : i32
        %dma_start3A_370 = arith.constant 0 : i32
        %dma_start3A_371 = tpu.memref_slice %arg8[%add3A_369, %dma_start3A_370] : memref<56x50xi32, #tpu.memory_space<vmem>> -> memref<1x50xi32, #tpu.memory_space<vmem>>
        %dma_start3A_372 = tpu.memref_squeeze %dma_start3A_371 : memref<1x50xi32, #tpu.memory_space<vmem>> -> memref<50xi32, #tpu.memory_space<vmem>>
        %dma_start3A_373 = arith.constant 0 : i32
        %dma_start3A_374 = arith.constant 0 : i32
        %dma_start3A_375 = tpu.memref_slice %arg2[%dma_start3A_373, %dma_start3A_374] : memref<10000x128xf32, #tpu.memory_space<hbm>> -> memref<10000x128xf32, #tpu.memory_space<hbm>>
        tpu.enqueue_indirect_dma source(%dma_start3A_375 : memref<10000x128xf32, #tpu.memory_space<hbm>>) target(%arg11 : memref<50x128xf32, #tpu.memory_space<vmem>>) offsets(%dma_start3A_372 : memref<50xi32, #tpu.memory_space<vmem>>) semaphore(%arg15 : memref<!tpu.dma_semaphore, #tpu.memory_space<semaphore_mem>>)
        %add3A_376 = arith.constant 2 : i32
        %add3A_377 = arith.addi %mul3A_271, %add3A_376 : i32
        %dma_wait3A_378 = arith.constant 0 : i32
        %dma_wait3A_379 = tpu.memref_slice %arg9[%add3A_377, %dma_wait3A_378] : memref<56x50xi32, #tpu.memory_space<vmem>> -> memref<1x50xi32, #tpu.memory_space<vmem>>
        %dma_wait3A_380 = tpu.memref_squeeze %dma_wait3A_379 : memref<1x50xi32, #tpu.memory_space<vmem>> -> memref<50xi32, #tpu.memory_space<vmem>>
        %dma_wait3A_381 = arith.constant 0 : i32
        %dma_wait3A_382 = arith.constant 0 : i32
        %dma_wait3A_383 = tpu.memref_slice %arg7[%dma_wait3A_381, %dma_wait3A_382] : memref<10240x128xf32, #tpu.memory_space<vmem_shared>> -> memref<10240x128xf32, #tpu.memory_space<vmem_shared>>
        tpu.wait_indirect_dma semaphore(%arg20 : memref<!tpu.dma_semaphore, #tpu.memory_space<semaphore_mem>>) src(%arg12 : memref<50x128xf32, #tpu.memory_space<vmem>>) dst(%dma_wait3A_383 : memref<10240x128xf32, #tpu.memory_space<vmem_shared>>)
        %add3A_384 = arith.constant 4 : i32
        %add3A_385 = arith.addi %mul3A_271, %add3A_384 : i32
        %add3A_386 = arith.constant 2 : i32
        %add3A_387 = arith.addi %add3A_385, %add3A_386 : i32
        %dma_start3A_388 = arith.constant 0 : i32
        %dma_start3A_389 = tpu.memref_slice %arg8[%add3A_387, %dma_start3A_388] : memref<56x50xi32, #tpu.memory_space<vmem>> -> memref<1x50xi32, #tpu.memory_space<vmem>>
        %dma_start3A_390 = tpu.memref_squeeze %dma_start3A_389 : memref<1x50xi32, #tpu.memory_space<vmem>> -> memref<50xi32, #tpu.memory_space<vmem>>
        %dma_start3A_391 = arith.constant 0 : i32
        %dma_start3A_392 = arith.constant 0 : i32
        %dma_start3A_393 = tpu.memref_slice %arg2[%dma_start3A_391, %dma_start3A_392] : memref<10000x128xf32, #tpu.memory_space<hbm>> -> memref<10000x128xf32, #tpu.memory_space<hbm>>
        tpu.enqueue_indirect_dma source(%dma_start3A_393 : memref<10000x128xf32, #tpu.memory_space<hbm>>) target(%arg12 : memref<50x128xf32, #tpu.memory_space<vmem>>) offsets(%dma_start3A_390 : memref<50xi32, #tpu.memory_space<vmem>>) semaphore(%arg16 : memref<!tpu.dma_semaphore, #tpu.memory_space<semaphore_mem>>)
        %add3A_394 = arith.constant 3 : i32
        %add3A_395 = arith.addi %mul3A_271, %add3A_394 : i32
        %dma_wait3A_396 = arith.constant 0 : i32
        %dma_wait3A_397 = tpu.memref_slice %arg9[%add3A_395, %dma_wait3A_396] : memref<56x50xi32, #tpu.memory_space<vmem>> -> memref<1x50xi32, #tpu.memory_space<vmem>>
        %dma_wait3A_398 = tpu.memref_squeeze %dma_wait3A_397 : memref<1x50xi32, #tpu.memory_space<vmem>> -> memref<50xi32, #tpu.memory_space<vmem>>
        %dma_wait3A_399 = arith.constant 0 : i32
        %dma_wait3A_400 = arith.constant 0 : i32
        %dma_wait3A_401 = tpu.memref_slice %arg7[%dma_wait3A_399, %dma_wait3A_400] : memref<10240x128xf32, #tpu.memory_space<vmem_shared>> -> memref<10240x128xf32, #tpu.memory_space<vmem_shared>>
        tpu.wait_indirect_dma semaphore(%arg21 : memref<!tpu.dma_semaphore, #tpu.memory_space<semaphore_mem>>) src(%arg13 : memref<50x128xf32, #tpu.memory_space<vmem>>) dst(%dma_wait3A_401 : memref<10240x128xf32, #tpu.memory_space<vmem_shared>>)
        %add3A_402 = arith.constant 4 : i32
        %add3A_403 = arith.addi %mul3A_271, %add3A_402 : i32
        %add3A_404 = arith.constant 3 : i32
        %add3A_405 = arith.addi %add3A_403, %add3A_404 : i32
        %dma_start3A_406 = arith.constant 0 : i32
        %dma_start3A_407 = tpu.memref_slice %arg8[%add3A_405, %dma_start3A_406] : memref<56x50xi32, #tpu.memory_space<vmem>> -> memref<1x50xi32, #tpu.memory_space<vmem>>
        %dma_start3A_408 = tpu.memref_squeeze %dma_start3A_407 : memref<1x50xi32, #tpu.memory_space<vmem>> -> memref<50xi32, #tpu.memory_space<vmem>>
        %dma_start3A_409 = arith.constant 0 : i32
        %dma_start3A_410 = arith.constant 0 : i32
        %dma_start3A_411 = tpu.memref_slice %arg2[%dma_start3A_409, %dma_start3A_410] : memref<10000x128xf32, #tpu.memory_space<hbm>> -> memref<10000x128xf32, #tpu.memory_space<hbm>>
        tpu.enqueue_indirect_dma source(%dma_start3A_411 : memref<10000x128xf32, #tpu.memory_space<hbm>>) target(%arg13 : memref<50x128xf32, #tpu.memory_space<vmem>>) offsets(%dma_start3A_408 : memref<50xi32, #tpu.memory_space<vmem>>) semaphore(%arg17 : memref<!tpu.dma_semaphore, #tpu.memory_space<semaphore_mem>>)
      } else {
      }
    }
    %scan3A_235 = arith.constant 12 : i32
    %dma_wait3A_236 = arith.constant 44 : i32
    %dma_wait3A_237 = arith.constant 0 : i32
    %dma_wait3A_238 = tpu.memref_slice %arg9[%dma_wait3A_236, %dma_wait3A_237] : memref<56x50xi32, #tpu.memory_space<vmem>> -> memref<1x50xi32, #tpu.memory_space<vmem>>
    %dma_wait3A_239 = tpu.memref_squeeze %dma_wait3A_238 : memref<1x50xi32, #tpu.memory_space<vmem>> -> memref<50xi32, #tpu.memory_space<vmem>>
    %dma_wait3A_240 = arith.constant 0 : i32
    %dma_wait3A_241 = arith.constant 0 : i32
    %dma_wait3A_242 = tpu.memref_slice %arg7[%dma_wait3A_240, %dma_wait3A_241] : memref<10240x128xf32, #tpu.memory_space<vmem_shared>> -> memref<10240x128xf32, #tpu.memory_space<vmem_shared>>
    tpu.wait_indirect_dma semaphore(%arg18 : memref<!tpu.dma_semaphore, #tpu.memory_space<semaphore_mem>>) src(%arg10 : memref<50x128xf32, #tpu.memory_space<vmem>>) dst(%dma_wait3A_242 : memref<10240x128xf32, #tpu.memory_space<vmem_shared>>)
    %dma_wait3A_243 = arith.constant 45 : i32
    %dma_wait3A_244 = arith.constant 0 : i32
    %dma_wait3A_245 = tpu.memref_slice %arg9[%dma_wait3A_243, %dma_wait3A_244] : memref<56x50xi32, #tpu.memory_space<vmem>> -> memref<1x50xi32, #tpu.memory_space<vmem>>
    %dma_wait3A_246 = tpu.memref_squeeze %dma_wait3A_245 : memref<1x50xi32, #tpu.memory_space<vmem>> -> memref<50xi32, #tpu.memory_space<vmem>>
    %dma_wait3A_247 = arith.constant 0 : i32
    %dma_wait3A_248 = arith.constant 0 : i32
    %dma_wait3A_249 = tpu.memref_slice %arg7[%dma_wait3A_247, %dma_wait3A_248] : memref<10240x128xf32, #tpu.memory_space<vmem_shared>> -> memref<10240x128xf32, #tpu.memory_space<vmem_shared>>
    tpu.wait_indirect_dma semaphore(%arg19 : memref<!tpu.dma_semaphore, #tpu.memory_space<semaphore_mem>>) src(%arg11 : memref<50x128xf32, #tpu.memory_space<vmem>>) dst(%dma_wait3A_249 : memref<10240x128xf32, #tpu.memory_space<vmem_shared>>)
    %dma_wait3A_250 = arith.constant 46 : i32
    %dma_wait3A_251 = arith.constant 0 : i32
    %dma_wait3A_252 = tpu.memref_slice %arg9[%dma_wait3A_250, %dma_wait3A_251] : memref<56x50xi32, #tpu.memory_space<vmem>> -> memref<1x50xi32, #tpu.memory_space<vmem>>
    %dma_wait3A_253 = tpu.memref_squeeze %dma_wait3A_252 : memref<1x50xi32, #tpu.memory_space<vmem>> -> memref<50xi32, #tpu.memory_space<vmem>>
    %dma_wait3A_254 = arith.constant 0 : i32
    %dma_wait3A_255 = arith.constant 0 : i32
    %dma_wait3A_256 = tpu.memref_slice %arg7[%dma_wait3A_254, %dma_wait3A_255] : memref<10240x128xf32, #tpu.memory_space<vmem_shared>> -> memref<10240x128xf32, #tpu.memory_space<vmem_shared>>
    tpu.wait_indirect_dma semaphore(%arg20 : memref<!tpu.dma_semaphore, #tpu.memory_space<semaphore_mem>>) src(%arg12 : memref<50x128xf32, #tpu.memory_space<vmem>>) dst(%dma_wait3A_256 : memref<10240x128xf32, #tpu.memory_space<vmem_shared>>)
    %dma_wait3A_257 = arith.constant 47 : i32
    %dma_wait3A_258 = arith.constant 0 : i32
    %dma_wait3A_259 = tpu.memref_slice %arg9[%dma_wait3A_257, %dma_wait3A_258] : memref<56x50xi32, #tpu.memory_space<vmem>> -> memref<1x50xi32, #tpu.memory_space<vmem>>
    %dma_wait3A_260 = tpu.memref_squeeze %dma_wait3A_259 : memref<1x50xi32, #tpu.memory_space<vmem>> -> memref<50xi32, #tpu.memory_space<vmem>>
    %dma_wait3A_261 = arith.constant 0 : i32
    %dma_wait3A_262 = arith.constant 0 : i32
    %dma_wait3A_263 = tpu.memref_slice %arg7[%dma_wait3A_261, %dma_wait3A_262] : memref<10240x128xf32, #tpu.memory_space<vmem_shared>> -> memref<10240x128xf32, #tpu.memory_space<vmem_shared>>
    tpu.wait_indirect_dma semaphore(%arg21 : memref<!tpu.dma_semaphore, #tpu.memory_space<semaphore_mem>>) src(%arg13 : memref<50x128xf32, #tpu.memory_space<vmem>>) dst(%dma_wait3A_263 : memref<10240x128xf32, #tpu.memory_space<vmem_shared>>)
    %barrier3A_264 = arith.constant 0 : index
    tpu.barrier barrier_id(%barrier3A_264)
    %mul3A_265 = arith.constant 640 : i32
    %mul3A_266 = arith.muli %arg1, %mul3A_265 : i32
    %mul3A_267 = arith.constant 640 : i32
    %mul3A_268 = arith.muli %arg1, %mul3A_267 : i32
    "tpu.region"() ({
      %run_scoped3A = tpu.sem_alloc : memref<!tpu.dma_semaphore, #tpu.memory_space<semaphore_mem>>
      %dma_start3A_269 = arith.constant 0 : i32
      %dma_start3A_270 = tpu.memref_slice %arg6[%arg0, %mul3A_268, %dma_start3A_269] : memref<2x10240x128xf32, #tpu.memory_space<hbm>> -> memref<1x640x128xf32, #tpu.memory_space<hbm>>
      %dma_start3A_271 = tpu.memref_squeeze %dma_start3A_270 : memref<1x640x128xf32, #tpu.memory_space<hbm>> -> memref<640x128xf32, #tpu.memory_space<hbm>>
      %dma_start3A_272 = arith.constant 0 : i32
      %dma_start3A_273 = tpu.memref_slice %arg7[%mul3A_266, %dma_start3A_272] : memref<10240x128xf32, #tpu.memory_space<vmem_shared>> -> memref<640x128xf32, #tpu.memory_space<vmem_shared>>
      tpu.enqueue_dma source(%dma_start3A_273 : memref<640x128xf32, #tpu.memory_space<vmem_shared>>) target(%dma_start3A_271 : memref<640x128xf32, #tpu.memory_space<hbm>>) target_semaphore(%run_scoped3A : memref<!tpu.dma_semaphore, #tpu.memory_space<semaphore_mem>>)
      %dma_wait3A_274 = arith.constant 0 : i32
      %dma_wait3A_275 = tpu.memref_slice %arg6[%arg0, %mul3A_268, %dma_wait3A_274] : memref<2x10240x128xf32, #tpu.memory_space<hbm>> -> memref<1x640x128xf32, #tpu.memory_space<hbm>>
      %dma_wait3A_276 = tpu.memref_squeeze %dma_wait3A_275 : memref<1x640x128xf32, #tpu.memory_space<hbm>> -> memref<640x128xf32, #tpu.memory_space<hbm>>
      %dma_wait3A_277 = arith.constant 0 : i32
      %dma_wait3A_278 = tpu.memref_slice %arg7[%mul3A_266, %dma_wait3A_277] : memref<10240x128xf32, #tpu.memory_space<vmem_shared>> -> memref<640x128xf32, #tpu.memory_space<vmem_shared>>
      tpu.wait_dma2 semaphore(%run_scoped3A : memref<!tpu.dma_semaphore, #tpu.memory_space<semaphore_mem>>) src(%dma_wait3A_278 : memref<640x128xf32, #tpu.memory_space<vmem_shared>>) dst(%dma_wait3A_276 : memref<640x128xf32, #tpu.memory_space<hbm>>)
      tpu.yield
    }) : () -> ()
    return
  }
}

module attributes {stable_mosaic.version = 14 : i64} {
  func.func @_mm_body(%arg0: i32, %arg1: memref<2000x128xf32, #tpu.memory_space<vmem>>, %arg2: memref<128x128xf32, #tpu.memory_space<vmem>>, %arg3: memref<2000x128xf32, #tpu.memory_space<vmem>>) attributes {dimension_semantics = [#tpu.dimension_semantics<arbitrary>], iteration_bounds = array<i64: 5>, scalar_prefetch = 0 : i64, scratch_operands = 0 : i64, tpu.core_type = #tpu.core_type<tc>, window_params = [{transform_indices = @transform_0, window_bounds = array<i64: 2000, 128>}, {pipeline_mode = #tpu.pipeline_mode<synchronous>, transform_indices = @transform_1, window_bounds = array<i64: 128, 128>}, {transform_indices = @transform_2, window_bounds = array<i64: 2000, 128>}]} {
    %get3A = arith.constant 0 : index
    %get3A_0 = arith.constant 0 : index
    %get3A_1 = vector.load %arg1[%get3A, %get3A_0] : memref<2000x128xf32, #tpu.memory_space<vmem>>, vector<2000x128xf32>
    %get3A_2 = arith.constant 0 : index
    %get3A_3 = arith.constant 0 : index
    %get3A_4 = vector.load %arg2[%get3A_2, %get3A_3] : memref<128x128xf32, #tpu.memory_space<vmem>>, vector<128x128xf32>
    %dot_general3A = arith.constant dense<0.000000e+00> : vector<2000x128xf32>
    %dot_general3A_5 = tpu.matmul %get3A_1, %get3A_4, %dot_general3A {dimension_numbers = #tpu.dot_dimension_numbers<[1], [0], [0], [1], [0, 0, 1, 1], [], []>, transpose_lhs_hint = false} : vector<2000x128xf32>, vector<128x128xf32>, vector<2000x128xf32> -> vector<2000x128xf32>
    %swap3A = arith.constant 0 : index
    %swap3A_6 = arith.constant 0 : index
    %swap3A_7 = vector.load %arg3[%swap3A, %swap3A_6] : memref<2000x128xf32, #tpu.memory_space<vmem>>, vector<2000x128xf32>
    tpu.vector_store %arg3[%swap3A, %swap3A_6], %dot_general3A_5 {strides = array<i32>} : memref<2000x128xf32, #tpu.memory_space<vmem>>, vector<2000x128xf32>,
    return
  }
  func.func @transform_0(%arg0: i32) -> (i32, i32) {
    %c0_i32 = arith.constant 0 : i32
    %c0_i32_0 = arith.constant 0 : i32
    return %arg0, %c0_i32 : i32, i32
  }
  func.func @transform_1(%arg0: i32) -> (i32, i32) {
    %c0_i32 = arith.constant 0 : i32
    %c0_i32_0 = arith.constant 0 : i32
    %c0_i32_1 = arith.constant 0 : i32
    return %c0_i32, %c0_i32_0 : i32, i32
  }
  func.func @transform_2(%arg0: i32) -> (i32, i32) {
    %c0_i32 = arith.constant 0 : i32
    %c0_i32_0 = arith.constant 0 : i32
    return %arg0, %c0_i32 : i32, i32
  }
}

module attributes {stable_mosaic.version = 14 : i64} {
  func.func @_gscale_body(%arg0: i32, %arg1: memref<2x2000x128xf32, #tpu.memory_space<vmem>>, %arg2: memref<2000x128xf32, #tpu.memory_space<vmem>>, %arg3: memref<2000x128xf32, #tpu.memory_space<vmem>>, %arg4: memref<2000x8xf32, #tpu.memory_space<vmem>>) attributes {dimension_semantics = [#tpu.dimension_semantics<arbitrary>], iteration_bounds = array<i64: 5>, scalar_prefetch = 0 : i64, scratch_operands = 0 : i64, tpu.core_type = #tpu.core_type<tc>, window_params = [{transform_indices = @transform_0, window_bounds = array<i64: 2, 2000, 128>}, {transform_indices = @transform_1, window_bounds = array<i64: 2000, 128>}, {transform_indices = @transform_2, window_bounds = array<i64: 2000, 128>}, {transform_indices = @transform_3, window_bounds = array<i64: 2000, 8>}]} {
    %get3A = arith.constant 0 : index
    %get3A_0 = arith.constant 0 : index
    %get3A_1 = arith.constant 0 : index
    %get3A_2 = vector.load %arg1[%get3A, %get3A_0, %get3A_1] : memref<2x2000x128xf32, #tpu.memory_space<vmem>>, vector<2x2000x128xf32>
    %slice3A = vector.extract_strided_slice %get3A_2 {offsets = [0, 0, 0], sizes = [1, 2000, 1], strides = [1, 1, 1]} : vector<2x2000x128xf32> to vector<1x2000x1xf32>
    %squeeze3A = vector.shape_cast %slice3A : vector<1x2000x1xf32> to vector<2000xf32>
    %add3A = arith.constant 1.000000e+00 : f32
    %add3A_3 = vector.broadcast %add3A : f32 to vector<2000xf32>
    %add3A_4 = arith.addf %add3A_3, %squeeze3A : vector<2000xf32>
    %slice3A_5 = vector.extract_strided_slice %get3A_2 {offsets = [1, 0, 0], sizes = [1, 2000, 1], strides = [1, 1, 1]} : vector<2x2000x128xf32> to vector<1x2000x1xf32>
    %squeeze3A_6 = vector.shape_cast %slice3A_5 : vector<1x2000x1xf32> to vector<2000xf32>
    %add3A_7 = arith.addf %add3A_4, %squeeze3A_6 : vector<2000xf32>
    %rsqrt3A = math.rsqrt %add3A_7 : vector<2000xf32>
    %broadcast_in_dim3A = vector.shape_cast %rsqrt3A : vector<2000xf32> to vector<2000x1xf32>
    %get3A_8 = arith.constant 0 : index
    %get3A_9 = arith.constant 0 : index
    %get3A_10 = vector.load %arg2[%get3A_8, %get3A_9] : memref<2000x128xf32, #tpu.memory_space<vmem>>, vector<2000x128xf32>
    %mul3A = vector.broadcast %broadcast_in_dim3A : vector<2000x1xf32> to vector<2000x128xf32>
    %mul3A_11 = arith.mulf %mul3A, %get3A_10 : vector<2000x128xf32>
    %swap3A = arith.constant 0 : index
    %swap3A_12 = arith.constant 0 : index
    %swap3A_13 = vector.load %arg3[%swap3A, %swap3A_12] : memref<2000x128xf32, #tpu.memory_space<vmem>>, vector<2000x128xf32>
    tpu.vector_store %arg3[%swap3A, %swap3A_12], %mul3A_11 {strides = array<i32>} : memref<2000x128xf32, #tpu.memory_space<vmem>>, vector<2000x128xf32>,
    %broadcast_in_dim3A_14 = vector.shape_cast %broadcast_in_dim3A : vector<2000x1xf32> to vector<2000x1xf32>
    %broadcast_in_dim3A_15 = vector.broadcast %broadcast_in_dim3A_14 : vector<2000x1xf32> to vector<2000x8xf32>
    %swap3A_16 = arith.constant 0 : index
    %swap3A_17 = arith.constant 0 : index
    %swap3A_18 = vector.load %arg4[%swap3A_16, %swap3A_17] : memref<2000x8xf32, #tpu.memory_space<vmem>>, vector<2000x8xf32>
    tpu.vector_store %arg4[%swap3A_16, %swap3A_17], %broadcast_in_dim3A_15 {strides = array<i32>} : memref<2000x8xf32, #tpu.memory_space<vmem>>, vector<2000x8xf32>,
    return
  }
  func.func @transform_0(%arg0: i32) -> (i32, i32, i32) {
    %c0_i32 = arith.constant 0 : i32
    %c0_i32_0 = arith.constant 0 : i32
    %c0_i32_1 = arith.constant 0 : i32
    return %c0_i32, %arg0, %c0_i32_0 : i32, i32, i32
  }
  func.func @transform_1(%arg0: i32) -> (i32, i32) {
    %c0_i32 = arith.constant 0 : i32
    %c0_i32_0 = arith.constant 0 : i32
    return %arg0, %c0_i32 : i32, i32
  }
  func.func @transform_2(%arg0: i32) -> (i32, i32) {
    %c0_i32 = arith.constant 0 : i32
    %c0_i32_0 = arith.constant 0 : i32
    return %arg0, %c0_i32 : i32, i32
  }
  func.func @transform_3(%arg0: i32) -> (i32, i32) {
    %c0_i32 = arith.constant 0 : i32
    %c0_i32_0 = arith.constant 0 : i32
    return %arg0, %c0_i32 : i32, i32
  }
}

module attributes {stable_mosaic.version = 14 : i64} {
  func.func @_layer_body(%arg0: i32, %arg1: memref<2000x8xf32, #tpu.memory_space<vmem>>, %arg2: memref<2x2000x128xf32, #tpu.memory_space<vmem>>, %arg3: memref<2000x128xf32, #tpu.memory_space<vmem>>, %arg4: memref<1x128xf32, #tpu.memory_space<vmem>>, %arg5: memref<128x128xf32, #tpu.memory_space<vmem>>, %arg6: memref<2000x128xf32, #tpu.memory_space<vmem>>) attributes {dimension_semantics = [#tpu.dimension_semantics<arbitrary>], iteration_bounds = array<i64: 5>, scalar_prefetch = 0 : i64, scratch_operands = 0 : i64, tpu.core_type = #tpu.core_type<tc>, window_params = [{transform_indices = @transform_0, window_bounds = array<i64: 2000, 8>}, {transform_indices = @transform_1, window_bounds = array<i64: 2, 2000, 128>}, {transform_indices = @transform_2, window_bounds = array<i64: 2000, 128>}, {pipeline_mode = #tpu.pipeline_mode<synchronous>, transform_indices = @transform_3, window_bounds = array<i64: 1, 128>}, {pipeline_mode = #tpu.pipeline_mode<synchronous>, transform_indices = @transform_4, window_bounds = array<i64: 128, 128>}, {transform_indices = @transform_5, window_bounds = array<i64: 2000, 128>}]} {
    %get3A = arith.constant 0 : index
    %get3A_0 = arith.constant 0 : index
    %get3A_1 = vector.load %arg1[%get3A, %get3A_0] : memref<2000x8xf32, #tpu.memory_space<vmem>>, vector<2000x1xf32>
    %get3A_2 = arith.constant 0 : index
    %get3A_3 = arith.constant 0 : index
    %get3A_4 = arith.constant 0 : index
    %get3A_5 = vector.load %arg2[%get3A_2, %get3A_3, %get3A_4] : memref<2x2000x128xf32, #tpu.memory_space<vmem>>, vector<2x2000x128xf32>
    %slice3A = vector.extract_strided_slice %get3A_5 {offsets = [0, 0, 0], sizes = [1, 2000, 128], strides = [1, 1, 1]} : vector<2x2000x128xf32> to vector<1x2000x128xf32>
    %squeeze3A = vector.shape_cast %slice3A : vector<1x2000x128xf32> to vector<2000x128xf32>
    %slice3A_6 = vector.extract_strided_slice %get3A_5 {offsets = [1, 0, 0], sizes = [1, 2000, 128], strides = [1, 1, 1]} : vector<2x2000x128xf32> to vector<1x2000x128xf32>
    %squeeze3A_7 = vector.shape_cast %slice3A_6 : vector<1x2000x128xf32> to vector<2000x128xf32>
    %add3A = arith.addf %squeeze3A, %squeeze3A_7 : vector<2000x128xf32>
    %get3A_8 = arith.constant 0 : index
    %get3A_9 = arith.constant 0 : index
    %get3A_10 = vector.load %arg3[%get3A_8, %get3A_9] : memref<2000x128xf32, #tpu.memory_space<vmem>>, vector<2000x128xf32>
    %add3A_11 = arith.addf %add3A, %get3A_10 : vector<2000x128xf32>
    %mul3A = vector.broadcast %get3A_1 : vector<2000x1xf32> to vector<2000x128xf32>
    %mul3A_12 = arith.mulf %mul3A, %add3A_11 : vector<2000x128xf32>
    %get3A_13 = arith.constant 0 : index
    %get3A_14 = arith.constant 0 : index
    %get3A_15 = vector.load %arg4[%get3A_13, %get3A_14] : memref<1x128xf32, #tpu.memory_space<vmem>>, vector<1x128xf32>
    %add3A_16 = vector.broadcast %get3A_15 : vector<1x128xf32> to vector<2000x128xf32>
    %add3A_17 = arith.addf %mul3A_12, %add3A_16 : vector<2000x128xf32>
    %max3A = arith.constant 0.000000e+00 : f32
    %max3A_18 = vector.broadcast %max3A : f32 to vector<2000x128xf32>
    %max3A_19 = arith.maximumf %add3A_17, %max3A_18 : vector<2000x128xf32>
    %get3A_20 = arith.constant 0 : index
    %get3A_21 = arith.constant 0 : index
    %get3A_22 = vector.load %arg5[%get3A_20, %get3A_21] : memref<128x128xf32, #tpu.memory_space<vmem>>, vector<128x128xf32>
    %dot_general3A = arith.constant dense<0.000000e+00> : vector<2000x128xf32>
    %dot_general3A_23 = tpu.matmul %max3A_19, %get3A_22, %dot_general3A {dimension_numbers = #tpu.dot_dimension_numbers<[1], [0], [0], [1], [0, 0, 1, 1], [], []>, transpose_lhs_hint = false} : vector<2000x128xf32>, vector<128x128xf32>, vector<2000x128xf32> -> vector<2000x128xf32>
    %mul3A_24 = vector.broadcast %get3A_1 : vector<2000x1xf32> to vector<2000x128xf32>
    %mul3A_25 = arith.mulf %mul3A_24, %dot_general3A_23 : vector<2000x128xf32>
    %swap3A = arith.constant 0 : index
    %swap3A_26 = arith.constant 0 : index
    %swap3A_27 = vector.load %arg6[%swap3A, %swap3A_26] : memref<2000x128xf32, #tpu.memory_space<vmem>>, vector<2000x128xf32>
    tpu.vector_store %arg6[%swap3A, %swap3A_26], %mul3A_25 {strides = array<i32>} : memref<2000x128xf32, #tpu.memory_space<vmem>>, vector<2000x128xf32>,
    return
  }
  func.func @transform_0(%arg0: i32) -> (i32, i32) {
    %c0_i32 = arith.constant 0 : i32
    %c0_i32_0 = arith.constant 0 : i32
    return %arg0, %c0_i32 : i32, i32
  }
  func.func @transform_1(%arg0: i32) -> (i32, i32, i32) {
    %c0_i32 = arith.constant 0 : i32
    %c0_i32_0 = arith.constant 0 : i32
    %c0_i32_1 = arith.constant 0 : i32
    return %c0_i32, %arg0, %c0_i32_0 : i32, i32, i32
  }
  func.func @transform_2(%arg0: i32) -> (i32, i32) {
    %c0_i32 = arith.constant 0 : i32
    %c0_i32_0 = arith.constant 0 : i32
    return %arg0, %c0_i32 : i32, i32
  }
  func.func @transform_3(%arg0: i32) -> (i32, i32) {
    %c0_i32 = arith.constant 0 : i32
    %c0_i32_0 = arith.constant 0 : i32
    %c0_i32_1 = arith.constant 0 : i32
    return %c0_i32, %c0_i32_0 : i32, i32
  }
  func.func @transform_4(%arg0: i32) -> (i32, i32) {
    %c0_i32 = arith.constant 0 : i32
    %c0_i32_0 = arith.constant 0 : i32
    %c0_i32_1 = arith.constant 0 : i32
    return %c0_i32, %c0_i32_0 : i32, i32
  }
  func.func @transform_5(%arg0: i32) -> (i32, i32) {
    %c0_i32 = arith.constant 0 : i32
    %c0_i32_0 = arith.constant 0 : i32
    return %arg0, %c0_i32 : i32, i32
  }
}

module attributes {stable_mosaic.version = 14 : i64} {
  func.func @_final_body(%arg0: i32, %arg1: memref<2000x8xf32, #tpu.memory_space<vmem>>, %arg2: memref<2x2000x128xf32, #tpu.memory_space<vmem>>, %arg3: memref<2000x128xf32, #tpu.memory_space<vmem>>, %arg4: memref<1x128xf32, #tpu.memory_space<vmem>>, %arg5: memref<128x2xf32, #tpu.memory_space<vmem>>, %arg6: memref<1x2xf32, #tpu.memory_space<vmem>>, %arg7: memref<1x2xf32, #tpu.memory_space<vmem>>, %arg8: memref<1x128xf32, #tpu.memory_space<vmem>>) attributes {dimension_semantics = [#tpu.dimension_semantics<arbitrary>], iteration_bounds = array<i64: 5>, scalar_prefetch = 0 : i64, scratch_operands = 1 : i64, tpu.core_type = #tpu.core_type<tc>, window_params = [{transform_indices = @transform_0, window_bounds = array<i64: 2000, 8>}, {transform_indices = @transform_1, window_bounds = array<i64: 2, 2000, 128>}, {transform_indices = @transform_2, window_bounds = array<i64: 2000, 128>}, {pipeline_mode = #tpu.pipeline_mode<synchronous>, transform_indices = @transform_3, window_bounds = array<i64: 1, 128>}, {pipeline_mode = #tpu.pipeline_mode<synchronous>, transform_indices = @transform_4, window_bounds = array<i64: 128, 2>}, {pipeline_mode = #tpu.pipeline_mode<synchronous>, transform_indices = @transform_5, window_bounds = array<i64: 1, 2>}, {pipeline_mode = #tpu.pipeline_mode<synchronous>, transform_indices = @transform_6, window_bounds = array<i64: 1, 2>}]} {
    %get3A = arith.constant 0 : index
    %get3A_0 = arith.constant 0 : index
    %get3A_1 = vector.load %arg1[%get3A, %get3A_0] : memref<2000x8xf32, #tpu.memory_space<vmem>>, vector<2000x1xf32>
    %get3A_2 = arith.constant 0 : index
    %get3A_3 = arith.constant 0 : index
    %get3A_4 = arith.constant 0 : index
    %get3A_5 = vector.load %arg2[%get3A_2, %get3A_3, %get3A_4] : memref<2x2000x128xf32, #tpu.memory_space<vmem>>, vector<2x2000x128xf32>
    %slice3A = vector.extract_strided_slice %get3A_5 {offsets = [0, 0, 0], sizes = [1, 2000, 128], strides = [1, 1, 1]} : vector<2x2000x128xf32> to vector<1x2000x128xf32>
    %squeeze3A = vector.shape_cast %slice3A : vector<1x2000x128xf32> to vector<2000x128xf32>
    %slice3A_6 = vector.extract_strided_slice %get3A_5 {offsets = [1, 0, 0], sizes = [1, 2000, 128], strides = [1, 1, 1]} : vector<2x2000x128xf32> to vector<1x2000x128xf32>
    %squeeze3A_7 = vector.shape_cast %slice3A_6 : vector<1x2000x128xf32> to vector<2000x128xf32>
    %add3A = arith.addf %squeeze3A, %squeeze3A_7 : vector<2000x128xf32>
    %get3A_8 = arith.constant 0 : index
    %get3A_9 = arith.constant 0 : index
    %get3A_10 = vector.load %arg3[%get3A_8, %get3A_9] : memref<2000x128xf32, #tpu.memory_space<vmem>>, vector<2000x128xf32>
    %add3A_11 = arith.addf %add3A, %get3A_10 : vector<2000x128xf32>
    %mul3A = vector.broadcast %get3A_1 : vector<2000x1xf32> to vector<2000x128xf32>
    %mul3A_12 = arith.mulf %mul3A, %add3A_11 : vector<2000x128xf32>
    %get3A_13 = arith.constant 0 : index
    %get3A_14 = arith.constant 0 : index
    %get3A_15 = vector.load %arg4[%get3A_13, %get3A_14] : memref<1x128xf32, #tpu.memory_space<vmem>>, vector<1x128xf32>
    %add3A_16 = vector.broadcast %get3A_15 : vector<1x128xf32> to vector<2000x128xf32>
    %add3A_17 = arith.addf %mul3A_12, %add3A_16 : vector<2000x128xf32>
    %max3A = arith.constant 0.000000e+00 : f32
    %max3A_18 = vector.broadcast %max3A : f32 to vector<2000x128xf32>
    %max3A_19 = arith.maximumf %add3A_17, %max3A_18 : vector<2000x128xf32>
    %reduce_sum3A = arith.constant dense<0.000000e+00> : vector<128xf32>
    %reduce_sum3A_20 = vector.multi_reduction <add>, %max3A_19, %reduce_sum3A [0] : vector<2000x128xf32> to vector<128xf32>
    %broadcast_in_dim3A = vector.shape_cast %reduce_sum3A_20 : vector<128xf32> to vector<1x128xf32>
    %eq3A = arith.constant 0 : i32
    %eq3A_21 = arith.cmpi eq, %arg0, %eq3A : i32
    %convert_element_type3A = arith.extui %eq3A_21 : i1 to i32
    %cond3A = arith.constant 0 : i32
    %cond3A_22 = arith.cmpi ne, %convert_element_type3A, %cond3A : i32
    scf.if %cond3A_22 {
      %broadcast_in_dim3A_34 = arith.constant 0.000000e+00 : f32
      %broadcast_in_dim3A_35 = vector.broadcast %broadcast_in_dim3A_34 : f32 to vector<1x128xf32>
      %swap3A_36 = arith.constant 0 : index
      %swap3A_37 = arith.constant 0 : index
      %swap3A_38 = vector.load %arg8[%swap3A_36, %swap3A_37] : memref<1x128xf32, #tpu.memory_space<vmem>>, vector<1x128xf32>
      tpu.vector_store %arg8[%swap3A_36, %swap3A_37], %broadcast_in_dim3A_35 {strides = array<i32>} : memref<1x128xf32, #tpu.memory_space<vmem>>, vector<1x128xf32>,
    } else {
    }
    %get3A_23 = arith.constant 0 : index
    %get3A_24 = arith.constant 0 : index
    %get3A_25 = vector.load %arg8[%get3A_23, %get3A_24] : memref<1x128xf32, #tpu.memory_space<vmem>>, vector<1x128xf32>
    %add3A_26 = arith.addf %get3A_25, %broadcast_in_dim3A : vector<1x128xf32>
    %swap3A = arith.constant 0 : index
    %swap3A_27 = arith.constant 0 : index
    %swap3A_28 = vector.load %arg8[%swap3A, %swap3A_27] : memref<1x128xf32, #tpu.memory_space<vmem>>, vector<1x128xf32>
    tpu.vector_store %arg8[%swap3A, %swap3A_27], %add3A_26 {strides = array<i32>} : memref<1x128xf32, #tpu.memory_space<vmem>>, vector<1x128xf32>,
    %eq3A_29 = arith.constant 4 : i32
    %eq3A_30 = arith.cmpi eq, %arg0, %eq3A_29 : i32
    %convert_element_type3A_31 = arith.extui %eq3A_30 : i1 to i32
    %cond3A_32 = arith.constant 0 : i32
    %cond3A_33 = arith.cmpi ne, %convert_element_type3A_31, %cond3A_32 : i32
    scf.if %cond3A_33 {
      %get3A_34 = arith.constant 0 : index
      %get3A_35 = arith.constant 0 : index
      %get3A_36 = vector.load %arg8[%get3A_34, %get3A_35] : memref<1x128xf32, #tpu.memory_space<vmem>>, vector<1x128xf32>
      %mul3A_37 = arith.constant 9.99999974E-5 : f32
      %mul3A_38 = vector.broadcast %mul3A_37 : f32 to vector<1x128xf32>
      %mul3A_39 = arith.mulf %get3A_36, %mul3A_38 : vector<1x128xf32>
      %get3A_40 = arith.constant 0 : index
      %get3A_41 = arith.constant 0 : index
      %get3A_42 = vector.load %arg5[%get3A_40, %get3A_41] : memref<128x2xf32, #tpu.memory_space<vmem>>, vector<128x2xf32>
      %dot_general3A = arith.constant dense<0.000000e+00> : vector<1x2xf32>
      %dot_general3A_43 = tpu.matmul %mul3A_39, %get3A_42, %dot_general3A {dimension_numbers = #tpu.dot_dimension_numbers<[1], [0], [0], [1], [0, 0, 1, 1], [], []>, transpose_lhs_hint = false} : vector<1x128xf32>, vector<128x2xf32>, vector<1x2xf32> -> vector<1x2xf32>
      %get3A_44 = arith.constant 0 : index
      %get3A_45 = arith.constant 0 : index
      %get3A_46 = vector.load %arg6[%get3A_44, %get3A_45] : memref<1x2xf32, #tpu.memory_space<vmem>>, vector<1x2xf32>
      %add3A_47 = arith.addf %dot_general3A_43, %get3A_46 : vector<1x2xf32>
      %logistic3A = arith.negf %add3A_47 : vector<1x2xf32>
      %logistic3A_48 = math.exp %logistic3A : vector<1x2xf32>
      %logistic3A_49 = arith.constant 1.000000e+00 : f32
      %logistic3A_50 = vector.broadcast %logistic3A_49 : f32 to vector<1x2xf32>
      %logistic3A_51 = arith.addf %logistic3A_50, %logistic3A_48 : vector<1x2xf32>
      %logistic3A_52 = arith.divf %logistic3A_50, %logistic3A_51 : vector<1x2xf32>
      %swap3A_53 = arith.constant 0 : index
      %swap3A_54 = arith.constant 0 : index
      %swap3A_55 = vector.load %arg7[%swap3A_53, %swap3A_54] : memref<1x2xf32, #tpu.memory_space<vmem>>, vector<1x2xf32>
      tpu.vector_store %arg7[%swap3A_53, %swap3A_54], %logistic3A_52 {strides = array<i32>} : memref<1x2xf32, #tpu.memory_space<vmem>>, vector<1x2xf32>,
    } else {
    }
    return
  }
  func.func @transform_0(%arg0: i32) -> (i32, i32) {
    %c0_i32 = arith.constant 0 : i32
    %c0_i32_0 = arith.constant 0 : i32
    return %arg0, %c0_i32 : i32, i32
  }
  func.func @transform_1(%arg0: i32) -> (i32, i32, i32) {
    %c0_i32 = arith.constant 0 : i32
    %c0_i32_0 = arith.constant 0 : i32
    %c0_i32_1 = arith.constant 0 : i32
    return %c0_i32, %arg0, %c0_i32_0 : i32, i32, i32
  }
  func.func @transform_2(%arg0: i32) -> (i32, i32) {
    %c0_i32 = arith.constant 0 : i32
    %c0_i32_0 = arith.constant 0 : i32
    return %arg0, %c0_i32 : i32, i32
  }
  func.func @transform_3(%arg0: i32) -> (i32, i32) {
    %c0_i32 = arith.constant 0 : i32
    %c0_i32_0 = arith.constant 0 : i32
    %c0_i32_1 = arith.constant 0 : i32
    return %c0_i32, %c0_i32_0 : i32, i32
  }
  func.func @transform_4(%arg0: i32) -> (i32, i32) {
    %c0_i32 = arith.constant 0 : i32
    %c0_i32_0 = arith.constant 0 : i32
    %c0_i32_1 = arith.constant 0 : i32
    return %c0_i32, %c0_i32_0 : i32, i32
  }
  func.func @transform_5(%arg0: i32) -> (i32, i32) {
    %c0_i32 = arith.constant 0 : i32
    %c0_i32_0 = arith.constant 0 : i32
    %c0_i32_1 = arith.constant 0 : i32
    return %c0_i32, %c0_i32_0 : i32, i32
  }
  func.func @transform_6(%arg0: i32) -> (i32, i32) {
    %c0_i32 = arith.constant 0 : i32
    %c0_i32_0 = arith.constant 0 : i32
    %c0_i32_1 = arith.constant 0 : i32
    return %c0_i32, %c0_i32_0 : i32, i32
  }
}

</mosaic_0001>

<sc_bundles>
// kernel: kernel.12.cloned.1.call-start
scs
__scs_entry_jumppad:
0x0: {  	(pc) =	sbr.rel $0x88, $3  }
0x1: {  	(tag) =	ssettag $0x0;
	lr =	simm.s32 $0x1  }
0x2: {  	[smem:$0x3F99] =	sst lr;
	_ =	strace $0xD0000000  }
0x3: {  	_ = 	snop  }
0x4: {  	_ = 	snop  }
0x5: {  	_ = 	snop  }
0x6: {  	_ = 	snop  }
0x7: {  	_ = 	snop  }
__scs_overlays_trampoline_lowered:
0x8: {  	[smem:$0x3FA8] =	sst s0  }
0x9: {  	[smem:$0x3FA9] =	sst s1  }
0xa: {  	[smem:$0x3FAA] =	sst s2  }
0xb: {  	[smem:$0x3FAB] =	sst s3  }
0xc: {  	[smem:$0x3FAC] =	sst s4  }
0xd: {  	[smem:$0x3FAD] =	sst s5  }
0xe: {  	[smem:$0x3FAE] =	sst s6  }
0xf: {  	[smem:$0x3FAF] =	sst s7  }
0x10: {  	[smem:$0x3FB0] =	sst s8  }
0x11: {  	[smem:$0x3FB1] =	sst s9;
	s0 =	simm.s32 @!p0 $0x0  }
0x12: {  	s1 =	sld [smem:$0x3F97];
	s0 =	simm.s32 @p0 $0x1  }
0x13: {  	[smem:$0x3FB2] =	sst s0;
	s0 =	simm.s32 @!p1 $0x0  }
0x14: {  	s2 =	sld [smem:$0x3F96];
	s0 =	simm.s32 @p1 $0x1  }
0x15: {  	[smem:$0x3FB3] =	sst s0;
	s0 =	simm.s32 @!p2 $0x0  }
0x16: {  	s3 =	sld [smem:$0x3FDB];
	s0 =	simm.s32 @p2 $0x1  }
0x17: {  	s4 =	simm.s32 $0x1BF5;
	[smem:$0x3FB5] =	sst s0  }
0x18: {  	s0 =	sld [smem:$0x3F98];
	_ =	swait.ge [sflag:s4], $0x0  }
0x19: {  	s7 =	sld [smem:$0x3F99]  }
0x1a: {  	s8 =	sadd.s32 $0xFFFFE003, lr  }
0x1b: {  	s9 =	sadd.s32 $0xFFFFFEF7, lr;
	s5 =	simm.s32 $0xFFFFFFFF;
	p2 =	slt.u32 s8, $0xFFFFF086  }
0x1c: {  	p1 =	slt.u32 s9, $0xF7A;
	s5 =	simm.s32 @!p2 $0x0  }
0x1d: {  	s5 =	simm.s32 @p1 $0x1;
	p0 =	seq.s32 s7, s2  }
0x1e: {  	s7 =	smul.u32 @!p0 $0xF7A, s2;
	p2 =	seq.s32 @!p0 s5, $0x0  }
0x1f: {  	s9 =	smul.u32 $0xF7A, s1;
	s8 =	simm.s32 @!p0 $0x1BF5;
	p2 =	por !p2, p0  }
0x20: {  	[sflag:s8] =	ssyncset.s32 @!p0 $0xFFFFF086;
	s6 =	sadd.s32 @!p0 s3, s7;
	s7 =	simm.s32 @!p0 $0x108  }
0x21: {  	s3 =	sadd.s32 s3, s9;
	s6 =	sadd.s32 @!p0 $0x88, s6;
	s7 =	simm.s32 @p2 $0x1082  }
0x22: {  	[simem:s7], [sflag:s8] =	dma.local @!p0 [hbm:s6], $0xF7A  }
0x23: {  	s9 =	sor.u32 $0xD0000000, s2;
	s6 =	simm.s32 $0x108;
	_ =	swait.ge @!p0 [sflag:s8], $0x0  }
0x24: {  	s3 =	sadd.s32 $0x88, s3;
	s6 =	simm.s32 @!p1 $0x1082;
	[sflag:s4] =	ssyncset.s32 $0xFFFFF086  }
0x25: {  	[simem:s6], [sflag:s4] =	dma.local [hbm:s3], $0xF7A  }
0x26: {  	[smem:$0x3F99] =	sst s1;
	(tag) =	ssettag s2;
	_ =	strace s9  }
0x27: {  	s1 =	sld [smem:$0x3FA9]  }
0x28: {  	s2 =	sld [smem:$0x3FAA]  }
0x29: {  	s4 =	sld [smem:$0x3FAC]  }
0x2a: {  	p0 =	seq.s32 s5, $0x0;
	s5 =	sld [smem:$0x3FAD]  }
0x2b: {  	s6 =	sld [smem:$0x3FAE]  }
0x2c: {  	s7 =	sld [smem:$0x3FAF]  }
0x2d: {  	s3 =	simm.s32 $0x108;
	s8 =	sld [smem:$0x3FB0]  }
0x2e: {  	s3 =	simm.s32 @!p0 $0x1082;
	s9 =	sld [smem:$0x3FB1]  }
0x2f: {  	lr =	sadd.s32 s0, s3;
	s0 =	sld [smem:$0x3FA8]  }
0x30: {  	s3 =	sld [smem:$0x3FAB]  }
0x31: {  	[smem:$0x3FB4] =	sst s10  }
0x32: {  	s10 =	sld [smem:$0x3FB2];
	_ =	sdelay $0x3  }
0x33: {  	p0 =	seq.s32 s10, $0x1;
	s10 =	sld [smem:$0x3FB4];
	_ =	sdelay $0x3  }
0x34: {  	[smem:$0x3FB4] =	sst s10  }
0x35: {  	s10 =	sld [smem:$0x3FB3];
	_ =	sdelay $0x3  }
0x36: {  	p1 =	seq.s32 s10, $0x1;
	s10 =	sld [smem:$0x3FB4];
	_ =	sdelay $0x3  }
0x37: {  	[smem:$0x3FB4] =	sst s10  }
0x38: {  	s10 =	sld [smem:$0x3FB5]  }
0x39: {  	_ = 	snop;
	(pc) =	sbr.ind lr, $3  }
0x3a: {  	_ = 	snop  }
0x3b: {  	_ = 	snop  }
0x3c: {  	p2 =	seq.s32 s10, $0x1;
	s10 =	sld [smem:$0x3FB4]  }
0x3d: {  	_ =	shalt  }
0x3e: {  	_ =	shalt  }
0x3f: {  	_ =	shalt  }
0x40: {  	_ =	shalt  }
0x41: {  	_ =	shalt  }
0x42: {  	_ =	shalt  }
0x43: {  	_ =	shalt  }
0x44: {  	_ =	shalt  }
0x45: {  	_ =	shalt  }
0x46: {  	_ =	shalt  }
0x47: {  	_ =	shalt  }
0x48: {  	_ =	shalt  }
0x49: {  	_ =	shalt  }
0x4a: {  	_ =	shalt  }
0x4b: {  	_ =	shalt  }
0x4c: {  	_ =	shalt  }
0x4d: {  	_ =	shalt  }
0x4e: {  	_ =	shalt  }
0x4f: {  	_ =	shalt  }
0x50: {  	_ =	shalt  }
0x51: {  	_ =	shalt  }
0x52: {  	_ =	shalt  }
0x53: {  	_ =	shalt  }
0x54: {  	_ =	shalt  }
0x55: {  	_ =	shalt  }
0x56: {  	_ =	shalt  }
0x57: {  	_ =	shalt  }
0x58: {  	_ =	shalt  }
0x59: {  	_ =	shalt  }
0x5a: {  	_ =	shalt  }
0x5b: {  	_ =	shalt  }
0x5c: {  	_ =	shalt  }
0x5d: {  	_ =	shalt  }
0x5e: {  	_ =	shalt  }
0x5f: {  	_ =	shalt  }
0x60: {  	_ =	shalt  }
0x61: {  	_ =	shalt  }
0x62: {  	_ =	shalt  }
0x63: {  	_ =	shalt  }
0x64: {  	_ =	shalt  }
0x65: {  	_ =	shalt  }
0x66: {  	_ =	shalt  }
0x67: {  	_ =	shalt  }
0x68: {  	_ =	shalt  }
0x69: {  	_ =	shalt  }
0x6a: {  	_ =	shalt  }
0x6b: {  	_ =	shalt  }
0x6c: {  	_ =	shalt  }
0x6d: {  	_ =	shalt  }
0x6e: {  	_ =	shalt  }
0x6f: {  	_ =	shalt  }
0x70: {  	_ =	shalt  }
0x71: {  	_ =	shalt  }
0x72: {  	_ =	shalt  }
0x73: {  	_ =	shalt  }
0x74: {  	_ =	shalt  }
0x75: {  	_ =	shalt  }
0x76: {  	_ =	shalt  }
0x77: {  	_ =	shalt  }
0x78: {  	_ =	shalt  }
0x79: {  	_ =	shalt  }
0x7a: {  	_ =	shalt  }
0x7b: {  	_ =	shalt  }
0x7c: {  	_ =	shalt  }
0x7d: {  	_ =	shalt  }
0x7e: {  	_ =	shalt  }
0x7f: {  	_ =	shalt  }
0x80: {  	_ =	shalt  }
0x81: {  	_ =	shalt  }
0x82: {  	_ =	shalt  }
0x83: {  	_ =	shalt  }
0x84: {  	_ =	shalt  }
0x85: {  	_ =	shalt  }
0x86: {  	_ =	shalt  }
0x87: {  	_ =	shalt  }
.Lfunc_end0:
.L_simem_size_0:
called_computation.1_lowered:
.L_overlay_start_0:
0x88: {  	s2 =	sld [smem:$0x3FD9]  }
0x89: {  	s3 =	sld [smem:$0x3FFE];
	_ =	sdelay $0x1  }
0x8a: {  	s1 =	srdreg.scid  }
0x8b: {  	s0 =	sand.u32 $0x1, s1  }
0x8c: {  	s16 =	sshll.u32 s0, $0xA;
	s2 =	sadd.s32 s3, s2  }
0x8d: {  	s2 =	sadd.s32 s2, s16  }
0x8e: {  	[smem:$0x3FC0] =	sst s2  }
0x8f: {  	_ = 	snop  }
0x90: {  	(tm) =	ssettm $0x1  }
0x91: {  	s17 =	sld [smem:$0x3FFB];
	_ =	sdelay $0x3  }
0x92: {  	_ =	strace s17  }
0x93: {  	s2 =	sld [smem:$0x3FFC];
	_ =	sdelay $0x3  }
0x94: {  	_ =	strace s2  }
0x95: {  	s2 =	sld [smem:$0x3FFD];
	_ =	sdelay $0x3  }
0x96: {  	_ =	strace s2  }
0x97: {  	_ =	strace $0x8FFFFFFF  }
0x98: {  	s18 =	sld [smem:$0x3FDB];
	_ =	sdelay $0x1  }
0x99: {  	s19 =	simm.s32 $_scs_section_size  }
0x9a: {  	s4 =	simm.s32 $_size__tile_overlayer_lowered;
	s5 =	simm.s32 $_tile_overlayer_lowered  }
0x9b: {  	s22 =	simm.s32 $0x1BFF;
	s21 =	sshll.u32 s5, $0x1;
	s2 =	sadd.s32 s19, s18  }
0x9c: {  	s6 =	simm.s32 $0x0;
	s20 =	sshll.u32 s4, $0x1;
	s4 =	sadd.s32 s21, s2  }
0x9d: {  	[timem:s6], [sflag:s22] =	dma.local [hbm:s4], s20  }
0x9e: {  	_ =	swait.ge [sflag:s22], s20  }
0x9f: {  	s3 =	ssub.s32 $0x0, s20;
	[sflag:s22] =	ssyncset.done $0x0  }
0xa0: {  	[sflag:s22] =	ssyncadd.s32 s3;
	_ =	sdelay $0x1  }
0xa1: {  	s23 =	simm.s32 $0x1B8B  }
0xa2: {  	_ =	swait.ge [sflag:s23], $0x1  }
0xa3: {  	[sflag:s23] =	ssyncset.done $0x0  }
0xa4: {  	s25 =	simm.s32 $0x1B8E;
	s24 =	sld [smem:$0x3FFE];
	[sflag:s23] =	ssyncadd.s32 $0xFFFFFFFF  }
0xa5: {  	s26 =	simm.s32 $execute0_lowered;
	[smem:$0x3FD2] =	sst s25  }
0xa6: {  	s4 =	sshll.u32 s26, $0x1;
	_ =	strace $0x80000049;
	[dreg:$0x1] =	wrdreg $0xFFFFFFFF  }
0xa7: {  	s28 =	simm.s32 $_size_execute0_lowered;
	s2 =	sadd.s32 s2, s4;
	[dreg:$0x0] =	wrdreg $0x0  }
0xa8: {  	s4 =	sshll.u32 s28, $0x1;
	[dreg:$0x2] =	wrdreg s2  }
0xa9: {  	[dreg:$0x3] =	wrdreg s4  }
0xaa: {  	[dreg:$0x4] =	wrdreg $0xC0  }
0xab: {  	_ =	task [dreg:s6], $0x5FFFF  }
0xac: {  	[dreg:$0x1] =	wrdreg $0xFFFFFFFF  }
0xad: {  	[dreg:$0x0] =	wrdreg $0x60  }
0xae: {  	[dreg:$0x2] =	wrdreg s24  }
0xaf: {  	[dreg:$0x3] =	wrdreg $0x0  }
0xb0: {  	[dreg:$0x4] =	wrdreg $0x9  }
0xb1: {  	_ =	task.clear_ibuf [dreg:s6], $0x5FFFF;
	_ =	strace $0x90000049  }
0xb2: {  	s29 =	simm.s32 $0x9;
	_ =	strace $0x8000004B  }
0xb3: {  	_ =	swait.ge [sflag:s29], $0x1  }
0xb4: {  	[sflag:s29] =	ssyncadd.s32 $0xFFFFFFFF  }
0xb5: {  	_ =	strace $0x9000004B  }
0xb6: {  	_ =	sfence  }
0xb7: {  	s30 =	sld [smem:$0x0];
	_ =	sdelay $0x2  }
0xb8: {  	s31 =	sshll.u32 s1, $0xD;
	s1 =	sshrl.u32 s1, $0x2  }
0xb9: {  	s3 =	sand.u32 $0x4000, s31;
	s1 =	sadd.s32 s1, s30  }
0xba: {  	s0 =	sor.u32 s3, s0;
	s1 =	sshll.u32 s1, $0x11  }
0xbb: {  	s0 =	sor.u32 s1, s0  }
0xbc: {  	s0 =	sadd.s32 $0x8F2B, s0  }
0xbd: {  	[sflag:s0] =	ssyncadd.remote.s32 $0x1  }
0xbe: {  	_ =	sfence.sel $0xFFFF  }
0xbf: {  	[dreg:$0x0] =	wrdreg $0xFFFFFFFF;
	(pc) =	sbr.abs _section_cstart, $3  }
0xc0: {  	[dreg:$0x1] =	wrdreg $0xFFFFFFFF  }
0xc1: {  	_ =	task.clear_ibuf [dreg:s6], $0x2FFFF;
	_ =	strace $0x9FFFFFFF  }
0xc2: {  	(tm) =	ssettm $0x7FFFFFFF  }
0xc3: {  	_ =	shalt  }
tec
execute0_lowered:
.L_overlay_start_1:
0x0: {  	(tag) =	ssettag $0x1  }
0x1: {  	s0 =	rddreg [dreg:$0x0]  }
0x2: {  	s2 =	rddreg [dreg:$0x1];
	s11 =	stileid.u32  }
0x3: {  	s1 =	srdreg.scid;
	s4 =	simm.s32 $0x0;
	s28 =	simm.s32 $0x14180  }
0x4: {  	s29 =	simm.s32 $0x1CC00;
	s30 =	simm.s32 $0x1;
	s31 =	simm.s32 $0x2  }
0x5: {  	s12 =	simm.s32 $0x17380;
	s13 =	simm.s32 $0x0;
	s3 =	smul.u32 $0x14000, s11  }
0x6: {  	s1 =	sand.u32 $0x1, s1;
	[smem:$0x7FF] =	sst s4;
	s4 =	sadd.s32 $0x43A00, s0  }
0x7: {  	s7 =	sadd.s32 $0x93E00, s0;
	s16 =	sadd.s32 $0x2A00, s0;
	s9 =	sshll.u32 s11, $0x1  }
0x8: {  	s10 =	smul.u32 $0x50000, s11;
	s19 =	sshll.u32 s11, $0x6;
	s11 =	simm.s32 $0x17300  }
0x9: {  	s5 =	smul.u32 $0x140000, s1;
	s8 =	ssub.s32 $0x2, s1;
	s1 =	sor.u32 s1, s9  }
0xa: {  	_ =	strace $0x8000004A;
	s6 =	sshrl.u32 s3, $0x3;
	s9 =	smul.u32 $0x6400, s1  }
0xb: {  	s17 =	sshrl.u32 s8, $0x1;
	s18 =	sshrl.u32 s10, $0x2;
	s1 =	smul.u32 $0xC80, s1  }
0xc: {  	s10 =	simm.s32 $0x17280;
	s3 =	sadd.s32 s3, s5;
	s6 =	sadd.s32 s6, s0  }
0xd: {  	s5 =	simm.s32 $0x6;
	s3 =	sshrl.u32 s3, $0x3;
	s6 =	sadd.s32 $0x1BA00, s6  }
0xe: {  	s9 =	sshrl.u32 s9, $0x3;
	s20 =	sadd.s32 s7, s1;
	s1 =	sadd.s32 s16, s1  }
0xf: {  	s0 =	sadd.s32 s3, s0;
	s3 =	ssub.s32 s8, s17;
	[dreg:$0x3] =	wrdreg s6  }
0x10: {  	s8 =	sadd.s32 s18, s2;
	s6 =	sor.u32 $0x1C09, s19;
	[dreg:$0x4] =	wrdreg s20  }
0x11: {  	[dreg:$0x5] =	wrdreg s1;
	s21 =	sadd.s32 $0x380, s9;
	s23 =	sadd.s32 $0x680, s9  }
0x12: {  	s25 =	sadd.s32 $0x980, s9;
	s18 =	simm.s32 $0x9;
	s19 =	simm.s32 $0x14000  }
0x13: {  	s20 =	simm.s32 $0x15C00;
	s9 =	simm.s32 $0x17200;
	s22 =	sadd.s32 s7, s21  }
0x14: {  	s1 =	sadd.s32 s16, s21;
	s24 =	sadd.s32 s7, s23;
	[dreg:$0x6] =	wrdreg s22  }
0x15: {  	s7 =	sadd.s32 s7, s25;
	s0 =	sadd.s32 $0xACE00, s0;
	[dreg:$0x7] =	wrdreg s1  }
0x16: {  	s26 =	smax.u32 s3, $0x1;
	s17 =	sshrl.u32 s8, $0x3;
	[dreg:$0x8] =	wrdreg s24  }
0x17: {  	s21 =	simm.s32 $0x32;
	s3 =	simm.s32 $0x5;
	[dreg:$0xa] =	wrdreg s7  }
0x18: {  	s8 =	simm.s32 $0x8;
	s1 =	sadd.s32 s16, s23;
	[dreg:$0xc] =	wrdreg s0  }
0x19: {  	[dreg:$0xd] =	wrdreg s26;
	s22 =	simm.s32 $0x17800;
	s23 =	simm.s32 $0x14080  }
0x1a: {  	s24 =	simm.s32 $0x19400;
	s26 =	simm.s32 $0x1B000;
	s0 =	simm.s32 $0x3  }
0x1b: {  	s7 =	simm.s32 $0x7;
	[dreg:$0x9] =	wrdreg s1;
	s1 =	sadd.s32 s16, s25  }
0x1c: {  	s25 =	simm.s32 $0x14100;
	[dreg:$0xb] =	wrdreg s1;
	s1 =	simm.s32 $0x4  }
.LBB2_1:
0x1d: {  	s14 =	rddreg [dreg:$0x3]  }
0x1e: {  	[spmem:s17], [sflag:s6] =	dma.local [hbm:s14], $0x2800  }
0x1f: {  	_ =	swait.ge [sflag:s18], $0x2800  }
0x20: {  	[sflag:s18] =	ssyncset.done $0x0  }
0x21: {  	[sflag:s18] =	ssyncadd.s32 $0xFFFFD800  }
0x22: {  	[bflag:$0x0] =	sbarrier.arrive $0xFFFF  }
0x23: {  	s14 =	simm.s32 $0x0;
	s15 =	rddreg [dreg:$0x4]  }
0x24: {  	[tilespmem:s19], [sflag:$0x9] =	stream.linear.gather [hbm4b:s15+s14], $0x1C00, $0x38;
	[tilespmem:$0x1E800] =	vst v63  }
0x25: {  	_ =	swait.ge [sflag:s18], $0x1C00  }
0x26: {  	[sflag:s18] =	ssyncset.done $0x0  }
0x27: {  	s16 =	rddreg [dreg:$0x5];
	[sflag:s18] =	ssyncadd.s32 $0xFFFFE400  }
0x28: {  	[tilespmem:s20], [sflag:$0x9] =	stream.linear.gather [hbm4b:s16+s14], $0x1C00, $0x38;
	[tilespmem:$0x1E800] =	vst v63  }
0x29: {  	_ =	swait.ge [sflag:s18], $0x1C00  }
0x2a: {  	[sflag:s18] =	ssyncset.done $0x0  }
0x2b: {  	[sflag:s18] =	ssyncadd.s32 $0xFFFFE400  }
0x2c: {  	[tilespmem:s22], [sflag:$0x1] =	stream.indirect.gather [hbm4b:s4+s21], $0x80, s19, s21, $0xb8;
	[tilespmem:$0x1E800] =	vst v63  }
0x2d: {  	_ = 	snop  }
0x2e: {  	[tilespmem:s24], [sflag:$0x2] =	stream.indirect.gather [hbm4b:s4+s21], $0x80, s23, s21, $0xb8;
	[tilespmem:$0x1E800] =	vst v63  }
0x2f: {  	_ = 	snop  }
0x30: {  	[tilespmem:s26], [sflag:$0x3] =	stream.indirect.gather [hbm4b:s4+s21], $0x80, s25, s21, $0xb8;
	[tilespmem:$0x1E800] =	vst v63  }
0x31: {  	_ = 	snop  }
0x32: {  	[tilespmem:s29], [sflag:$0x4] =	stream.indirect.gather [hbm4b:s4+s21], $0x80, s28, s21, $0xb8;
	[tilespmem:$0x1E800] =	vst v63  }
0x33: {  	_ =	swait.ge [sflag:s30], $0x1900  }
0x34: {  	[sflag:s30] =	ssyncset.done $0x0  }
0x35: {  	s16 =	simm.s32 $0x15C00;
	[sflag:s30] =	ssyncadd.s32 $0xFFFFE700  }
0x36: {  	[spmem:s2] =	stream.indirect.scatter.add.f32 [tilespmem:s22], [sflag:$0x5], $0x80, s16, s21, $0xb8;
	[tilespmem:$0x1E800] =	vst v63  }
0x37: {  	_ =	swait.ge [sflag:s31], $0x1900  }
0x38: {  	[sflag:s31] =	ssyncset.done $0x0  }
0x39: {  	s15 =	simm.s32 $0x15C80;
	[sflag:s31] =	ssyncadd.s32 $0xFFFFE700  }
0x3a: {  	[spmem:s2] =	stream.indirect.scatter.add.f32 [tilespmem:s24], [sflag:$0x6], $0x80, s15, s21, $0xb8;
	[tilespmem:$0x1E800] =	vst v63  }
0x3b: {  	_ =	swait.ge [sflag:s0], $0x1900  }
0x3c: {  	[sflag:s0] =	ssyncset.done $0x0  }
0x3d: {  	s16 =	simm.s32 $0x15D00;
	[sflag:s0] =	ssyncadd.s32 $0xFFFFE700  }
0x3e: {  	[spmem:s2] =	stream.indirect.scatter.add.f32 [tilespmem:s26], [sflag:$0x7], $0x80, s16, s21, $0xb8;
	[tilespmem:$0x1E800] =	vst v63  }
0x3f: {  	_ =	swait.ge [sflag:s1], $0x1900  }
0x40: {  	[sflag:s1] =	ssyncset.done $0x0  }
0x41: {  	s15 =	simm.s32 $0x15D80;
	[sflag:s1] =	ssyncadd.s32 $0xFFFFE700  }
0x42: {  	[spmem:s2] =	stream.indirect.scatter.add.f32 [tilespmem:s29], [sflag:$0x8], $0x80, s15, s21, $0xb8;
	[tilespmem:$0x1E800] =	vst v63  }
0x43: {  	_ =	swait.ge [sflag:s3], $0x1900  }
0x44: {  	[sflag:s3] =	ssyncset.done $0x0  }
0x45: {  	s16 =	simm.s32 $0x14200;
	[sflag:s3] =	ssyncadd.s32 $0xFFFFE700  }
0x46: {  	[tilespmem:s22], [sflag:$0x1] =	stream.indirect.gather [hbm4b:s4+s21], $0x80, s16, s21, $0xb8;
	[tilespmem:$0x1E800] =	vst v63  }
0x47: {  	_ =	swait.ge [sflag:s5], $0x1900  }
0x48: {  	[sflag:s5] =	ssyncset.done $0x0  }
0x49: {  	s15 =	simm.s32 $0x14280;
	[sflag:s5] =	ssyncadd.s32 $0xFFFFE700  }
0x4a: {  	[tilespmem:s24], [sflag:$0x2] =	stream.indirect.gather [hbm4b:s4+s21], $0x80, s15, s21, $0xb8;
	[tilespmem:$0x1E800] =	vst v63  }
0x4b: {  	_ =	swait.ge [sflag:s7], $0x1900  }
0x4c: {  	[sflag:s7] =	ssyncset.done $0x0  }
0x4d: {  	s16 =	simm.s32 $0x14300;
	[sflag:s7] =	ssyncadd.s32 $0xFFFFE700  }
0x4e: {  	[tilespmem:s26], [sflag:$0x3] =	stream.indirect.gather [hbm4b:s4+s21], $0x80, s16, s21, $0xb8;
	[tilespmem:$0x1E800] =	vst v63  }
0x4f: {  	_ =	swait.ge [sflag:s8], $0x1900  }
0x50: {  	[sflag:s8] =	ssyncset.done $0x0  }
0x51: {  	s14 =	simm.s32 $0x800;
	s15 =	simm.s32 $0x14380;
	[sflag:s8] =	ssyncadd.s32 $0xFFFFE700  }
.LBB2_2:
0x52: {  	[tilespmem:s29], [sflag:$0x4] =	stream.indirect.gather [hbm4b:s4+s21], $0x80, s15, s21, $0xb8;
	[tilespmem:$0x1E800] =	vst v63  }
0x53: {  	s15 =	smov.u32 s14  }
0x54: {  	p0 =	sne.s32 s14, $0x6000;
	s14 =	sadd.s32 $0x800, s14;
	_ =	swait.ge [sflag:s30], $0x1900  }
0x55: {  	s15 =	sshra.s32 s15, $0x2;
	[sflag:s30] =	ssyncset.done $0x0  }
0x56: {  	s16 =	sadd.s32 $0x15C00, s15;
	[sflag:s30] =	ssyncadd.s32 $0xFFFFE700  }
0x57: {  	[spmem:s2] =	stream.indirect.scatter.add.f32 [tilespmem:s22], [sflag:$0x5], $0x80, s16, s21, $0xb8;
	[tilespmem:$0x1E800] =	vst v63  }
0x58: {  	_ =	swait.ge [sflag:s31], $0x1900  }
0x59: {  	[sflag:s31] =	ssyncset.done $0x0  }
0x5a: {  	s16 =	sadd.s32 $0x15C80, s15;
	[sflag:s31] =	ssyncadd.s32 $0xFFFFE700  }
0x5b: {  	[spmem:s2] =	stream.indirect.scatter.add.f32 [tilespmem:s24], [sflag:$0x6], $0x80, s16, s21, $0xb8;
	[tilespmem:$0x1E800] =	vst v63  }
0x5c: {  	_ =	swait.ge [sflag:s0], $0x1900  }
0x5d: {  	[sflag:s0] =	ssyncset.done $0x0  }
0x5e: {  	s16 =	sadd.s32 $0x15D00, s15;
	[sflag:s0] =	ssyncadd.s32 $0xFFFFE700  }
0x5f: {  	[spmem:s2] =	stream.indirect.scatter.add.f32 [tilespmem:s26], [sflag:$0x7], $0x80, s16, s21, $0xb8;
	[tilespmem:$0x1E800] =	vst v63  }
0x60: {  	_ =	swait.ge [sflag:s1], $0x1900  }
0x61: {  	[sflag:s1] =	ssyncset.done $0x0  }
0x62: {  	s16 =	sadd.s32 $0x15D80, s15;
	[sflag:s1] =	ssyncadd.s32 $0xFFFFE700  }
0x63: {  	[spmem:s2] =	stream.indirect.scatter.add.f32 [tilespmem:s29], [sflag:$0x8], $0x80, s16, s21, $0xb8;
	[tilespmem:$0x1E800] =	vst v63  }
0x64: {  	_ =	swait.ge [sflag:s3], $0x1900  }
0x65: {  	[sflag:s3] =	ssyncset.done $0x0  }
0x66: {  	s16 =	sadd.s32 $0x14200, s15;
	[sflag:s3] =	ssyncadd.s32 $0xFFFFE700  }
0x67: {  	[tilespmem:s22], [sflag:$0x1] =	stream.indirect.gather [hbm4b:s4+s21], $0x80, s16, s21, $0xb8;
	[tilespmem:$0x1E800] =	vst v63  }
0x68: {  	_ =	swait.ge [sflag:s5], $0x1900  }
0x69: {  	[sflag:s5] =	ssyncset.done $0x0  }
0x6a: {  	s16 =	sadd.s32 $0x14280, s15;
	[sflag:s5] =	ssyncadd.s32 $0xFFFFE700  }
0x6b: {  	[tilespmem:s24], [sflag:$0x2] =	stream.indirect.gather [hbm4b:s4+s21], $0x80, s16, s21, $0xb8;
	[tilespmem:$0x1E800] =	vst v63  }
0x6c: {  	_ =	swait.ge [sflag:s7], $0x1900  }
0x6d: {  	[sflag:s7] =	ssyncset.done $0x0  }
.Ltmp0:
0x6e: {  	s16 =	sadd.s32 $0x14300, s15;
	[sflag:s7] =	ssyncadd.s32 $0xFFFFE700;
	(pc) =	sbr.rel @p0 .LBB2_2-.Ltmp0, $4  }
0x6f: {  	[tilespmem:s26], [sflag:$0x3] =	stream.indirect.gather [hbm4b:s4+s21], $0x80, s16, s21, $0xb8;
	[tilespmem:$0x1E800] =	vst v63  }
0x70: {  	_ =	swait.ge [sflag:s8], $0x1900  }
0x71: {  	[sflag:s8] =	ssyncset.done $0x0  }
0x72: {  	s15 =	sadd.s32 $0x14380, s15;
	[sflag:s8] =	ssyncadd.s32 $0xFFFFE700  }
0x73: {  	[tilespmem:s29], [sflag:$0x4] =	stream.indirect.gather [hbm4b:s4+s21], $0x80, s15, s21, $0xb8;
	[tilespmem:$0x1E800] =	vst v63  }
0x74: {  	_ =	swait.ge [sflag:s30], $0x1900  }
0x75: {  	[sflag:s30] =	ssyncset.done $0x0  }
0x76: {  	s14 =	simm.s32 $0x17600;
	[sflag:s30] =	ssyncadd.s32 $0xFFFFE700  }
0x77: {  	[spmem:s2] =	stream.indirect.scatter.add.f32 [tilespmem:s22], [sflag:$0x5], $0x80, s14, s21, $0xb8;
	[tilespmem:$0x1E800] =	vst v63  }
0x78: {  	_ =	swait.ge [sflag:s31], $0x1900  }
0x79: {  	[sflag:s31] =	ssyncset.done $0x0  }
0x7a: {  	s15 =	simm.s32 $0x17680;
	[sflag:s31] =	ssyncadd.s32 $0xFFFFE700  }
0x7b: {  	[spmem:s2] =	stream.indirect.scatter.add.f32 [tilespmem:s24], [sflag:$0x6], $0x80, s15, s21, $0xb8;
	[tilespmem:$0x1E800] =	vst v63  }
0x7c: {  	_ =	swait.ge [sflag:s0], $0x1900  }
0x7d: {  	[sflag:s0] =	ssyncset.done $0x0  }
0x7e: {  	s16 =	simm.s32 $0x17700;
	[sflag:s0] =	ssyncadd.s32 $0xFFFFE700  }
0x7f: {  	[spmem:s2] =	stream.indirect.scatter.add.f32 [tilespmem:s26], [sflag:$0x7], $0x80, s16, s21, $0xb8;
	[tilespmem:$0x1E800] =	vst v63  }
0x80: {  	_ =	swait.ge [sflag:s1], $0x1900  }
0x81: {  	[sflag:s1] =	ssyncset.done $0x0  }
0x82: {  	s15 =	simm.s32 $0x17780;
	[sflag:s1] =	ssyncadd.s32 $0xFFFFE700  }
0x83: {  	[spmem:s2] =	stream.indirect.scatter.add.f32 [tilespmem:s29], [sflag:$0x8], $0x80, s15, s21, $0xb8;
	[tilespmem:$0x1E800] =	vst v63  }
0x84: {  	_ =	swait.ge [sflag:s3], $0x1900  }
0x85: {  	[sflag:s3] =	ssyncset.done $0x0  }
0x86: {  	[sflag:s3] =	ssyncadd.s32 $0xFFFFE700  }
0x87: {  	_ =	swait.ge [sflag:s5], $0x1900  }
0x88: {  	[sflag:s5] =	ssyncset.done $0x0  }
0x89: {  	[sflag:s5] =	ssyncadd.s32 $0xFFFFE700  }
0x8a: {  	_ =	swait.ge [sflag:s7], $0x1900  }
0x8b: {  	[sflag:s7] =	ssyncset.done $0x0  }
0x8c: {  	[sflag:s7] =	ssyncadd.s32 $0xFFFFE700  }
0x8d: {  	_ =	swait.ge [sflag:s8], $0x1900  }
0x8e: {  	[sflag:s8] =	ssyncset.done $0x0  }
0x8f: {  	s14 =	simm.s32 $0x0;
	s16 =	rddreg [dreg:$0x6];
	[sflag:s8] =	ssyncadd.s32 $0xFFFFE700  }
0x90: {  	[tilespmem:s19], [sflag:$0x9] =	stream.linear.gather [hbm4b:s16+s14], $0x1800, $0x38;
	[tilespmem:$0x1E800] =	vst v63  }
0x91: {  	_ =	swait.ge [sflag:s18], $0x1800  }
0x92: {  	[sflag:s18] =	ssyncset.done $0x0  }
0x93: {  	s16 =	rddreg [dreg:$0x7];
	[sflag:s18] =	ssyncadd.s32 $0xFFFFE800  }
0x94: {  	[tilespmem:s20], [sflag:$0x9] =	stream.linear.gather [hbm4b:s16+s14], $0x1800, $0x38;
	[tilespmem:$0x1E800] =	vst v63  }
0x95: {  	_ =	swait.ge [sflag:s18], $0x1800  }
0x96: {  	[sflag:s18] =	ssyncset.done $0x0  }
0x97: {  	[sflag:s18] =	ssyncadd.s32 $0xFFFFE800  }
0x98: {  	[tilespmem:s22], [sflag:$0x1] =	stream.indirect.gather [hbm4b:s4+s21], $0x80, s19, s21, $0xb8;
	[tilespmem:$0x1E800] =	vst v63  }
0x99: {  	_ = 	snop  }
0x9a: {  	[tilespmem:s24], [sflag:$0x2] =	stream.indirect.gather [hbm4b:s4+s21], $0x80, s23, s21, $0xb8;
	[tilespmem:$0x1E800] =	vst v63  }
0x9b: {  	_ = 	snop  }
0x9c: {  	[tilespmem:s26], [sflag:$0x3] =	stream.indirect.gather [hbm4b:s4+s21], $0x80, s25, s21, $0xb8;
	[tilespmem:$0x1E800] =	vst v63  }
0x9d: {  	_ = 	snop  }
0x9e: {  	[tilespmem:s29], [sflag:$0x4] =	stream.indirect.gather [hbm4b:s4+s21], $0x80, s28, s21, $0xb8;
	[tilespmem:$0x1E800] =	vst v63  }
0x9f: {  	_ =	swait.ge [sflag:s30], $0x1900  }
0xa0: {  	[sflag:s30] =	ssyncset.done $0x0  }
0xa1: {  	s16 =	simm.s32 $0x15C00;
	[sflag:s30] =	ssyncadd.s32 $0xFFFFE700  }
0xa2: {  	[spmem:s2] =	stream.indirect.scatter.add.f32 [tilespmem:s22], [sflag:$0x5], $0x80, s16, s21, $0xb8;
	[tilespmem:$0x1E800] =	vst v63  }
0xa3: {  	_ =	swait.ge [sflag:s31], $0x1900  }
0xa4: {  	[sflag:s31] =	ssyncset.done $0x0  }
0xa5: {  	s15 =	simm.s32 $0x15C80;
	[sflag:s31] =	ssyncadd.s32 $0xFFFFE700  }
0xa6: {  	[spmem:s2] =	stream.indirect.scatter.add.f32 [tilespmem:s24], [sflag:$0x6], $0x80, s15, s21, $0xb8;
	[tilespmem:$0x1E800] =	vst v63  }
0xa7: {  	_ =	swait.ge [sflag:s0], $0x1900  }
0xa8: {  	[sflag:s0] =	ssyncset.done $0x0  }
0xa9: {  	s16 =	simm.s32 $0x15D00;
	[sflag:s0] =	ssyncadd.s32 $0xFFFFE700  }
0xaa: {  	[spmem:s2] =	stream.indirect.scatter.add.f32 [tilespmem:s26], [sflag:$0x7], $0x80, s16, s21, $0xb8;
	[tilespmem:$0x1E800] =	vst v63  }
0xab: {  	_ =	swait.ge [sflag:s1], $0x1900  }
0xac: {  	[sflag:s1] =	ssyncset.done $0x0  }
0xad: {  	s15 =	simm.s32 $0x15D80;
	[sflag:s1] =	ssyncadd.s32 $0xFFFFE700  }
0xae: {  	[spmem:s2] =	stream.indirect.scatter.add.f32 [tilespmem:s29], [sflag:$0x8], $0x80, s15, s21, $0xb8;
	[tilespmem:$0x1E800] =	vst v63  }
0xaf: {  	_ =	swait.ge [sflag:s3], $0x1900  }
0xb0: {  	[sflag:s3] =	ssyncset.done $0x0  }
0xb1: {  	s16 =	simm.s32 $0x14200;
	[sflag:s3] =	ssyncadd.s32 $0xFFFFE700  }
0xb2: {  	[tilespmem:s22], [sflag:$0x1] =	stream.indirect.gather [hbm4b:s4+s21], $0x80, s16, s21, $0xb8;
	[tilespmem:$0x1E800] =	vst v63  }
0xb3: {  	_ =	swait.ge [sflag:s5], $0x1900  }
0xb4: {  	[sflag:s5] =	ssyncset.done $0x0  }
0xb5: {  	s15 =	simm.s32 $0x14280;
	[sflag:s5] =	ssyncadd.s32 $0xFFFFE700  }
0xb6: {  	[tilespmem:s24], [sflag:$0x2] =	stream.indirect.gather [hbm4b:s4+s21], $0x80, s15, s21, $0xb8;
	[tilespmem:$0x1E800] =	vst v63  }
0xb7: {  	_ =	swait.ge [sflag:s7], $0x1900  }
0xb8: {  	[sflag:s7] =	ssyncset.done $0x0  }
0xb9: {  	s16 =	simm.s32 $0x14300;
	[sflag:s7] =	ssyncadd.s32 $0xFFFFE700  }
0xba: {  	[tilespmem:s26], [sflag:$0x3] =	stream.indirect.gather [hbm4b:s4+s21], $0x80, s16, s21, $0xb8;
	[tilespmem:$0x1E800] =	vst v63  }
0xbb: {  	_ =	swait.ge [sflag:s8], $0x1900  }
0xbc: {  	[sflag:s8] =	ssyncset.done $0x0  }
0xbd: {  	s14 =	simm.s32 $0x800;
	s15 =	simm.s32 $0x14380;
	[sflag:s8] =	ssyncadd.s32 $0xFFFFE700  }
.LBB2_4:
0xbe: {  	[tilespmem:s29], [sflag:$0x4] =	stream.indirect.gather [hbm4b:s4+s21], $0x80, s15, s21, $0xb8;
	[tilespmem:$0x1E800] =	vst v63  }
0xbf: {  	s15 =	smov.u32 s14  }
0xc0: {  	p0 =	sne.s32 s14, $0x5000;
	s14 =	sadd.s32 $0x800, s14;
	_ =	swait.ge [sflag:s30], $0x1900  }
0xc1: {  	s15 =	sshra.s32 s15, $0x2;
	[sflag:s30] =	ssyncset.done $0x0  }
0xc2: {  	s16 =	sadd.s32 $0x15C00, s15;
	[sflag:s30] =	ssyncadd.s32 $0xFFFFE700  }
0xc3: {  	[spmem:s2] =	stream.indirect.scatter.add.f32 [tilespmem:s22], [sflag:$0x5], $0x80, s16, s21, $0xb8;
	[tilespmem:$0x1E800] =	vst v63  }
0xc4: {  	_ =	swait.ge [sflag:s31], $0x1900  }
0xc5: {  	[sflag:s31] =	ssyncset.done $0x0  }
0xc6: {  	s16 =	sadd.s32 $0x15C80, s15;
	[sflag:s31] =	ssyncadd.s32 $0xFFFFE700  }
0xc7: {  	[spmem:s2] =	stream.indirect.scatter.add.f32 [tilespmem:s24], [sflag:$0x6], $0x80, s16, s21, $0xb8;
	[tilespmem:$0x1E800] =	vst v63  }
0xc8: {  	_ =	swait.ge [sflag:s0], $0x1900  }
0xc9: {  	[sflag:s0] =	ssyncset.done $0x0  }
0xca: {  	s16 =	sadd.s32 $0x15D00, s15;
	[sflag:s0] =	ssyncadd.s32 $0xFFFFE700  }
0xcb: {  	[spmem:s2] =	stream.indirect.scatter.add.f32 [tilespmem:s26], [sflag:$0x7], $0x80, s16, s21, $0xb8;
	[tilespmem:$0x1E800] =	vst v63  }
0xcc: {  	_ =	swait.ge [sflag:s1], $0x1900  }
0xcd: {  	[sflag:s1] =	ssyncset.done $0x0  }
0xce: {  	s16 =	sadd.s32 $0x15D80, s15;
	[sflag:s1] =	ssyncadd.s32 $0xFFFFE700  }
0xcf: {  	[spmem:s2] =	stream.indirect.scatter.add.f32 [tilespmem:s29], [sflag:$0x8], $0x80, s16, s21, $0xb8;
	[tilespmem:$0x1E800] =	vst v63  }
0xd0: {  	_ =	swait.ge [sflag:s3], $0x1900  }
0xd1: {  	[sflag:s3] =	ssyncset.done $0x0  }
0xd2: {  	s16 =	sadd.s32 $0x14200, s15;
	[sflag:s3] =	ssyncadd.s32 $0xFFFFE700  }
0xd3: {  	[tilespmem:s22], [sflag:$0x1] =	stream.indirect.gather [hbm4b:s4+s21], $0x80, s16, s21, $0xb8;
	[tilespmem:$0x1E800] =	vst v63  }
0xd4: {  	_ =	swait.ge [sflag:s5], $0x1900  }
0xd5: {  	[sflag:s5] =	ssyncset.done $0x0  }
0xd6: {  	s16 =	sadd.s32 $0x14280, s15;
	[sflag:s5] =	ssyncadd.s32 $0xFFFFE700  }
0xd7: {  	[tilespmem:s24], [sflag:$0x2] =	stream.indirect.gather [hbm4b:s4+s21], $0x80, s16, s21, $0xb8;
	[tilespmem:$0x1E800] =	vst v63  }
0xd8: {  	_ =	swait.ge [sflag:s7], $0x1900  }
0xd9: {  	[sflag:s7] =	ssyncset.done $0x0  }
.Ltmp1:
0xda: {  	s16 =	sadd.s32 $0x14300, s15;
	[sflag:s7] =	ssyncadd.s32 $0xFFFFE700;
	(pc) =	sbr.rel @p0 .LBB2_4-.Ltmp1, $4  }
0xdb: {  	[tilespmem:s26], [sflag:$0x3] =	stream.indirect.gather [hbm4b:s4+s21], $0x80, s16, s21, $0xb8;
	[tilespmem:$0x1E800] =	vst v63  }
0xdc: {  	_ =	swait.ge [sflag:s8], $0x1900  }
0xdd: {  	[sflag:s8] =	ssyncset.done $0x0  }
0xde: {  	s15 =	sadd.s32 $0x14380, s15;
	[sflag:s8] =	ssyncadd.s32 $0xFFFFE700  }
0xdf: {  	[tilespmem:s29], [sflag:$0x4] =	stream.indirect.gather [hbm4b:s4+s21], $0x80, s15, s21, $0xb8;
	[tilespmem:$0x1E800] =	vst v63  }
0xe0: {  	_ =	swait.ge [sflag:s30], $0x1900  }
0xe1: {  	[sflag:s30] =	ssyncset.done $0x0  }
0xe2: {  	[sflag:s30] =	ssyncadd.s32 $0xFFFFE700  }
0xe3: {  	[spmem:s2] =	stream.indirect.scatter.add.f32 [tilespmem:s22], [sflag:$0x5], $0x80, s9, s21, $0xb8;
	[tilespmem:$0x1E800] =	vst v63  }
0xe4: {  	_ =	swait.ge [sflag:s31], $0x1900  }
0xe5: {  	[sflag:s31] =	ssyncset.done $0x0  }
0xe6: {  	[sflag:s31] =	ssyncadd.s32 $0xFFFFE700  }
0xe7: {  	[spmem:s2] =	stream.indirect.scatter.add.f32 [tilespmem:s24], [sflag:$0x6], $0x80, s10, s21, $0xb8;
	[tilespmem:$0x1E800] =	vst v63  }
0xe8: {  	_ =	swait.ge [sflag:s0], $0x1900  }
0xe9: {  	[sflag:s0] =	ssyncset.done $0x0  }
0xea: {  	[sflag:s0] =	ssyncadd.s32 $0xFFFFE700  }
0xeb: {  	[spmem:s2] =	stream.indirect.scatter.add.f32 [tilespmem:s26], [sflag:$0x7], $0x80, s11, s21, $0xb8;
	[tilespmem:$0x1E800] =	vst v63  }
0xec: {  	_ =	swait.ge [sflag:s1], $0x1900  }
0xed: {  	[sflag:s1] =	ssyncset.done $0x0  }
0xee: {  	[sflag:s1] =	ssyncadd.s32 $0xFFFFE700  }
0xef: {  	[spmem:s2] =	stream.indirect.scatter.add.f32 [tilespmem:s29], [sflag:$0x8], $0x80, s12, s21, $0xb8;
	[tilespmem:$0x1E800] =	vst v63  }
0xf0: {  	_ =	swait.ge [sflag:s3], $0x1900  }
0xf1: {  	[sflag:s3] =	ssyncset.done $0x0  }
0xf2: {  	[sflag:s3] =	ssyncadd.s32 $0xFFFFE700  }
0xf3: {  	_ =	swait.ge [sflag:s5], $0x1900  }
0xf4: {  	[sflag:s5] =	ssyncset.done $0x0  }
0xf5: {  	[sflag:s5] =	ssyncadd.s32 $0xFFFFE700  }
0xf6: {  	_ =	swait.ge [sflag:s7], $0x1900  }
0xf7: {  	[sflag:s7] =	ssyncset.done $0x0  }
0xf8: {  	[sflag:s7] =	ssyncadd.s32 $0xFFFFE700  }
0xf9: {  	_ =	swait.ge [sflag:s8], $0x1900  }
0xfa: {  	[sflag:s8] =	ssyncset.done $0x0  }
0xfb: {  	s14 =	simm.s32 $0x0;
	s16 =	rddreg [dreg:$0x8];
	[sflag:s8] =	ssyncadd.s32 $0xFFFFE700  }
0xfc: {  	[tilespmem:s19], [sflag:$0x9] =	stream.linear.gather [hbm4b:s16+s14], $0x1800, $0x38;
	[tilespmem:$0x1E800] =	vst v63  }
0xfd: {  	_ =	swait.ge [sflag:s18], $0x1800  }
0xfe: {  	[sflag:s18] =	ssyncset.done $0x0  }
0xff: {  	s16 =	rddreg [dreg:$0x9];
	[sflag:s18] =	ssyncadd.s32 $0xFFFFE800  }
0x100: {  	[tilespmem:s20], [sflag:$0x9] =	stream.linear.gather [hbm4b:s16+s14], $0x1800, $0x38;
	[tilespmem:$0x1E800] =	vst v63  }
0x101: {  	_ =	swait.ge [sflag:s18], $0x1800  }
0x102: {  	[sflag:s18] =	ssyncset.done $0x0  }
0x103: {  	[sflag:s18] =	ssyncadd.s32 $0xFFFFE800  }
0x104: {  	[tilespmem:s22], [sflag:$0x1] =	stream.indirect.gather [hbm4b:s4+s21], $0x80, s19, s21, $0xb8;
	[tilespmem:$0x1E800] =	vst v63  }
0x105: {  	_ = 	snop  }
0x106: {  	[tilespmem:s24], [sflag:$0x2] =	stream.indirect.gather [hbm4b:s4+s21], $0x80, s23, s21, $0xb8;
	[tilespmem:$0x1E800] =	vst v63  }
0x107: {  	_ = 	snop  }
0x108: {  	[tilespmem:s26], [sflag:$0x3] =	stream.indirect.gather [hbm4b:s4+s21], $0x80, s25, s21, $0xb8;
	[tilespmem:$0x1E800] =	vst v63  }
0x109: {  	_ = 	snop  }
0x10a: {  	[tilespmem:s29], [sflag:$0x4] =	stream.indirect.gather [hbm4b:s4+s21], $0x80, s28, s21, $0xb8;
	[tilespmem:$0x1E800] =	vst v63  }
0x10b: {  	_ =	swait.ge [sflag:s30], $0x1900  }
0x10c: {  	[sflag:s30] =	ssyncset.done $0x0  }
0x10d: {  	s16 =	simm.s32 $0x15C00;
	[sflag:s30] =	ssyncadd.s32 $0xFFFFE700  }
0x10e: {  	[spmem:s2] =	stream.indirect.scatter.add.f32 [tilespmem:s22], [sflag:$0x5], $0x80, s16, s21, $0xb8;
	[tilespmem:$0x1E800] =	vst v63  }
0x10f: {  	_ =	swait.ge [sflag:s31], $0x1900  }
0x110: {  	[sflag:s31] =	ssyncset.done $0x0  }
0x111: {  	s15 =	simm.s32 $0x15C80;
	[sflag:s31] =	ssyncadd.s32 $0xFFFFE700  }
0x112: {  	[spmem:s2] =	stream.indirect.scatter.add.f32 [tilespmem:s24], [sflag:$0x6], $0x80, s15, s21, $0xb8;
	[tilespmem:$0x1E800] =	vst v63  }
0x113: {  	_ =	swait.ge [sflag:s0], $0x1900  }
0x114: {  	[sflag:s0] =	ssyncset.done $0x0  }
0x115: {  	s16 =	simm.s32 $0x15D00;
	[sflag:s0] =	ssyncadd.s32 $0xFFFFE700  }
0x116: {  	[spmem:s2] =	stream.indirect.scatter.add.f32 [tilespmem:s26], [sflag:$0x7], $0x80, s16, s21, $0xb8;
	[tilespmem:$0x1E800] =	vst v63  }
0x117: {  	_ =	swait.ge [sflag:s1], $0x1900  }
0x118: {  	[sflag:s1] =	ssyncset.done $0x0  }
0x119: {  	s15 =	simm.s32 $0x15D80;
	[sflag:s1] =	ssyncadd.s32 $0xFFFFE700  }
0x11a: {  	[spmem:s2] =	stream.indirect.scatter.add.f32 [tilespmem:s29], [sflag:$0x8], $0x80, s15, s21, $0xb8;
	[tilespmem:$0x1E800] =	vst v63  }
0x11b: {  	_ =	swait.ge [sflag:s3], $0x1900  }
0x11c: {  	[sflag:s3] =	ssyncset.done $0x0  }
0x11d: {  	s16 =	simm.s32 $0x14200;
	[sflag:s3] =	ssyncadd.s32 $0xFFFFE700  }
0x11e: {  	[tilespmem:s22], [sflag:$0x1] =	stream.indirect.gather [hbm4b:s4+s21], $0x80, s16, s21, $0xb8;
	[tilespmem:$0x1E800] =	vst v63  }
0x11f: {  	_ =	swait.ge [sflag:s5], $0x1900  }
0x120: {  	[sflag:s5] =	ssyncset.done $0x0  }
0x121: {  	s15 =	simm.s32 $0x14280;
	[sflag:s5] =	ssyncadd.s32 $0xFFFFE700  }
0x122: {  	[tilespmem:s24], [sflag:$0x2] =	stream.indirect.gather [hbm4b:s4+s21], $0x80, s15, s21, $0xb8;
	[tilespmem:$0x1E800] =	vst v63  }
0x123: {  	_ =	swait.ge [sflag:s7], $0x1900  }
0x124: {  	[sflag:s7] =	ssyncset.done $0x0  }
0x125: {  	s16 =	simm.s32 $0x14300;
	[sflag:s7] =	ssyncadd.s32 $0xFFFFE700  }
0x126: {  	[tilespmem:s26], [sflag:$0x3] =	stream.indirect.gather [hbm4b:s4+s21], $0x80, s16, s21, $0xb8;
	[tilespmem:$0x1E800] =	vst v63  }
0x127: {  	_ =	swait.ge [sflag:s8], $0x1900  }
0x128: {  	[sflag:s8] =	ssyncset.done $0x0  }
0x129: {  	s14 =	simm.s32 $0x800;
	s15 =	simm.s32 $0x14380;
	[sflag:s8] =	ssyncadd.s32 $0xFFFFE700  }
.LBB2_6:
0x12a: {  	[tilespmem:s29], [sflag:$0x4] =	stream.indirect.gather [hbm4b:s4+s21], $0x80, s15, s21, $0xb8;
	[tilespmem:$0x1E800] =	vst v63  }
0x12b: {  	s15 =	smov.u32 s14  }
0x12c: {  	p0 =	sne.s32 s14, $0x5000;
	s14 =	sadd.s32 $0x800, s14;
	_ =	swait.ge [sflag:s30], $0x1900  }
0x12d: {  	s15 =	sshra.s32 s15, $0x2;
	[sflag:s30] =	ssyncset.done $0x0  }
0x12e: {  	s16 =	sadd.s32 $0x15C00, s15;
	[sflag:s30] =	ssyncadd.s32 $0xFFFFE700  }
0x12f: {  	[spmem:s2] =	stream.indirect.scatter.add.f32 [tilespmem:s22], [sflag:$0x5], $0x80, s16, s21, $0xb8;
	[tilespmem:$0x1E800] =	vst v63  }
0x130: {  	_ =	swait.ge [sflag:s31], $0x1900  }
0x131: {  	[sflag:s31] =	ssyncset.done $0x0  }
0x132: {  	s16 =	sadd.s32 $0x15C80, s15;
	[sflag:s31] =	ssyncadd.s32 $0xFFFFE700  }
0x133: {  	[spmem:s2] =	stream.indirect.scatter.add.f32 [tilespmem:s24], [sflag:$0x6], $0x80, s16, s21, $0xb8;
	[tilespmem:$0x1E800] =	vst v63  }
0x134: {  	_ =	swait.ge [sflag:s0], $0x1900  }
0x135: {  	[sflag:s0] =	ssyncset.done $0x0  }
0x136: {  	s16 =	sadd.s32 $0x15D00, s15;
	[sflag:s0] =	ssyncadd.s32 $0xFFFFE700  }
0x137: {  	[spmem:s2] =	stream.indirect.scatter.add.f32 [tilespmem:s26], [sflag:$0x7], $0x80, s16, s21, $0xb8;
	[tilespmem:$0x1E800] =	vst v63  }
0x138: {  	_ =	swait.ge [sflag:s1], $0x1900  }
0x139: {  	[sflag:s1] =	ssyncset.done $0x0  }
0x13a: {  	s16 =	sadd.s32 $0x15D80, s15;
	[sflag:s1] =	ssyncadd.s32 $0xFFFFE700  }
0x13b: {  	[spmem:s2] =	stream.indirect.scatter.add.f32 [tilespmem:s29], [sflag:$0x8], $0x80, s16, s21, $0xb8;
	[tilespmem:$0x1E800] =	vst v63  }
0x13c: {  	_ =	swait.ge [sflag:s3], $0x1900  }
0x13d: {  	[sflag:s3] =	ssyncset.done $0x0  }
0x13e: {  	s16 =	sadd.s32 $0x14200, s15;
	[sflag:s3] =	ssyncadd.s32 $0xFFFFE700  }
0x13f: {  	[tilespmem:s22], [sflag:$0x1] =	stream.indirect.gather [hbm4b:s4+s21], $0x80, s16, s21, $0xb8;
	[tilespmem:$0x1E800] =	vst v63  }
0x140: {  	_ =	swait.ge [sflag:s5], $0x1900  }
0x141: {  	[sflag:s5] =	ssyncset.done $0x0  }
0x142: {  	s16 =	sadd.s32 $0x14280, s15;
	[sflag:s5] =	ssyncadd.s32 $0xFFFFE700  }
0x143: {  	[tilespmem:s24], [sflag:$0x2] =	stream.indirect.gather [hbm4b:s4+s21], $0x80, s16, s21, $0xb8;
	[tilespmem:$0x1E800] =	vst v63  }
0x144: {  	_ =	swait.ge [sflag:s7], $0x1900  }
0x145: {  	[sflag:s7] =	ssyncset.done $0x0  }
.Ltmp2:
0x146: {  	s16 =	sadd.s32 $0x14300, s15;
	[sflag:s7] =	ssyncadd.s32 $0xFFFFE700;
	(pc) =	sbr.rel @p0 .LBB2_6-.Ltmp2, $4  }
0x147: {  	[tilespmem:s26], [sflag:$0x3] =	stream.indirect.gather [hbm4b:s4+s21], $0x80, s16, s21, $0xb8;
	[tilespmem:$0x1E800] =	vst v63  }
0x148: {  	_ =	swait.ge [sflag:s8], $0x1900  }
0x149: {  	[sflag:s8] =	ssyncset.done $0x0  }
0x14a: {  	s15 =	sadd.s32 $0x14380, s15;
	[sflag:s8] =	ssyncadd.s32 $0xFFFFE700  }
0x14b: {  	[tilespmem:s29], [sflag:$0x4] =	stream.indirect.gather [hbm4b:s4+s21], $0x80, s15, s21, $0xb8;
	[tilespmem:$0x1E800] =	vst v63  }
0x14c: {  	_ =	swait.ge [sflag:s30], $0x1900  }
0x14d: {  	[sflag:s30] =	ssyncset.done $0x0  }
0x14e: {  	[sflag:s30] =	ssyncadd.s32 $0xFFFFE700  }
0x14f: {  	[spmem:s2] =	stream.indirect.scatter.add.f32 [tilespmem:s22], [sflag:$0x5], $0x80, s9, s21, $0xb8;
	[tilespmem:$0x1E800] =	vst v63  }
0x150: {  	_ =	swait.ge [sflag:s31], $0x1900  }
0x151: {  	[sflag:s31] =	ssyncset.done $0x0  }
0x152: {  	[sflag:s31] =	ssyncadd.s32 $0xFFFFE700  }
0x153: {  	[spmem:s2] =	stream.indirect.scatter.add.f32 [tilespmem:s24], [sflag:$0x6], $0x80, s10, s21, $0xb8;
	[tilespmem:$0x1E800] =	vst v63  }
0x154: {  	_ =	swait.ge [sflag:s0], $0x1900  }
0x155: {  	[sflag:s0] =	ssyncset.done $0x0  }
0x156: {  	[sflag:s0] =	ssyncadd.s32 $0xFFFFE700  }
0x157: {  	[spmem:s2] =	stream.indirect.scatter.add.f32 [tilespmem:s26], [sflag:$0x7], $0x80, s11, s21, $0xb8;
	[tilespmem:$0x1E800] =	vst v63  }
0x158: {  	_ =	swait.ge [sflag:s1], $0x1900  }
0x159: {  	[sflag:s1] =	ssyncset.done $0x0  }
0x15a: {  	[sflag:s1] =	ssyncadd.s32 $0xFFFFE700  }
0x15b: {  	[spmem:s2] =	stream.indirect.scatter.add.f32 [tilespmem:s29], [sflag:$0x8], $0x80, s12, s21, $0xb8;
	[tilespmem:$0x1E800] =	vst v63  }
0x15c: {  	_ =	swait.ge [sflag:s3], $0x1900  }
0x15d: {  	[sflag:s3] =	ssyncset.done $0x0  }
0x15e: {  	[sflag:s3] =	ssyncadd.s32 $0xFFFFE700  }
0x15f: {  	_ =	swait.ge [sflag:s5], $0x1900  }
0x160: {  	[sflag:s5] =	ssyncset.done $0x0  }
0x161: {  	[sflag:s5] =	ssyncadd.s32 $0xFFFFE700  }
0x162: {  	_ =	swait.ge [sflag:s7], $0x1900  }
0x163: {  	[sflag:s7] =	ssyncset.done $0x0  }
0x164: {  	[sflag:s7] =	ssyncadd.s32 $0xFFFFE700  }
0x165: {  	_ =	swait.ge [sflag:s8], $0x1900  }
0x166: {  	[sflag:s8] =	ssyncset.done $0x0  }
0x167: {  	s14 =	simm.s32 $0x0;
	s16 =	rddreg [dreg:$0xa];
	[sflag:s8] =	ssyncadd.s32 $0xFFFFE700  }
0x168: {  	[tilespmem:s19], [sflag:$0x9] =	stream.linear.gather [hbm4b:s16+s14], $0x1800, $0x38;
	[tilespmem:$0x1E800] =	vst v63  }
0x169: {  	_ =	swait.ge [sflag:s18], $0x1800  }
0x16a: {  	[sflag:s18] =	ssyncset.done $0x0  }
0x16b: {  	s16 =	rddreg [dreg:$0xb];
	[sflag:s18] =	ssyncadd.s32 $0xFFFFE800  }
0x16c: {  	[tilespmem:s20], [sflag:$0x9] =	stream.linear.gather [hbm4b:s16+s14], $0x1800, $0x38;
	[tilespmem:$0x1E800] =	vst v63  }
0x16d: {  	_ =	swait.ge [sflag:s18], $0x1800  }
0x16e: {  	[sflag:s18] =	ssyncset.done $0x0  }
0x16f: {  	[sflag:s18] =	ssyncadd.s32 $0xFFFFE800  }
0x170: {  	[tilespmem:s22], [sflag:$0x1] =	stream.indirect.gather [hbm4b:s4+s21], $0x80, s19, s21, $0xb8;
	[tilespmem:$0x1E800] =	vst v63  }
0x171: {  	_ = 	snop  }
0x172: {  	[tilespmem:s24], [sflag:$0x2] =	stream.indirect.gather [hbm4b:s4+s21], $0x80, s23, s21, $0xb8;
	[tilespmem:$0x1E800] =	vst v63  }
0x173: {  	_ = 	snop  }
0x174: {  	[tilespmem:s26], [sflag:$0x3] =	stream.indirect.gather [hbm4b:s4+s21], $0x80, s25, s21, $0xb8;
	[tilespmem:$0x1E800] =	vst v63  }
0x175: {  	_ = 	snop  }
0x176: {  	[tilespmem:s29], [sflag:$0x4] =	stream.indirect.gather [hbm4b:s4+s21], $0x80, s28, s21, $0xb8;
	[tilespmem:$0x1E800] =	vst v63  }
0x177: {  	_ =	swait.ge [sflag:s30], $0x1900  }
0x178: {  	[sflag:s30] =	ssyncset.done $0x0  }
0x179: {  	s16 =	simm.s32 $0x15C00;
	[sflag:s30] =	ssyncadd.s32 $0xFFFFE700  }
0x17a: {  	[spmem:s2] =	stream.indirect.scatter.add.f32 [tilespmem:s22], [sflag:$0x5], $0x80, s16, s21, $0xb8;
	[tilespmem:$0x1E800] =	vst v63  }
0x17b: {  	_ =	swait.ge [sflag:s31], $0x1900  }
0x17c: {  	[sflag:s31] =	ssyncset.done $0x0  }
0x17d: {  	s15 =	simm.s32 $0x15C80;
	[sflag:s31] =	ssyncadd.s32 $0xFFFFE700  }
0x17e: {  	[spmem:s2] =	stream.indirect.scatter.add.f32 [tilespmem:s24], [sflag:$0x6], $0x80, s15, s21, $0xb8;
	[tilespmem:$0x1E800] =	vst v63  }
0x17f: {  	_ =	swait.ge [sflag:s0], $0x1900  }
0x180: {  	[sflag:s0] =	ssyncset.done $0x0  }
0x181: {  	s16 =	simm.s32 $0x15D00;
	[sflag:s0] =	ssyncadd.s32 $0xFFFFE700  }
0x182: {  	[spmem:s2] =	stream.indirect.scatter.add.f32 [tilespmem:s26], [sflag:$0x7], $0x80, s16, s21, $0xb8;
	[tilespmem:$0x1E800] =	vst v63  }
0x183: {  	_ =	swait.ge [sflag:s1], $0x1900  }
0x184: {  	[sflag:s1] =	ssyncset.done $0x0  }
0x185: {  	s15 =	simm.s32 $0x15D80;
	[sflag:s1] =	ssyncadd.s32 $0xFFFFE700  }
0x186: {  	[spmem:s2] =	stream.indirect.scatter.add.f32 [tilespmem:s29], [sflag:$0x8], $0x80, s15, s21, $0xb8;
	[tilespmem:$0x1E800] =	vst v63  }
0x187: {  	_ =	swait.ge [sflag:s3], $0x1900  }
0x188: {  	[sflag:s3] =	ssyncset.done $0x0  }
0x189: {  	s16 =	simm.s32 $0x14200;
	[sflag:s3] =	ssyncadd.s32 $0xFFFFE700  }
0x18a: {  	[tilespmem:s22], [sflag:$0x1] =	stream.indirect.gather [hbm4b:s4+s21], $0x80, s16, s21, $0xb8;
	[tilespmem:$0x1E800] =	vst v63  }
0x18b: {  	_ =	swait.ge [sflag:s5], $0x1900  }
0x18c: {  	[sflag:s5] =	ssyncset.done $0x0  }
0x18d: {  	s15 =	simm.s32 $0x14280;
	[sflag:s5] =	ssyncadd.s32 $0xFFFFE700  }
0x18e: {  	[tilespmem:s24], [sflag:$0x2] =	stream.indirect.gather [hbm4b:s4+s21], $0x80, s15, s21, $0xb8;
	[tilespmem:$0x1E800] =	vst v63  }
0x18f: {  	_ =	swait.ge [sflag:s7], $0x1900  }
0x190: {  	[sflag:s7] =	ssyncset.done $0x0  }
0x191: {  	s16 =	simm.s32 $0x14300;
	[sflag:s7] =	ssyncadd.s32 $0xFFFFE700  }
0x192: {  	[tilespmem:s26], [sflag:$0x3] =	stream.indirect.gather [hbm4b:s4+s21], $0x80, s16, s21, $0xb8;
	[tilespmem:$0x1E800] =	vst v63  }
0x193: {  	_ =	swait.ge [sflag:s8], $0x1900  }
0x194: {  	[sflag:s8] =	ssyncset.done $0x0  }
0x195: {  	s14 =	simm.s32 $0x800;
	s15 =	simm.s32 $0x14380;
	[sflag:s8] =	ssyncadd.s32 $0xFFFFE700  }
.LBB2_8:
0x196: {  	[tilespmem:s29], [sflag:$0x4] =	stream.indirect.gather [hbm4b:s4+s21], $0x80, s15, s21, $0xb8;
	[tilespmem:$0x1E800] =	vst v63  }
0x197: {  	s15 =	smov.u32 s14  }
0x198: {  	p0 =	sne.s32 s14, $0x5000;
	s14 =	sadd.s32 $0x800, s14;
	_ =	swait.ge [sflag:s30], $0x1900  }
0x199: {  	s15 =	sshra.s32 s15, $0x2;
	[sflag:s30] =	ssyncset.done $0x0  }
0x19a: {  	s16 =	sadd.s32 $0x15C00, s15;
	[sflag:s30] =	ssyncadd.s32 $0xFFFFE700  }
0x19b: {  	[spmem:s2] =	stream.indirect.scatter.add.f32 [tilespmem:s22], [sflag:$0x5], $0x80, s16, s21, $0xb8;
	[tilespmem:$0x1E800] =	vst v63  }
0x19c: {  	_ =	swait.ge [sflag:s31], $0x1900  }
0x19d: {  	[sflag:s31] =	ssyncset.done $0x0  }
0x19e: {  	s16 =	sadd.s32 $0x15C80, s15;
	[sflag:s31] =	ssyncadd.s32 $0xFFFFE700  }
0x19f: {  	[spmem:s2] =	stream.indirect.scatter.add.f32 [tilespmem:s24], [sflag:$0x6], $0x80, s16, s21, $0xb8;
	[tilespmem:$0x1E800] =	vst v63  }
0x1a0: {  	_ =	swait.ge [sflag:s0], $0x1900  }
0x1a1: {  	[sflag:s0] =	ssyncset.done $0x0  }
0x1a2: {  	s16 =	sadd.s32 $0x15D00, s15;
	[sflag:s0] =	ssyncadd.s32 $0xFFFFE700  }
0x1a3: {  	[spmem:s2] =	stream.indirect.scatter.add.f32 [tilespmem:s26], [sflag:$0x7], $0x80, s16, s21, $0xb8;
	[tilespmem:$0x1E800] =	vst v63  }
0x1a4: {  	_ =	swait.ge [sflag:s1], $0x1900  }
0x1a5: {  	[sflag:s1] =	ssyncset.done $0x0  }
0x1a6: {  	s16 =	sadd.s32 $0x15D80, s15;
	[sflag:s1] =	ssyncadd.s32 $0xFFFFE700  }
0x1a7: {  	[spmem:s2] =	stream.indirect.scatter.add.f32 [tilespmem:s29], [sflag:$0x8], $0x80, s16, s21, $0xb8;
	[tilespmem:$0x1E800] =	vst v63  }
0x1a8: {  	_ =	swait.ge [sflag:s3], $0x1900  }
0x1a9: {  	[sflag:s3] =	ssyncset.done $0x0  }
0x1aa: {  	s16 =	sadd.s32 $0x14200, s15;
	[sflag:s3] =	ssyncadd.s32 $0xFFFFE700  }
0x1ab: {  	[tilespmem:s22], [sflag:$0x1] =	stream.indirect.gather [hbm4b:s4+s21], $0x80, s16, s21, $0xb8;
	[tilespmem:$0x1E800] =	vst v63  }
0x1ac: {  	_ =	swait.ge [sflag:s5], $0x1900  }
0x1ad: {  	[sflag:s5] =	ssyncset.done $0x0  }
0x1ae: {  	s16 =	sadd.s32 $0x14280, s15;
	[sflag:s5] =	ssyncadd.s32 $0xFFFFE700  }
0x1af: {  	[tilespmem:s24], [sflag:$0x2] =	stream.indirect.gather [hbm4b:s4+s21], $0x80, s16, s21, $0xb8;
	[tilespmem:$0x1E800] =	vst v63  }
0x1b0: {  	_ =	swait.ge [sflag:s7], $0x1900  }
0x1b1: {  	[sflag:s7] =	ssyncset.done $0x0  }
.Ltmp3:
0x1b2: {  	s16 =	sadd.s32 $0x14300, s15;
	[sflag:s7] =	ssyncadd.s32 $0xFFFFE700;
	(pc) =	sbr.rel @p0 .LBB2_8-.Ltmp3, $4  }
0x1b3: {  	[tilespmem:s26], [sflag:$0x3] =	stream.indirect.gather [hbm4b:s4+s21], $0x80, s16, s21, $0xb8;
	[tilespmem:$0x1E800] =	vst v63  }
0x1b4: {  	_ =	swait.ge [sflag:s8], $0x1900  }
0x1b5: {  	[sflag:s8] =	ssyncset.done $0x0  }
0x1b6: {  	s15 =	sadd.s32 $0x14380, s15;
	[sflag:s8] =	ssyncadd.s32 $0xFFFFE700  }
0x1b7: {  	[tilespmem:s29], [sflag:$0x4] =	stream.indirect.gather [hbm4b:s4+s21], $0x80, s15, s21, $0xb8;
	[tilespmem:$0x1E800] =	vst v63  }
0x1b8: {  	_ =	swait.ge [sflag:s30], $0x1900  }
0x1b9: {  	[sflag:s30] =	ssyncset.done $0x0  }
0x1ba: {  	[sflag:s30] =	ssyncadd.s32 $0xFFFFE700  }
0x1bb: {  	[spmem:s2] =	stream.indirect.scatter.add.f32 [tilespmem:s22], [sflag:$0x5], $0x80, s9, s21, $0xb8;
	[tilespmem:$0x1E800] =	vst v63  }
0x1bc: {  	_ =	swait.ge [sflag:s31], $0x1900  }
0x1bd: {  	[sflag:s31] =	ssyncset.done $0x0  }
0x1be: {  	[sflag:s31] =	ssyncadd.s32 $0xFFFFE700  }
0x1bf: {  	[spmem:s2] =	stream.indirect.scatter.add.f32 [tilespmem:s24], [sflag:$0x6], $0x80, s10, s21, $0xb8;
	[tilespmem:$0x1E800] =	vst v63  }
0x1c0: {  	_ =	swait.ge [sflag:s0], $0x1900  }
0x1c1: {  	[sflag:s0] =	ssyncset.done $0x0  }
0x1c2: {  	[sflag:s0] =	ssyncadd.s32 $0xFFFFE700  }
0x1c3: {  	[spmem:s2] =	stream.indirect.scatter.add.f32 [tilespmem:s26], [sflag:$0x7], $0x80, s11, s21, $0xb8;
	[tilespmem:$0x1E800] =	vst v63  }
0x1c4: {  	_ =	swait.ge [sflag:s1], $0x1900  }
0x1c5: {  	[sflag:s1] =	ssyncset.done $0x0  }
0x1c6: {  	[sflag:s1] =	ssyncadd.s32 $0xFFFFE700  }
0x1c7: {  	[spmem:s2] =	stream.indirect.scatter.add.f32 [tilespmem:s29], [sflag:$0x8], $0x80, s12, s21, $0xb8;
	[tilespmem:$0x1E800] =	vst v63  }
0x1c8: {  	_ =	swait.ge [sflag:s3], $0x1900  }
0x1c9: {  	[sflag:s3] =	ssyncset.done $0x0  }
0x1ca: {  	[sflag:s3] =	ssyncadd.s32 $0xFFFFE700  }
0x1cb: {  	_ =	swait.ge [sflag:s5], $0x1900  }
0x1cc: {  	[sflag:s5] =	ssyncset.done $0x0  }
0x1cd: {  	[sflag:s5] =	ssyncadd.s32 $0xFFFFE700  }
0x1ce: {  	_ =	swait.ge [sflag:s7], $0x1900  }
0x1cf: {  	[sflag:s7] =	ssyncset.done $0x0  }
0x1d0: {  	[sflag:s7] =	ssyncadd.s32 $0xFFFFE700  }
0x1d1: {  	_ =	swait.ge [sflag:s8], $0x1900  }
0x1d2: {  	[sflag:s8] =	ssyncset.done $0x0  }
0x1d3: {  	[sflag:s8] =	ssyncadd.s32 $0xFFFFE700  }
0x1d4: {  	[bflag:$0x0] =	sbarrier.arrive $0xFFFF  }
0x1d5: {  	s14 =	rddreg [dreg:$0xc]  }
0x1d6: {  	[hbm:s14], [sflag:s6] =	dma.local [spmem:s17], $0x2800  }
0x1d7: {  	_ =	swait.ge [sflag:s18], $0x2800  }
0x1d8: {  	s13 =	sadd.s32 $0x1, s13;
	s16 =	rddreg [dreg:$0xd]  }
0x1d9: {  	p0 =	sne.s32 s13, s16  }
.Ltmp4:
0x1da: {  	_ = 	snop;
	(pc) =	sbr.rel @p0 .LBB2_1-.Ltmp4, $3  }
0x1db: {  	_ =	sdelay $0x1  }
0x1dc: {  	[sflag:s18] =	ssyncset.done $0x0  }
0x1dd: {  	[sflag:s18] =	ssyncadd.s32 $0xFFFFD800  }
0x1de: {  	_ =	sfence.sel $0x180000  }
0x1df: {  	[bflag:$0x0] =	sbarrier.arrive $0xFFFF  }
0x1e0: {  	_ =	strace $0x9000004A  }
0x1e1: {  	s0 =	stileid.u32;
	[bflag:$0x2] =	sbarrier.arrive $0xFFFF  }
0x1e2: {  	p0 =	sne.s32 s0, $0x0;
	s0 =	rddreg [dreg:$0x2]  }
0x1e3: {  	s0 =	sadd.s32 @!p0 $0x100000, s0  }
0x1e4: {  	[sflag:s0] =	ssyncadd.tile.s32 @!p0 $0x1;
	_ =	shalt  }
.Lfunc_end2:
_tile_overlayer_lowered:
.L_overlay_start_2:
0x1e5: {  	(tag) =	ssettag $0x2  }
0x1e6: {  	s0 =	rddreg [dreg:$0x0];
	s2 =	stileid.u32  }
0x1e7: {  	s1 =	rddreg [dreg:$0x1];
	p0 =	sne.s32 s2, $0x0  }
0x1e8: {  	s3 =	rddreg [dreg:$0x2];
	[bflag:$0x3] =	sbarrier.arrive $0xFFFF;
	s2 =	simm.s32 @!p0 $0x1C09  }
0x1e9: {  	[timem:s3], [sflag:s2] =	dma.local @!p0 [hbm:s0], s1  }
0x1ea: {  	s0 =	simm.s32 @!p0 $0x9  }
0x1eb: {  	_ =	swait.ge @!p0 [sflag:s0], s1  }
0x1ec: {  	s1 =	ssub.s32 @!p0 $0x0, s1;
	[sflag:s0] =	ssyncset.done @!p0 $0x0  }
0x1ed: {  	[sflag:s0] =	ssyncadd.s32 @!p0 s1  }
0x1ee: {  	[bflag:$0x3] =	sbarrier.arrive $0xFFFF  }
0x1ef: {  	_ =	shalt  }

// kernel: kernel.15.cloned.1.call-start
scs
__scs_entry_jumppad:
0x0: {  	(pc) =	sbr.rel $0x88, $3  }
0x1: {  	(tag) =	ssettag $0x0;
	lr =	simm.s32 $0x1  }
0x2: {  	[smem:$0x3F99] =	sst lr;
	_ =	strace $0xD0000000  }
0x3: {  	_ = 	snop  }
0x4: {  	_ = 	snop  }
0x5: {  	_ = 	snop  }
0x6: {  	_ = 	snop  }
0x7: {  	_ = 	snop  }
__scs_overlays_trampoline_lowered:
0x8: {  	[smem:$0x3FA8] =	sst s0  }
0x9: {  	[smem:$0x3FA9] =	sst s1  }
0xa: {  	[smem:$0x3FAA] =	sst s2  }
0xb: {  	[smem:$0x3FAB] =	sst s3  }
0xc: {  	[smem:$0x3FAC] =	sst s4  }
0xd: {  	[smem:$0x3FAD] =	sst s5  }
0xe: {  	[smem:$0x3FAE] =	sst s6  }
0xf: {  	[smem:$0x3FAF] =	sst s7  }
0x10: {  	[smem:$0x3FB0] =	sst s8  }
0x11: {  	[smem:$0x3FB1] =	sst s9;
	s0 =	simm.s32 @!p0 $0x0  }
0x12: {  	s1 =	sld [smem:$0x3F97];
	s0 =	simm.s32 @p0 $0x1  }
0x13: {  	[smem:$0x3FB2] =	sst s0;
	s0 =	simm.s32 @!p1 $0x0  }
0x14: {  	s2 =	sld [smem:$0x3F96];
	s0 =	simm.s32 @p1 $0x1  }
0x15: {  	[smem:$0x3FB3] =	sst s0;
	s0 =	simm.s32 @!p2 $0x0  }
0x16: {  	s3 =	sld [smem:$0x3FDB];
	s0 =	simm.s32 @p2 $0x1  }
0x17: {  	s4 =	simm.s32 $0x1BF5;
	[smem:$0x3FB5] =	sst s0  }
0x18: {  	s0 =	sld [smem:$0x3F98];
	_ =	swait.ge [sflag:s4], $0x0  }
0x19: {  	s7 =	sld [smem:$0x3F99]  }
0x1a: {  	s8 =	sadd.s32 $0xFFFFE003, lr  }
0x1b: {  	s9 =	sadd.s32 $0xFFFFFEF7, lr;
	s5 =	simm.s32 $0xFFFFFFFF;
	p2 =	slt.u32 s8, $0xFFFFF086  }
0x1c: {  	p1 =	slt.u32 s9, $0xF7A;
	s5 =	simm.s32 @!p2 $0x0  }
0x1d: {  	s5 =	simm.s32 @p1 $0x1;
	p0 =	seq.s32 s7, s2  }
0x1e: {  	s7 =	smul.u32 @!p0 $0xF7A, s2;
	p2 =	seq.s32 @!p0 s5, $0x0  }
0x1f: {  	s9 =	smul.u32 $0xF7A, s1;
	s8 =	simm.s32 @!p0 $0x1BF5;
	p2 =	por !p2, p0  }
0x20: {  	[sflag:s8] =	ssyncset.s32 @!p0 $0xFFFFF086;
	s6 =	sadd.s32 @!p0 s3, s7;
	s7 =	simm.s32 @!p0 $0x108  }
0x21: {  	s3 =	sadd.s32 s3, s9;
	s6 =	sadd.s32 @!p0 $0x88, s6;
	s7 =	simm.s32 @p2 $0x1082  }
0x22: {  	[simem:s7], [sflag:s8] =	dma.local @!p0 [hbm:s6], $0xF7A  }
0x23: {  	s9 =	sor.u32 $0xD0000000, s2;
	s6 =	simm.s32 $0x108;
	_ =	swait.ge @!p0 [sflag:s8], $0x0  }
0x24: {  	s3 =	sadd.s32 $0x88, s3;
	s6 =	simm.s32 @!p1 $0x1082;
	[sflag:s4] =	ssyncset.s32 $0xFFFFF086  }
0x25: {  	[simem:s6], [sflag:s4] =	dma.local [hbm:s3], $0xF7A  }
0x26: {  	[smem:$0x3F99] =	sst s1;
	(tag) =	ssettag s2;
	_ =	strace s9  }
0x27: {  	s1 =	sld [smem:$0x3FA9]  }
0x28: {  	s2 =	sld [smem:$0x3FAA]  }
0x29: {  	s4 =	sld [smem:$0x3FAC]  }
0x2a: {  	p0 =	seq.s32 s5, $0x0;
	s5 =	sld [smem:$0x3FAD]  }
0x2b: {  	s6 =	sld [smem:$0x3FAE]  }
0x2c: {  	s7 =	sld [smem:$0x3FAF]  }
0x2d: {  	s3 =	simm.s32 $0x108;
	s8 =	sld [smem:$0x3FB0]  }
0x2e: {  	s3 =	simm.s32 @!p0 $0x1082;
	s9 =	sld [smem:$0x3FB1]  }
0x2f: {  	lr =	sadd.s32 s0, s3;
	s0 =	sld [smem:$0x3FA8]  }
0x30: {  	s3 =	sld [smem:$0x3FAB]  }
0x31: {  	[smem:$0x3FB4] =	sst s10  }
0x32: {  	s10 =	sld [smem:$0x3FB2];
	_ =	sdelay $0x3  }
0x33: {  	p0 =	seq.s32 s10, $0x1;
	s10 =	sld [smem:$0x3FB4];
	_ =	sdelay $0x3  }
0x34: {  	[smem:$0x3FB4] =	sst s10  }
0x35: {  	s10 =	sld [smem:$0x3FB3];
	_ =	sdelay $0x3  }
0x36: {  	p1 =	seq.s32 s10, $0x1;
	s10 =	sld [smem:$0x3FB4];
	_ =	sdelay $0x3  }
0x37: {  	[smem:$0x3FB4] =	sst s10  }
0x38: {  	s10 =	sld [smem:$0x3FB5]  }
0x39: {  	_ = 	snop;
	(pc) =	sbr.ind lr, $3  }
0x3a: {  	_ = 	snop  }
0x3b: {  	_ = 	snop  }
0x3c: {  	p2 =	seq.s32 s10, $0x1;
	s10 =	sld [smem:$0x3FB4]  }
0x3d: {  	_ =	shalt  }
0x3e: {  	_ =	shalt  }
0x3f: {  	_ =	shalt  }
0x40: {  	_ =	shalt  }
0x41: {  	_ =	shalt  }
0x42: {  	_ =	shalt  }
0x43: {  	_ =	shalt  }
0x44: {  	_ =	shalt  }
0x45: {  	_ =	shalt  }
0x46: {  	_ =	shalt  }
0x47: {  	_ =	shalt  }
0x48: {  	_ =	shalt  }
0x49: {  	_ =	shalt  }
0x4a: {  	_ =	shalt  }
0x4b: {  	_ =	shalt  }
0x4c: {  	_ =	shalt  }
0x4d: {  	_ =	shalt  }
0x4e: {  	_ =	shalt  }
0x4f: {  	_ =	shalt  }
0x50: {  	_ =	shalt  }
0x51: {  	_ =	shalt  }
0x52: {  	_ =	shalt  }
0x53: {  	_ =	shalt  }
0x54: {  	_ =	shalt  }
0x55: {  	_ =	shalt  }
0x56: {  	_ =	shalt  }
0x57: {  	_ =	shalt  }
0x58: {  	_ =	shalt  }
0x59: {  	_ =	shalt  }
0x5a: {  	_ =	shalt  }
0x5b: {  	_ =	shalt  }
0x5c: {  	_ =	shalt  }
0x5d: {  	_ =	shalt  }
0x5e: {  	_ =	shalt  }
0x5f: {  	_ =	shalt  }
0x60: {  	_ =	shalt  }
0x61: {  	_ =	shalt  }
0x62: {  	_ =	shalt  }
0x63: {  	_ =	shalt  }
0x64: {  	_ =	shalt  }
0x65: {  	_ =	shalt  }
0x66: {  	_ =	shalt  }
0x67: {  	_ =	shalt  }
0x68: {  	_ =	shalt  }
0x69: {  	_ =	shalt  }
0x6a: {  	_ =	shalt  }
0x6b: {  	_ =	shalt  }
0x6c: {  	_ =	shalt  }
0x6d: {  	_ =	shalt  }
0x6e: {  	_ =	shalt  }
0x6f: {  	_ =	shalt  }
0x70: {  	_ =	shalt  }
0x71: {  	_ =	shalt  }
0x72: {  	_ =	shalt  }
0x73: {  	_ =	shalt  }
0x74: {  	_ =	shalt  }
0x75: {  	_ =	shalt  }
0x76: {  	_ =	shalt  }
0x77: {  	_ =	shalt  }
0x78: {  	_ =	shalt  }
0x79: {  	_ =	shalt  }
0x7a: {  	_ =	shalt  }
0x7b: {  	_ =	shalt  }
0x7c: {  	_ =	shalt  }
0x7d: {  	_ =	shalt  }
0x7e: {  	_ =	shalt  }
0x7f: {  	_ =	shalt  }
0x80: {  	_ =	shalt  }
0x81: {  	_ =	shalt  }
0x82: {  	_ =	shalt  }
0x83: {  	_ =	shalt  }
0x84: {  	_ =	shalt  }
0x85: {  	_ =	shalt  }
0x86: {  	_ =	shalt  }
0x87: {  	_ =	shalt  }
.Lfunc_end0:
.L_simem_size_0:
called_computation.2_lowered:
.L_overlay_start_0:
0x88: {  	s2 =	sld [smem:$0x3FD9]  }
0x89: {  	s3 =	sld [smem:$0x3FFE];
	_ =	sdelay $0x1  }
0x8a: {  	s1 =	srdreg.scid  }
0x8b: {  	s0 =	sand.u32 $0x1, s1  }
0x8c: {  	s16 =	sshll.u32 s0, $0xA;
	s2 =	sadd.s32 s3, s2  }
0x8d: {  	s2 =	sadd.s32 s2, s16  }
0x8e: {  	[smem:$0x3FC0] =	sst s2  }
0x8f: {  	_ = 	snop  }
0x90: {  	(tm) =	ssettm $0x1  }
0x91: {  	s17 =	sld [smem:$0x3FFB];
	_ =	sdelay $0x3  }
0x92: {  	_ =	strace s17  }
0x93: {  	s2 =	sld [smem:$0x3FFC];
	_ =	sdelay $0x3  }
0x94: {  	_ =	strace s2  }
0x95: {  	s2 =	sld [smem:$0x3FFD];
	_ =	sdelay $0x3  }
0x96: {  	_ =	strace s2  }
0x97: {  	_ =	strace $0x8FFFFFFF  }
0x98: {  	s18 =	sld [smem:$0x3FDB];
	_ =	sdelay $0x1  }
0x99: {  	s19 =	simm.s32 $_scs_section_size  }
0x9a: {  	s4 =	simm.s32 $_size__tile_overlayer_lowered;
	s5 =	simm.s32 $_tile_overlayer_lowered  }
0x9b: {  	s22 =	simm.s32 $0x1BFF;
	s21 =	sshll.u32 s5, $0x1;
	s2 =	sadd.s32 s19, s18  }
0x9c: {  	s6 =	simm.s32 $0x0;
	s20 =	sshll.u32 s4, $0x1;
	s4 =	sadd.s32 s21, s2  }
0x9d: {  	[timem:s6], [sflag:s22] =	dma.local [hbm:s4], s20  }
0x9e: {  	_ =	swait.ge [sflag:s22], s20  }
0x9f: {  	s3 =	ssub.s32 $0x0, s20;
	[sflag:s22] =	ssyncset.done $0x0  }
0xa0: {  	[sflag:s22] =	ssyncadd.s32 s3;
	_ =	sdelay $0x1  }
0xa1: {  	s23 =	simm.s32 $0x1B8B  }
0xa2: {  	_ =	swait.ge [sflag:s23], $0x1  }
0xa3: {  	[sflag:s23] =	ssyncset.done $0x0  }
0xa4: {  	s25 =	simm.s32 $0x1B8E;
	s24 =	sld [smem:$0x3FFE];
	[sflag:s23] =	ssyncadd.s32 $0xFFFFFFFF  }
0xa5: {  	s26 =	simm.s32 $execute0_lowered;
	[smem:$0x3FD2] =	sst s25  }
0xa6: {  	s4 =	sshll.u32 s26, $0x1;
	_ =	strace $0x8000004C;
	[dreg:$0x1] =	wrdreg $0xFFFFFFFF  }
0xa7: {  	s28 =	simm.s32 $_size_execute0_lowered;
	s2 =	sadd.s32 s2, s4;
	[dreg:$0x0] =	wrdreg $0x0  }
0xa8: {  	s4 =	sshll.u32 s28, $0x1;
	[dreg:$0x2] =	wrdreg s2  }
0xa9: {  	[dreg:$0x3] =	wrdreg s4  }
0xaa: {  	[dreg:$0x4] =	wrdreg $0xC0  }
0xab: {  	_ =	task [dreg:s6], $0x5FFFF  }
0xac: {  	[dreg:$0x1] =	wrdreg $0xFFFFFFFF  }
0xad: {  	[dreg:$0x0] =	wrdreg $0x60  }
0xae: {  	[dreg:$0x2] =	wrdreg s24  }
0xaf: {  	[dreg:$0x3] =	wrdreg $0x0  }
0xb0: {  	[dreg:$0x4] =	wrdreg $0x9  }
0xb1: {  	_ =	task.clear_ibuf [dreg:s6], $0x5FFFF;
	_ =	strace $0x9000004C  }
0xb2: {  	s29 =	simm.s32 $0x9;
	_ =	strace $0x8000004E  }
0xb3: {  	_ =	swait.ge [sflag:s29], $0x1  }
0xb4: {  	[sflag:s29] =	ssyncadd.s32 $0xFFFFFFFF  }
0xb5: {  	_ =	strace $0x9000004E  }
0xb6: {  	_ =	sfence  }
0xb7: {  	s30 =	sld [smem:$0x0];
	_ =	sdelay $0x2  }
0xb8: {  	s31 =	sshll.u32 s1, $0xD;
	s1 =	sshrl.u32 s1, $0x2  }
0xb9: {  	s3 =	sand.u32 $0x4000, s31;
	s1 =	sadd.s32 s1, s30  }
0xba: {  	s0 =	sor.u32 s3, s0;
	s1 =	sshll.u32 s1, $0x11  }
0xbb: {  	s0 =	sor.u32 s1, s0  }
0xbc: {  	s0 =	sadd.s32 $0x8F2B, s0  }
0xbd: {  	[sflag:s0] =	ssyncadd.remote.s32 $0x1  }
0xbe: {  	_ =	sfence.sel $0xFFFF  }
0xbf: {  	[dreg:$0x0] =	wrdreg $0xFFFFFFFF;
	(pc) =	sbr.abs _section_cstart, $3  }
0xc0: {  	[dreg:$0x1] =	wrdreg $0xFFFFFFFF  }
0xc1: {  	_ =	task.clear_ibuf [dreg:s6], $0x2FFFF;
	_ =	strace $0x9FFFFFFF  }
0xc2: {  	(tm) =	ssettm $0x7FFFFFFF  }
0xc3: {  	_ =	shalt  }
tec
execute0_lowered:
.L_overlay_start_1:
0x0: {  	(tag) =	ssettag $0x1  }
0x1: {  	s0 =	rddreg [dreg:$0x0]  }
0x2: {  	s2 =	rddreg [dreg:$0x1];
	s11 =	stileid.u32  }
0x3: {  	s1 =	srdreg.scid;
	s4 =	simm.s32 $0x0;
	s28 =	simm.s32 $0x14180  }
0x4: {  	s29 =	simm.s32 $0x1CC00;
	s30 =	simm.s32 $0x1;
	s31 =	simm.s32 $0x2  }
0x5: {  	s12 =	simm.s32 $0x17380;
	s13 =	simm.s32 $0x0;
	s3 =	smul.u32 $0x14000, s11  }
0x6: {  	s1 =	sand.u32 $0x1, s1;
	[smem:$0x7FF] =	sst s4;
	s4 =	sadd.s32 $0x43A00, s0  }
0x7: {  	s7 =	sadd.s32 $0x93E00, s0;
	s16 =	sadd.s32 $0x2A00, s0;
	s9 =	sshll.u32 s11, $0x1  }
0x8: {  	s10 =	smul.u32 $0x50000, s11;
	s19 =	sshll.u32 s11, $0x6;
	s11 =	simm.s32 $0x17300  }
0x9: {  	s5 =	smul.u32 $0x140000, s1;
	s8 =	ssub.s32 $0x2, s1;
	s1 =	sor.u32 s1, s9  }
0xa: {  	_ =	strace $0x8000004D;
	s6 =	sshrl.u32 s3, $0x3;
	s9 =	smul.u32 $0x6400, s1  }
0xb: {  	s17 =	sshrl.u32 s8, $0x1;
	s18 =	sshrl.u32 s10, $0x2;
	s1 =	smul.u32 $0xC80, s1  }
0xc: {  	s10 =	simm.s32 $0x17280;
	s3 =	sadd.s32 s3, s5;
	s6 =	sadd.s32 s6, s0  }
0xd: {  	s5 =	simm.s32 $0x6;
	s3 =	sshrl.u32 s3, $0x3;
	s6 =	sadd.s32 $0x1BA00, s6  }
0xe: {  	s9 =	sshrl.u32 s9, $0x3;
	s20 =	sadd.s32 s7, s1;
	s1 =	sadd.s32 s16, s1  }
0xf: {  	s0 =	sadd.s32 s3, s0;
	s3 =	ssub.s32 s8, s17;
	[dreg:$0x3] =	wrdreg s6  }
0x10: {  	s8 =	sadd.s32 s18, s2;
	s6 =	sor.u32 $0x1C09, s19;
	[dreg:$0x4] =	wrdreg s20  }
0x11: {  	[dreg:$0x5] =	wrdreg s1;
	s21 =	sadd.s32 $0x380, s9;
	s23 =	sadd.s32 $0x680, s9  }
0x12: {  	s25 =	sadd.s32 $0x980, s9;
	s18 =	simm.s32 $0x9;
	s19 =	simm.s32 $0x14000  }
0x13: {  	s20 =	simm.s32 $0x15C00;
	s9 =	simm.s32 $0x17200;
	s22 =	sadd.s32 s7, s21  }
0x14: {  	s1 =	sadd.s32 s16, s21;
	s24 =	sadd.s32 s7, s23;
	[dreg:$0x6] =	wrdreg s22  }
0x15: {  	s7 =	sadd.s32 s7, s25;
	s0 =	sadd.s32 $0xACE00, s0;
	[dreg:$0x7] =	wrdreg s1  }
0x16: {  	s26 =	smax.u32 s3, $0x1;
	s17 =	sshrl.u32 s8, $0x3;
	[dreg:$0x8] =	wrdreg s24  }
0x17: {  	s21 =	simm.s32 $0x32;
	s3 =	simm.s32 $0x5;
	[dreg:$0xa] =	wrdreg s7  }
0x18: {  	s8 =	simm.s32 $0x8;
	s1 =	sadd.s32 s16, s23;
	[dreg:$0xc] =	wrdreg s0  }
0x19: {  	[dreg:$0xd] =	wrdreg s26;
	s22 =	simm.s32 $0x17800;
	s23 =	simm.s32 $0x14080  }
0x1a: {  	s24 =	simm.s32 $0x19400;
	s26 =	simm.s32 $0x1B000;
	s0 =	simm.s32 $0x3  }
0x1b: {  	s7 =	simm.s32 $0x7;
	[dreg:$0x9] =	wrdreg s1;
	s1 =	sadd.s32 s16, s25  }
0x1c: {  	s25 =	simm.s32 $0x14100;
	[dreg:$0xb] =	wrdreg s1;
	s1 =	simm.s32 $0x4  }
.LBB2_1:
0x1d: {  	s14 =	rddreg [dreg:$0x3]  }
0x1e: {  	[spmem:s17], [sflag:s6] =	dma.local [hbm:s14], $0x2800  }
0x1f: {  	_ =	swait.ge [sflag:s18], $0x2800  }
0x20: {  	[sflag:s18] =	ssyncset.done $0x0  }
0x21: {  	[sflag:s18] =	ssyncadd.s32 $0xFFFFD800  }
0x22: {  	[bflag:$0x0] =	sbarrier.arrive $0xFFFF  }
0x23: {  	s14 =	simm.s32 $0x0;
	s15 =	rddreg [dreg:$0x4]  }
0x24: {  	[tilespmem:s19], [sflag:$0x9] =	stream.linear.gather [hbm4b:s15+s14], $0x1C00, $0x38;
	[tilespmem:$0x1E800] =	vst v63  }
0x25: {  	_ =	swait.ge [sflag:s18], $0x1C00  }
0x26: {  	[sflag:s18] =	ssyncset.done $0x0  }
0x27: {  	s16 =	rddreg [dreg:$0x5];
	[sflag:s18] =	ssyncadd.s32 $0xFFFFE400  }
0x28: {  	[tilespmem:s20], [sflag:$0x9] =	stream.linear.gather [hbm4b:s16+s14], $0x1C00, $0x38;
	[tilespmem:$0x1E800] =	vst v63  }
0x29: {  	_ =	swait.ge [sflag:s18], $0x1C00  }
0x2a: {  	[sflag:s18] =	ssyncset.done $0x0  }
0x2b: {  	[sflag:s18] =	ssyncadd.s32 $0xFFFFE400  }
0x2c: {  	[tilespmem:s22], [sflag:$0x1] =	stream.indirect.gather [hbm4b:s4+s21], $0x80, s19, s21, $0xb8;
	[tilespmem:$0x1E800] =	vst v63  }
0x2d: {  	_ = 	snop  }
0x2e: {  	[tilespmem:s24], [sflag:$0x2] =	stream.indirect.gather [hbm4b:s4+s21], $0x80, s23, s21, $0xb8;
	[tilespmem:$0x1E800] =	vst v63  }
0x2f: {  	_ = 	snop  }
0x30: {  	[tilespmem:s26], [sflag:$0x3] =	stream.indirect.gather [hbm4b:s4+s21], $0x80, s25, s21, $0xb8;
	[tilespmem:$0x1E800] =	vst v63  }
0x31: {  	_ = 	snop  }
0x32: {  	[tilespmem:s29], [sflag:$0x4] =	stream.indirect.gather [hbm4b:s4+s21], $0x80, s28, s21, $0xb8;
	[tilespmem:$0x1E800] =	vst v63  }
0x33: {  	_ =	swait.ge [sflag:s30], $0x1900  }
0x34: {  	[sflag:s30] =	ssyncset.done $0x0  }
0x35: {  	s16 =	simm.s32 $0x15C00;
	[sflag:s30] =	ssyncadd.s32 $0xFFFFE700  }
0x36: {  	[spmem:s2] =	stream.indirect.scatter.add.f32 [tilespmem:s22], [sflag:$0x5], $0x80, s16, s21, $0xb8;
	[tilespmem:$0x1E800] =	vst v63  }
0x37: {  	_ =	swait.ge [sflag:s31], $0x1900  }
0x38: {  	[sflag:s31] =	ssyncset.done $0x0  }
0x39: {  	s15 =	simm.s32 $0x15C80;
	[sflag:s31] =	ssyncadd.s32 $0xFFFFE700  }
0x3a: {  	[spmem:s2] =	stream.indirect.scatter.add.f32 [tilespmem:s24], [sflag:$0x6], $0x80, s15, s21, $0xb8;
	[tilespmem:$0x1E800] =	vst v63  }
0x3b: {  	_ =	swait.ge [sflag:s0], $0x1900  }
0x3c: {  	[sflag:s0] =	ssyncset.done $0x0  }
0x3d: {  	s16 =	simm.s32 $0x15D00;
	[sflag:s0] =	ssyncadd.s32 $0xFFFFE700  }
0x3e: {  	[spmem:s2] =	stream.indirect.scatter.add.f32 [tilespmem:s26], [sflag:$0x7], $0x80, s16, s21, $0xb8;
	[tilespmem:$0x1E800] =	vst v63  }
0x3f: {  	_ =	swait.ge [sflag:s1], $0x1900  }
0x40: {  	[sflag:s1] =	ssyncset.done $0x0  }
0x41: {  	s15 =	simm.s32 $0x15D80;
	[sflag:s1] =	ssyncadd.s32 $0xFFFFE700  }
0x42: {  	[spmem:s2] =	stream.indirect.scatter.add.f32 [tilespmem:s29], [sflag:$0x8], $0x80, s15, s21, $0xb8;
	[tilespmem:$0x1E800] =	vst v63  }
0x43: {  	_ =	swait.ge [sflag:s3], $0x1900  }
0x44: {  	[sflag:s3] =	ssyncset.done $0x0  }
0x45: {  	s16 =	simm.s32 $0x14200;
	[sflag:s3] =	ssyncadd.s32 $0xFFFFE700  }
0x46: {  	[tilespmem:s22], [sflag:$0x1] =	stream.indirect.gather [hbm4b:s4+s21], $0x80, s16, s21, $0xb8;
	[tilespmem:$0x1E800] =	vst v63  }
0x47: {  	_ =	swait.ge [sflag:s5], $0x1900  }
0x48: {  	[sflag:s5] =	ssyncset.done $0x0  }
0x49: {  	s15 =	simm.s32 $0x14280;
	[sflag:s5] =	ssyncadd.s32 $0xFFFFE700  }
0x4a: {  	[tilespmem:s24], [sflag:$0x2] =	stream.indirect.gather [hbm4b:s4+s21], $0x80, s15, s21, $0xb8;
	[tilespmem:$0x1E800] =	vst v63  }
0x4b: {  	_ =	swait.ge [sflag:s7], $0x1900  }
0x4c: {  	[sflag:s7] =	ssyncset.done $0x0  }
0x4d: {  	s16 =	simm.s32 $0x14300;
	[sflag:s7] =	ssyncadd.s32 $0xFFFFE700  }
0x4e: {  	[tilespmem:s26], [sflag:$0x3] =	stream.indirect.gather [hbm4b:s4+s21], $0x80, s16, s21, $0xb8;
	[tilespmem:$0x1E800] =	vst v63  }
0x4f: {  	_ =	swait.ge [sflag:s8], $0x1900  }
0x50: {  	[sflag:s8] =	ssyncset.done $0x0  }
0x51: {  	s14 =	simm.s32 $0x800;
	s15 =	simm.s32 $0x14380;
	[sflag:s8] =	ssyncadd.s32 $0xFFFFE700  }
.LBB2_2:
0x52: {  	[tilespmem:s29], [sflag:$0x4] =	stream.indirect.gather [hbm4b:s4+s21], $0x80, s15, s21, $0xb8;
	[tilespmem:$0x1E800] =	vst v63  }
0x53: {  	s15 =	smov.u32 s14  }
0x54: {  	p0 =	sne.s32 s14, $0x6000;
	s14 =	sadd.s32 $0x800, s14;
	_ =	swait.ge [sflag:s30], $0x1900  }
0x55: {  	s15 =	sshra.s32 s15, $0x2;
	[sflag:s30] =	ssyncset.done $0x0  }
0x56: {  	s16 =	sadd.s32 $0x15C00, s15;
	[sflag:s30] =	ssyncadd.s32 $0xFFFFE700  }
0x57: {  	[spmem:s2] =	stream.indirect.scatter.add.f32 [tilespmem:s22], [sflag:$0x5], $0x80, s16, s21, $0xb8;
	[tilespmem:$0x1E800] =	vst v63  }
0x58: {  	_ =	swait.ge [sflag:s31], $0x1900  }
0x59: {  	[sflag:s31] =	ssyncset.done $0x0  }
0x5a: {  	s16 =	sadd.s32 $0x15C80, s15;
	[sflag:s31] =	ssyncadd.s32 $0xFFFFE700  }
0x5b: {  	[spmem:s2] =	stream.indirect.scatter.add.f32 [tilespmem:s24], [sflag:$0x6], $0x80, s16, s21, $0xb8;
	[tilespmem:$0x1E800] =	vst v63  }
0x5c: {  	_ =	swait.ge [sflag:s0], $0x1900  }
0x5d: {  	[sflag:s0] =	ssyncset.done $0x0  }
0x5e: {  	s16 =	sadd.s32 $0x15D00, s15;
	[sflag:s0] =	ssyncadd.s32 $0xFFFFE700  }
0x5f: {  	[spmem:s2] =	stream.indirect.scatter.add.f32 [tilespmem:s26], [sflag:$0x7], $0x80, s16, s21, $0xb8;
	[tilespmem:$0x1E800] =	vst v63  }
0x60: {  	_ =	swait.ge [sflag:s1], $0x1900  }
0x61: {  	[sflag:s1] =	ssyncset.done $0x0  }
0x62: {  	s16 =	sadd.s32 $0x15D80, s15;
	[sflag:s1] =	ssyncadd.s32 $0xFFFFE700  }
0x63: {  	[spmem:s2] =	stream.indirect.scatter.add.f32 [tilespmem:s29], [sflag:$0x8], $0x80, s16, s21, $0xb8;
	[tilespmem:$0x1E800] =	vst v63  }
0x64: {  	_ =	swait.ge [sflag:s3], $0x1900  }
0x65: {  	[sflag:s3] =	ssyncset.done $0x0  }
0x66: {  	s16 =	sadd.s32 $0x14200, s15;
	[sflag:s3] =	ssyncadd.s32 $0xFFFFE700  }
0x67: {  	[tilespmem:s22], [sflag:$0x1] =	stream.indirect.gather [hbm4b:s4+s21], $0x80, s16, s21, $0xb8;
	[tilespmem:$0x1E800] =	vst v63  }
0x68: {  	_ =	swait.ge [sflag:s5], $0x1900  }
0x69: {  	[sflag:s5] =	ssyncset.done $0x0  }
0x6a: {  	s16 =	sadd.s32 $0x14280, s15;
	[sflag:s5] =	ssyncadd.s32 $0xFFFFE700  }
0x6b: {  	[tilespmem:s24], [sflag:$0x2] =	stream.indirect.gather [hbm4b:s4+s21], $0x80, s16, s21, $0xb8;
	[tilespmem:$0x1E800] =	vst v63  }
0x6c: {  	_ =	swait.ge [sflag:s7], $0x1900  }
0x6d: {  	[sflag:s7] =	ssyncset.done $0x0  }
.Ltmp0:
0x6e: {  	s16 =	sadd.s32 $0x14300, s15;
	[sflag:s7] =	ssyncadd.s32 $0xFFFFE700;
	(pc) =	sbr.rel @p0 .LBB2_2-.Ltmp0, $4  }
0x6f: {  	[tilespmem:s26], [sflag:$0x3] =	stream.indirect.gather [hbm4b:s4+s21], $0x80, s16, s21, $0xb8;
	[tilespmem:$0x1E800] =	vst v63  }
0x70: {  	_ =	swait.ge [sflag:s8], $0x1900  }
0x71: {  	[sflag:s8] =	ssyncset.done $0x0  }
0x72: {  	s15 =	sadd.s32 $0x14380, s15;
	[sflag:s8] =	ssyncadd.s32 $0xFFFFE700  }
0x73: {  	[tilespmem:s29], [sflag:$0x4] =	stream.indirect.gather [hbm4b:s4+s21], $0x80, s15, s21, $0xb8;
	[tilespmem:$0x1E800] =	vst v63  }
0x74: {  	_ =	swait.ge [sflag:s30], $0x1900  }
0x75: {  	[sflag:s30] =	ssyncset.done $0x0  }
0x76: {  	s14 =	simm.s32 $0x17600;
	[sflag:s30] =	ssyncadd.s32 $0xFFFFE700  }
0x77: {  	[spmem:s2] =	stream.indirect.scatter.add.f32 [tilespmem:s22], [sflag:$0x5], $0x80, s14, s21, $0xb8;
	[tilespmem:$0x1E800] =	vst v63  }
0x78: {  	_ =	swait.ge [sflag:s31], $0x1900  }
0x79: {  	[sflag:s31] =	ssyncset.done $0x0  }
0x7a: {  	s15 =	simm.s32 $0x17680;
	[sflag:s31] =	ssyncadd.s32 $0xFFFFE700  }
0x7b: {  	[spmem:s2] =	stream.indirect.scatter.add.f32 [tilespmem:s24], [sflag:$0x6], $0x80, s15, s21, $0xb8;
	[tilespmem:$0x1E800] =	vst v63  }
0x7c: {  	_ =	swait.ge [sflag:s0], $0x1900  }
0x7d: {  	[sflag:s0] =	ssyncset.done $0x0  }
0x7e: {  	s16 =	simm.s32 $0x17700;
	[sflag:s0] =	ssyncadd.s32 $0xFFFFE700  }
0x7f: {  	[spmem:s2] =	stream.indirect.scatter.add.f32 [tilespmem:s26], [sflag:$0x7], $0x80, s16, s21, $0xb8;
	[tilespmem:$0x1E800] =	vst v63  }
0x80: {  	_ =	swait.ge [sflag:s1], $0x1900  }
0x81: {  	[sflag:s1] =	ssyncset.done $0x0  }
0x82: {  	s15 =	simm.s32 $0x17780;
	[sflag:s1] =	ssyncadd.s32 $0xFFFFE700  }
0x83: {  	[spmem:s2] =	stream.indirect.scatter.add.f32 [tilespmem:s29], [sflag:$0x8], $0x80, s15, s21, $0xb8;
	[tilespmem:$0x1E800] =	vst v63  }
0x84: {  	_ =	swait.ge [sflag:s3], $0x1900  }
0x85: {  	[sflag:s3] =	ssyncset.done $0x0  }
0x86: {  	[sflag:s3] =	ssyncadd.s32 $0xFFFFE700  }
0x87: {  	_ =	swait.ge [sflag:s5], $0x1900  }
0x88: {  	[sflag:s5] =	ssyncset.done $0x0  }
0x89: {  	[sflag:s5] =	ssyncadd.s32 $0xFFFFE700  }
0x8a: {  	_ =	swait.ge [sflag:s7], $0x1900  }
0x8b: {  	[sflag:s7] =	ssyncset.done $0x0  }
0x8c: {  	[sflag:s7] =	ssyncadd.s32 $0xFFFFE700  }
0x8d: {  	_ =	swait.ge [sflag:s8], $0x1900  }
0x8e: {  	[sflag:s8] =	ssyncset.done $0x0  }
0x8f: {  	s14 =	simm.s32 $0x0;
	s16 =	rddreg [dreg:$0x6];
	[sflag:s8] =	ssyncadd.s32 $0xFFFFE700  }
0x90: {  	[tilespmem:s19], [sflag:$0x9] =	stream.linear.gather [hbm4b:s16+s14], $0x1800, $0x38;
	[tilespmem:$0x1E800] =	vst v63  }
0x91: {  	_ =	swait.ge [sflag:s18], $0x1800  }
0x92: {  	[sflag:s18] =	ssyncset.done $0x0  }
0x93: {  	s16 =	rddreg [dreg:$0x7];
	[sflag:s18] =	ssyncadd.s32 $0xFFFFE800  }
0x94: {  	[tilespmem:s20], [sflag:$0x9] =	stream.linear.gather [hbm4b:s16+s14], $0x1800, $0x38;
	[tilespmem:$0x1E800] =	vst v63  }
0x95: {  	_ =	swait.ge [sflag:s18], $0x1800  }
0x96: {  	[sflag:s18] =	ssyncset.done $0x0  }
0x97: {  	[sflag:s18] =	ssyncadd.s32 $0xFFFFE800  }
0x98: {  	[tilespmem:s22], [sflag:$0x1] =	stream.indirect.gather [hbm4b:s4+s21], $0x80, s19, s21, $0xb8;
	[tilespmem:$0x1E800] =	vst v63  }
0x99: {  	_ = 	snop  }
0x9a: {  	[tilespmem:s24], [sflag:$0x2] =	stream.indirect.gather [hbm4b:s4+s21], $0x80, s23, s21, $0xb8;
	[tilespmem:$0x1E800] =	vst v63  }
0x9b: {  	_ = 	snop  }
0x9c: {  	[tilespmem:s26], [sflag:$0x3] =	stream.indirect.gather [hbm4b:s4+s21], $0x80, s25, s21, $0xb8;
	[tilespmem:$0x1E800] =	vst v63  }
0x9d: {  	_ = 	snop  }
0x9e: {  	[tilespmem:s29], [sflag:$0x4] =	stream.indirect.gather [hbm4b:s4+s21], $0x80, s28, s21, $0xb8;
	[tilespmem:$0x1E800] =	vst v63  }
0x9f: {  	_ =	swait.ge [sflag:s30], $0x1900  }
0xa0: {  	[sflag:s30] =	ssyncset.done $0x0  }
0xa1: {  	s16 =	simm.s32 $0x15C00;
	[sflag:s30] =	ssyncadd.s32 $0xFFFFE700  }
0xa2: {  	[spmem:s2] =	stream.indirect.scatter.add.f32 [tilespmem:s22], [sflag:$0x5], $0x80, s16, s21, $0xb8;
	[tilespmem:$0x1E800] =	vst v63  }
0xa3: {  	_ =	swait.ge [sflag:s31], $0x1900  }
0xa4: {  	[sflag:s31] =	ssyncset.done $0x0  }
0xa5: {  	s15 =	simm.s32 $0x15C80;
	[sflag:s31] =	ssyncadd.s32 $0xFFFFE700  }
0xa6: {  	[spmem:s2] =	stream.indirect.scatter.add.f32 [tilespmem:s24], [sflag:$0x6], $0x80, s15, s21, $0xb8;
	[tilespmem:$0x1E800] =	vst v63  }
0xa7: {  	_ =	swait.ge [sflag:s0], $0x1900  }
0xa8: {  	[sflag:s0] =	ssyncset.done $0x0  }
0xa9: {  	s16 =	simm.s32 $0x15D00;
	[sflag:s0] =	ssyncadd.s32 $0xFFFFE700  }
0xaa: {  	[spmem:s2] =	stream.indirect.scatter.add.f32 [tilespmem:s26], [sflag:$0x7], $0x80, s16, s21, $0xb8;
	[tilespmem:$0x1E800] =	vst v63  }
0xab: {  	_ =	swait.ge [sflag:s1], $0x1900  }
0xac: {  	[sflag:s1] =	ssyncset.done $0x0  }
0xad: {  	s15 =	simm.s32 $0x15D80;
	[sflag:s1] =	ssyncadd.s32 $0xFFFFE700  }
0xae: {  	[spmem:s2] =	stream.indirect.scatter.add.f32 [tilespmem:s29], [sflag:$0x8], $0x80, s15, s21, $0xb8;
	[tilespmem:$0x1E800] =	vst v63  }
0xaf: {  	_ =	swait.ge [sflag:s3], $0x1900  }
0xb0: {  	[sflag:s3] =	ssyncset.done $0x0  }
0xb1: {  	s16 =	simm.s32 $0x14200;
	[sflag:s3] =	ssyncadd.s32 $0xFFFFE700  }
0xb2: {  	[tilespmem:s22], [sflag:$0x1] =	stream.indirect.gather [hbm4b:s4+s21], $0x80, s16, s21, $0xb8;
	[tilespmem:$0x1E800] =	vst v63  }
0xb3: {  	_ =	swait.ge [sflag:s5], $0x1900  }
0xb4: {  	[sflag:s5] =	ssyncset.done $0x0  }
0xb5: {  	s15 =	simm.s32 $0x14280;
	[sflag:s5] =	ssyncadd.s32 $0xFFFFE700  }
0xb6: {  	[tilespmem:s24], [sflag:$0x2] =	stream.indirect.gather [hbm4b:s4+s21], $0x80, s15, s21, $0xb8;
	[tilespmem:$0x1E800] =	vst v63  }
0xb7: {  	_ =	swait.ge [sflag:s7], $0x1900  }
0xb8: {  	[sflag:s7] =	ssyncset.done $0x0  }
0xb9: {  	s16 =	simm.s32 $0x14300;
	[sflag:s7] =	ssyncadd.s32 $0xFFFFE700  }
0xba: {  	[tilespmem:s26], [sflag:$0x3] =	stream.indirect.gather [hbm4b:s4+s21], $0x80, s16, s21, $0xb8;
	[tilespmem:$0x1E800] =	vst v63  }
0xbb: {  	_ =	swait.ge [sflag:s8], $0x1900  }
0xbc: {  	[sflag:s8] =	ssyncset.done $0x0  }
0xbd: {  	s14 =	simm.s32 $0x800;
	s15 =	simm.s32 $0x14380;
	[sflag:s8] =	ssyncadd.s32 $0xFFFFE700  }
.LBB2_4:
0xbe: {  	[tilespmem:s29], [sflag:$0x4] =	stream.indirect.gather [hbm4b:s4+s21], $0x80, s15, s21, $0xb8;
	[tilespmem:$0x1E800] =	vst v63  }
0xbf: {  	s15 =	smov.u32 s14  }
0xc0: {  	p0 =	sne.s32 s14, $0x5000;
	s14 =	sadd.s32 $0x800, s14;
	_ =	swait.ge [sflag:s30], $0x1900  }
0xc1: {  	s15 =	sshra.s32 s15, $0x2;
	[sflag:s30] =	ssyncset.done $0x0  }
0xc2: {  	s16 =	sadd.s32 $0x15C00, s15;
	[sflag:s30] =	ssyncadd.s32 $0xFFFFE700  }
0xc3: {  	[spmem:s2] =	stream.indirect.scatter.add.f32 [tilespmem:s22], [sflag:$0x5], $0x80, s16, s21, $0xb8;
	[tilespmem:$0x1E800] =	vst v63  }
0xc4: {  	_ =	swait.ge [sflag:s31], $0x1900  }
0xc5: {  	[sflag:s31] =	ssyncset.done $0x0  }
0xc6: {  	s16 =	sadd.s32 $0x15C80, s15;
	[sflag:s31] =	ssyncadd.s32 $0xFFFFE700  }
0xc7: {  	[spmem:s2] =	stream.indirect.scatter.add.f32 [tilespmem:s24], [sflag:$0x6], $0x80, s16, s21, $0xb8;
	[tilespmem:$0x1E800] =	vst v63  }
0xc8: {  	_ =	swait.ge [sflag:s0], $0x1900  }
0xc9: {  	[sflag:s0] =	ssyncset.done $0x0  }
0xca: {  	s16 =	sadd.s32 $0x15D00, s15;
	[sflag:s0] =	ssyncadd.s32 $0xFFFFE700  }
0xcb: {  	[spmem:s2] =	stream.indirect.scatter.add.f32 [tilespmem:s26], [sflag:$0x7], $0x80, s16, s21, $0xb8;
	[tilespmem:$0x1E800] =	vst v63  }
0xcc: {  	_ =	swait.ge [sflag:s1], $0x1900  }
0xcd: {  	[sflag:s1] =	ssyncset.done $0x0  }
0xce: {  	s16 =	sadd.s32 $0x15D80, s15;
	[sflag:s1] =	ssyncadd.s32 $0xFFFFE700  }
0xcf: {  	[spmem:s2] =	stream.indirect.scatter.add.f32 [tilespmem:s29], [sflag:$0x8], $0x80, s16, s21, $0xb8;
	[tilespmem:$0x1E800] =	vst v63  }
0xd0: {  	_ =	swait.ge [sflag:s3], $0x1900  }
0xd1: {  	[sflag:s3] =	ssyncset.done $0x0  }
0xd2: {  	s16 =	sadd.s32 $0x14200, s15;
	[sflag:s3] =	ssyncadd.s32 $0xFFFFE700  }
0xd3: {  	[tilespmem:s22], [sflag:$0x1] =	stream.indirect.gather [hbm4b:s4+s21], $0x80, s16, s21, $0xb8;
	[tilespmem:$0x1E800] =	vst v63  }
0xd4: {  	_ =	swait.ge [sflag:s5], $0x1900  }
0xd5: {  	[sflag:s5] =	ssyncset.done $0x0  }
0xd6: {  	s16 =	sadd.s32 $0x14280, s15;
	[sflag:s5] =	ssyncadd.s32 $0xFFFFE700  }
0xd7: {  	[tilespmem:s24], [sflag:$0x2] =	stream.indirect.gather [hbm4b:s4+s21], $0x80, s16, s21, $0xb8;
	[tilespmem:$0x1E800] =	vst v63  }
0xd8: {  	_ =	swait.ge [sflag:s7], $0x1900  }
0xd9: {  	[sflag:s7] =	ssyncset.done $0x0  }
.Ltmp1:
0xda: {  	s16 =	sadd.s32 $0x14300, s15;
	[sflag:s7] =	ssyncadd.s32 $0xFFFFE700;
	(pc) =	sbr.rel @p0 .LBB2_4-.Ltmp1, $4  }
0xdb: {  	[tilespmem:s26], [sflag:$0x3] =	stream.indirect.gather [hbm4b:s4+s21], $0x80, s16, s21, $0xb8;
	[tilespmem:$0x1E800] =	vst v63  }
0xdc: {  	_ =	swait.ge [sflag:s8], $0x1900  }
0xdd: {  	[sflag:s8] =	ssyncset.done $0x0  }
0xde: {  	s15 =	sadd.s32 $0x14380, s15;
	[sflag:s8] =	ssyncadd.s32 $0xFFFFE700  }
0xdf: {  	[tilespmem:s29], [sflag:$0x4] =	stream.indirect.gather [hbm4b:s4+s21], $0x80, s15, s21, $0xb8;
	[tilespmem:$0x1E800] =	vst v63  }
0xe0: {  	_ =	swait.ge [sflag:s30], $0x1900  }
0xe1: {  	[sflag:s30] =	ssyncset.done $0x0  }
0xe2: {  	[sflag:s30] =	ssyncadd.s32 $0xFFFFE700  }
0xe3: {  	[spmem:s2] =	stream.indirect.scatter.add.f32 [tilespmem:s22], [sflag:$0x5], $0x80, s9, s21, $0xb8;
	[tilespmem:$0x1E800] =	vst v63  }
0xe4: {  	_ =	swait.ge [sflag:s31], $0x1900  }
0xe5: {  	[sflag:s31] =	ssyncset.done $0x0  }
0xe6: {  	[sflag:s31] =	ssyncadd.s32 $0xFFFFE700  }
0xe7: {  	[spmem:s2] =	stream.indirect.scatter.add.f32 [tilespmem:s24], [sflag:$0x6], $0x80, s10, s21, $0xb8;
	[tilespmem:$0x1E800] =	vst v63  }
0xe8: {  	_ =	swait.ge [sflag:s0], $0x1900  }
0xe9: {  	[sflag:s0] =	ssyncset.done $0x0  }
0xea: {  	[sflag:s0] =	ssyncadd.s32 $0xFFFFE700  }
0xeb: {  	[spmem:s2] =	stream.indirect.scatter.add.f32 [tilespmem:s26], [sflag:$0x7], $0x80, s11, s21, $0xb8;
	[tilespmem:$0x1E800] =	vst v63  }
0xec: {  	_ =	swait.ge [sflag:s1], $0x1900  }
0xed: {  	[sflag:s1] =	ssyncset.done $0x0  }
0xee: {  	[sflag:s1] =	ssyncadd.s32 $0xFFFFE700  }
0xef: {  	[spmem:s2] =	stream.indirect.scatter.add.f32 [tilespmem:s29], [sflag:$0x8], $0x80, s12, s21, $0xb8;
	[tilespmem:$0x1E800] =	vst v63  }
0xf0: {  	_ =	swait.ge [sflag:s3], $0x1900  }
0xf1: {  	[sflag:s3] =	ssyncset.done $0x0  }
0xf2: {  	[sflag:s3] =	ssyncadd.s32 $0xFFFFE700  }
0xf3: {  	_ =	swait.ge [sflag:s5], $0x1900  }
0xf4: {  	[sflag:s5] =	ssyncset.done $0x0  }
0xf5: {  	[sflag:s5] =	ssyncadd.s32 $0xFFFFE700  }
0xf6: {  	_ =	swait.ge [sflag:s7], $0x1900  }
0xf7: {  	[sflag:s7] =	ssyncset.done $0x0  }
0xf8: {  	[sflag:s7] =	ssyncadd.s32 $0xFFFFE700  }
0xf9: {  	_ =	swait.ge [sflag:s8], $0x1900  }
0xfa: {  	[sflag:s8] =	ssyncset.done $0x0  }
0xfb: {  	s14 =	simm.s32 $0x0;
	s16 =	rddreg [dreg:$0x8];
	[sflag:s8] =	ssyncadd.s32 $0xFFFFE700  }
0xfc: {  	[tilespmem:s19], [sflag:$0x9] =	stream.linear.gather [hbm4b:s16+s14], $0x1800, $0x38;
	[tilespmem:$0x1E800] =	vst v63  }
0xfd: {  	_ =	swait.ge [sflag:s18], $0x1800  }
0xfe: {  	[sflag:s18] =	ssyncset.done $0x0  }
0xff: {  	s16 =	rddreg [dreg:$0x9];
	[sflag:s18] =	ssyncadd.s32 $0xFFFFE800  }
0x100: {  	[tilespmem:s20], [sflag:$0x9] =	stream.linear.gather [hbm4b:s16+s14], $0x1800, $0x38;
	[tilespmem:$0x1E800] =	vst v63  }
0x101: {  	_ =	swait.ge [sflag:s18], $0x1800  }
0x102: {  	[sflag:s18] =	ssyncset.done $0x0  }
0x103: {  	[sflag:s18] =	ssyncadd.s32 $0xFFFFE800  }
0x104: {  	[tilespmem:s22], [sflag:$0x1] =	stream.indirect.gather [hbm4b:s4+s21], $0x80, s19, s21, $0xb8;
	[tilespmem:$0x1E800] =	vst v63  }
0x105: {  	_ = 	snop  }
0x106: {  	[tilespmem:s24], [sflag:$0x2] =	stream.indirect.gather [hbm4b:s4+s21], $0x80, s23, s21, $0xb8;
	[tilespmem:$0x1E800] =	vst v63  }
0x107: {  	_ = 	snop  }
0x108: {  	[tilespmem:s26], [sflag:$0x3] =	stream.indirect.gather [hbm4b:s4+s21], $0x80, s25, s21, $0xb8;
	[tilespmem:$0x1E800] =	vst v63  }
0x109: {  	_ = 	snop  }
0x10a: {  	[tilespmem:s29], [sflag:$0x4] =	stream.indirect.gather [hbm4b:s4+s21], $0x80, s28, s21, $0xb8;
	[tilespmem:$0x1E800] =	vst v63  }
0x10b: {  	_ =	swait.ge [sflag:s30], $0x1900  }
0x10c: {  	[sflag:s30] =	ssyncset.done $0x0  }
0x10d: {  	s16 =	simm.s32 $0x15C00;
	[sflag:s30] =	ssyncadd.s32 $0xFFFFE700  }
0x10e: {  	[spmem:s2] =	stream.indirect.scatter.add.f32 [tilespmem:s22], [sflag:$0x5], $0x80, s16, s21, $0xb8;
	[tilespmem:$0x1E800] =	vst v63  }
0x10f: {  	_ =	swait.ge [sflag:s31], $0x1900  }
0x110: {  	[sflag:s31] =	ssyncset.done $0x0  }
0x111: {  	s15 =	simm.s32 $0x15C80;
	[sflag:s31] =	ssyncadd.s32 $0xFFFFE700  }
0x112: {  	[spmem:s2] =	stream.indirect.scatter.add.f32 [tilespmem:s24], [sflag:$0x6], $0x80, s15, s21, $0xb8;
	[tilespmem:$0x1E800] =	vst v63  }
0x113: {  	_ =	swait.ge [sflag:s0], $0x1900  }
0x114: {  	[sflag:s0] =	ssyncset.done $0x0  }
0x115: {  	s16 =	simm.s32 $0x15D00;
	[sflag:s0] =	ssyncadd.s32 $0xFFFFE700  }
0x116: {  	[spmem:s2] =	stream.indirect.scatter.add.f32 [tilespmem:s26], [sflag:$0x7], $0x80, s16, s21, $0xb8;
	[tilespmem:$0x1E800] =	vst v63  }
0x117: {  	_ =	swait.ge [sflag:s1], $0x1900  }
0x118: {  	[sflag:s1] =	ssyncset.done $0x0  }
0x119: {  	s15 =	simm.s32 $0x15D80;
	[sflag:s1] =	ssyncadd.s32 $0xFFFFE700  }
0x11a: {  	[spmem:s2] =	stream.indirect.scatter.add.f32 [tilespmem:s29], [sflag:$0x8], $0x80, s15, s21, $0xb8;
	[tilespmem:$0x1E800] =	vst v63  }
0x11b: {  	_ =	swait.ge [sflag:s3], $0x1900  }
0x11c: {  	[sflag:s3] =	ssyncset.done $0x0  }
0x11d: {  	s16 =	simm.s32 $0x14200;
	[sflag:s3] =	ssyncadd.s32 $0xFFFFE700  }
0x11e: {  	[tilespmem:s22], [sflag:$0x1] =	stream.indirect.gather [hbm4b:s4+s21], $0x80, s16, s21, $0xb8;
	[tilespmem:$0x1E800] =	vst v63  }
0x11f: {  	_ =	swait.ge [sflag:s5], $0x1900  }
0x120: {  	[sflag:s5] =	ssyncset.done $0x0  }
0x121: {  	s15 =	simm.s32 $0x14280;
	[sflag:s5] =	ssyncadd.s32 $0xFFFFE700  }
0x122: {  	[tilespmem:s24], [sflag:$0x2] =	stream.indirect.gather [hbm4b:s4+s21], $0x80, s15, s21, $0xb8;
	[tilespmem:$0x1E800] =	vst v63  }
0x123: {  	_ =	swait.ge [sflag:s7], $0x1900  }
0x124: {  	[sflag:s7] =	ssyncset.done $0x0  }
0x125: {  	s16 =	simm.s32 $0x14300;
	[sflag:s7] =	ssyncadd.s32 $0xFFFFE700  }
0x126: {  	[tilespmem:s26], [sflag:$0x3] =	stream.indirect.gather [hbm4b:s4+s21], $0x80, s16, s21, $0xb8;
	[tilespmem:$0x1E800] =	vst v63  }
0x127: {  	_ =	swait.ge [sflag:s8], $0x1900  }
0x128: {  	[sflag:s8] =	ssyncset.done $0x0  }
0x129: {  	s14 =	simm.s32 $0x800;
	s15 =	simm.s32 $0x14380;
	[sflag:s8] =	ssyncadd.s32 $0xFFFFE700  }
.LBB2_6:
0x12a: {  	[tilespmem:s29], [sflag:$0x4] =	stream.indirect.gather [hbm4b:s4+s21], $0x80, s15, s21, $0xb8;
	[tilespmem:$0x1E800] =	vst v63  }
0x12b: {  	s15 =	smov.u32 s14  }
0x12c: {  	p0 =	sne.s32 s14, $0x5000;
	s14 =	sadd.s32 $0x800, s14;
	_ =	swait.ge [sflag:s30], $0x1900  }
0x12d: {  	s15 =	sshra.s32 s15, $0x2;
	[sflag:s30] =	ssyncset.done $0x0  }
0x12e: {  	s16 =	sadd.s32 $0x15C00, s15;
	[sflag:s30] =	ssyncadd.s32 $0xFFFFE700  }
0x12f: {  	[spmem:s2] =	stream.indirect.scatter.add.f32 [tilespmem:s22], [sflag:$0x5], $0x80, s16, s21, $0xb8;
	[tilespmem:$0x1E800] =	vst v63  }
0x130: {  	_ =	swait.ge [sflag:s31], $0x1900  }
0x131: {  	[sflag:s31] =	ssyncset.done $0x0  }
0x132: {  	s16 =	sadd.s32 $0x15C80, s15;
	[sflag:s31] =	ssyncadd.s32 $0xFFFFE700  }
0x133: {  	[spmem:s2] =	stream.indirect.scatter.add.f32 [tilespmem:s24], [sflag:$0x6], $0x80, s16, s21, $0xb8;
	[tilespmem:$0x1E800] =	vst v63  }
0x134: {  	_ =	swait.ge [sflag:s0], $0x1900  }
0x135: {  	[sflag:s0] =	ssyncset.done $0x0  }
0x136: {  	s16 =	sadd.s32 $0x15D00, s15;
	[sflag:s0] =	ssyncadd.s32 $0xFFFFE700  }
0x137: {  	[spmem:s2] =	stream.indirect.scatter.add.f32 [tilespmem:s26], [sflag:$0x7], $0x80, s16, s21, $0xb8;
	[tilespmem:$0x1E800] =	vst v63  }
0x138: {  	_ =	swait.ge [sflag:s1], $0x1900  }
0x139: {  	[sflag:s1] =	ssyncset.done $0x0  }
0x13a: {  	s16 =	sadd.s32 $0x15D80, s15;
	[sflag:s1] =	ssyncadd.s32 $0xFFFFE700  }
0x13b: {  	[spmem:s2] =	stream.indirect.scatter.add.f32 [tilespmem:s29], [sflag:$0x8], $0x80, s16, s21, $0xb8;
	[tilespmem:$0x1E800] =	vst v63  }
0x13c: {  	_ =	swait.ge [sflag:s3], $0x1900  }
0x13d: {  	[sflag:s3] =	ssyncset.done $0x0  }
0x13e: {  	s16 =	sadd.s32 $0x14200, s15;
	[sflag:s3] =	ssyncadd.s32 $0xFFFFE700  }
0x13f: {  	[tilespmem:s22], [sflag:$0x1] =	stream.indirect.gather [hbm4b:s4+s21], $0x80, s16, s21, $0xb8;
	[tilespmem:$0x1E800] =	vst v63  }
0x140: {  	_ =	swait.ge [sflag:s5], $0x1900  }
0x141: {  	[sflag:s5] =	ssyncset.done $0x0  }
0x142: {  	s16 =	sadd.s32 $0x14280, s15;
	[sflag:s5] =	ssyncadd.s32 $0xFFFFE700  }
0x143: {  	[tilespmem:s24], [sflag:$0x2] =	stream.indirect.gather [hbm4b:s4+s21], $0x80, s16, s21, $0xb8;
	[tilespmem:$0x1E800] =	vst v63  }
0x144: {  	_ =	swait.ge [sflag:s7], $0x1900  }
0x145: {  	[sflag:s7] =	ssyncset.done $0x0  }
.Ltmp2:
0x146: {  	s16 =	sadd.s32 $0x14300, s15;
	[sflag:s7] =	ssyncadd.s32 $0xFFFFE700;
	(pc) =	sbr.rel @p0 .LBB2_6-.Ltmp2, $4  }
0x147: {  	[tilespmem:s26], [sflag:$0x3] =	stream.indirect.gather [hbm4b:s4+s21], $0x80, s16, s21, $0xb8;
	[tilespmem:$0x1E800] =	vst v63  }
0x148: {  	_ =	swait.ge [sflag:s8], $0x1900  }
0x149: {  	[sflag:s8] =	ssyncset.done $0x0  }
0x14a: {  	s15 =	sadd.s32 $0x14380, s15;
	[sflag:s8] =	ssyncadd.s32 $0xFFFFE700  }
0x14b: {  	[tilespmem:s29], [sflag:$0x4] =	stream.indirect.gather [hbm4b:s4+s21], $0x80, s15, s21, $0xb8;
	[tilespmem:$0x1E800] =	vst v63  }
0x14c: {  	_ =	swait.ge [sflag:s30], $0x1900  }
0x14d: {  	[sflag:s30] =	ssyncset.done $0x0  }
0x14e: {  	[sflag:s30] =	ssyncadd.s32 $0xFFFFE700  }
0x14f: {  	[spmem:s2] =	stream.indirect.scatter.add.f32 [tilespmem:s22], [sflag:$0x5], $0x80, s9, s21, $0xb8;
	[tilespmem:$0x1E800] =	vst v63  }
0x150: {  	_ =	swait.ge [sflag:s31], $0x1900  }
0x151: {  	[sflag:s31] =	ssyncset.done $0x0  }
0x152: {  	[sflag:s31] =	ssyncadd.s32 $0xFFFFE700  }
0x153: {  	[spmem:s2] =	stream.indirect.scatter.add.f32 [tilespmem:s24], [sflag:$0x6], $0x80, s10, s21, $0xb8;
	[tilespmem:$0x1E800] =	vst v63  }
0x154: {  	_ =	swait.ge [sflag:s0], $0x1900  }
0x155: {  	[sflag:s0] =	ssyncset.done $0x0  }
0x156: {  	[sflag:s0] =	ssyncadd.s32 $0xFFFFE700  }
0x157: {  	[spmem:s2] =	stream.indirect.scatter.add.f32 [tilespmem:s26], [sflag:$0x7], $0x80, s11, s21, $0xb8;
	[tilespmem:$0x1E800] =	vst v63  }
0x158: {  	_ =	swait.ge [sflag:s1], $0x1900  }
0x159: {  	[sflag:s1] =	ssyncset.done $0x0  }
0x15a: {  	[sflag:s1] =	ssyncadd.s32 $0xFFFFE700  }
0x15b: {  	[spmem:s2] =	stream.indirect.scatter.add.f32 [tilespmem:s29], [sflag:$0x8], $0x80, s12, s21, $0xb8;
	[tilespmem:$0x1E800] =	vst v63  }
0x15c: {  	_ =	swait.ge [sflag:s3], $0x1900  }
0x15d: {  	[sflag:s3] =	ssyncset.done $0x0  }
0x15e: {  	[sflag:s3] =	ssyncadd.s32 $0xFFFFE700  }
0x15f: {  	_ =	swait.ge [sflag:s5], $0x1900  }
0x160: {  	[sflag:s5] =	ssyncset.done $0x0  }
0x161: {  	[sflag:s5] =	ssyncadd.s32 $0xFFFFE700  }
0x162: {  	_ =	swait.ge [sflag:s7], $0x1900  }
0x163: {  	[sflag:s7] =	ssyncset.done $0x0  }
0x164: {  	[sflag:s7] =	ssyncadd.s32 $0xFFFFE700  }
0x165: {  	_ =	swait.ge [sflag:s8], $0x1900  }
0x166: {  	[sflag:s8] =	ssyncset.done $0x0  }
0x167: {  	s14 =	simm.s32 $0x0;
	s16 =	rddreg [dreg:$0xa];
	[sflag:s8] =	ssyncadd.s32 $0xFFFFE700  }
0x168: {  	[tilespmem:s19], [sflag:$0x9] =	stream.linear.gather [hbm4b:s16+s14], $0x1800, $0x38;
	[tilespmem:$0x1E800] =	vst v63  }
0x169: {  	_ =	swait.ge [sflag:s18], $0x1800  }
0x16a: {  	[sflag:s18] =	ssyncset.done $0x0  }
0x16b: {  	s16 =	rddreg [dreg:$0xb];
	[sflag:s18] =	ssyncadd.s32 $0xFFFFE800  }
0x16c: {  	[tilespmem:s20], [sflag:$0x9] =	stream.linear.gather [hbm4b:s16+s14], $0x1800, $0x38;
	[tilespmem:$0x1E800] =	vst v63  }
0x16d: {  	_ =	swait.ge [sflag:s18], $0x1800  }
0x16e: {  	[sflag:s18] =	ssyncset.done $0x0  }
0x16f: {  	[sflag:s18] =	ssyncadd.s32 $0xFFFFE800  }
0x170: {  	[tilespmem:s22], [sflag:$0x1] =	stream.indirect.gather [hbm4b:s4+s21], $0x80, s19, s21, $0xb8;
	[tilespmem:$0x1E800] =	vst v63  }
0x171: {  	_ = 	snop  }
0x172: {  	[tilespmem:s24], [sflag:$0x2] =	stream.indirect.gather [hbm4b:s4+s21], $0x80, s23, s21, $0xb8;
	[tilespmem:$0x1E800] =	vst v63  }
0x173: {  	_ = 	snop  }
0x174: {  	[tilespmem:s26], [sflag:$0x3] =	stream.indirect.gather [hbm4b:s4+s21], $0x80, s25, s21, $0xb8;
	[tilespmem:$0x1E800] =	vst v63  }
0x175: {  	_ = 	snop  }
0x176: {  	[tilespmem:s29], [sflag:$0x4] =	stream.indirect.gather [hbm4b:s4+s21], $0x80, s28, s21, $0xb8;
	[tilespmem:$0x1E800] =	vst v63  }
0x177: {  	_ =	swait.ge [sflag:s30], $0x1900  }
0x178: {  	[sflag:s30] =	ssyncset.done $0x0  }
0x179: {  	s16 =	simm.s32 $0x15C00;
	[sflag:s30] =	ssyncadd.s32 $0xFFFFE700  }
0x17a: {  	[spmem:s2] =	stream.indirect.scatter.add.f32 [tilespmem:s22], [sflag:$0x5], $0x80, s16, s21, $0xb8;
	[tilespmem:$0x1E800] =	vst v63  }
0x17b: {  	_ =	swait.ge [sflag:s31], $0x1900  }
0x17c: {  	[sflag:s31] =	ssyncset.done $0x0  }
0x17d: {  	s15 =	simm.s32 $0x15C80;
	[sflag:s31] =	ssyncadd.s32 $0xFFFFE700  }
0x17e: {  	[spmem:s2] =	stream.indirect.scatter.add.f32 [tilespmem:s24], [sflag:$0x6], $0x80, s15, s21, $0xb8;
	[tilespmem:$0x1E800] =	vst v63  }
0x17f: {  	_ =	swait.ge [sflag:s0], $0x1900  }
0x180: {  	[sflag:s0] =	ssyncset.done $0x0  }
0x181: {  	s16 =	simm.s32 $0x15D00;
	[sflag:s0] =	ssyncadd.s32 $0xFFFFE700  }
0x182: {  	[spmem:s2] =	stream.indirect.scatter.add.f32 [tilespmem:s26], [sflag:$0x7], $0x80, s16, s21, $0xb8;
	[tilespmem:$0x1E800] =	vst v63  }
0x183: {  	_ =	swait.ge [sflag:s1], $0x1900  }
0x184: {  	[sflag:s1] =	ssyncset.done $0x0  }
0x185: {  	s15 =	simm.s32 $0x15D80;
	[sflag:s1] =	ssyncadd.s32 $0xFFFFE700  }
0x186: {  	[spmem:s2] =	stream.indirect.scatter.add.f32 [tilespmem:s29], [sflag:$0x8], $0x80, s15, s21, $0xb8;
	[tilespmem:$0x1E800] =	vst v63  }
0x187: {  	_ =	swait.ge [sflag:s3], $0x1900  }
0x188: {  	[sflag:s3] =	ssyncset.done $0x0  }
0x189: {  	s16 =	simm.s32 $0x14200;
	[sflag:s3] =	ssyncadd.s32 $0xFFFFE700  }
0x18a: {  	[tilespmem:s22], [sflag:$0x1] =	stream.indirect.gather [hbm4b:s4+s21], $0x80, s16, s21, $0xb8;
	[tilespmem:$0x1E800] =	vst v63  }
0x18b: {  	_ =	swait.ge [sflag:s5], $0x1900  }
0x18c: {  	[sflag:s5] =	ssyncset.done $0x0  }
0x18d: {  	s15 =	simm.s32 $0x14280;
	[sflag:s5] =	ssyncadd.s32 $0xFFFFE700  }
0x18e: {  	[tilespmem:s24], [sflag:$0x2] =	stream.indirect.gather [hbm4b:s4+s21], $0x80, s15, s21, $0xb8;
	[tilespmem:$0x1E800] =	vst v63  }
0x18f: {  	_ =	swait.ge [sflag:s7], $0x1900  }
0x190: {  	[sflag:s7] =	ssyncset.done $0x0  }
0x191: {  	s16 =	simm.s32 $0x14300;
	[sflag:s7] =	ssyncadd.s32 $0xFFFFE700  }
0x192: {  	[tilespmem:s26], [sflag:$0x3] =	stream.indirect.gather [hbm4b:s4+s21], $0x80, s16, s21, $0xb8;
	[tilespmem:$0x1E800] =	vst v63  }
0x193: {  	_ =	swait.ge [sflag:s8], $0x1900  }
0x194: {  	[sflag:s8] =	ssyncset.done $0x0  }
0x195: {  	s14 =	simm.s32 $0x800;
	s15 =	simm.s32 $0x14380;
	[sflag:s8] =	ssyncadd.s32 $0xFFFFE700  }
.LBB2_8:
0x196: {  	[tilespmem:s29], [sflag:$0x4] =	stream.indirect.gather [hbm4b:s4+s21], $0x80, s15, s21, $0xb8;
	[tilespmem:$0x1E800] =	vst v63  }
0x197: {  	s15 =	smov.u32 s14  }
0x198: {  	p0 =	sne.s32 s14, $0x5000;
	s14 =	sadd.s32 $0x800, s14;
	_ =	swait.ge [sflag:s30], $0x1900  }
0x199: {  	s15 =	sshra.s32 s15, $0x2;
	[sflag:s30] =	ssyncset.done $0x0  }
0x19a: {  	s16 =	sadd.s32 $0x15C00, s15;
	[sflag:s30] =	ssyncadd.s32 $0xFFFFE700  }
0x19b: {  	[spmem:s2] =	stream.indirect.scatter.add.f32 [tilespmem:s22], [sflag:$0x5], $0x80, s16, s21, $0xb8;
	[tilespmem:$0x1E800] =	vst v63  }
0x19c: {  	_ =	swait.ge [sflag:s31], $0x1900  }
0x19d: {  	[sflag:s31] =	ssyncset.done $0x0  }
0x19e: {  	s16 =	sadd.s32 $0x15C80, s15;
	[sflag:s31] =	ssyncadd.s32 $0xFFFFE700  }
0x19f: {  	[spmem:s2] =	stream.indirect.scatter.add.f32 [tilespmem:s24], [sflag:$0x6], $0x80, s16, s21, $0xb8;
	[tilespmem:$0x1E800] =	vst v63  }
0x1a0: {  	_ =	swait.ge [sflag:s0], $0x1900  }
0x1a1: {  	[sflag:s0] =	ssyncset.done $0x0  }
0x1a2: {  	s16 =	sadd.s32 $0x15D00, s15;
	[sflag:s0] =	ssyncadd.s32 $0xFFFFE700  }
0x1a3: {  	[spmem:s2] =	stream.indirect.scatter.add.f32 [tilespmem:s26], [sflag:$0x7], $0x80, s16, s21, $0xb8;
	[tilespmem:$0x1E800] =	vst v63  }
0x1a4: {  	_ =	swait.ge [sflag:s1], $0x1900  }
0x1a5: {  	[sflag:s1] =	ssyncset.done $0x0  }
0x1a6: {  	s16 =	sadd.s32 $0x15D80, s15;
	[sflag:s1] =	ssyncadd.s32 $0xFFFFE700  }
0x1a7: {  	[spmem:s2] =	stream.indirect.scatter.add.f32 [tilespmem:s29], [sflag:$0x8], $0x80, s16, s21, $0xb8;
	[tilespmem:$0x1E800] =	vst v63  }
0x1a8: {  	_ =	swait.ge [sflag:s3], $0x1900  }
0x1a9: {  	[sflag:s3] =	ssyncset.done $0x0  }
0x1aa: {  	s16 =	sadd.s32 $0x14200, s15;
	[sflag:s3] =	ssyncadd.s32 $0xFFFFE700  }
0x1ab: {  	[tilespmem:s22], [sflag:$0x1] =	stream.indirect.gather [hbm4b:s4+s21], $0x80, s16, s21, $0xb8;
	[tilespmem:$0x1E800] =	vst v63  }
0x1ac: {  	_ =	swait.ge [sflag:s5], $0x1900  }
0x1ad: {  	[sflag:s5] =	ssyncset.done $0x0  }
0x1ae: {  	s16 =	sadd.s32 $0x14280, s15;
	[sflag:s5] =	ssyncadd.s32 $0xFFFFE700  }
0x1af: {  	[tilespmem:s24], [sflag:$0x2] =	stream.indirect.gather [hbm4b:s4+s21], $0x80, s16, s21, $0xb8;
	[tilespmem:$0x1E800] =	vst v63  }
0x1b0: {  	_ =	swait.ge [sflag:s7], $0x1900  }
0x1b1: {  	[sflag:s7] =	ssyncset.done $0x0  }
.Ltmp3:
0x1b2: {  	s16 =	sadd.s32 $0x14300, s15;
	[sflag:s7] =	ssyncadd.s32 $0xFFFFE700;
	(pc) =	sbr.rel @p0 .LBB2_8-.Ltmp3, $4  }
0x1b3: {  	[tilespmem:s26], [sflag:$0x3] =	stream.indirect.gather [hbm4b:s4+s21], $0x80, s16, s21, $0xb8;
	[tilespmem:$0x1E800] =	vst v63  }
0x1b4: {  	_ =	swait.ge [sflag:s8], $0x1900  }
0x1b5: {  	[sflag:s8] =	ssyncset.done $0x0  }
0x1b6: {  	s15 =	sadd.s32 $0x14380, s15;
	[sflag:s8] =	ssyncadd.s32 $0xFFFFE700  }
0x1b7: {  	[tilespmem:s29], [sflag:$0x4] =	stream.indirect.gather [hbm4b:s4+s21], $0x80, s15, s21, $0xb8;
	[tilespmem:$0x1E800] =	vst v63  }
0x1b8: {  	_ =	swait.ge [sflag:s30], $0x1900  }
0x1b9: {  	[sflag:s30] =	ssyncset.done $0x0  }
0x1ba: {  	[sflag:s30] =	ssyncadd.s32 $0xFFFFE700  }
0x1bb: {  	[spmem:s2] =	stream.indirect.scatter.add.f32 [tilespmem:s22], [sflag:$0x5], $0x80, s9, s21, $0xb8;
	[tilespmem:$0x1E800] =	vst v63  }
0x1bc: {  	_ =	swait.ge [sflag:s31], $0x1900  }
0x1bd: {  	[sflag:s31] =	ssyncset.done $0x0  }
0x1be: {  	[sflag:s31] =	ssyncadd.s32 $0xFFFFE700  }
0x1bf: {  	[spmem:s2] =	stream.indirect.scatter.add.f32 [tilespmem:s24], [sflag:$0x6], $0x80, s10, s21, $0xb8;
	[tilespmem:$0x1E800] =	vst v63  }
0x1c0: {  	_ =	swait.ge [sflag:s0], $0x1900  }
0x1c1: {  	[sflag:s0] =	ssyncset.done $0x0  }
0x1c2: {  	[sflag:s0] =	ssyncadd.s32 $0xFFFFE700  }
0x1c3: {  	[spmem:s2] =	stream.indirect.scatter.add.f32 [tilespmem:s26], [sflag:$0x7], $0x80, s11, s21, $0xb8;
	[tilespmem:$0x1E800] =	vst v63  }
0x1c4: {  	_ =	swait.ge [sflag:s1], $0x1900  }
0x1c5: {  	[sflag:s1] =	ssyncset.done $0x0  }
0x1c6: {  	[sflag:s1] =	ssyncadd.s32 $0xFFFFE700  }
0x1c7: {  	[spmem:s2] =	stream.indirect.scatter.add.f32 [tilespmem:s29], [sflag:$0x8], $0x80, s12, s21, $0xb8;
	[tilespmem:$0x1E800] =	vst v63  }
0x1c8: {  	_ =	swait.ge [sflag:s3], $0x1900  }
0x1c9: {  	[sflag:s3] =	ssyncset.done $0x0  }
0x1ca: {  	[sflag:s3] =	ssyncadd.s32 $0xFFFFE700  }
0x1cb: {  	_ =	swait.ge [sflag:s5], $0x1900  }
0x1cc: {  	[sflag:s5] =	ssyncset.done $0x0  }
0x1cd: {  	[sflag:s5] =	ssyncadd.s32 $0xFFFFE700  }
0x1ce: {  	_ =	swait.ge [sflag:s7], $0x1900  }
0x1cf: {  	[sflag:s7] =	ssyncset.done $0x0  }
0x1d0: {  	[sflag:s7] =	ssyncadd.s32 $0xFFFFE700  }
0x1d1: {  	_ =	swait.ge [sflag:s8], $0x1900  }
0x1d2: {  	[sflag:s8] =	ssyncset.done $0x0  }
0x1d3: {  	[sflag:s8] =	ssyncadd.s32 $0xFFFFE700  }
0x1d4: {  	[bflag:$0x0] =	sbarrier.arrive $0xFFFF  }
0x1d5: {  	s14 =	rddreg [dreg:$0xc]  }
0x1d6: {  	[hbm:s14], [sflag:s6] =	dma.local [spmem:s17], $0x2800  }
0x1d7: {  	_ =	swait.ge [sflag:s18], $0x2800  }
0x1d8: {  	s13 =	sadd.s32 $0x1, s13;
	s16 =	rddreg [dreg:$0xd]  }
0x1d9: {  	p0 =	sne.s32 s13, s16  }
.Ltmp4:
0x1da: {  	_ = 	snop;
	(pc) =	sbr.rel @p0 .LBB2_1-.Ltmp4, $3  }
0x1db: {  	_ =	sdelay $0x1  }
0x1dc: {  	[sflag:s18] =	ssyncset.done $0x0  }
0x1dd: {  	[sflag:s18] =	ssyncadd.s32 $0xFFFFD800  }
0x1de: {  	_ =	sfence.sel $0x180000  }
0x1df: {  	[bflag:$0x0] =	sbarrier.arrive $0xFFFF  }
0x1e0: {  	_ =	strace $0x9000004D  }
0x1e1: {  	s0 =	stileid.u32;
	[bflag:$0x2] =	sbarrier.arrive $0xFFFF  }
0x1e2: {  	p0 =	sne.s32 s0, $0x0;
	s0 =	rddreg [dreg:$0x2]  }
0x1e3: {  	s0 =	sadd.s32 @!p0 $0x100000, s0  }
0x1e4: {  	[sflag:s0] =	ssyncadd.tile.s32 @!p0 $0x1;
	_ =	shalt  }
.Lfunc_end2:
_tile_overlayer_lowered:
.L_overlay_start_2:
0x1e5: {  	(tag) =	ssettag $0x2  }
0x1e6: {  	s0 =	rddreg [dreg:$0x0];
	s2 =	stileid.u32  }
0x1e7: {  	s1 =	rddreg [dreg:$0x1];
	p0 =	sne.s32 s2, $0x0  }
0x1e8: {  	s3 =	rddreg [dreg:$0x2];
	[bflag:$0x3] =	sbarrier.arrive $0xFFFF;
	s2 =	simm.s32 @!p0 $0x1C09  }
0x1e9: {  	[timem:s3], [sflag:s2] =	dma.local @!p0 [hbm:s0], s1  }
0x1ea: {  	s0 =	simm.s32 @!p0 $0x9  }
0x1eb: {  	_ =	swait.ge @!p0 [sflag:s0], s1  }
0x1ec: {  	s1 =	ssub.s32 @!p0 $0x0, s1;
	[sflag:s0] =	ssyncset.done @!p0 $0x0  }
0x1ed: {  	[sflag:s0] =	ssyncadd.s32 @!p0 s1  }
0x1ee: {  	[bflag:$0x3] =	sbarrier.arrive $0xFFFF  }
0x1ef: {  	_ =	shalt  }

// kernel: kernel.9.cloned.1.call-start
scs
__scs_entry_jumppad:
0x0: {  	(pc) =	sbr.rel $0x88, $3  }
0x1: {  	(tag) =	ssettag $0x0;
	lr =	simm.s32 $0x1  }
0x2: {  	[smem:$0x3F99] =	sst lr;
	_ =	strace $0xD0000000  }
0x3: {  	_ = 	snop  }
0x4: {  	_ = 	snop  }
0x5: {  	_ = 	snop  }
0x6: {  	_ = 	snop  }
0x7: {  	_ = 	snop  }
__scs_overlays_trampoline_lowered:
0x8: {  	[smem:$0x3FA8] =	sst s0  }
0x9: {  	[smem:$0x3FA9] =	sst s1  }
0xa: {  	[smem:$0x3FAA] =	sst s2  }
0xb: {  	[smem:$0x3FAB] =	sst s3  }
0xc: {  	[smem:$0x3FAC] =	sst s4  }
0xd: {  	[smem:$0x3FAD] =	sst s5  }
0xe: {  	[smem:$0x3FAE] =	sst s6  }
0xf: {  	[smem:$0x3FAF] =	sst s7  }
0x10: {  	[smem:$0x3FB0] =	sst s8  }
0x11: {  	[smem:$0x3FB1] =	sst s9;
	s0 =	simm.s32 @!p0 $0x0  }
0x12: {  	s1 =	sld [smem:$0x3F97];
	s0 =	simm.s32 @p0 $0x1  }
0x13: {  	[smem:$0x3FB2] =	sst s0;
	s0 =	simm.s32 @!p1 $0x0  }
0x14: {  	s2 =	sld [smem:$0x3F96];
	s0 =	simm.s32 @p1 $0x1  }
0x15: {  	[smem:$0x3FB3] =	sst s0;
	s0 =	simm.s32 @!p2 $0x0  }
0x16: {  	s3 =	sld [smem:$0x3FDB];
	s0 =	simm.s32 @p2 $0x1  }
0x17: {  	s4 =	simm.s32 $0x1BF5;
	[smem:$0x3FB5] =	sst s0  }
0x18: {  	s0 =	sld [smem:$0x3F98];
	_ =	swait.ge [sflag:s4], $0x0  }
0x19: {  	s7 =	sld [smem:$0x3F99]  }
0x1a: {  	s8 =	sadd.s32 $0xFFFFE003, lr  }
0x1b: {  	s9 =	sadd.s32 $0xFFFFFEF7, lr;
	s5 =	simm.s32 $0xFFFFFFFF;
	p2 =	slt.u32 s8, $0xFFFFF086  }
0x1c: {  	p1 =	slt.u32 s9, $0xF7A;
	s5 =	simm.s32 @!p2 $0x0  }
0x1d: {  	s5 =	simm.s32 @p1 $0x1;
	p0 =	seq.s32 s7, s2  }
0x1e: {  	s7 =	smul.u32 @!p0 $0xF7A, s2;
	p2 =	seq.s32 @!p0 s5, $0x0  }
0x1f: {  	s9 =	smul.u32 $0xF7A, s1;
	s8 =	simm.s32 @!p0 $0x1BF5;
	p2 =	por !p2, p0  }
0x20: {  	[sflag:s8] =	ssyncset.s32 @!p0 $0xFFFFF086;
	s6 =	sadd.s32 @!p0 s3, s7;
	s7 =	simm.s32 @!p0 $0x108  }
0x21: {  	s3 =	sadd.s32 s3, s9;
	s6 =	sadd.s32 @!p0 $0x88, s6;
	s7 =	simm.s32 @p2 $0x1082  }
0x22: {  	[simem:s7], [sflag:s8] =	dma.local @!p0 [hbm:s6], $0xF7A  }
0x23: {  	s9 =	sor.u32 $0xD0000000, s2;
	s6 =	simm.s32 $0x108;
	_ =	swait.ge @!p0 [sflag:s8], $0x0  }
0x24: {  	s3 =	sadd.s32 $0x88, s3;
	s6 =	simm.s32 @!p1 $0x1082;
	[sflag:s4] =	ssyncset.s32 $0xFFFFF086  }
0x25: {  	[simem:s6], [sflag:s4] =	dma.local [hbm:s3], $0xF7A  }
0x26: {  	[smem:$0x3F99] =	sst s1;
	(tag) =	ssettag s2;
	_ =	strace s9  }
0x27: {  	s1 =	sld [smem:$0x3FA9]  }
0x28: {  	s2 =	sld [smem:$0x3FAA]  }
0x29: {  	s4 =	sld [smem:$0x3FAC]  }
0x2a: {  	p0 =	seq.s32 s5, $0x0;
	s5 =	sld [smem:$0x3FAD]  }
0x2b: {  	s6 =	sld [smem:$0x3FAE]  }
0x2c: {  	s7 =	sld [smem:$0x3FAF]  }
0x2d: {  	s3 =	simm.s32 $0x108;
	s8 =	sld [smem:$0x3FB0]  }
0x2e: {  	s3 =	simm.s32 @!p0 $0x1082;
	s9 =	sld [smem:$0x3FB1]  }
0x2f: {  	lr =	sadd.s32 s0, s3;
	s0 =	sld [smem:$0x3FA8]  }
0x30: {  	s3 =	sld [smem:$0x3FAB]  }
0x31: {  	[smem:$0x3FB4] =	sst s10  }
0x32: {  	s10 =	sld [smem:$0x3FB2];
	_ =	sdelay $0x3  }
0x33: {  	p0 =	seq.s32 s10, $0x1;
	s10 =	sld [smem:$0x3FB4];
	_ =	sdelay $0x3  }
0x34: {  	[smem:$0x3FB4] =	sst s10  }
0x35: {  	s10 =	sld [smem:$0x3FB3];
	_ =	sdelay $0x3  }
0x36: {  	p1 =	seq.s32 s10, $0x1;
	s10 =	sld [smem:$0x3FB4];
	_ =	sdelay $0x3  }
0x37: {  	[smem:$0x3FB4] =	sst s10  }
0x38: {  	s10 =	sld [smem:$0x3FB5]  }
0x39: {  	_ = 	snop;
	(pc) =	sbr.ind lr, $3  }
0x3a: {  	_ = 	snop  }
0x3b: {  	_ = 	snop  }
0x3c: {  	p2 =	seq.s32 s10, $0x1;
	s10 =	sld [smem:$0x3FB4]  }
0x3d: {  	_ =	shalt  }
0x3e: {  	_ =	shalt  }
0x3f: {  	_ =	shalt  }
0x40: {  	_ =	shalt  }
0x41: {  	_ =	shalt  }
0x42: {  	_ =	shalt  }
0x43: {  	_ =	shalt  }
0x44: {  	_ =	shalt  }
0x45: {  	_ =	shalt  }
0x46: {  	_ =	shalt  }
0x47: {  	_ =	shalt  }
0x48: {  	_ =	shalt  }
0x49: {  	_ =	shalt  }
0x4a: {  	_ =	shalt  }
0x4b: {  	_ =	shalt  }
0x4c: {  	_ =	shalt  }
0x4d: {  	_ =	shalt  }
0x4e: {  	_ =	shalt  }
0x4f: {  	_ =	shalt  }
0x50: {  	_ =	shalt  }
0x51: {  	_ =	shalt  }
0x52: {  	_ =	shalt  }
0x53: {  	_ =	shalt  }
0x54: {  	_ =	shalt  }
0x55: {  	_ =	shalt  }
0x56: {  	_ =	shalt  }
0x57: {  	_ =	shalt  }
0x58: {  	_ =	shalt  }
0x59: {  	_ =	shalt  }
0x5a: {  	_ =	shalt  }
0x5b: {  	_ =	shalt  }
0x5c: {  	_ =	shalt  }
0x5d: {  	_ =	shalt  }
0x5e: {  	_ =	shalt  }
0x5f: {  	_ =	shalt  }
0x60: {  	_ =	shalt  }
0x61: {  	_ =	shalt  }
0x62: {  	_ =	shalt  }
0x63: {  	_ =	shalt  }
0x64: {  	_ =	shalt  }
0x65: {  	_ =	shalt  }
0x66: {  	_ =	shalt  }
0x67: {  	_ =	shalt  }
0x68: {  	_ =	shalt  }
0x69: {  	_ =	shalt  }
0x6a: {  	_ =	shalt  }
0x6b: {  	_ =	shalt  }
0x6c: {  	_ =	shalt  }
0x6d: {  	_ =	shalt  }
0x6e: {  	_ =	shalt  }
0x6f: {  	_ =	shalt  }
0x70: {  	_ =	shalt  }
0x71: {  	_ =	shalt  }
0x72: {  	_ =	shalt  }
0x73: {  	_ =	shalt  }
0x74: {  	_ =	shalt  }
0x75: {  	_ =	shalt  }
0x76: {  	_ =	shalt  }
0x77: {  	_ =	shalt  }
0x78: {  	_ =	shalt  }
0x79: {  	_ =	shalt  }
0x7a: {  	_ =	shalt  }
0x7b: {  	_ =	shalt  }
0x7c: {  	_ =	shalt  }
0x7d: {  	_ =	shalt  }
0x7e: {  	_ =	shalt  }
0x7f: {  	_ =	shalt  }
0x80: {  	_ =	shalt  }
0x81: {  	_ =	shalt  }
0x82: {  	_ =	shalt  }
0x83: {  	_ =	shalt  }
0x84: {  	_ =	shalt  }
0x85: {  	_ =	shalt  }
0x86: {  	_ =	shalt  }
0x87: {  	_ =	shalt  }
.Lfunc_end0:
.L_simem_size_0:
called_computation_lowered:
.L_overlay_start_0:
0x88: {  	s2 =	sld [smem:$0x3FD9]  }
0x89: {  	s3 =	sld [smem:$0x3FFE];
	_ =	sdelay $0x1  }
0x8a: {  	s1 =	srdreg.scid  }
0x8b: {  	s0 =	sand.u32 $0x1, s1  }
0x8c: {  	s16 =	sshll.u32 s0, $0xA;
	s2 =	sadd.s32 s3, s2  }
0x8d: {  	s2 =	sadd.s32 s2, s16  }
0x8e: {  	[smem:$0x3FC0] =	sst s2  }
0x8f: {  	_ = 	snop  }
0x90: {  	(tm) =	ssettm $0x1  }
0x91: {  	s17 =	sld [smem:$0x3FFB];
	_ =	sdelay $0x3  }
0x92: {  	_ =	strace s17  }
0x93: {  	s2 =	sld [smem:$0x3FFC];
	_ =	sdelay $0x3  }
0x94: {  	_ =	strace s2  }
0x95: {  	s2 =	sld [smem:$0x3FFD];
	_ =	sdelay $0x3  }
0x96: {  	_ =	strace s2  }
0x97: {  	_ =	strace $0x8FFFFFFF  }
0x98: {  	s18 =	sld [smem:$0x3FDB];
	_ =	sdelay $0x1  }
0x99: {  	s19 =	simm.s32 $_scs_section_size  }
0x9a: {  	s4 =	simm.s32 $_size__tile_overlayer_lowered;
	s5 =	simm.s32 $_tile_overlayer_lowered  }
0x9b: {  	s22 =	simm.s32 $0x1BFF;
	s21 =	sshll.u32 s5, $0x1;
	s2 =	sadd.s32 s19, s18  }
0x9c: {  	s6 =	simm.s32 $0x0;
	s20 =	sshll.u32 s4, $0x1;
	s4 =	sadd.s32 s21, s2  }
0x9d: {  	[timem:s6], [sflag:s22] =	dma.local [hbm:s4], s20  }
0x9e: {  	_ =	swait.ge [sflag:s22], s20  }
0x9f: {  	s3 =	ssub.s32 $0x0, s20;
	[sflag:s22] =	ssyncset.done $0x0  }
0xa0: {  	[sflag:s22] =	ssyncadd.s32 s3;
	_ =	sdelay $0x1  }
0xa1: {  	s23 =	simm.s32 $0x1B8B  }
0xa2: {  	_ =	swait.ge [sflag:s23], $0x1  }
0xa3: {  	[sflag:s23] =	ssyncset.done $0x0  }
0xa4: {  	s25 =	simm.s32 $0x1B8E;
	s24 =	sld [smem:$0x3FFE];
	[sflag:s23] =	ssyncadd.s32 $0xFFFFFFFF  }
0xa5: {  	s26 =	simm.s32 $execute0_lowered;
	[smem:$0x3FD2] =	sst s25  }
0xa6: {  	s4 =	sshll.u32 s26, $0x1;
	_ =	strace $0x80000046;
	[dreg:$0x1] =	wrdreg $0xFFFFFFFF  }
0xa7: {  	s28 =	simm.s32 $_size_execute0_lowered;
	s2 =	sadd.s32 s2, s4;
	[dreg:$0x0] =	wrdreg $0x0  }
0xa8: {  	s4 =	sshll.u32 s28, $0x1;
	[dreg:$0x2] =	wrdreg s2  }
0xa9: {  	[dreg:$0x3] =	wrdreg s4  }
0xaa: {  	[dreg:$0x4] =	wrdreg $0xC0  }
0xab: {  	_ =	task [dreg:s6], $0x5FFFF  }
0xac: {  	[dreg:$0x1] =	wrdreg $0xFFFFFFFF  }
0xad: {  	[dreg:$0x0] =	wrdreg $0x60  }
0xae: {  	[dreg:$0x2] =	wrdreg s24  }
0xaf: {  	[dreg:$0x3] =	wrdreg $0x0  }
0xb0: {  	[dreg:$0x4] =	wrdreg $0x9  }
0xb1: {  	_ =	task.clear_ibuf [dreg:s6], $0x5FFFF;
	_ =	strace $0x90000046  }
0xb2: {  	s29 =	simm.s32 $0x9;
	_ =	strace $0x80000048  }
0xb3: {  	_ =	swait.ge [sflag:s29], $0x1  }
0xb4: {  	[sflag:s29] =	ssyncadd.s32 $0xFFFFFFFF  }
0xb5: {  	_ =	strace $0x90000048  }
0xb6: {  	_ =	sfence  }
0xb7: {  	s30 =	sld [smem:$0x0];
	_ =	sdelay $0x2  }
0xb8: {  	s31 =	sshll.u32 s1, $0xD;
	s1 =	sshrl.u32 s1, $0x2  }
0xb9: {  	s3 =	sand.u32 $0x4000, s31;
	s1 =	sadd.s32 s1, s30  }
0xba: {  	s0 =	sor.u32 s3, s0;
	s1 =	sshll.u32 s1, $0x11  }
0xbb: {  	s0 =	sor.u32 s1, s0  }
0xbc: {  	s0 =	sadd.s32 $0x8F2B, s0  }
0xbd: {  	[sflag:s0] =	ssyncadd.remote.s32 $0x1  }
0xbe: {  	_ =	sfence.sel $0xFFFF  }
0xbf: {  	[dreg:$0x0] =	wrdreg $0xFFFFFFFF;
	(pc) =	sbr.abs _section_cstart, $3  }
0xc0: {  	[dreg:$0x1] =	wrdreg $0xFFFFFFFF  }
0xc1: {  	_ =	task.clear_ibuf [dreg:s6], $0x2FFFF;
	_ =	strace $0x9FFFFFFF  }
0xc2: {  	(tm) =	ssettm $0x7FFFFFFF  }
0xc3: {  	_ =	shalt  }
tec
execute0_lowered:
.L_overlay_start_1:
0x0: {  	(tag) =	ssettag $0x1  }
0x1: {  	s1 =	srdreg.scid;
	s6 =	rddreg [dreg:$0x0]  }
0x2: {  	s0 =	stileid.u32;
	s2 =	rddreg [dreg:$0x1]  }
0x3: {  	s3 =	simm.s32 $0x0;
	s13 =	simm.s32 $0x14000;
	s14 =	simm.s32 $0x32  }
0x4: {  	s15 =	simm.s32 $0x1;
	s16 =	simm.s32 $0x0;
	s7 =	smul.u32 $0x14000, s0  }
0x5: {  	s5 =	sand.u32 $0x1, s1;
	s28 =	sshll.u32 s0, $0x1;
	s29 =	smul.u32 $0x50000, s0  }
0x6: {  	[smem:$0x7FF] =	sst s3;
	s1 =	sor.u32 s5, s28;
	s8 =	smul.u32 $0x140000, s5  }
0x7: {  	s31 =	sshll.u32 s0, $0x6;
	s5 =	ssub.s32 $0x2, s5;
	s4 =	smul.u32 $0xC80, s1  }
0x8: {  	s1 =	rddreg [dreg:$0x2];
	_ =	strace $0x80000047;
	s10 =	sshrl.u32 s7, $0x3  }
0x9: {  	s30 =	sshrl.u32 s5, $0x1;
	s7 =	sadd.s32 s7, s8;
	s10 =	sadd.s32 s10, s6  }
0xa: {  	s8 =	sshrl.u32 s29, $0x2;
	s11 =	ssub.s32 s5, s30;
	s9 =	sadd.s32 s4, s6  }
0xb: {  	s4 =	sadd.s32 $0x43A00, s6;
	s7 =	sshrl.u32 s7, $0x3;
	s12 =	sadd.s32 s8, s2  }
0xc: {  	s5 =	sadd.s32 $0x1BA00, s10;
	s8 =	smax.u32 s11, $0x1;
	s10 =	simm.s32 $0x2  }
0xd: {  	s11 =	sor.u32 $0x1C02, s31;
	s7 =	sadd.s32 s7, s6;
	s6 =	sadd.s32 $0x2A00, s9  }
0xe: {  	s9 =	simm.s32 $0x1A400;
	s12 =	sshrl.u32 s12, $0x3;
	s7 =	sadd.s32 $0x43E00, s7  }
.LBB2_1:
0xf: {  	[tilespmem:s9], [sflag:$0x2] =	stream.linear.gather [hbm4b:s4+s3], $0x1900, $0x38;
	[tilespmem:$0x1C000] =	vst v63  }
0x10: {  	_ =	swait.ge [sflag:s10], $0x1900  }
0x11: {  	[sflag:s10] =	ssyncset.done $0x0  }
0x12: {  	[sflag:s10] =	ssyncadd.s32 $0xFFFFE700  }
0x13: {  	[spmem:s12], [sflag:s11] =	dma.local [hbm:s5], $0x2800  }
0x14: {  	_ =	swait.ge [sflag:s10], $0x2800  }
0x15: {  	[sflag:s10] =	ssyncset.done $0x0  }
0x16: {  	[sflag:s10] =	ssyncadd.s32 $0xFFFFD800  }
0x17: {  	[bflag:$0x0] =	sbarrier.arrive $0xFFFF  }
0x18: {  	[tilespmem:s13], [sflag:$0x2] =	stream.linear.gather [hbm4b:s6+s3], $0x6400, $0x38;
	[tilespmem:$0x1C000] =	vst v63  }
0x19: {  	_ =	swait.ge [sflag:s10], $0x6400  }
0x1a: {  	[sflag:s10] =	ssyncset.done $0x0  }
0x1b: {  	s17 =	simm.s32 $0x14000;
	[sflag:s10] =	ssyncadd.s32 $0xFFFF9C00  }
0x1c: {  	[spmem:s2] =	stream.indirect.scatter.add.f32 [tilespmem:s9], [sflag:$0x1], $0x80, s17, s14, $0xb8;
	[tilespmem:$0x1C000] =	vst v63  }
0x1d: {  	s24 =	simm.s32 $0x14080  }
0x1e: {  	[spmem:s2] =	stream.indirect.scatter.add.f32 [tilespmem:s9], [sflag:$0x1], $0x80, s24, s14, $0xb8;
	[tilespmem:$0x1C000] =	vst v63  }
0x1f: {  	s25 =	simm.s32 $0x14100  }
0x20: {  	[spmem:s2] =	stream.indirect.scatter.add.f32 [tilespmem:s9], [sflag:$0x1], $0x80, s25, s14, $0xb8;
	[tilespmem:$0x1C000] =	vst v63  }
0x21: {  	s26 =	simm.s32 $0x14180  }
0x22: {  	[spmem:s2] =	stream.indirect.scatter.add.f32 [tilespmem:s9], [sflag:$0x1], $0x80, s26, s14, $0xb8;
	[tilespmem:$0x1C000] =	vst v63  }
0x23: {  	s28 =	simm.s32 $0x14200  }
0x24: {  	[spmem:s2] =	stream.indirect.scatter.add.f32 [tilespmem:s9], [sflag:$0x1], $0x80, s28, s14, $0xb8;
	[tilespmem:$0x1C000] =	vst v63  }
0x25: {  	s29 =	simm.s32 $0x14280  }
0x26: {  	[spmem:s2] =	stream.indirect.scatter.add.f32 [tilespmem:s9], [sflag:$0x1], $0x80, s29, s14, $0xb8;
	[tilespmem:$0x1C000] =	vst v63  }
0x27: {  	s30 =	simm.s32 $0x14300  }
0x28: {  	[spmem:s2] =	stream.indirect.scatter.add.f32 [tilespmem:s9], [sflag:$0x1], $0x80, s30, s14, $0xb8;
	[tilespmem:$0x1C000] =	vst v63  }
0x29: {  	s31 =	simm.s32 $0x14380  }
0x2a: {  	[spmem:s2] =	stream.indirect.scatter.add.f32 [tilespmem:s9], [sflag:$0x1], $0x80, s31, s14, $0xb8;
	[tilespmem:$0x1C000] =	vst v63  }
0x2b: {  	_ =	swait.ge [sflag:s15], $0x1900  }
0x2c: {  	[sflag:s15] =	ssyncset.done $0x0  }
0x2d: {  	[sflag:s15] =	ssyncadd.s32 $0xFFFFE700  }
0x2e: {  	_ =	swait.ge [sflag:s15], $0x1900  }
0x2f: {  	[sflag:s15] =	ssyncset.done $0x0  }
0x30: {  	[sflag:s15] =	ssyncadd.s32 $0xFFFFE700  }
0x31: {  	_ =	swait.ge [sflag:s15], $0x1900  }
0x32: {  	[sflag:s15] =	ssyncset.done $0x0  }
0x33: {  	[sflag:s15] =	ssyncadd.s32 $0xFFFFE700  }
0x34: {  	_ =	swait.ge [sflag:s15], $0x1900  }
0x35: {  	[sflag:s15] =	ssyncset.done $0x0  }
0x36: {  	[sflag:s15] =	ssyncadd.s32 $0xFFFFE700  }
0x37: {  	_ =	swait.ge [sflag:s15], $0x1900  }
0x38: {  	[sflag:s15] =	ssyncset.done $0x0  }
0x39: {  	[sflag:s15] =	ssyncadd.s32 $0xFFFFE700  }
0x3a: {  	_ =	swait.ge [sflag:s15], $0x1900  }
0x3b: {  	[sflag:s15] =	ssyncset.done $0x0  }
0x3c: {  	[sflag:s15] =	ssyncadd.s32 $0xFFFFE700  }
0x3d: {  	_ =	swait.ge [sflag:s15], $0x1900  }
0x3e: {  	[sflag:s15] =	ssyncset.done $0x0  }
0x3f: {  	[sflag:s15] =	ssyncadd.s32 $0xFFFFE700  }
0x40: {  	_ =	swait.ge [sflag:s15], $0x1900  }
0x41: {  	s20 =	simm.s32 $0x2000;
	s19 =	simm.s32 $0x400;
	[sflag:s15] =	ssyncset.done $0x0  }
.LBB2_2:
0x42: {  	s21 =	sadd.s32 $0x14000, s19  }
0x43: {  	[sflag:s15] =	ssyncadd.s32 $0xFFFFE700;
	s18 =	smov.u32 s20;
	s17 =	sadd.s32 $0x1000, s20  }
0x44: {  	[spmem:s2] =	stream.indirect.scatter.add.f32 [tilespmem:s9], [sflag:$0x1], $0x80, s21, s14, $0xb8;
	[tilespmem:$0x1C000] =	vst v63  }
0x45: {  	p0 =	sne.s32 s20, $0x18000;
	s20 =	sadd.s32 $0x14080, s19  }
0x46: {  	[spmem:s2] =	stream.indirect.scatter.add.f32 [tilespmem:s9], [sflag:$0x1], $0x80, s20, s14, $0xb8;
	[tilespmem:$0x1C000] =	vst v63  }
0x47: {  	s20 =	sadd.s32 $0x14100, s19  }
0x48: {  	[spmem:s2] =	stream.indirect.scatter.add.f32 [tilespmem:s9], [sflag:$0x1], $0x80, s20, s14, $0xb8;
	[tilespmem:$0x1C000] =	vst v63  }
0x49: {  	s20 =	sadd.s32 $0x14180, s19  }
0x4a: {  	[spmem:s2] =	stream.indirect.scatter.add.f32 [tilespmem:s9], [sflag:$0x1], $0x80, s20, s14, $0xb8;
	[tilespmem:$0x1C000] =	vst v63  }
0x4b: {  	s20 =	sadd.s32 $0x14200, s19  }
0x4c: {  	[spmem:s2] =	stream.indirect.scatter.add.f32 [tilespmem:s9], [sflag:$0x1], $0x80, s20, s14, $0xb8;
	[tilespmem:$0x1C000] =	vst v63  }
0x4d: {  	s20 =	sadd.s32 $0x14280, s19  }
0x4e: {  	[spmem:s2] =	stream.indirect.scatter.add.f32 [tilespmem:s9], [sflag:$0x1], $0x80, s20, s14, $0xb8;
	[tilespmem:$0x1C000] =	vst v63  }
0x4f: {  	s20 =	sadd.s32 $0x14300, s19  }
0x50: {  	[spmem:s2] =	stream.indirect.scatter.add.f32 [tilespmem:s9], [sflag:$0x1], $0x80, s20, s14, $0xb8;
	[tilespmem:$0x1C000] =	vst v63  }
0x51: {  	s19 =	sadd.s32 $0x14380, s19  }
0x52: {  	[spmem:s2] =	stream.indirect.scatter.add.f32 [tilespmem:s9], [sflag:$0x1], $0x80, s19, s14, $0xb8;
	[tilespmem:$0x1C000] =	vst v63  }
0x53: {  	_ =	swait.ge [sflag:s15], $0x1900  }
0x54: {  	[sflag:s15] =	ssyncset.done $0x0  }
0x55: {  	[sflag:s15] =	ssyncadd.s32 $0xFFFFE700  }
0x56: {  	_ =	swait.ge [sflag:s15], $0x1900  }
0x57: {  	[sflag:s15] =	ssyncset.done $0x0  }
0x58: {  	[sflag:s15] =	ssyncadd.s32 $0xFFFFE700  }
0x59: {  	_ =	swait.ge [sflag:s15], $0x1900  }
0x5a: {  	[sflag:s15] =	ssyncset.done $0x0  }
0x5b: {  	[sflag:s15] =	ssyncadd.s32 $0xFFFFE700  }
0x5c: {  	_ =	swait.ge [sflag:s15], $0x1900  }
0x5d: {  	[sflag:s15] =	ssyncset.done $0x0  }
0x5e: {  	[sflag:s15] =	ssyncadd.s32 $0xFFFFE700  }
0x5f: {  	_ =	swait.ge [sflag:s15], $0x1900  }
0x60: {  	[sflag:s15] =	ssyncset.done $0x0  }
0x61: {  	[sflag:s15] =	ssyncadd.s32 $0xFFFFE700  }
0x62: {  	_ =	swait.ge [sflag:s15], $0x1900  }
0x63: {  	[sflag:s15] =	ssyncset.done $0x0  }
0x64: {  	[sflag:s15] =	ssyncadd.s32 $0xFFFFE700  }
.Ltmp0:
0x65: {  	_ =	swait.ge [sflag:s15], $0x1900;
	(pc) =	sbr.rel @p0 .LBB2_2-.Ltmp0, $4  }
0x66: {  	[sflag:s15] =	ssyncset.done $0x0  }
0x67: {  	[sflag:s15] =	ssyncadd.s32 $0xFFFFE700  }
0x68: {  	_ =	swait.ge [sflag:s15], $0x1900  }
0x69: {  	s20 =	smov.u32 s17;
	s19 =	sshra.s32 s18, $0x2;
	[sflag:s15] =	ssyncset.done $0x0  }
0x6a: {  	s17 =	sadd.s32 $0x14000, s19;
	[sflag:s15] =	ssyncadd.s32 $0xFFFFE700  }
0x6b: {  	[spmem:s2] =	stream.indirect.scatter.add.f32 [tilespmem:s9], [sflag:$0x1], $0x80, s17, s14, $0xb8;
	[tilespmem:$0x1C000] =	vst v63  }
0x6c: {  	s24 =	sadd.s32 $0x14080, s19  }
0x6d: {  	[spmem:s2] =	stream.indirect.scatter.add.f32 [tilespmem:s9], [sflag:$0x1], $0x80, s24, s14, $0xb8;
	[tilespmem:$0x1C000] =	vst v63  }
0x6e: {  	s25 =	sadd.s32 $0x14100, s19  }
0x6f: {  	[spmem:s2] =	stream.indirect.scatter.add.f32 [tilespmem:s9], [sflag:$0x1], $0x80, s25, s14, $0xb8;
	[tilespmem:$0x1C000] =	vst v63  }
0x70: {  	s26 =	sadd.s32 $0x14180, s19  }
0x71: {  	[spmem:s2] =	stream.indirect.scatter.add.f32 [tilespmem:s9], [sflag:$0x1], $0x80, s26, s14, $0xb8;
	[tilespmem:$0x1C000] =	vst v63  }
0x72: {  	s28 =	sadd.s32 $0x14200, s19  }
0x73: {  	[spmem:s2] =	stream.indirect.scatter.add.f32 [tilespmem:s9], [sflag:$0x1], $0x80, s28, s14, $0xb8;
	[tilespmem:$0x1C000] =	vst v63  }
0x74: {  	s29 =	sadd.s32 $0x14280, s19  }
0x75: {  	[spmem:s2] =	stream.indirect.scatter.add.f32 [tilespmem:s9], [sflag:$0x1], $0x80, s29, s14, $0xb8;
	[tilespmem:$0x1C000] =	vst v63  }
0x76: {  	s30 =	sadd.s32 $0x14300, s19  }
0x77: {  	[spmem:s2] =	stream.indirect.scatter.add.f32 [tilespmem:s9], [sflag:$0x1], $0x80, s30, s14, $0xb8;
	[tilespmem:$0x1C000] =	vst v63  }
0x78: {  	s31 =	sadd.s32 $0x14380, s19  }
0x79: {  	[spmem:s2] =	stream.indirect.scatter.add.f32 [tilespmem:s9], [sflag:$0x1], $0x80, s31, s14, $0xb8;
	[tilespmem:$0x1C000] =	vst v63  }
0x7a: {  	_ =	swait.ge [sflag:s15], $0x1900  }
0x7b: {  	[sflag:s15] =	ssyncset.done $0x0  }
0x7c: {  	[sflag:s15] =	ssyncadd.s32 $0xFFFFE700  }
0x7d: {  	_ =	swait.ge [sflag:s15], $0x1900  }
0x7e: {  	[sflag:s15] =	ssyncset.done $0x0  }
0x7f: {  	[sflag:s15] =	ssyncadd.s32 $0xFFFFE700  }
0x80: {  	_ =	swait.ge [sflag:s15], $0x1900  }
0x81: {  	[sflag:s15] =	ssyncset.done $0x0  }
0x82: {  	[sflag:s15] =	ssyncadd.s32 $0xFFFFE700  }
0x83: {  	_ =	swait.ge [sflag:s15], $0x1900  }
0x84: {  	[sflag:s15] =	ssyncset.done $0x0  }
0x85: {  	[sflag:s15] =	ssyncadd.s32 $0xFFFFE700  }
0x86: {  	_ =	swait.ge [sflag:s15], $0x1900  }
0x87: {  	[sflag:s15] =	ssyncset.done $0x0  }
0x88: {  	[sflag:s15] =	ssyncadd.s32 $0xFFFFE700  }
0x89: {  	_ =	swait.ge [sflag:s15], $0x1900  }
0x8a: {  	[sflag:s15] =	ssyncset.done $0x0  }
0x8b: {  	[sflag:s15] =	ssyncadd.s32 $0xFFFFE700  }
0x8c: {  	_ =	swait.ge [sflag:s15], $0x1900  }
0x8d: {  	[sflag:s15] =	ssyncset.done $0x0  }
0x8e: {  	[sflag:s15] =	ssyncadd.s32 $0xFFFFE700  }
0x8f: {  	_ =	swait.ge [sflag:s15], $0x1900  }
0x90: {  	s16 =	sadd.s32 $0x1, s16;
	[sflag:s15] =	ssyncset.done $0x0  }
0x91: {  	p0 =	sne.s32 s16, s8;
	[sflag:s15] =	ssyncadd.s32 $0xFFFFE700  }
.Ltmp1:
0x92: {  	[bflag:$0x0] =	sbarrier.arrive $0xFFFF;
	(pc) =	sbr.rel @p0 .LBB2_1-.Ltmp1, $4  }
0x93: {  	[hbm:s7], [sflag:s11] =	dma.local [spmem:s12], $0x2800  }
0x94: {  	_ =	swait.ge [sflag:s10], $0x2800  }
0x95: {  	[sflag:s10] =	ssyncset.done $0x0  }
0x96: {  	[sflag:s10] =	ssyncadd.s32 $0xFFFFD800  }
0x97: {  	_ =	sfence.sel $0x180000  }
0x98: {  	[bflag:$0x0] =	sbarrier.arrive $0xFFFF  }
0x99: {  	p0 =	sne.s32 s0, $0x0;
	_ =	strace $0x90000047  }
0x9a: {  	s0 =	sadd.s32 @!p0 $0x100000, s1;
	[bflag:$0x2] =	sbarrier.arrive $0xFFFF  }
0x9b: {  	[sflag:s0] =	ssyncadd.tile.s32 @!p0 $0x1;
	_ =	shalt  }
.Lfunc_end2:
_tile_overlayer_lowered:
.L_overlay_start_2:
0x9c: {  	(tag) =	ssettag $0x2  }
0x9d: {  	s0 =	rddreg [dreg:$0x0];
	s2 =	stileid.u32  }
0x9e: {  	s1 =	rddreg [dreg:$0x1];
	p0 =	sne.s32 s2, $0x0  }
0x9f: {  	s3 =	rddreg [dreg:$0x2];
	[bflag:$0x3] =	sbarrier.arrive $0xFFFF;
	s2 =	simm.s32 @!p0 $0x1C02  }
0xa0: {  	[timem:s3], [sflag:s2] =	dma.local @!p0 [hbm:s0], s1  }
0xa1: {  	s0 =	simm.s32 @!p0 $0x2  }
0xa2: {  	_ =	swait.ge @!p0 [sflag:s0], s1  }
0xa3: {  	s1 =	ssub.s32 @!p0 $0x0, s1;
	[sflag:s0] =	ssyncset.done @!p0 $0x0  }
0xa4: {  	[sflag:s0] =	ssyncadd.s32 @!p0 s1  }
0xa5: {  	[bflag:$0x3] =	sbarrier.arrive $0xFFFF  }
0xa6: {  	_ =	shalt  }

</sc_bundles>
